<compile_context>
chip_gen: v7x
topology: tpu7x:2x2x1
jax: 0.10.2.dev20260603
libtpu: 0.0.44.dev20260713+nightly
codegen_flags: <defaults>
</compile_context>

<pallas_src>
import functools

import jax
import jax.numpy as jnp
from jax import lax
from jax.experimental import pallas as pl
from jax.experimental.pallas import tpu as pltpu
from jax.experimental.pallas import tpu_sc as plsc

L = 16
C = 4
PASS_BITS = (11, 11, 10)
PASS_SHIFTS = (0, 11, 22)
NBINS_MAX = 1 << max(PASS_BITS)
SIGN = -0x80000000


def _i32(x):
    return plsc.bitcast(x, jnp.int32)


def _f32(x):
    return plsc.bitcast(x, jnp.float32)


@functools.partial(jax.jit, static_argnums=(2, 3))
def _sc_sort(x_flat, rev_vec, rows, n):
    info = plsc.get_sparse_core_info()
    nc, ns = info.num_cores, info.num_subcores
    nw = nc * ns
    rpw = rows // nw
    seg = n // L
    tb = seg // C
    IVBITS = (n - 1).bit_length()
    IVMASK = (1 << IVBITS) - 1
    assert IVBITS + max(PASS_BITS) <= 31

    mesh = plsc.VectorSubcoreMesh(core_axis_name="c", subcore_axis_name="s")

    @functools.partial(
        pl.kernel,
        out_type=(
            jax.ShapeDtypeStruct((rows * n,), jnp.float32),
            jax.ShapeDtypeStruct((rows * n,), jnp.int32),
        ),
        mesh=mesh,
        compiler_params=pltpu.CompilerParams(needs_layout_passes=False),
        scratch_types=[
            pltpu.VMEM((n,), jnp.float32),
            pltpu.VMEM((n,), jnp.int32),
            pltpu.VMEM((n,), jnp.float32),
            pltpu.VMEM((NBINS_MAX,), jnp.int32),
            pltpu.VMEM((NBINS_MAX,), jnp.int32),
            pltpu.VMEM((NBINS_MAX,), jnp.int32),
            pltpu.VMEM((NBINS_MAX,), jnp.int32),
            pltpu.VMEM((L,), jnp.int32),
        ],
    )
    def sortk(x_hbm, rev_hbm, vals_hbm, idx_hbm,
              keyu, buf_a, buf_b, h0, h1, h2, h3, revv):
        hists = (h0, h1, h2, h3)
        wid = lax.axis_index("s") * nc + lax.axis_index("c")
        pltpu.sync_copy(rev_hbm, revv)
        xm = jnp.where(revv[...] != 0, jnp.full((L,), -1, jnp.int32),
                       jnp.zeros((L,), jnp.int32))
        lane = lax.iota(jnp.int32, L)

        def run_pass(pidx, src, src_is_f32, dst, dst_is_f32,
                     skip_hist=False, pack_next=False):
            shift = PASS_SHIFTS[pidx]
            nb = 1 << PASS_BITS[pidx]
            dmask = nb - 1
            if pack_next:
                nshift = PASS_SHIFTS[pidx + 1]
                ndmask = (1 << PASS_BITS[pidx + 1]) - 1

            if not skip_hist:
                @plsc.parallel_loop(0, nb // L, unroll=4)
                def zero_body(i):
                    z = jnp.zeros((L,), jnp.int32)
                    for h in hists:
                        h[pl.ds(i * L, L)] = z

            def load_d(c, t):
                base = (c * tb + t) * L
                if src is None:
                    return (_i32(keyu[pl.ds(base, L)]) >> shift) & dmask
                pk = src[pl.ds(base, L)]
                if src_is_f32:
                    pk = _i32(pk)
                return pk >> IVBITS

            def load_d_iv_nd(c, t):
                base = (c * tb + t) * L
                if src is None:
                    key = _i32(keyu[pl.ds(base, L)])
                    d = (key >> shift) & dmask
                    iv = base + lane
                    nd = (key >> nshift) & ndmask if pack_next else None
                    return d, iv, nd
                pk = src[pl.ds(base, L)]
                if src_is_f32:
                    pk = _i32(pk)
                d = pk >> IVBITS
                iv = pk & IVMASK
                if pack_next:
                    key = _i32(plsc.load_gather(keyu, [iv]))
                    nd = (key >> nshift) & ndmask
                else:
                    nd = None
                return d, iv, nd

            if not skip_hist:
                @plsc.parallel_loop(0, tb, unroll=4)
                def hist_body(t):
                    for c, h in enumerate(hists):
                        d = load_d(c, t)
                        cnt, last = plsc.scan_count(d)
                        plsc.addupdate_scatter(h, [d], cnt, mask=last)

            def scan_body(i, carry):
                hv = [h[pl.ds(i * L, L)] for h in hists]
                tot = hv[0] + hv[1] + hv[2] + hv[3]
                cum = plsc.cumsum(tot)
                b = cum - tot + carry
                for c, h in enumerate(hists):
                    h[pl.ds(i * L, L)] = b
                    if c < C - 1:
                        b = b + hv[c]
                return carry + cum[L - 1]

            lax.fori_loop(0, nb // L, scan_body, jnp.int32(0), unroll=2)

            def perm_body(t, _):
                for c, h in enumerate(hists):
                    d, iv, nd = load_d_iv_nd(c, t)
                    cnt, last = plsc.scan_count(d)
                    base = plsc.load_gather(h, [d])
                    rank = base + cnt - 1
                    out = (nd << IVBITS) | iv if pack_next else iv
                    plsc.store_scatter(dst, [rank],
                                       _f32(out) if dst_is_f32 else out)
                    plsc.addupdate_scatter(h, [d], cnt, mask=last)
                return 0

            lax.fori_loop(0, tb, perm_body, 0, unroll=4)

        def row_body(r, _):
            row = wid * rpw + r
            hbase = row * n
            pltpu.sync_copy(x_hbm.at[pl.ds(hbase, n)], keyu)

            @plsc.parallel_loop(0, NBINS_MAX // L, unroll=4)
            def hz_body(i):
                z = jnp.zeros((L,), jnp.int32)
                for h in hists:
                    h[pl.ds(i * L, L)] = z

            @plsc.parallel_loop(0, tb, unroll=2)
            def tf_body(t):
                for c, h in enumerate(hists):
                    off = (c * tb + t) * L
                    b = _i32(keyu[pl.ds(off, L)])
                    u = (b ^ ((b >> 31) | SIGN)) ^ xm
                    keyu[pl.ds(off, L)] = _f32(u)
                    d = u & ((1 << PASS_BITS[0]) - 1)
                    cnt, last = plsc.scan_count(d)
                    plsc.addupdate_scatter(h, [d], cnt, mask=last)

            run_pass(0, None, False, buf_a, False,
                     skip_hist=True, pack_next=True)
            run_pass(1, buf_a, False, buf_b, True, pack_next=True)
            run_pass(2, buf_b, True, buf_a, False)

            pltpu.sync_copy(buf_a, idx_hbm.at[pl.ds(hbase, n)])

            @plsc.parallel_loop(0, seg, unroll=4)
            def val_body(i):
                iv = buf_a[pl.ds(i * L, L)]
                v = _i32(plsc.load_gather(keyu, [iv])) ^ xm
                b = v ^ (~(v >> 31) | SIGN)
                buf_b[pl.ds(i * L, L)] = _f32(b)

            pltpu.sync_copy(buf_b, vals_hbm.at[pl.ds(hbase, n)])
            return 0

        lax.fori_loop(0, rpw, row_body, 0)

    return sortk(x_flat, rev_vec)


def kernel(x, reverse):
    rows, n = x.shape
    rev_vec = jnp.full((L,), reverse, dtype=jnp.int32)
    vals, idx = _sc_sort(x.reshape(-1), rev_vec, rows, n)
    return vals.reshape(rows, n), idx.reshape(rows, n)

# --- scband reference (transcript-rebuilt; emitter-appended) ---
"""Pipeline reference for scband-torch-ops-aten-sort-tensor-module-53987738911055 (READ-ONLY COPY).

The authoritative reference and input builder live on the scoring server;
editing this copy changes nothing except your own understanding.
"""

import jax, jax.numpy as jnp
import numpy as np


def setup_inputs(seed: int = 0) -> dict:
    key = jax.random.key(seed)
    x = jax.random.normal(key, (128, 32768), dtype=jnp.float32)
    reverse = 1  # descending=True, passed as a Python int (truthy bool)
    return {"x": x, "reverse": reverse}


def reference(x, reverse):
    # Faithful translation of torch.ops.aten.sort(self, descending=reverse):
    # returns (sorted_values, sorted_indices) along the last dim.
    # descending sort implemented by negating the sort key.
    sort_key = jnp.where(reverse, -x, x)
    idx = jnp.argsort(sort_key, axis=-1)
    vals = jnp.take_along_axis(x, idx, axis=-1)
    return vals, idx.astype(jnp.int32)

if __name__ == "__main__":
    import jax
    _d = setup_inputs()
    print(jax.jit(kernel)(*tuple(_d.values())))

</pallas_src>

<mosaic_0001>
#map = affine_map<(d0, d1) -> (0)>
module attributes {stable_mosaic.version = 14 : i64} {
  func.func @sortk(%arg0: i32, %arg1: i32, %arg2: memref<4194304xf32, #tpu.memory_space<hbm>>, %arg3: memref<16xi32, #tpu.memory_space<hbm>>, %arg4: memref<4194304xf32, #tpu.memory_space<hbm>>, %arg5: memref<4194304xi32, #tpu.memory_space<hbm>>, %arg6: memref<32768xf32, #tpu.memory_space<vmem>>, %arg7: memref<32768xi32, #tpu.memory_space<vmem>>, %arg8: memref<32768xf32, #tpu.memory_space<vmem>>, %arg9: memref<2048xi32, #tpu.memory_space<vmem>>, %arg10: memref<2048xi32, #tpu.memory_space<vmem>>, %arg11: memref<2048xi32, #tpu.memory_space<vmem>>, %arg12: memref<2048xi32, #tpu.memory_space<vmem>>, %arg13: memref<16xi32, #tpu.memory_space<vmem>>) attributes {dimension_semantics = [#tpu.dimension_semantics<core_parallel>, #tpu.dimension_semantics<subcore_parallel>], iteration_bounds = array<i64: 2, 16>, scalar_prefetch = 0 : i64, scratch_operands = 8 : i64, tpu.core_type = #tpu.core_type<sc_vector_subcore>, window_params = [{transform_indices = #map}, {transform_indices = #map}, {transform_indices = #map}, {transform_indices = #map}]} {
    %mul3A = arith.constant 2 : i32
    %mul3A_0 = arith.muli %arg1, %mul3A : i32
    %add3A = arith.addi %mul3A_0, %arg0 : i32
    "tpu.region"() ({
      %run_scoped3A = tpu.sem_alloc : memref<!tpu.dma_semaphore, #tpu.memory_space<semaphore_mem>>
      tpu.enqueue_dma source(%arg3 : memref<16xi32, #tpu.memory_space<hbm>>) target(%arg13 : memref<16xi32, #tpu.memory_space<vmem>>) target_semaphore(%run_scoped3A : memref<!tpu.dma_semaphore, #tpu.memory_space<semaphore_mem>>)
      tpu.wait_dma2 semaphore(%run_scoped3A : memref<!tpu.dma_semaphore, #tpu.memory_space<semaphore_mem>>) src(%arg3 : memref<16xi32, #tpu.memory_space<hbm>>) dst(%arg13 : memref<16xi32, #tpu.memory_space<vmem>>)
      tpu.yield
    }) : () -> ()
    %get3A = arith.constant 0 : index
    %get3A_1 = tpu.vector_load %arg13[%get3A] {strides = array<i32>} : memref<16xi32, #tpu.memory_space<vmem>>, vector<16xi32>,
    %ne3A = arith.constant 0 : i32
    %ne3A_2 = vector.broadcast %ne3A : i32 to vector<16xi32>
    %ne3A_3 = arith.cmpi ne, %get3A_1, %ne3A_2 : vector<16xi32>
    %broadcast_in_dim3A = arith.constant -1 : i32
    %broadcast_in_dim3A_4 = vector.broadcast %broadcast_in_dim3A : i32 to vector<16xi32>
    %broadcast_in_dim3A_5 = arith.constant 0 : i32
    %broadcast_in_dim3A_6 = vector.broadcast %broadcast_in_dim3A_5 : i32 to vector<16xi32>
    %select_n3A = arith.select %ne3A_3, %broadcast_in_dim3A_4, %broadcast_in_dim3A_6 : vector<16xi1>, vector<16xi32>
    %iota3A = tpu.iota {dimensions = array<i32: 0>} : vector<16xi32>
    %scan3A = arith.constant 0 : i32
    %scan3A_7 = arith.constant 0 : i32
    %scan3A_8 = arith.constant 4 : i32
    %scan3A_9 = arith.addi %scan3A_7, %scan3A_8 : i32
    %scan3A_10 = arith.constant 1 : i32
    %scan3A_11 = scf.for %scan3A_13 = %scan3A_7 to %scan3A_9 step %scan3A_10 iter_args(%scan3A_14 = %scan3A) -> (i32)  : i32 {
      %mul3A_15 = arith.constant 4 : i32
      %mul3A_16 = arith.muli %add3A, %mul3A_15 : i32
      %add3A_17 = arith.addi %mul3A_16, %scan3A_13 : i32
      %mul3A_18 = arith.constant 32768 : i32
      %mul3A_19 = arith.muli %add3A_17, %mul3A_18 : i32
      "tpu.region"() ({
        %run_scoped3A = tpu.sem_alloc : memref<!tpu.dma_semaphore, #tpu.memory_space<semaphore_mem>>
        %dma_start3A = tpu.memref_slice %arg2[%mul3A_19] : memref<4194304xf32, #tpu.memory_space<hbm>> -> memref<32768xf32, #tpu.memory_space<hbm>>
        %dma_start3A_83 = tpu.memref_slice %arg2[%mul3A_19] : memref<4194304xf32, #tpu.memory_space<hbm>> -> memref<32768xf32, #tpu.memory_space<hbm>>
        tpu.enqueue_dma source(%dma_start3A_83 : memref<32768xf32, #tpu.memory_space<hbm>>) target(%arg6 : memref<32768xf32, #tpu.memory_space<vmem>>) target_semaphore(%run_scoped3A : memref<!tpu.dma_semaphore, #tpu.memory_space<semaphore_mem>>)
        %dma_wait3A = tpu.memref_slice %arg2[%mul3A_19] : memref<4194304xf32, #tpu.memory_space<hbm>> -> memref<32768xf32, #tpu.memory_space<hbm>>
        %dma_wait3A_84 = tpu.memref_slice %arg2[%mul3A_19] : memref<4194304xf32, #tpu.memory_space<hbm>> -> memref<32768xf32, #tpu.memory_space<hbm>>
        tpu.wait_dma2 semaphore(%run_scoped3A : memref<!tpu.dma_semaphore, #tpu.memory_space<semaphore_mem>>) src(%dma_wait3A_84 : memref<32768xf32, #tpu.memory_space<hbm>>) dst(%arg6 : memref<32768xf32, #tpu.memory_space<vmem>>)
        tpu.yield
      }) : () -> ()
      %parallel_loop3A = arith.constant 0 : i32
      %parallel_loop3A_20 = arith.constant 128 : i32
      %parallel_loop3A_21 = arith.constant 1 : i32
      scf.for %parallel_loop3A_83 = %parallel_loop3A to %parallel_loop3A_20 step %parallel_loop3A_21  : i32 {
        %parallel_loop3A_84 = arith.constant 0 : i32
        %parallel_loop3A_85 = vector.broadcast %parallel_loop3A_84 : i32 to vector<16xi32>
        %parallel_loop3A_86 = arith.constant 16 : i32
        %parallel_loop3A_87 = arith.muli %parallel_loop3A_83, %parallel_loop3A_86 : i32
        %parallel_loop3A_88 = arith.index_cast %parallel_loop3A_87 : i32 to index
        %parallel_loop3A_89 = tpu.vector_load %arg9[%parallel_loop3A_88] {strides = array<i32>} : memref<2048xi32, #tpu.memory_space<vmem>>, vector<16xi32>,
        tpu.vector_store %arg9[%parallel_loop3A_88], %parallel_loop3A_85 {strides = array<i32>} : memref<2048xi32, #tpu.memory_space<vmem>>, vector<16xi32>,
        %parallel_loop3A_90 = arith.constant 16 : i32
        %parallel_loop3A_91 = arith.muli %parallel_loop3A_83, %parallel_loop3A_90 : i32
        %parallel_loop3A_92 = arith.index_cast %parallel_loop3A_91 : i32 to index
        %parallel_loop3A_93 = tpu.vector_load %arg10[%parallel_loop3A_92] {strides = array<i32>} : memref<2048xi32, #tpu.memory_space<vmem>>, vector<16xi32>,
        tpu.vector_store %arg10[%parallel_loop3A_92], %parallel_loop3A_85 {strides = array<i32>} : memref<2048xi32, #tpu.memory_space<vmem>>, vector<16xi32>,
        %parallel_loop3A_94 = arith.constant 16 : i32
        %parallel_loop3A_95 = arith.muli %parallel_loop3A_83, %parallel_loop3A_94 : i32
        %parallel_loop3A_96 = arith.index_cast %parallel_loop3A_95 : i32 to index
        %parallel_loop3A_97 = tpu.vector_load %arg11[%parallel_loop3A_96] {strides = array<i32>} : memref<2048xi32, #tpu.memory_space<vmem>>, vector<16xi32>,
        tpu.vector_store %arg11[%parallel_loop3A_96], %parallel_loop3A_85 {strides = array<i32>} : memref<2048xi32, #tpu.memory_space<vmem>>, vector<16xi32>,
        %parallel_loop3A_98 = arith.constant 16 : i32
        %parallel_loop3A_99 = arith.muli %parallel_loop3A_83, %parallel_loop3A_98 : i32
        %parallel_loop3A_100 = arith.index_cast %parallel_loop3A_99 : i32 to index
        %parallel_loop3A_101 = tpu.vector_load %arg12[%parallel_loop3A_100] {strides = array<i32>} : memref<2048xi32, #tpu.memory_space<vmem>>, vector<16xi32>,
        tpu.vector_store %arg12[%parallel_loop3A_100], %parallel_loop3A_85 {strides = array<i32>} : memref<2048xi32, #tpu.memory_space<vmem>>, vector<16xi32>,
      } {sc.loop_unroll_factor = 4 : i64, sc.parallel_access}
      %parallel_loop3A_22 = arith.constant 0 : i32
      %parallel_loop3A_23 = arith.constant 512 : i32
      %parallel_loop3A_24 = arith.constant 1 : i32
      scf.for %parallel_loop3A_83 = %parallel_loop3A_22 to %parallel_loop3A_23 step %parallel_loop3A_24  : i32 {
        %parallel_loop3A_84 = arith.constant 0 : i32
        %parallel_loop3A_85 = arith.addi %parallel_loop3A_84, %parallel_loop3A_83 : i32
        %parallel_loop3A_86 = arith.constant 16 : i32
        %parallel_loop3A_87 = arith.muli %parallel_loop3A_85, %parallel_loop3A_86 : i32
        %parallel_loop3A_88 = arith.index_cast %parallel_loop3A_87 : i32 to index
        %parallel_loop3A_89 = tpu.vector_load %arg6[%parallel_loop3A_88] {strides = array<i32>} : memref<32768xf32, #tpu.memory_space<vmem>>, vector<16xf32>,
        %parallel_loop3A_90 = vector.bitcast %parallel_loop3A_89 : vector<16xf32> to vector<16xi32>
        %parallel_loop3A_91 = arith.constant 31 : i32
        %parallel_loop3A_92 = vector.broadcast %parallel_loop3A_91 : i32 to vector<16xi32>
        %parallel_loop3A_93 = arith.shrsi %parallel_loop3A_90, %parallel_loop3A_92 : vector<16xi32>
        %parallel_loop3A_94 = arith.constant -2147483648 : i32
        %parallel_loop3A_95 = vector.broadcast %parallel_loop3A_94 : i32 to vector<16xi32>
        %parallel_loop3A_96 = arith.ori %parallel_loop3A_93, %parallel_loop3A_95 : vector<16xi32>
        %parallel_loop3A_97 = arith.xori %parallel_loop3A_90, %parallel_loop3A_96 : vector<16xi32>
        %parallel_loop3A_98 = arith.xori %parallel_loop3A_97, %select_n3A : vector<16xi32>
        %parallel_loop3A_99 = vector.bitcast %parallel_loop3A_98 : vector<16xi32> to vector<16xf32>
        %parallel_loop3A_100 = arith.index_cast %parallel_loop3A_87 : i32 to index
        %parallel_loop3A_101 = tpu.vector_load %arg6[%parallel_loop3A_100] {strides = array<i32>} : memref<32768xf32, #tpu.memory_space<vmem>>, vector<16xf32>,
        tpu.vector_store %arg6[%parallel_loop3A_100], %parallel_loop3A_99 {strides = array<i32>} : memref<32768xf32, #tpu.memory_space<vmem>>, vector<16xf32>,
        %parallel_loop3A_102 = arith.constant 2047 : i32
        %parallel_loop3A_103 = vector.broadcast %parallel_loop3A_102 : i32 to vector<16xi32>
        %parallel_loop3A_104 = arith.andi %parallel_loop3A_98, %parallel_loop3A_103 : vector<16xi32>
        %parallel_loop3A_105 = arith.constant true
        %parallel_loop3A_106 = vector.broadcast %parallel_loop3A_105 : i1 to vector<16xi1>
        %parallel_loop3A_107, %parallel_loop3A_108 = tpu.scan_count mask(%parallel_loop3A_106 : vector<16xi1>) value(%parallel_loop3A_104 : vector<16xi32>) : vector<16xi1>, vector<16xi32>
        tpu.vector_store_idx %arg9[%parallel_loop3A_104], %parallel_loop3A_108 masked %parallel_loop3A_107 {add = true} : memref<2048xi32, #tpu.memory_space<vmem>>[vector<16xi32>], vector<16xi32>, vector<16xi1>
        %parallel_loop3A_109 = arith.constant 512 : i32
        %parallel_loop3A_110 = arith.addi %parallel_loop3A_109, %parallel_loop3A_83 : i32
        %parallel_loop3A_111 = arith.constant 16 : i32
        %parallel_loop3A_112 = arith.muli %parallel_loop3A_110, %parallel_loop3A_111 : i32
        %parallel_loop3A_113 = arith.index_cast %parallel_loop3A_112 : i32 to index
        %parallel_loop3A_114 = tpu.vector_load %arg6[%parallel_loop3A_113] {strides = array<i32>} : memref<32768xf32, #tpu.memory_space<vmem>>, vector<16xf32>,
        %parallel_loop3A_115 = vector.bitcast %parallel_loop3A_114 : vector<16xf32> to vector<16xi32>
        %parallel_loop3A_116 = arith.constant 31 : i32
        %parallel_loop3A_117 = vector.broadcast %parallel_loop3A_116 : i32 to vector<16xi32>
        %parallel_loop3A_118 = arith.shrsi %parallel_loop3A_115, %parallel_loop3A_117 : vector<16xi32>
        %parallel_loop3A_119 = arith.constant -2147483648 : i32
        %parallel_loop3A_120 = vector.broadcast %parallel_loop3A_119 : i32 to vector<16xi32>
        %parallel_loop3A_121 = arith.ori %parallel_loop3A_118, %parallel_loop3A_120 : vector<16xi32>
        %parallel_loop3A_122 = arith.xori %parallel_loop3A_115, %parallel_loop3A_121 : vector<16xi32>
        %parallel_loop3A_123 = arith.xori %parallel_loop3A_122, %select_n3A : vector<16xi32>
        %parallel_loop3A_124 = vector.bitcast %parallel_loop3A_123 : vector<16xi32> to vector<16xf32>
        %parallel_loop3A_125 = arith.index_cast %parallel_loop3A_112 : i32 to index
        %parallel_loop3A_126 = tpu.vector_load %arg6[%parallel_loop3A_125] {strides = array<i32>} : memref<32768xf32, #tpu.memory_space<vmem>>, vector<16xf32>,
        tpu.vector_store %arg6[%parallel_loop3A_125], %parallel_loop3A_124 {strides = array<i32>} : memref<32768xf32, #tpu.memory_space<vmem>>, vector<16xf32>,
        %parallel_loop3A_127 = arith.constant 2047 : i32
        %parallel_loop3A_128 = vector.broadcast %parallel_loop3A_127 : i32 to vector<16xi32>
        %parallel_loop3A_129 = arith.andi %parallel_loop3A_123, %parallel_loop3A_128 : vector<16xi32>
        %parallel_loop3A_130 = arith.constant true
        %parallel_loop3A_131 = vector.broadcast %parallel_loop3A_130 : i1 to vector<16xi1>
        %parallel_loop3A_132, %parallel_loop3A_133 = tpu.scan_count mask(%parallel_loop3A_131 : vector<16xi1>) value(%parallel_loop3A_129 : vector<16xi32>) : vector<16xi1>, vector<16xi32>
        tpu.vector_store_idx %arg10[%parallel_loop3A_129], %parallel_loop3A_133 masked %parallel_loop3A_132 {add = true} : memref<2048xi32, #tpu.memory_space<vmem>>[vector<16xi32>], vector<16xi32>, vector<16xi1>
        %parallel_loop3A_134 = arith.constant 1024 : i32
        %parallel_loop3A_135 = arith.addi %parallel_loop3A_134, %parallel_loop3A_83 : i32
        %parallel_loop3A_136 = arith.constant 16 : i32
        %parallel_loop3A_137 = arith.muli %parallel_loop3A_135, %parallel_loop3A_136 : i32
        %parallel_loop3A_138 = arith.index_cast %parallel_loop3A_137 : i32 to index
        %parallel_loop3A_139 = tpu.vector_load %arg6[%parallel_loop3A_138] {strides = array<i32>} : memref<32768xf32, #tpu.memory_space<vmem>>, vector<16xf32>,
        %parallel_loop3A_140 = vector.bitcast %parallel_loop3A_139 : vector<16xf32> to vector<16xi32>
        %parallel_loop3A_141 = arith.constant 31 : i32
        %parallel_loop3A_142 = vector.broadcast %parallel_loop3A_141 : i32 to vector<16xi32>
        %parallel_loop3A_143 = arith.shrsi %parallel_loop3A_140, %parallel_loop3A_142 : vector<16xi32>
        %parallel_loop3A_144 = arith.constant -2147483648 : i32
        %parallel_loop3A_145 = vector.broadcast %parallel_loop3A_144 : i32 to vector<16xi32>
        %parallel_loop3A_146 = arith.ori %parallel_loop3A_143, %parallel_loop3A_145 : vector<16xi32>
        %parallel_loop3A_147 = arith.xori %parallel_loop3A_140, %parallel_loop3A_146 : vector<16xi32>
        %parallel_loop3A_148 = arith.xori %parallel_loop3A_147, %select_n3A : vector<16xi32>
        %parallel_loop3A_149 = vector.bitcast %parallel_loop3A_148 : vector<16xi32> to vector<16xf32>
        %parallel_loop3A_150 = arith.index_cast %parallel_loop3A_137 : i32 to index
        %parallel_loop3A_151 = tpu.vector_load %arg6[%parallel_loop3A_150] {strides = array<i32>} : memref<32768xf32, #tpu.memory_space<vmem>>, vector<16xf32>,
        tpu.vector_store %arg6[%parallel_loop3A_150], %parallel_loop3A_149 {strides = array<i32>} : memref<32768xf32, #tpu.memory_space<vmem>>, vector<16xf32>,
        %parallel_loop3A_152 = arith.constant 2047 : i32
        %parallel_loop3A_153 = vector.broadcast %parallel_loop3A_152 : i32 to vector<16xi32>
        %parallel_loop3A_154 = arith.andi %parallel_loop3A_148, %parallel_loop3A_153 : vector<16xi32>
        %parallel_loop3A_155 = arith.constant true
        %parallel_loop3A_156 = vector.broadcast %parallel_loop3A_155 : i1 to vector<16xi1>
        %parallel_loop3A_157, %parallel_loop3A_158 = tpu.scan_count mask(%parallel_loop3A_156 : vector<16xi1>) value(%parallel_loop3A_154 : vector<16xi32>) : vector<16xi1>, vector<16xi32>
        tpu.vector_store_idx %arg11[%parallel_loop3A_154], %parallel_loop3A_158 masked %parallel_loop3A_157 {add = true} : memref<2048xi32, #tpu.memory_space<vmem>>[vector<16xi32>], vector<16xi32>, vector<16xi1>
        %parallel_loop3A_159 = arith.constant 1536 : i32
        %parallel_loop3A_160 = arith.addi %parallel_loop3A_159, %parallel_loop3A_83 : i32
        %parallel_loop3A_161 = arith.constant 16 : i32
        %parallel_loop3A_162 = arith.muli %parallel_loop3A_160, %parallel_loop3A_161 : i32
        %parallel_loop3A_163 = arith.index_cast %parallel_loop3A_162 : i32 to index
        %parallel_loop3A_164 = tpu.vector_load %arg6[%parallel_loop3A_163] {strides = array<i32>} : memref<32768xf32, #tpu.memory_space<vmem>>, vector<16xf32>,
        %parallel_loop3A_165 = vector.bitcast %parallel_loop3A_164 : vector<16xf32> to vector<16xi32>
        %parallel_loop3A_166 = arith.constant 31 : i32
        %parallel_loop3A_167 = vector.broadcast %parallel_loop3A_166 : i32 to vector<16xi32>
        %parallel_loop3A_168 = arith.shrsi %parallel_loop3A_165, %parallel_loop3A_167 : vector<16xi32>
        %parallel_loop3A_169 = arith.constant -2147483648 : i32
        %parallel_loop3A_170 = vector.broadcast %parallel_loop3A_169 : i32 to vector<16xi32>
        %parallel_loop3A_171 = arith.ori %parallel_loop3A_168, %parallel_loop3A_170 : vector<16xi32>
        %parallel_loop3A_172 = arith.xori %parallel_loop3A_165, %parallel_loop3A_171 : vector<16xi32>
        %parallel_loop3A_173 = arith.xori %parallel_loop3A_172, %select_n3A : vector<16xi32>
        %parallel_loop3A_174 = vector.bitcast %parallel_loop3A_173 : vector<16xi32> to vector<16xf32>
        %parallel_loop3A_175 = arith.index_cast %parallel_loop3A_162 : i32 to index
        %parallel_loop3A_176 = tpu.vector_load %arg6[%parallel_loop3A_175] {strides = array<i32>} : memref<32768xf32, #tpu.memory_space<vmem>>, vector<16xf32>,
        tpu.vector_store %arg6[%parallel_loop3A_175], %parallel_loop3A_174 {strides = array<i32>} : memref<32768xf32, #tpu.memory_space<vmem>>, vector<16xf32>,
        %parallel_loop3A_177 = arith.constant 2047 : i32
        %parallel_loop3A_178 = vector.broadcast %parallel_loop3A_177 : i32 to vector<16xi32>
        %parallel_loop3A_179 = arith.andi %parallel_loop3A_173, %parallel_loop3A_178 : vector<16xi32>
        %parallel_loop3A_180 = arith.constant true
        %parallel_loop3A_181 = vector.broadcast %parallel_loop3A_180 : i1 to vector<16xi1>
        %parallel_loop3A_182, %parallel_loop3A_183 = tpu.scan_count mask(%parallel_loop3A_181 : vector<16xi1>) value(%parallel_loop3A_179 : vector<16xi32>) : vector<16xi1>, vector<16xi32>
        tpu.vector_store_idx %arg12[%parallel_loop3A_179], %parallel_loop3A_183 masked %parallel_loop3A_182 {add = true} : memref<2048xi32, #tpu.memory_space<vmem>>[vector<16xi32>], vector<16xi32>, vector<16xi1>
      } {sc.loop_unroll_factor = 2 : i64, sc.parallel_access}
      %scan3A_25 = arith.constant 0 : i32
      %scan3A_26 = arith.constant 0 : i32
      %scan3A_27 = arith.constant 128 : i32
      %scan3A_28 = arith.addi %scan3A_26, %scan3A_27 : i32
      %scan3A_29 = arith.constant 2 : i32
      %scan3A_30 = scf.for %scan3A_83 = %scan3A_26 to %scan3A_28 step %scan3A_29 iter_args(%scan3A_84 = %scan3A_25) -> (i32)  : i32 {
        %mul3A_85 = arith.constant 16 : i32
        %mul3A_86 = arith.muli %scan3A_83, %mul3A_85 : i32
        %get3A_87 = arith.index_cast %mul3A_86 : i32 to index
        %get3A_88 = tpu.vector_load %arg9[%get3A_87] {strides = array<i32>} : memref<2048xi32, #tpu.memory_space<vmem>>, vector<16xi32>,
        %mul3A_89 = arith.constant 16 : i32
        %mul3A_90 = arith.muli %scan3A_83, %mul3A_89 : i32
        %get3A_91 = arith.index_cast %mul3A_90 : i32 to index
        %get3A_92 = tpu.vector_load %arg10[%get3A_91] {strides = array<i32>} : memref<2048xi32, #tpu.memory_space<vmem>>, vector<16xi32>,
        %mul3A_93 = arith.constant 16 : i32
        %mul3A_94 = arith.muli %scan3A_83, %mul3A_93 : i32
        %get3A_95 = arith.index_cast %mul3A_94 : i32 to index
        %get3A_96 = tpu.vector_load %arg11[%get3A_95] {strides = array<i32>} : memref<2048xi32, #tpu.memory_space<vmem>>, vector<16xi32>,
        %mul3A_97 = arith.constant 16 : i32
        %mul3A_98 = arith.muli %scan3A_83, %mul3A_97 : i32
        %get3A_99 = arith.index_cast %mul3A_98 : i32 to index
        %get3A_100 = tpu.vector_load %arg12[%get3A_99] {strides = array<i32>} : memref<2048xi32, #tpu.memory_space<vmem>>, vector<16xi32>,
        %add3A_101 = arith.addi %get3A_88, %get3A_92 : vector<16xi32>
        %add3A_102 = arith.addi %add3A_101, %get3A_96 : vector<16xi32>
        %add3A_103 = arith.addi %add3A_102, %get3A_100 : vector<16xi32>
        %broadcast_in_dim3A_104 = arith.constant true
        %broadcast_in_dim3A_105 = vector.broadcast %broadcast_in_dim3A_104 : i1 to vector<16xi1>
        %masked_cumsum3A = tpu.scan <sum>, %add3A_103 masked %broadcast_in_dim3A_105 : vector<16xi32>, vector<16xi1> -> vector<16xi32>
        %sub3A = arith.subi %masked_cumsum3A, %add3A_103 : vector<16xi32>
        %add3A_106 = vector.broadcast %scan3A_84 : i32 to vector<16xi32>
        %add3A_107 = arith.addi %sub3A, %add3A_106 : vector<16xi32>
        %mul3A_108 = arith.constant 16 : i32
        %mul3A_109 = arith.muli %scan3A_83, %mul3A_108 : i32
        %swap3A = arith.index_cast %mul3A_109 : i32 to index
        %swap3A_110 = tpu.vector_load %arg9[%swap3A] {strides = array<i32>} : memref<2048xi32, #tpu.memory_space<vmem>>, vector<16xi32>,
        tpu.vector_store %arg9[%swap3A], %add3A_107 {strides = array<i32>} : memref<2048xi32, #tpu.memory_space<vmem>>, vector<16xi32>,
        %add3A_111 = arith.addi %add3A_107, %get3A_88 : vector<16xi32>
        %mul3A_112 = arith.constant 16 : i32
        %mul3A_113 = arith.muli %scan3A_83, %mul3A_112 : i32
        %swap3A_114 = arith.index_cast %mul3A_113 : i32 to index
        %swap3A_115 = tpu.vector_load %arg10[%swap3A_114] {strides = array<i32>} : memref<2048xi32, #tpu.memory_space<vmem>>, vector<16xi32>,
        tpu.vector_store %arg10[%swap3A_114], %add3A_111 {strides = array<i32>} : memref<2048xi32, #tpu.memory_space<vmem>>, vector<16xi32>,
        %add3A_116 = arith.addi %add3A_111, %get3A_92 : vector<16xi32>
        %mul3A_117 = arith.constant 16 : i32
        %mul3A_118 = arith.muli %scan3A_83, %mul3A_117 : i32
        %swap3A_119 = arith.index_cast %mul3A_118 : i32 to index
        %swap3A_120 = tpu.vector_load %arg11[%swap3A_119] {strides = array<i32>} : memref<2048xi32, #tpu.memory_space<vmem>>, vector<16xi32>,
        tpu.vector_store %arg11[%swap3A_119], %add3A_116 {strides = array<i32>} : memref<2048xi32, #tpu.memory_space<vmem>>, vector<16xi32>,
        %add3A_121 = arith.addi %add3A_116, %get3A_96 : vector<16xi32>
        %mul3A_122 = arith.constant 16 : i32
        %mul3A_123 = arith.muli %scan3A_83, %mul3A_122 : i32
        %swap3A_124 = arith.index_cast %mul3A_123 : i32 to index
        %swap3A_125 = tpu.vector_load %arg12[%swap3A_124] {strides = array<i32>} : memref<2048xi32, #tpu.memory_space<vmem>>, vector<16xi32>,
        tpu.vector_store %arg12[%swap3A_124], %add3A_121 {strides = array<i32>} : memref<2048xi32, #tpu.memory_space<vmem>>, vector<16xi32>,
        %slice3A = vector.extract_strided_slice %masked_cumsum3A {offsets = [15], sizes = [1], strides = [1]} : vector<16xi32> to vector<1xi32>
        %squeeze3A = vector.extract %slice3A[0] : i32 from vector<1xi32>
        %add3A_126 = arith.addi %scan3A_84, %squeeze3A : i32
        %scan3A_127 = arith.constant 1 : i32
        %scan3A_128 = arith.addi %scan3A_83, %scan3A_127 : i32
        %mul3A_129 = arith.constant 16 : i32
        %mul3A_130 = arith.muli %scan3A_128, %mul3A_129 : i32
        %get3A_131 = arith.index_cast %mul3A_130 : i32 to index
        %get3A_132 = tpu.vector_load %arg9[%get3A_131] {strides = array<i32>} : memref<2048xi32, #tpu.memory_space<vmem>>, vector<16xi32>,
        %mul3A_133 = arith.constant 16 : i32
        %mul3A_134 = arith.muli %scan3A_128, %mul3A_133 : i32
        %get3A_135 = arith.index_cast %mul3A_134 : i32 to index
        %get3A_136 = tpu.vector_load %arg10[%get3A_135] {strides = array<i32>} : memref<2048xi32, #tpu.memory_space<vmem>>, vector<16xi32>,
        %mul3A_137 = arith.constant 16 : i32
        %mul3A_138 = arith.muli %scan3A_128, %mul3A_137 : i32
        %get3A_139 = arith.index_cast %mul3A_138 : i32 to index
        %get3A_140 = tpu.vector_load %arg11[%get3A_139] {strides = array<i32>} : memref<2048xi32, #tpu.memory_space<vmem>>, vector<16xi32>,
        %mul3A_141 = arith.constant 16 : i32
        %mul3A_142 = arith.muli %scan3A_128, %mul3A_141 : i32
        %get3A_143 = arith.index_cast %mul3A_142 : i32 to index
        %get3A_144 = tpu.vector_load %arg12[%get3A_143] {strides = array<i32>} : memref<2048xi32, #tpu.memory_space<vmem>>, vector<16xi32>,
        %add3A_145 = arith.addi %get3A_132, %get3A_136 : vector<16xi32>
        %add3A_146 = arith.addi %add3A_145, %get3A_140 : vector<16xi32>
        %add3A_147 = arith.addi %add3A_146, %get3A_144 : vector<16xi32>
        %broadcast_in_dim3A_148 = arith.constant true
        %broadcast_in_dim3A_149 = vector.broadcast %broadcast_in_dim3A_148 : i1 to vector<16xi1>
        %masked_cumsum3A_150 = tpu.scan <sum>, %add3A_147 masked %broadcast_in_dim3A_149 : vector<16xi32>, vector<16xi1> -> vector<16xi32>
        %sub3A_151 = arith.subi %masked_cumsum3A_150, %add3A_147 : vector<16xi32>
        %add3A_152 = vector.broadcast %add3A_126 : i32 to vector<16xi32>
        %add3A_153 = arith.addi %sub3A_151, %add3A_152 : vector<16xi32>
        %mul3A_154 = arith.constant 16 : i32
        %mul3A_155 = arith.muli %scan3A_128, %mul3A_154 : i32
        %swap3A_156 = arith.index_cast %mul3A_155 : i32 to index
        %swap3A_157 = tpu.vector_load %arg9[%swap3A_156] {strides = array<i32>} : memref<2048xi32, #tpu.memory_space<vmem>>, vector<16xi32>,
        tpu.vector_store %arg9[%swap3A_156], %add3A_153 {strides = array<i32>} : memref<2048xi32, #tpu.memory_space<vmem>>, vector<16xi32>,
        %add3A_158 = arith.addi %add3A_153, %get3A_132 : vector<16xi32>
        %mul3A_159 = arith.constant 16 : i32
        %mul3A_160 = arith.muli %scan3A_128, %mul3A_159 : i32
        %swap3A_161 = arith.index_cast %mul3A_160 : i32 to index
        %swap3A_162 = tpu.vector_load %arg10[%swap3A_161] {strides = array<i32>} : memref<2048xi32, #tpu.memory_space<vmem>>, vector<16xi32>,
        tpu.vector_store %arg10[%swap3A_161], %add3A_158 {strides = array<i32>} : memref<2048xi32, #tpu.memory_space<vmem>>, vector<16xi32>,
        %add3A_163 = arith.addi %add3A_158, %get3A_136 : vector<16xi32>
        %mul3A_164 = arith.constant 16 : i32
        %mul3A_165 = arith.muli %scan3A_128, %mul3A_164 : i32
        %swap3A_166 = arith.index_cast %mul3A_165 : i32 to index
        %swap3A_167 = tpu.vector_load %arg11[%swap3A_166] {strides = array<i32>} : memref<2048xi32, #tpu.memory_space<vmem>>, vector<16xi32>,
        tpu.vector_store %arg11[%swap3A_166], %add3A_163 {strides = array<i32>} : memref<2048xi32, #tpu.memory_space<vmem>>, vector<16xi32>,
        %add3A_168 = arith.addi %add3A_163, %get3A_140 : vector<16xi32>
        %mul3A_169 = arith.constant 16 : i32
        %mul3A_170 = arith.muli %scan3A_128, %mul3A_169 : i32
        %swap3A_171 = arith.index_cast %mul3A_170 : i32 to index
        %swap3A_172 = tpu.vector_load %arg12[%swap3A_171] {strides = array<i32>} : memref<2048xi32, #tpu.memory_space<vmem>>, vector<16xi32>,
        tpu.vector_store %arg12[%swap3A_171], %add3A_168 {strides = array<i32>} : memref<2048xi32, #tpu.memory_space<vmem>>, vector<16xi32>,
        %slice3A_173 = vector.extract_strided_slice %masked_cumsum3A_150 {offsets = [15], sizes = [1], strides = [1]} : vector<16xi32> to vector<1xi32>
        %squeeze3A_174 = vector.extract %slice3A_173[0] : i32 from vector<1xi32>
        %add3A_175 = arith.addi %add3A_126, %squeeze3A_174 : i32
        scf.yield %add3A_175 : i32
      }
      %scan3A_31 = arith.constant 128 : i32
      %scan3A_32 = arith.constant 0 : i32
      %scan3A_33 = arith.constant 0 : i32
      %scan3A_34 = arith.constant 512 : i32
      %scan3A_35 = arith.addi %scan3A_33, %scan3A_34 : i32
      %scan3A_36 = arith.constant 4 : i32
      %scan3A_37 = scf.for %scan3A_83 = %scan3A_33 to %scan3A_35 step %scan3A_36 iter_args(%scan3A_84 = %scan3A_32) -> (i32)  : i32 {
        %add3A_85 = arith.constant 0 : i32
        %add3A_86 = arith.addi %add3A_85, %scan3A_83 : i32
        %mul3A_87 = arith.constant 16 : i32
        %mul3A_88 = arith.muli %add3A_86, %mul3A_87 : i32
        %get3A_89 = arith.index_cast %mul3A_88 : i32 to index
        %get3A_90 = tpu.vector_load %arg6[%get3A_89] {strides = array<i32>} : memref<32768xf32, #tpu.memory_space<vmem>>, vector<16xf32>,
        %bitcast3A = vector.bitcast %get3A_90 : vector<16xf32> to vector<16xi32>
        %shift_right_arithmetic3A = arith.constant 0 : i32
        %shift_right_arithmetic3A_91 = vector.broadcast %shift_right_arithmetic3A : i32 to vector<16xi32>
        %shift_right_arithmetic3A_92 = arith.shrsi %bitcast3A, %shift_right_arithmetic3A_91 : vector<16xi32>
        %and3A = arith.constant 2047 : i32
        %and3A_93 = vector.broadcast %and3A : i32 to vector<16xi32>
        %and3A_94 = arith.andi %shift_right_arithmetic3A_92, %and3A_93 : vector<16xi32>
        %add3A_95 = vector.broadcast %mul3A_88 : i32 to vector<16xi32>
        %add3A_96 = arith.addi %add3A_95, %iota3A : vector<16xi32>
        %shift_right_arithmetic3A_97 = arith.constant 11 : i32
        %shift_right_arithmetic3A_98 = vector.broadcast %shift_right_arithmetic3A_97 : i32 to vector<16xi32>
        %shift_right_arithmetic3A_99 = arith.shrsi %bitcast3A, %shift_right_arithmetic3A_98 : vector<16xi32>
        %and3A_100 = arith.constant 2047 : i32
        %and3A_101 = vector.broadcast %and3A_100 : i32 to vector<16xi32>
        %and3A_102 = arith.andi %shift_right_arithmetic3A_99, %and3A_101 : vector<16xi32>
        %broadcast_in_dim3A_103 = arith.constant true
        %broadcast_in_dim3A_104 = vector.broadcast %broadcast_in_dim3A_103 : i1 to vector<16xi1>
        %unique3A, %unique3A_105 = tpu.scan_count mask(%broadcast_in_dim3A_104 : vector<16xi1>) value(%and3A_94 : vector<16xi32>) : vector<16xi1>, vector<16xi32>
        %gather3A = tpu.vector_load_idx %arg9[%and3A_94] : memref<2048xi32, #tpu.memory_space<vmem>>[vector<16xi32>], vector<16xi32>,
        %add3A_106 = arith.addi %gather3A, %unique3A_105 : vector<16xi32>
        %sub3A = arith.constant 1 : i32
        %sub3A_107 = vector.broadcast %sub3A : i32 to vector<16xi32>
        %sub3A_108 = arith.subi %add3A_106, %sub3A_107 : vector<16xi32>
        %shift_left3A = arith.constant 15 : i32
        %shift_left3A_109 = vector.broadcast %shift_left3A : i32 to vector<16xi32>
        %shift_left3A_110 = arith.shli %and3A_102, %shift_left3A_109 : vector<16xi32>
        %or3A = arith.ori %shift_left3A_110, %add3A_96 : vector<16xi32>
        tpu.vector_store_idx %arg7[%sub3A_108], %or3A : memref<32768xi32, #tpu.memory_space<vmem>>[vector<16xi32>], vector<16xi32>,
        tpu.vector_store_idx %arg9[%and3A_94], %unique3A_105 masked %unique3A {add = true} : memref<2048xi32, #tpu.memory_space<vmem>>[vector<16xi32>], vector<16xi32>, vector<16xi1>
        %add3A_111 = arith.constant 512 : i32
        %add3A_112 = arith.addi %add3A_111, %scan3A_83 : i32
        %mul3A_113 = arith.constant 16 : i32
        %mul3A_114 = arith.muli %add3A_112, %mul3A_113 : i32
        %get3A_115 = arith.index_cast %mul3A_114 : i32 to index
        %get3A_116 = tpu.vector_load %arg6[%get3A_115] {strides = array<i32>} : memref<32768xf32, #tpu.memory_space<vmem>>, vector<16xf32>,
        %bitcast3A_117 = vector.bitcast %get3A_116 : vector<16xf32> to vector<16xi32>
        %shift_right_arithmetic3A_118 = arith.constant 0 : i32
        %shift_right_arithmetic3A_119 = vector.broadcast %shift_right_arithmetic3A_118 : i32 to vector<16xi32>
        %shift_right_arithmetic3A_120 = arith.shrsi %bitcast3A_117, %shift_right_arithmetic3A_119 : vector<16xi32>
        %and3A_121 = arith.constant 2047 : i32
        %and3A_122 = vector.broadcast %and3A_121 : i32 to vector<16xi32>
        %and3A_123 = arith.andi %shift_right_arithmetic3A_120, %and3A_122 : vector<16xi32>
        %add3A_124 = vector.broadcast %mul3A_114 : i32 to vector<16xi32>
        %add3A_125 = arith.addi %add3A_124, %iota3A : vector<16xi32>
        %shift_right_arithmetic3A_126 = arith.constant 11 : i32
        %shift_right_arithmetic3A_127 = vector.broadcast %shift_right_arithmetic3A_126 : i32 to vector<16xi32>
        %shift_right_arithmetic3A_128 = arith.shrsi %bitcast3A_117, %shift_right_arithmetic3A_127 : vector<16xi32>
        %and3A_129 = arith.constant 2047 : i32
        %and3A_130 = vector.broadcast %and3A_129 : i32 to vector<16xi32>
        %and3A_131 = arith.andi %shift_right_arithmetic3A_128, %and3A_130 : vector<16xi32>
        %broadcast_in_dim3A_132 = arith.constant true
        %broadcast_in_dim3A_133 = vector.broadcast %broadcast_in_dim3A_132 : i1 to vector<16xi1>
        %unique3A_134, %unique3A_135 = tpu.scan_count mask(%broadcast_in_dim3A_133 : vector<16xi1>) value(%and3A_123 : vector<16xi32>) : vector<16xi1>, vector<16xi32>
        %gather3A_136 = tpu.vector_load_idx %arg10[%and3A_123] : memref<2048xi32, #tpu.memory_space<vmem>>[vector<16xi32>], vector<16xi32>,
        %add3A_137 = arith.addi %gather3A_136, %unique3A_135 : vector<16xi32>
        %sub3A_138 = arith.constant 1 : i32
        %sub3A_139 = vector.broadcast %sub3A_138 : i32 to vector<16xi32>
        %sub3A_140 = arith.subi %add3A_137, %sub3A_139 : vector<16xi32>
        %shift_left3A_141 = arith.constant 15 : i32
        %shift_left3A_142 = vector.broadcast %shift_left3A_141 : i32 to vector<16xi32>
        %shift_left3A_143 = arith.shli %and3A_131, %shift_left3A_142 : vector<16xi32>
        %or3A_144 = arith.ori %shift_left3A_143, %add3A_125 : vector<16xi32>
        tpu.vector_store_idx %arg7[%sub3A_140], %or3A_144 : memref<32768xi32, #tpu.memory_space<vmem>>[vector<16xi32>], vector<16xi32>,
        tpu.vector_store_idx %arg10[%and3A_123], %unique3A_135 masked %unique3A_134 {add = true} : memref<2048xi32, #tpu.memory_space<vmem>>[vector<16xi32>], vector<16xi32>, vector<16xi1>
        %add3A_145 = arith.constant 1024 : i32
        %add3A_146 = arith.addi %add3A_145, %scan3A_83 : i32
        %mul3A_147 = arith.constant 16 : i32
        %mul3A_148 = arith.muli %add3A_146, %mul3A_147 : i32
        %get3A_149 = arith.index_cast %mul3A_148 : i32 to index
        %get3A_150 = tpu.vector_load %arg6[%get3A_149] {strides = array<i32>} : memref<32768xf32, #tpu.memory_space<vmem>>, vector<16xf32>,
        %bitcast3A_151 = vector.bitcast %get3A_150 : vector<16xf32> to vector<16xi32>
        %shift_right_arithmetic3A_152 = arith.constant 0 : i32
        %shift_right_arithmetic3A_153 = vector.broadcast %shift_right_arithmetic3A_152 : i32 to vector<16xi32>
        %shift_right_arithmetic3A_154 = arith.shrsi %bitcast3A_151, %shift_right_arithmetic3A_153 : vector<16xi32>
        %and3A_155 = arith.constant 2047 : i32
        %and3A_156 = vector.broadcast %and3A_155 : i32 to vector<16xi32>
        %and3A_157 = arith.andi %shift_right_arithmetic3A_154, %and3A_156 : vector<16xi32>
        %add3A_158 = vector.broadcast %mul3A_148 : i32 to vector<16xi32>
        %add3A_159 = arith.addi %add3A_158, %iota3A : vector<16xi32>
        %shift_right_arithmetic3A_160 = arith.constant 11 : i32
        %shift_right_arithmetic3A_161 = vector.broadcast %shift_right_arithmetic3A_160 : i32 to vector<16xi32>
        %shift_right_arithmetic3A_162 = arith.shrsi %bitcast3A_151, %shift_right_arithmetic3A_161 : vector<16xi32>
        %and3A_163 = arith.constant 2047 : i32
        %and3A_164 = vector.broadcast %and3A_163 : i32 to vector<16xi32>
        %and3A_165 = arith.andi %shift_right_arithmetic3A_162, %and3A_164 : vector<16xi32>
        %broadcast_in_dim3A_166 = arith.constant true
        %broadcast_in_dim3A_167 = vector.broadcast %broadcast_in_dim3A_166 : i1 to vector<16xi1>
        %unique3A_168, %unique3A_169 = tpu.scan_count mask(%broadcast_in_dim3A_167 : vector<16xi1>) value(%and3A_157 : vector<16xi32>) : vector<16xi1>, vector<16xi32>
        %gather3A_170 = tpu.vector_load_idx %arg11[%and3A_157] : memref<2048xi32, #tpu.memory_space<vmem>>[vector<16xi32>], vector<16xi32>,
        %add3A_171 = arith.addi %gather3A_170, %unique3A_169 : vector<16xi32>
        %sub3A_172 = arith.constant 1 : i32
        %sub3A_173 = vector.broadcast %sub3A_172 : i32 to vector<16xi32>
        %sub3A_174 = arith.subi %add3A_171, %sub3A_173 : vector<16xi32>
        %shift_left3A_175 = arith.constant 15 : i32
        %shift_left3A_176 = vector.broadcast %shift_left3A_175 : i32 to vector<16xi32>
        %shift_left3A_177 = arith.shli %and3A_165, %shift_left3A_176 : vector<16xi32>
        %or3A_178 = arith.ori %shift_left3A_177, %add3A_159 : vector<16xi32>
        tpu.vector_store_idx %arg7[%sub3A_174], %or3A_178 : memref<32768xi32, #tpu.memory_space<vmem>>[vector<16xi32>], vector<16xi32>,
        tpu.vector_store_idx %arg11[%and3A_157], %unique3A_169 masked %unique3A_168 {add = true} : memref<2048xi32, #tpu.memory_space<vmem>>[vector<16xi32>], vector<16xi32>, vector<16xi1>
        %add3A_179 = arith.constant 1536 : i32
        %add3A_180 = arith.addi %add3A_179, %scan3A_83 : i32
        %mul3A_181 = arith.constant 16 : i32
        %mul3A_182 = arith.muli %add3A_180, %mul3A_181 : i32
        %get3A_183 = arith.index_cast %mul3A_182 : i32 to index
        %get3A_184 = tpu.vector_load %arg6[%get3A_183] {strides = array<i32>} : memref<32768xf32, #tpu.memory_space<vmem>>, vector<16xf32>,
        %bitcast3A_185 = vector.bitcast %get3A_184 : vector<16xf32> to vector<16xi32>
        %shift_right_arithmetic3A_186 = arith.constant 0 : i32
        %shift_right_arithmetic3A_187 = vector.broadcast %shift_right_arithmetic3A_186 : i32 to vector<16xi32>
        %shift_right_arithmetic3A_188 = arith.shrsi %bitcast3A_185, %shift_right_arithmetic3A_187 : vector<16xi32>
        %and3A_189 = arith.constant 2047 : i32
        %and3A_190 = vector.broadcast %and3A_189 : i32 to vector<16xi32>
        %and3A_191 = arith.andi %shift_right_arithmetic3A_188, %and3A_190 : vector<16xi32>
        %add3A_192 = vector.broadcast %mul3A_182 : i32 to vector<16xi32>
        %add3A_193 = arith.addi %add3A_192, %iota3A : vector<16xi32>
        %shift_right_arithmetic3A_194 = arith.constant 11 : i32
        %shift_right_arithmetic3A_195 = vector.broadcast %shift_right_arithmetic3A_194 : i32 to vector<16xi32>
        %shift_right_arithmetic3A_196 = arith.shrsi %bitcast3A_185, %shift_right_arithmetic3A_195 : vector<16xi32>
        %and3A_197 = arith.constant 2047 : i32
        %and3A_198 = vector.broadcast %and3A_197 : i32 to vector<16xi32>
        %and3A_199 = arith.andi %shift_right_arithmetic3A_196, %and3A_198 : vector<16xi32>
        %broadcast_in_dim3A_200 = arith.constant true
        %broadcast_in_dim3A_201 = vector.broadcast %broadcast_in_dim3A_200 : i1 to vector<16xi1>
        %unique3A_202, %unique3A_203 = tpu.scan_count mask(%broadcast_in_dim3A_201 : vector<16xi1>) value(%and3A_191 : vector<16xi32>) : vector<16xi1>, vector<16xi32>
        %gather3A_204 = tpu.vector_load_idx %arg12[%and3A_191] : memref<2048xi32, #tpu.memory_space<vmem>>[vector<16xi32>], vector<16xi32>,
        %add3A_205 = arith.addi %gather3A_204, %unique3A_203 : vector<16xi32>
        %sub3A_206 = arith.constant 1 : i32
        %sub3A_207 = vector.broadcast %sub3A_206 : i32 to vector<16xi32>
        %sub3A_208 = arith.subi %add3A_205, %sub3A_207 : vector<16xi32>
        %shift_left3A_209 = arith.constant 15 : i32
        %shift_left3A_210 = vector.broadcast %shift_left3A_209 : i32 to vector<16xi32>
        %shift_left3A_211 = arith.shli %and3A_199, %shift_left3A_210 : vector<16xi32>
        %or3A_212 = arith.ori %shift_left3A_211, %add3A_193 : vector<16xi32>
        tpu.vector_store_idx %arg7[%sub3A_208], %or3A_212 : memref<32768xi32, #tpu.memory_space<vmem>>[vector<16xi32>], vector<16xi32>,
        tpu.vector_store_idx %arg12[%and3A_191], %unique3A_203 masked %unique3A_202 {add = true} : memref<2048xi32, #tpu.memory_space<vmem>>[vector<16xi32>], vector<16xi32>, vector<16xi1>
        %scan3A_213 = arith.constant 0 : i32
        %scan3A_214 = arith.constant 1 : i32
        %scan3A_215 = arith.addi %scan3A_83, %scan3A_214 : i32
        %add3A_216 = arith.constant 0 : i32
        %add3A_217 = arith.addi %add3A_216, %scan3A_215 : i32
        %mul3A_218 = arith.constant 16 : i32
        %mul3A_219 = arith.muli %add3A_217, %mul3A_218 : i32
        %get3A_220 = arith.index_cast %mul3A_219 : i32 to index
        %get3A_221 = tpu.vector_load %arg6[%get3A_220] {strides = array<i32>} : memref<32768xf32, #tpu.memory_space<vmem>>, vector<16xf32>,
        %bitcast3A_222 = vector.bitcast %get3A_221 : vector<16xf32> to vector<16xi32>
        %shift_right_arithmetic3A_223 = arith.constant 0 : i32
        %shift_right_arithmetic3A_224 = vector.broadcast %shift_right_arithmetic3A_223 : i32 to vector<16xi32>
        %shift_right_arithmetic3A_225 = arith.shrsi %bitcast3A_222, %shift_right_arithmetic3A_224 : vector<16xi32>
        %and3A_226 = arith.constant 2047 : i32
        %and3A_227 = vector.broadcast %and3A_226 : i32 to vector<16xi32>
        %and3A_228 = arith.andi %shift_right_arithmetic3A_225, %and3A_227 : vector<16xi32>
        %add3A_229 = vector.broadcast %mul3A_219 : i32 to vector<16xi32>
        %add3A_230 = arith.addi %add3A_229, %iota3A : vector<16xi32>
        %shift_right_arithmetic3A_231 = arith.constant 11 : i32
        %shift_right_arithmetic3A_232 = vector.broadcast %shift_right_arithmetic3A_231 : i32 to vector<16xi32>
        %shift_right_arithmetic3A_233 = arith.shrsi %bitcast3A_222, %shift_right_arithmetic3A_232 : vector<16xi32>
        %and3A_234 = arith.constant 2047 : i32
        %and3A_235 = vector.broadcast %and3A_234 : i32 to vector<16xi32>
        %and3A_236 = arith.andi %shift_right_arithmetic3A_233, %and3A_235 : vector<16xi32>
        %broadcast_in_dim3A_237 = arith.constant true
        %broadcast_in_dim3A_238 = vector.broadcast %broadcast_in_dim3A_237 : i1 to vector<16xi1>
        %unique3A_239, %unique3A_240 = tpu.scan_count mask(%broadcast_in_dim3A_238 : vector<16xi1>) value(%and3A_228 : vector<16xi32>) : vector<16xi1>, vector<16xi32>
        %gather3A_241 = tpu.vector_load_idx %arg9[%and3A_228] : memref<2048xi32, #tpu.memory_space<vmem>>[vector<16xi32>], vector<16xi32>,
        %add3A_242 = arith.addi %gather3A_241, %unique3A_240 : vector<16xi32>
        %sub3A_243 = arith.constant 1 : i32
        %sub3A_244 = vector.broadcast %sub3A_243 : i32 to vector<16xi32>
        %sub3A_245 = arith.subi %add3A_242, %sub3A_244 : vector<16xi32>
        %shift_left3A_246 = arith.constant 15 : i32
        %shift_left3A_247 = vector.broadcast %shift_left3A_246 : i32 to vector<16xi32>
        %shift_left3A_248 = arith.shli %and3A_236, %shift_left3A_247 : vector<16xi32>
        %or3A_249 = arith.ori %shift_left3A_248, %add3A_230 : vector<16xi32>
        tpu.vector_store_idx %arg7[%sub3A_245], %or3A_249 : memref<32768xi32, #tpu.memory_space<vmem>>[vector<16xi32>], vector<16xi32>,
        tpu.vector_store_idx %arg9[%and3A_228], %unique3A_240 masked %unique3A_239 {add = true} : memref<2048xi32, #tpu.memory_space<vmem>>[vector<16xi32>], vector<16xi32>, vector<16xi1>
        %add3A_250 = arith.constant 512 : i32
        %add3A_251 = arith.addi %add3A_250, %scan3A_215 : i32
        %mul3A_252 = arith.constant 16 : i32
        %mul3A_253 = arith.muli %add3A_251, %mul3A_252 : i32
        %get3A_254 = arith.index_cast %mul3A_253 : i32 to index
        %get3A_255 = tpu.vector_load %arg6[%get3A_254] {strides = array<i32>} : memref<32768xf32, #tpu.memory_space<vmem>>, vector<16xf32>,
        %bitcast3A_256 = vector.bitcast %get3A_255 : vector<16xf32> to vector<16xi32>
        %shift_right_arithmetic3A_257 = arith.constant 0 : i32
        %shift_right_arithmetic3A_258 = vector.broadcast %shift_right_arithmetic3A_257 : i32 to vector<16xi32>
        %shift_right_arithmetic3A_259 = arith.shrsi %bitcast3A_256, %shift_right_arithmetic3A_258 : vector<16xi32>
        %and3A_260 = arith.constant 2047 : i32
        %and3A_261 = vector.broadcast %and3A_260 : i32 to vector<16xi32>
        %and3A_262 = arith.andi %shift_right_arithmetic3A_259, %and3A_261 : vector<16xi32>
        %add3A_263 = vector.broadcast %mul3A_253 : i32 to vector<16xi32>
        %add3A_264 = arith.addi %add3A_263, %iota3A : vector<16xi32>
        %shift_right_arithmetic3A_265 = arith.constant 11 : i32
        %shift_right_arithmetic3A_266 = vector.broadcast %shift_right_arithmetic3A_265 : i32 to vector<16xi32>
        %shift_right_arithmetic3A_267 = arith.shrsi %bitcast3A_256, %shift_right_arithmetic3A_266 : vector<16xi32>
        %and3A_268 = arith.constant 2047 : i32
        %and3A_269 = vector.broadcast %and3A_268 : i32 to vector<16xi32>
        %and3A_270 = arith.andi %shift_right_arithmetic3A_267, %and3A_269 : vector<16xi32>
        %broadcast_in_dim3A_271 = arith.constant true
        %broadcast_in_dim3A_272 = vector.broadcast %broadcast_in_dim3A_271 : i1 to vector<16xi1>
        %unique3A_273, %unique3A_274 = tpu.scan_count mask(%broadcast_in_dim3A_272 : vector<16xi1>) value(%and3A_262 : vector<16xi32>) : vector<16xi1>, vector<16xi32>
        %gather3A_275 = tpu.vector_load_idx %arg10[%and3A_262] : memref<2048xi32, #tpu.memory_space<vmem>>[vector<16xi32>], vector<16xi32>,
        %add3A_276 = arith.addi %gather3A_275, %unique3A_274 : vector<16xi32>
        %sub3A_277 = arith.constant 1 : i32
        %sub3A_278 = vector.broadcast %sub3A_277 : i32 to vector<16xi32>
        %sub3A_279 = arith.subi %add3A_276, %sub3A_278 : vector<16xi32>
        %shift_left3A_280 = arith.constant 15 : i32
        %shift_left3A_281 = vector.broadcast %shift_left3A_280 : i32 to vector<16xi32>
        %shift_left3A_282 = arith.shli %and3A_270, %shift_left3A_281 : vector<16xi32>
        %or3A_283 = arith.ori %shift_left3A_282, %add3A_264 : vector<16xi32>
        tpu.vector_store_idx %arg7[%sub3A_279], %or3A_283 : memref<32768xi32, #tpu.memory_space<vmem>>[vector<16xi32>], vector<16xi32>,
        tpu.vector_store_idx %arg10[%and3A_262], %unique3A_274 masked %unique3A_273 {add = true} : memref<2048xi32, #tpu.memory_space<vmem>>[vector<16xi32>], vector<16xi32>, vector<16xi1>
        %add3A_284 = arith.constant 1024 : i32
        %add3A_285 = arith.addi %add3A_284, %scan3A_215 : i32
        %mul3A_286 = arith.constant 16 : i32
        %mul3A_287 = arith.muli %add3A_285, %mul3A_286 : i32
        %get3A_288 = arith.index_cast %mul3A_287 : i32 to index
        %get3A_289 = tpu.vector_load %arg6[%get3A_288] {strides = array<i32>} : memref<32768xf32, #tpu.memory_space<vmem>>, vector<16xf32>,
        %bitcast3A_290 = vector.bitcast %get3A_289 : vector<16xf32> to vector<16xi32>
        %shift_right_arithmetic3A_291 = arith.constant 0 : i32
        %shift_right_arithmetic3A_292 = vector.broadcast %shift_right_arithmetic3A_291 : i32 to vector<16xi32>
        %shift_right_arithmetic3A_293 = arith.shrsi %bitcast3A_290, %shift_right_arithmetic3A_292 : vector<16xi32>
        %and3A_294 = arith.constant 2047 : i32
        %and3A_295 = vector.broadcast %and3A_294 : i32 to vector<16xi32>
        %and3A_296 = arith.andi %shift_right_arithmetic3A_293, %and3A_295 : vector<16xi32>
        %add3A_297 = vector.broadcast %mul3A_287 : i32 to vector<16xi32>
        %add3A_298 = arith.addi %add3A_297, %iota3A : vector<16xi32>
        %shift_right_arithmetic3A_299 = arith.constant 11 : i32
        %shift_right_arithmetic3A_300 = vector.broadcast %shift_right_arithmetic3A_299 : i32 to vector<16xi32>
        %shift_right_arithmetic3A_301 = arith.shrsi %bitcast3A_290, %shift_right_arithmetic3A_300 : vector<16xi32>
        %and3A_302 = arith.constant 2047 : i32
        %and3A_303 = vector.broadcast %and3A_302 : i32 to vector<16xi32>
        %and3A_304 = arith.andi %shift_right_arithmetic3A_301, %and3A_303 : vector<16xi32>
        %broadcast_in_dim3A_305 = arith.constant true
        %broadcast_in_dim3A_306 = vector.broadcast %broadcast_in_dim3A_305 : i1 to vector<16xi1>
        %unique3A_307, %unique3A_308 = tpu.scan_count mask(%broadcast_in_dim3A_306 : vector<16xi1>) value(%and3A_296 : vector<16xi32>) : vector<16xi1>, vector<16xi32>
        %gather3A_309 = tpu.vector_load_idx %arg11[%and3A_296] : memref<2048xi32, #tpu.memory_space<vmem>>[vector<16xi32>], vector<16xi32>,
        %add3A_310 = arith.addi %gather3A_309, %unique3A_308 : vector<16xi32>
        %sub3A_311 = arith.constant 1 : i32
        %sub3A_312 = vector.broadcast %sub3A_311 : i32 to vector<16xi32>
        %sub3A_313 = arith.subi %add3A_310, %sub3A_312 : vector<16xi32>
        %shift_left3A_314 = arith.constant 15 : i32
        %shift_left3A_315 = vector.broadcast %shift_left3A_314 : i32 to vector<16xi32>
        %shift_left3A_316 = arith.shli %and3A_304, %shift_left3A_315 : vector<16xi32>
        %or3A_317 = arith.ori %shift_left3A_316, %add3A_298 : vector<16xi32>
        tpu.vector_store_idx %arg7[%sub3A_313], %or3A_317 : memref<32768xi32, #tpu.memory_space<vmem>>[vector<16xi32>], vector<16xi32>,
        tpu.vector_store_idx %arg11[%and3A_296], %unique3A_308 masked %unique3A_307 {add = true} : memref<2048xi32, #tpu.memory_space<vmem>>[vector<16xi32>], vector<16xi32>, vector<16xi1>
        %add3A_318 = arith.constant 1536 : i32
        %add3A_319 = arith.addi %add3A_318, %scan3A_215 : i32
        %mul3A_320 = arith.constant 16 : i32
        %mul3A_321 = arith.muli %add3A_319, %mul3A_320 : i32
        %get3A_322 = arith.index_cast %mul3A_321 : i32 to index
        %get3A_323 = tpu.vector_load %arg6[%get3A_322] {strides = array<i32>} : memref<32768xf32, #tpu.memory_space<vmem>>, vector<16xf32>,
        %bitcast3A_324 = vector.bitcast %get3A_323 : vector<16xf32> to vector<16xi32>
        %shift_right_arithmetic3A_325 = arith.constant 0 : i32
        %shift_right_arithmetic3A_326 = vector.broadcast %shift_right_arithmetic3A_325 : i32 to vector<16xi32>
        %shift_right_arithmetic3A_327 = arith.shrsi %bitcast3A_324, %shift_right_arithmetic3A_326 : vector<16xi32>
        %and3A_328 = arith.constant 2047 : i32
        %and3A_329 = vector.broadcast %and3A_328 : i32 to vector<16xi32>
        %and3A_330 = arith.andi %shift_right_arithmetic3A_327, %and3A_329 : vector<16xi32>
        %add3A_331 = vector.broadcast %mul3A_321 : i32 to vector<16xi32>
        %add3A_332 = arith.addi %add3A_331, %iota3A : vector<16xi32>
        %shift_right_arithmetic3A_333 = arith.constant 11 : i32
        %shift_right_arithmetic3A_334 = vector.broadcast %shift_right_arithmetic3A_333 : i32 to vector<16xi32>
        %shift_right_arithmetic3A_335 = arith.shrsi %bitcast3A_324, %shift_right_arithmetic3A_334 : vector<16xi32>
        %and3A_336 = arith.constant 2047 : i32
        %and3A_337 = vector.broadcast %and3A_336 : i32 to vector<16xi32>
        %and3A_338 = arith.andi %shift_right_arithmetic3A_335, %and3A_337 : vector<16xi32>
        %broadcast_in_dim3A_339 = arith.constant true
        %broadcast_in_dim3A_340 = vector.broadcast %broadcast_in_dim3A_339 : i1 to vector<16xi1>
        %unique3A_341, %unique3A_342 = tpu.scan_count mask(%broadcast_in_dim3A_340 : vector<16xi1>) value(%and3A_330 : vector<16xi32>) : vector<16xi1>, vector<16xi32>
        %gather3A_343 = tpu.vector_load_idx %arg12[%and3A_330] : memref<2048xi32, #tpu.memory_space<vmem>>[vector<16xi32>], vector<16xi32>,
        %add3A_344 = arith.addi %gather3A_343, %unique3A_342 : vector<16xi32>
        %sub3A_345 = arith.constant 1 : i32
        %sub3A_346 = vector.broadcast %sub3A_345 : i32 to vector<16xi32>
        %sub3A_347 = arith.subi %add3A_344, %sub3A_346 : vector<16xi32>
        %shift_left3A_348 = arith.constant 15 : i32
        %shift_left3A_349 = vector.broadcast %shift_left3A_348 : i32 to vector<16xi32>
        %shift_left3A_350 = arith.shli %and3A_338, %shift_left3A_349 : vector<16xi32>
        %or3A_351 = arith.ori %shift_left3A_350, %add3A_332 : vector<16xi32>
        tpu.vector_store_idx %arg7[%sub3A_347], %or3A_351 : memref<32768xi32, #tpu.memory_space<vmem>>[vector<16xi32>], vector<16xi32>,
        tpu.vector_store_idx %arg12[%and3A_330], %unique3A_342 masked %unique3A_341 {add = true} : memref<2048xi32, #tpu.memory_space<vmem>>[vector<16xi32>], vector<16xi32>, vector<16xi1>
        %scan3A_352 = arith.constant 0 : i32
        %scan3A_353 = arith.constant 2 : i32
        %scan3A_354 = arith.addi %scan3A_83, %scan3A_353 : i32
        %add3A_355 = arith.constant 0 : i32
        %add3A_356 = arith.addi %add3A_355, %scan3A_354 : i32
        %mul3A_357 = arith.constant 16 : i32
        %mul3A_358 = arith.muli %add3A_356, %mul3A_357 : i32
        %get3A_359 = arith.index_cast %mul3A_358 : i32 to index
        %get3A_360 = tpu.vector_load %arg6[%get3A_359] {strides = array<i32>} : memref<32768xf32, #tpu.memory_space<vmem>>, vector<16xf32>,
        %bitcast3A_361 = vector.bitcast %get3A_360 : vector<16xf32> to vector<16xi32>
        %shift_right_arithmetic3A_362 = arith.constant 0 : i32
        %shift_right_arithmetic3A_363 = vector.broadcast %shift_right_arithmetic3A_362 : i32 to vector<16xi32>
        %shift_right_arithmetic3A_364 = arith.shrsi %bitcast3A_361, %shift_right_arithmetic3A_363 : vector<16xi32>
        %and3A_365 = arith.constant 2047 : i32
        %and3A_366 = vector.broadcast %and3A_365 : i32 to vector<16xi32>
        %and3A_367 = arith.andi %shift_right_arithmetic3A_364, %and3A_366 : vector<16xi32>
        %add3A_368 = vector.broadcast %mul3A_358 : i32 to vector<16xi32>
        %add3A_369 = arith.addi %add3A_368, %iota3A : vector<16xi32>
        %shift_right_arithmetic3A_370 = arith.constant 11 : i32
        %shift_right_arithmetic3A_371 = vector.broadcast %shift_right_arithmetic3A_370 : i32 to vector<16xi32>
        %shift_right_arithmetic3A_372 = arith.shrsi %bitcast3A_361, %shift_right_arithmetic3A_371 : vector<16xi32>
        %and3A_373 = arith.constant 2047 : i32
        %and3A_374 = vector.broadcast %and3A_373 : i32 to vector<16xi32>
        %and3A_375 = arith.andi %shift_right_arithmetic3A_372, %and3A_374 : vector<16xi32>
        %broadcast_in_dim3A_376 = arith.constant true
        %broadcast_in_dim3A_377 = vector.broadcast %broadcast_in_dim3A_376 : i1 to vector<16xi1>
        %unique3A_378, %unique3A_379 = tpu.scan_count mask(%broadcast_in_dim3A_377 : vector<16xi1>) value(%and3A_367 : vector<16xi32>) : vector<16xi1>, vector<16xi32>
        %gather3A_380 = tpu.vector_load_idx %arg9[%and3A_367] : memref<2048xi32, #tpu.memory_space<vmem>>[vector<16xi32>], vector<16xi32>,
        %add3A_381 = arith.addi %gather3A_380, %unique3A_379 : vector<16xi32>
        %sub3A_382 = arith.constant 1 : i32
        %sub3A_383 = vector.broadcast %sub3A_382 : i32 to vector<16xi32>
        %sub3A_384 = arith.subi %add3A_381, %sub3A_383 : vector<16xi32>
        %shift_left3A_385 = arith.constant 15 : i32
        %shift_left3A_386 = vector.broadcast %shift_left3A_385 : i32 to vector<16xi32>
        %shift_left3A_387 = arith.shli %and3A_375, %shift_left3A_386 : vector<16xi32>
        %or3A_388 = arith.ori %shift_left3A_387, %add3A_369 : vector<16xi32>
        tpu.vector_store_idx %arg7[%sub3A_384], %or3A_388 : memref<32768xi32, #tpu.memory_space<vmem>>[vector<16xi32>], vector<16xi32>,
        tpu.vector_store_idx %arg9[%and3A_367], %unique3A_379 masked %unique3A_378 {add = true} : memref<2048xi32, #tpu.memory_space<vmem>>[vector<16xi32>], vector<16xi32>, vector<16xi1>
        %add3A_389 = arith.constant 512 : i32
        %add3A_390 = arith.addi %add3A_389, %scan3A_354 : i32
        %mul3A_391 = arith.constant 16 : i32
        %mul3A_392 = arith.muli %add3A_390, %mul3A_391 : i32
        %get3A_393 = arith.index_cast %mul3A_392 : i32 to index
        %get3A_394 = tpu.vector_load %arg6[%get3A_393] {strides = array<i32>} : memref<32768xf32, #tpu.memory_space<vmem>>, vector<16xf32>,
        %bitcast3A_395 = vector.bitcast %get3A_394 : vector<16xf32> to vector<16xi32>
        %shift_right_arithmetic3A_396 = arith.constant 0 : i32
        %shift_right_arithmetic3A_397 = vector.broadcast %shift_right_arithmetic3A_396 : i32 to vector<16xi32>
        %shift_right_arithmetic3A_398 = arith.shrsi %bitcast3A_395, %shift_right_arithmetic3A_397 : vector<16xi32>
        %and3A_399 = arith.constant 2047 : i32
        %and3A_400 = vector.broadcast %and3A_399 : i32 to vector<16xi32>
        %and3A_401 = arith.andi %shift_right_arithmetic3A_398, %and3A_400 : vector<16xi32>
        %add3A_402 = vector.broadcast %mul3A_392 : i32 to vector<16xi32>
        %add3A_403 = arith.addi %add3A_402, %iota3A : vector<16xi32>
        %shift_right_arithmetic3A_404 = arith.constant 11 : i32
        %shift_right_arithmetic3A_405 = vector.broadcast %shift_right_arithmetic3A_404 : i32 to vector<16xi32>
        %shift_right_arithmetic3A_406 = arith.shrsi %bitcast3A_395, %shift_right_arithmetic3A_405 : vector<16xi32>
        %and3A_407 = arith.constant 2047 : i32
        %and3A_408 = vector.broadcast %and3A_407 : i32 to vector<16xi32>
        %and3A_409 = arith.andi %shift_right_arithmetic3A_406, %and3A_408 : vector<16xi32>
        %broadcast_in_dim3A_410 = arith.constant true
        %broadcast_in_dim3A_411 = vector.broadcast %broadcast_in_dim3A_410 : i1 to vector<16xi1>
        %unique3A_412, %unique3A_413 = tpu.scan_count mask(%broadcast_in_dim3A_411 : vector<16xi1>) value(%and3A_401 : vector<16xi32>) : vector<16xi1>, vector<16xi32>
        %gather3A_414 = tpu.vector_load_idx %arg10[%and3A_401] : memref<2048xi32, #tpu.memory_space<vmem>>[vector<16xi32>], vector<16xi32>,
        %add3A_415 = arith.addi %gather3A_414, %unique3A_413 : vector<16xi32>
        %sub3A_416 = arith.constant 1 : i32
        %sub3A_417 = vector.broadcast %sub3A_416 : i32 to vector<16xi32>
        %sub3A_418 = arith.subi %add3A_415, %sub3A_417 : vector<16xi32>
        %shift_left3A_419 = arith.constant 15 : i32
        %shift_left3A_420 = vector.broadcast %shift_left3A_419 : i32 to vector<16xi32>
        %shift_left3A_421 = arith.shli %and3A_409, %shift_left3A_420 : vector<16xi32>
        %or3A_422 = arith.ori %shift_left3A_421, %add3A_403 : vector<16xi32>
        tpu.vector_store_idx %arg7[%sub3A_418], %or3A_422 : memref<32768xi32, #tpu.memory_space<vmem>>[vector<16xi32>], vector<16xi32>,
        tpu.vector_store_idx %arg10[%and3A_401], %unique3A_413 masked %unique3A_412 {add = true} : memref<2048xi32, #tpu.memory_space<vmem>>[vector<16xi32>], vector<16xi32>, vector<16xi1>
        %add3A_423 = arith.constant 1024 : i32
        %add3A_424 = arith.addi %add3A_423, %scan3A_354 : i32
        %mul3A_425 = arith.constant 16 : i32
        %mul3A_426 = arith.muli %add3A_424, %mul3A_425 : i32
        %get3A_427 = arith.index_cast %mul3A_426 : i32 to index
        %get3A_428 = tpu.vector_load %arg6[%get3A_427] {strides = array<i32>} : memref<32768xf32, #tpu.memory_space<vmem>>, vector<16xf32>,
        %bitcast3A_429 = vector.bitcast %get3A_428 : vector<16xf32> to vector<16xi32>
        %shift_right_arithmetic3A_430 = arith.constant 0 : i32
        %shift_right_arithmetic3A_431 = vector.broadcast %shift_right_arithmetic3A_430 : i32 to vector<16xi32>
        %shift_right_arithmetic3A_432 = arith.shrsi %bitcast3A_429, %shift_right_arithmetic3A_431 : vector<16xi32>
        %and3A_433 = arith.constant 2047 : i32
        %and3A_434 = vector.broadcast %and3A_433 : i32 to vector<16xi32>
        %and3A_435 = arith.andi %shift_right_arithmetic3A_432, %and3A_434 : vector<16xi32>
        %add3A_436 = vector.broadcast %mul3A_426 : i32 to vector<16xi32>
        %add3A_437 = arith.addi %add3A_436, %iota3A : vector<16xi32>
        %shift_right_arithmetic3A_438 = arith.constant 11 : i32
        %shift_right_arithmetic3A_439 = vector.broadcast %shift_right_arithmetic3A_438 : i32 to vector<16xi32>
        %shift_right_arithmetic3A_440 = arith.shrsi %bitcast3A_429, %shift_right_arithmetic3A_439 : vector<16xi32>
        %and3A_441 = arith.constant 2047 : i32
        %and3A_442 = vector.broadcast %and3A_441 : i32 to vector<16xi32>
        %and3A_443 = arith.andi %shift_right_arithmetic3A_440, %and3A_442 : vector<16xi32>
        %broadcast_in_dim3A_444 = arith.constant true
        %broadcast_in_dim3A_445 = vector.broadcast %broadcast_in_dim3A_444 : i1 to vector<16xi1>
        %unique3A_446, %unique3A_447 = tpu.scan_count mask(%broadcast_in_dim3A_445 : vector<16xi1>) value(%and3A_435 : vector<16xi32>) : vector<16xi1>, vector<16xi32>
        %gather3A_448 = tpu.vector_load_idx %arg11[%and3A_435] : memref<2048xi32, #tpu.memory_space<vmem>>[vector<16xi32>], vector<16xi32>,
        %add3A_449 = arith.addi %gather3A_448, %unique3A_447 : vector<16xi32>
        %sub3A_450 = arith.constant 1 : i32
        %sub3A_451 = vector.broadcast %sub3A_450 : i32 to vector<16xi32>
        %sub3A_452 = arith.subi %add3A_449, %sub3A_451 : vector<16xi32>
        %shift_left3A_453 = arith.constant 15 : i32
        %shift_left3A_454 = vector.broadcast %shift_left3A_453 : i32 to vector<16xi32>
        %shift_left3A_455 = arith.shli %and3A_443, %shift_left3A_454 : vector<16xi32>
        %or3A_456 = arith.ori %shift_left3A_455, %add3A_437 : vector<16xi32>
        tpu.vector_store_idx %arg7[%sub3A_452], %or3A_456 : memref<32768xi32, #tpu.memory_space<vmem>>[vector<16xi32>], vector<16xi32>,
        tpu.vector_store_idx %arg11[%and3A_435], %unique3A_447 masked %unique3A_446 {add = true} : memref<2048xi32, #tpu.memory_space<vmem>>[vector<16xi32>], vector<16xi32>, vector<16xi1>
        %add3A_457 = arith.constant 1536 : i32
        %add3A_458 = arith.addi %add3A_457, %scan3A_354 : i32
        %mul3A_459 = arith.constant 16 : i32
        %mul3A_460 = arith.muli %add3A_458, %mul3A_459 : i32
        %get3A_461 = arith.index_cast %mul3A_460 : i32 to index
        %get3A_462 = tpu.vector_load %arg6[%get3A_461] {strides = array<i32>} : memref<32768xf32, #tpu.memory_space<vmem>>, vector<16xf32>,
        %bitcast3A_463 = vector.bitcast %get3A_462 : vector<16xf32> to vector<16xi32>
        %shift_right_arithmetic3A_464 = arith.constant 0 : i32
        %shift_right_arithmetic3A_465 = vector.broadcast %shift_right_arithmetic3A_464 : i32 to vector<16xi32>
        %shift_right_arithmetic3A_466 = arith.shrsi %bitcast3A_463, %shift_right_arithmetic3A_465 : vector<16xi32>
        %and3A_467 = arith.constant 2047 : i32
        %and3A_468 = vector.broadcast %and3A_467 : i32 to vector<16xi32>
        %and3A_469 = arith.andi %shift_right_arithmetic3A_466, %and3A_468 : vector<16xi32>
        %add3A_470 = vector.broadcast %mul3A_460 : i32 to vector<16xi32>
        %add3A_471 = arith.addi %add3A_470, %iota3A : vector<16xi32>
        %shift_right_arithmetic3A_472 = arith.constant 11 : i32
        %shift_right_arithmetic3A_473 = vector.broadcast %shift_right_arithmetic3A_472 : i32 to vector<16xi32>
        %shift_right_arithmetic3A_474 = arith.shrsi %bitcast3A_463, %shift_right_arithmetic3A_473 : vector<16xi32>
        %and3A_475 = arith.constant 2047 : i32
        %and3A_476 = vector.broadcast %and3A_475 : i32 to vector<16xi32>
        %and3A_477 = arith.andi %shift_right_arithmetic3A_474, %and3A_476 : vector<16xi32>
        %broadcast_in_dim3A_478 = arith.constant true
        %broadcast_in_dim3A_479 = vector.broadcast %broadcast_in_dim3A_478 : i1 to vector<16xi1>
        %unique3A_480, %unique3A_481 = tpu.scan_count mask(%broadcast_in_dim3A_479 : vector<16xi1>) value(%and3A_469 : vector<16xi32>) : vector<16xi1>, vector<16xi32>
        %gather3A_482 = tpu.vector_load_idx %arg12[%and3A_469] : memref<2048xi32, #tpu.memory_space<vmem>>[vector<16xi32>], vector<16xi32>,
        %add3A_483 = arith.addi %gather3A_482, %unique3A_481 : vector<16xi32>
        %sub3A_484 = arith.constant 1 : i32
        %sub3A_485 = vector.broadcast %sub3A_484 : i32 to vector<16xi32>
        %sub3A_486 = arith.subi %add3A_483, %sub3A_485 : vector<16xi32>
        %shift_left3A_487 = arith.constant 15 : i32
        %shift_left3A_488 = vector.broadcast %shift_left3A_487 : i32 to vector<16xi32>
        %shift_left3A_489 = arith.shli %and3A_477, %shift_left3A_488 : vector<16xi32>
        %or3A_490 = arith.ori %shift_left3A_489, %add3A_471 : vector<16xi32>
        tpu.vector_store_idx %arg7[%sub3A_486], %or3A_490 : memref<32768xi32, #tpu.memory_space<vmem>>[vector<16xi32>], vector<16xi32>,
        tpu.vector_store_idx %arg12[%and3A_469], %unique3A_481 masked %unique3A_480 {add = true} : memref<2048xi32, #tpu.memory_space<vmem>>[vector<16xi32>], vector<16xi32>, vector<16xi1>
        %scan3A_491 = arith.constant 0 : i32
        %scan3A_492 = arith.constant 3 : i32
        %scan3A_493 = arith.addi %scan3A_83, %scan3A_492 : i32
        %add3A_494 = arith.constant 0 : i32
        %add3A_495 = arith.addi %add3A_494, %scan3A_493 : i32
        %mul3A_496 = arith.constant 16 : i32
        %mul3A_497 = arith.muli %add3A_495, %mul3A_496 : i32
        %get3A_498 = arith.index_cast %mul3A_497 : i32 to index
        %get3A_499 = tpu.vector_load %arg6[%get3A_498] {strides = array<i32>} : memref<32768xf32, #tpu.memory_space<vmem>>, vector<16xf32>,
        %bitcast3A_500 = vector.bitcast %get3A_499 : vector<16xf32> to vector<16xi32>
        %shift_right_arithmetic3A_501 = arith.constant 0 : i32
        %shift_right_arithmetic3A_502 = vector.broadcast %shift_right_arithmetic3A_501 : i32 to vector<16xi32>
        %shift_right_arithmetic3A_503 = arith.shrsi %bitcast3A_500, %shift_right_arithmetic3A_502 : vector<16xi32>
        %and3A_504 = arith.constant 2047 : i32
        %and3A_505 = vector.broadcast %and3A_504 : i32 to vector<16xi32>
        %and3A_506 = arith.andi %shift_right_arithmetic3A_503, %and3A_505 : vector<16xi32>
        %add3A_507 = vector.broadcast %mul3A_497 : i32 to vector<16xi32>
        %add3A_508 = arith.addi %add3A_507, %iota3A : vector<16xi32>
        %shift_right_arithmetic3A_509 = arith.constant 11 : i32
        %shift_right_arithmetic3A_510 = vector.broadcast %shift_right_arithmetic3A_509 : i32 to vector<16xi32>
        %shift_right_arithmetic3A_511 = arith.shrsi %bitcast3A_500, %shift_right_arithmetic3A_510 : vector<16xi32>
        %and3A_512 = arith.constant 2047 : i32
        %and3A_513 = vector.broadcast %and3A_512 : i32 to vector<16xi32>
        %and3A_514 = arith.andi %shift_right_arithmetic3A_511, %and3A_513 : vector<16xi32>
        %broadcast_in_dim3A_515 = arith.constant true
        %broadcast_in_dim3A_516 = vector.broadcast %broadcast_in_dim3A_515 : i1 to vector<16xi1>
        %unique3A_517, %unique3A_518 = tpu.scan_count mask(%broadcast_in_dim3A_516 : vector<16xi1>) value(%and3A_506 : vector<16xi32>) : vector<16xi1>, vector<16xi32>
        %gather3A_519 = tpu.vector_load_idx %arg9[%and3A_506] : memref<2048xi32, #tpu.memory_space<vmem>>[vector<16xi32>], vector<16xi32>,
        %add3A_520 = arith.addi %gather3A_519, %unique3A_518 : vector<16xi32>
        %sub3A_521 = arith.constant 1 : i32
        %sub3A_522 = vector.broadcast %sub3A_521 : i32 to vector<16xi32>
        %sub3A_523 = arith.subi %add3A_520, %sub3A_522 : vector<16xi32>
        %shift_left3A_524 = arith.constant 15 : i32
        %shift_left3A_525 = vector.broadcast %shift_left3A_524 : i32 to vector<16xi32>
        %shift_left3A_526 = arith.shli %and3A_514, %shift_left3A_525 : vector<16xi32>
        %or3A_527 = arith.ori %shift_left3A_526, %add3A_508 : vector<16xi32>
        tpu.vector_store_idx %arg7[%sub3A_523], %or3A_527 : memref<32768xi32, #tpu.memory_space<vmem>>[vector<16xi32>], vector<16xi32>,
        tpu.vector_store_idx %arg9[%and3A_506], %unique3A_518 masked %unique3A_517 {add = true} : memref<2048xi32, #tpu.memory_space<vmem>>[vector<16xi32>], vector<16xi32>, vector<16xi1>
        %add3A_528 = arith.constant 512 : i32
        %add3A_529 = arith.addi %add3A_528, %scan3A_493 : i32
        %mul3A_530 = arith.constant 16 : i32
        %mul3A_531 = arith.muli %add3A_529, %mul3A_530 : i32
        %get3A_532 = arith.index_cast %mul3A_531 : i32 to index
        %get3A_533 = tpu.vector_load %arg6[%get3A_532] {strides = array<i32>} : memref<32768xf32, #tpu.memory_space<vmem>>, vector<16xf32>,
        %bitcast3A_534 = vector.bitcast %get3A_533 : vector<16xf32> to vector<16xi32>
        %shift_right_arithmetic3A_535 = arith.constant 0 : i32
        %shift_right_arithmetic3A_536 = vector.broadcast %shift_right_arithmetic3A_535 : i32 to vector<16xi32>
        %shift_right_arithmetic3A_537 = arith.shrsi %bitcast3A_534, %shift_right_arithmetic3A_536 : vector<16xi32>
        %and3A_538 = arith.constant 2047 : i32
        %and3A_539 = vector.broadcast %and3A_538 : i32 to vector<16xi32>
        %and3A_540 = arith.andi %shift_right_arithmetic3A_537, %and3A_539 : vector<16xi32>
        %add3A_541 = vector.broadcast %mul3A_531 : i32 to vector<16xi32>
        %add3A_542 = arith.addi %add3A_541, %iota3A : vector<16xi32>
        %shift_right_arithmetic3A_543 = arith.constant 11 : i32
        %shift_right_arithmetic3A_544 = vector.broadcast %shift_right_arithmetic3A_543 : i32 to vector<16xi32>
        %shift_right_arithmetic3A_545 = arith.shrsi %bitcast3A_534, %shift_right_arithmetic3A_544 : vector<16xi32>
        %and3A_546 = arith.constant 2047 : i32
        %and3A_547 = vector.broadcast %and3A_546 : i32 to vector<16xi32>
        %and3A_548 = arith.andi %shift_right_arithmetic3A_545, %and3A_547 : vector<16xi32>
        %broadcast_in_dim3A_549 = arith.constant true
        %broadcast_in_dim3A_550 = vector.broadcast %broadcast_in_dim3A_549 : i1 to vector<16xi1>
        %unique3A_551, %unique3A_552 = tpu.scan_count mask(%broadcast_in_dim3A_550 : vector<16xi1>) value(%and3A_540 : vector<16xi32>) : vector<16xi1>, vector<16xi32>
        %gather3A_553 = tpu.vector_load_idx %arg10[%and3A_540] : memref<2048xi32, #tpu.memory_space<vmem>>[vector<16xi32>], vector<16xi32>,
        %add3A_554 = arith.addi %gather3A_553, %unique3A_552 : vector<16xi32>
        %sub3A_555 = arith.constant 1 : i32
        %sub3A_556 = vector.broadcast %sub3A_555 : i32 to vector<16xi32>
        %sub3A_557 = arith.subi %add3A_554, %sub3A_556 : vector<16xi32>
        %shift_left3A_558 = arith.constant 15 : i32
        %shift_left3A_559 = vector.broadcast %shift_left3A_558 : i32 to vector<16xi32>
        %shift_left3A_560 = arith.shli %and3A_548, %shift_left3A_559 : vector<16xi32>
        %or3A_561 = arith.ori %shift_left3A_560, %add3A_542 : vector<16xi32>
        tpu.vector_store_idx %arg7[%sub3A_557], %or3A_561 : memref<32768xi32, #tpu.memory_space<vmem>>[vector<16xi32>], vector<16xi32>,
        tpu.vector_store_idx %arg10[%and3A_540], %unique3A_552 masked %unique3A_551 {add = true} : memref<2048xi32, #tpu.memory_space<vmem>>[vector<16xi32>], vector<16xi32>, vector<16xi1>
        %add3A_562 = arith.constant 1024 : i32
        %add3A_563 = arith.addi %add3A_562, %scan3A_493 : i32
        %mul3A_564 = arith.constant 16 : i32
        %mul3A_565 = arith.muli %add3A_563, %mul3A_564 : i32
        %get3A_566 = arith.index_cast %mul3A_565 : i32 to index
        %get3A_567 = tpu.vector_load %arg6[%get3A_566] {strides = array<i32>} : memref<32768xf32, #tpu.memory_space<vmem>>, vector<16xf32>,
        %bitcast3A_568 = vector.bitcast %get3A_567 : vector<16xf32> to vector<16xi32>
        %shift_right_arithmetic3A_569 = arith.constant 0 : i32
        %shift_right_arithmetic3A_570 = vector.broadcast %shift_right_arithmetic3A_569 : i32 to vector<16xi32>
        %shift_right_arithmetic3A_571 = arith.shrsi %bitcast3A_568, %shift_right_arithmetic3A_570 : vector<16xi32>
        %and3A_572 = arith.constant 2047 : i32
        %and3A_573 = vector.broadcast %and3A_572 : i32 to vector<16xi32>
        %and3A_574 = arith.andi %shift_right_arithmetic3A_571, %and3A_573 : vector<16xi32>
        %add3A_575 = vector.broadcast %mul3A_565 : i32 to vector<16xi32>
        %add3A_576 = arith.addi %add3A_575, %iota3A : vector<16xi32>
        %shift_right_arithmetic3A_577 = arith.constant 11 : i32
        %shift_right_arithmetic3A_578 = vector.broadcast %shift_right_arithmetic3A_577 : i32 to vector<16xi32>
        %shift_right_arithmetic3A_579 = arith.shrsi %bitcast3A_568, %shift_right_arithmetic3A_578 : vector<16xi32>
        %and3A_580 = arith.constant 2047 : i32
        %and3A_581 = vector.broadcast %and3A_580 : i32 to vector<16xi32>
        %and3A_582 = arith.andi %shift_right_arithmetic3A_579, %and3A_581 : vector<16xi32>
        %broadcast_in_dim3A_583 = arith.constant true
        %broadcast_in_dim3A_584 = vector.broadcast %broadcast_in_dim3A_583 : i1 to vector<16xi1>
        %unique3A_585, %unique3A_586 = tpu.scan_count mask(%broadcast_in_dim3A_584 : vector<16xi1>) value(%and3A_574 : vector<16xi32>) : vector<16xi1>, vector<16xi32>
        %gather3A_587 = tpu.vector_load_idx %arg11[%and3A_574] : memref<2048xi32, #tpu.memory_space<vmem>>[vector<16xi32>], vector<16xi32>,
        %add3A_588 = arith.addi %gather3A_587, %unique3A_586 : vector<16xi32>
        %sub3A_589 = arith.constant 1 : i32
        %sub3A_590 = vector.broadcast %sub3A_589 : i32 to vector<16xi32>
        %sub3A_591 = arith.subi %add3A_588, %sub3A_590 : vector<16xi32>
        %shift_left3A_592 = arith.constant 15 : i32
        %shift_left3A_593 = vector.broadcast %shift_left3A_592 : i32 to vector<16xi32>
        %shift_left3A_594 = arith.shli %and3A_582, %shift_left3A_593 : vector<16xi32>
        %or3A_595 = arith.ori %shift_left3A_594, %add3A_576 : vector<16xi32>
        tpu.vector_store_idx %arg7[%sub3A_591], %or3A_595 : memref<32768xi32, #tpu.memory_space<vmem>>[vector<16xi32>], vector<16xi32>,
        tpu.vector_store_idx %arg11[%and3A_574], %unique3A_586 masked %unique3A_585 {add = true} : memref<2048xi32, #tpu.memory_space<vmem>>[vector<16xi32>], vector<16xi32>, vector<16xi1>
        %add3A_596 = arith.constant 1536 : i32
        %add3A_597 = arith.addi %add3A_596, %scan3A_493 : i32
        %mul3A_598 = arith.constant 16 : i32
        %mul3A_599 = arith.muli %add3A_597, %mul3A_598 : i32
        %get3A_600 = arith.index_cast %mul3A_599 : i32 to index
        %get3A_601 = tpu.vector_load %arg6[%get3A_600] {strides = array<i32>} : memref<32768xf32, #tpu.memory_space<vmem>>, vector<16xf32>,
        %bitcast3A_602 = vector.bitcast %get3A_601 : vector<16xf32> to vector<16xi32>
        %shift_right_arithmetic3A_603 = arith.constant 0 : i32
        %shift_right_arithmetic3A_604 = vector.broadcast %shift_right_arithmetic3A_603 : i32 to vector<16xi32>
        %shift_right_arithmetic3A_605 = arith.shrsi %bitcast3A_602, %shift_right_arithmetic3A_604 : vector<16xi32>
        %and3A_606 = arith.constant 2047 : i32
        %and3A_607 = vector.broadcast %and3A_606 : i32 to vector<16xi32>
        %and3A_608 = arith.andi %shift_right_arithmetic3A_605, %and3A_607 : vector<16xi32>
        %add3A_609 = vector.broadcast %mul3A_599 : i32 to vector<16xi32>
        %add3A_610 = arith.addi %add3A_609, %iota3A : vector<16xi32>
        %shift_right_arithmetic3A_611 = arith.constant 11 : i32
        %shift_right_arithmetic3A_612 = vector.broadcast %shift_right_arithmetic3A_611 : i32 to vector<16xi32>
        %shift_right_arithmetic3A_613 = arith.shrsi %bitcast3A_602, %shift_right_arithmetic3A_612 : vector<16xi32>
        %and3A_614 = arith.constant 2047 : i32
        %and3A_615 = vector.broadcast %and3A_614 : i32 to vector<16xi32>
        %and3A_616 = arith.andi %shift_right_arithmetic3A_613, %and3A_615 : vector<16xi32>
        %broadcast_in_dim3A_617 = arith.constant true
        %broadcast_in_dim3A_618 = vector.broadcast %broadcast_in_dim3A_617 : i1 to vector<16xi1>
        %unique3A_619, %unique3A_620 = tpu.scan_count mask(%broadcast_in_dim3A_618 : vector<16xi1>) value(%and3A_608 : vector<16xi32>) : vector<16xi1>, vector<16xi32>
        %gather3A_621 = tpu.vector_load_idx %arg12[%and3A_608] : memref<2048xi32, #tpu.memory_space<vmem>>[vector<16xi32>], vector<16xi32>,
        %add3A_622 = arith.addi %gather3A_621, %unique3A_620 : vector<16xi32>
        %sub3A_623 = arith.constant 1 : i32
        %sub3A_624 = vector.broadcast %sub3A_623 : i32 to vector<16xi32>
        %sub3A_625 = arith.subi %add3A_622, %sub3A_624 : vector<16xi32>
        %shift_left3A_626 = arith.constant 15 : i32
        %shift_left3A_627 = vector.broadcast %shift_left3A_626 : i32 to vector<16xi32>
        %shift_left3A_628 = arith.shli %and3A_616, %shift_left3A_627 : vector<16xi32>
        %or3A_629 = arith.ori %shift_left3A_628, %add3A_610 : vector<16xi32>
        tpu.vector_store_idx %arg7[%sub3A_625], %or3A_629 : memref<32768xi32, #tpu.memory_space<vmem>>[vector<16xi32>], vector<16xi32>,
        tpu.vector_store_idx %arg12[%and3A_608], %unique3A_620 masked %unique3A_619 {add = true} : memref<2048xi32, #tpu.memory_space<vmem>>[vector<16xi32>], vector<16xi32>, vector<16xi1>
        %scan3A_630 = arith.constant 0 : i32
        scf.yield %scan3A_630 : i32
      }
      %scan3A_38 = arith.constant 512 : i32
      %parallel_loop3A_39 = arith.constant 0 : i32
      %parallel_loop3A_40 = arith.constant 128 : i32
      %parallel_loop3A_41 = arith.constant 1 : i32
      scf.for %parallel_loop3A_83 = %parallel_loop3A_39 to %parallel_loop3A_40 step %parallel_loop3A_41  : i32 {
        %parallel_loop3A_84 = arith.constant 0 : i32
        %parallel_loop3A_85 = vector.broadcast %parallel_loop3A_84 : i32 to vector<16xi32>
        %parallel_loop3A_86 = arith.constant 16 : i32
        %parallel_loop3A_87 = arith.muli %parallel_loop3A_83, %parallel_loop3A_86 : i32
        %parallel_loop3A_88 = arith.index_cast %parallel_loop3A_87 : i32 to index
        %parallel_loop3A_89 = tpu.vector_load %arg9[%parallel_loop3A_88] {strides = array<i32>} : memref<2048xi32, #tpu.memory_space<vmem>>, vector<16xi32>,
        tpu.vector_store %arg9[%parallel_loop3A_88], %parallel_loop3A_85 {strides = array<i32>} : memref<2048xi32, #tpu.memory_space<vmem>>, vector<16xi32>,
        %parallel_loop3A_90 = arith.constant 16 : i32
        %parallel_loop3A_91 = arith.muli %parallel_loop3A_83, %parallel_loop3A_90 : i32
        %parallel_loop3A_92 = arith.index_cast %parallel_loop3A_91 : i32 to index
        %parallel_loop3A_93 = tpu.vector_load %arg10[%parallel_loop3A_92] {strides = array<i32>} : memref<2048xi32, #tpu.memory_space<vmem>>, vector<16xi32>,
        tpu.vector_store %arg10[%parallel_loop3A_92], %parallel_loop3A_85 {strides = array<i32>} : memref<2048xi32, #tpu.memory_space<vmem>>, vector<16xi32>,
        %parallel_loop3A_94 = arith.constant 16 : i32
        %parallel_loop3A_95 = arith.muli %parallel_loop3A_83, %parallel_loop3A_94 : i32
        %parallel_loop3A_96 = arith.index_cast %parallel_loop3A_95 : i32 to index
        %parallel_loop3A_97 = tpu.vector_load %arg11[%parallel_loop3A_96] {strides = array<i32>} : memref<2048xi32, #tpu.memory_space<vmem>>, vector<16xi32>,
        tpu.vector_store %arg11[%parallel_loop3A_96], %parallel_loop3A_85 {strides = array<i32>} : memref<2048xi32, #tpu.memory_space<vmem>>, vector<16xi32>,
        %parallel_loop3A_98 = arith.constant 16 : i32
        %parallel_loop3A_99 = arith.muli %parallel_loop3A_83, %parallel_loop3A_98 : i32
        %parallel_loop3A_100 = arith.index_cast %parallel_loop3A_99 : i32 to index
        %parallel_loop3A_101 = tpu.vector_load %arg12[%parallel_loop3A_100] {strides = array<i32>} : memref<2048xi32, #tpu.memory_space<vmem>>, vector<16xi32>,
        tpu.vector_store %arg12[%parallel_loop3A_100], %parallel_loop3A_85 {strides = array<i32>} : memref<2048xi32, #tpu.memory_space<vmem>>, vector<16xi32>,
      } {sc.loop_unroll_factor = 4 : i64, sc.parallel_access}
      %parallel_loop3A_42 = arith.constant 0 : i32
      %parallel_loop3A_43 = arith.constant 512 : i32
      %parallel_loop3A_44 = arith.constant 1 : i32
      scf.for %parallel_loop3A_83 = %parallel_loop3A_42 to %parallel_loop3A_43 step %parallel_loop3A_44  : i32 {
        %parallel_loop3A_84 = arith.constant 0 : i32
        %parallel_loop3A_85 = arith.addi %parallel_loop3A_84, %parallel_loop3A_83 : i32
        %parallel_loop3A_86 = arith.constant 16 : i32
        %parallel_loop3A_87 = arith.muli %parallel_loop3A_85, %parallel_loop3A_86 : i32
        %parallel_loop3A_88 = arith.index_cast %parallel_loop3A_87 : i32 to index
        %parallel_loop3A_89 = tpu.vector_load %arg7[%parallel_loop3A_88] {strides = array<i32>} : memref<32768xi32, #tpu.memory_space<vmem>>, vector<16xi32>,
        %parallel_loop3A_90 = arith.constant 15 : i32
        %parallel_loop3A_91 = vector.broadcast %parallel_loop3A_90 : i32 to vector<16xi32>
        %parallel_loop3A_92 = arith.shrsi %parallel_loop3A_89, %parallel_loop3A_91 : vector<16xi32>
        %parallel_loop3A_93 = arith.constant true
        %parallel_loop3A_94 = vector.broadcast %parallel_loop3A_93 : i1 to vector<16xi1>
        %parallel_loop3A_95, %parallel_loop3A_96 = tpu.scan_count mask(%parallel_loop3A_94 : vector<16xi1>) value(%parallel_loop3A_92 : vector<16xi32>) : vector<16xi1>, vector<16xi32>
        tpu.vector_store_idx %arg9[%parallel_loop3A_92], %parallel_loop3A_96 masked %parallel_loop3A_95 {add = true} : memref<2048xi32, #tpu.memory_space<vmem>>[vector<16xi32>], vector<16xi32>, vector<16xi1>
        %parallel_loop3A_97 = arith.constant 512 : i32
        %parallel_loop3A_98 = arith.addi %parallel_loop3A_97, %parallel_loop3A_83 : i32
        %parallel_loop3A_99 = arith.constant 16 : i32
        %parallel_loop3A_100 = arith.muli %parallel_loop3A_98, %parallel_loop3A_99 : i32
        %parallel_loop3A_101 = arith.index_cast %parallel_loop3A_100 : i32 to index
        %parallel_loop3A_102 = tpu.vector_load %arg7[%parallel_loop3A_101] {strides = array<i32>} : memref<32768xi32, #tpu.memory_space<vmem>>, vector<16xi32>,
        %parallel_loop3A_103 = arith.constant 15 : i32
        %parallel_loop3A_104 = vector.broadcast %parallel_loop3A_103 : i32 to vector<16xi32>
        %parallel_loop3A_105 = arith.shrsi %parallel_loop3A_102, %parallel_loop3A_104 : vector<16xi32>
        %parallel_loop3A_106 = arith.constant true
        %parallel_loop3A_107 = vector.broadcast %parallel_loop3A_106 : i1 to vector<16xi1>
        %parallel_loop3A_108, %parallel_loop3A_109 = tpu.scan_count mask(%parallel_loop3A_107 : vector<16xi1>) value(%parallel_loop3A_105 : vector<16xi32>) : vector<16xi1>, vector<16xi32>
        tpu.vector_store_idx %arg10[%parallel_loop3A_105], %parallel_loop3A_109 masked %parallel_loop3A_108 {add = true} : memref<2048xi32, #tpu.memory_space<vmem>>[vector<16xi32>], vector<16xi32>, vector<16xi1>
        %parallel_loop3A_110 = arith.constant 1024 : i32
        %parallel_loop3A_111 = arith.addi %parallel_loop3A_110, %parallel_loop3A_83 : i32
        %parallel_loop3A_112 = arith.constant 16 : i32
        %parallel_loop3A_113 = arith.muli %parallel_loop3A_111, %parallel_loop3A_112 : i32
        %parallel_loop3A_114 = arith.index_cast %parallel_loop3A_113 : i32 to index
        %parallel_loop3A_115 = tpu.vector_load %arg7[%parallel_loop3A_114] {strides = array<i32>} : memref<32768xi32, #tpu.memory_space<vmem>>, vector<16xi32>,
        %parallel_loop3A_116 = arith.constant 15 : i32
        %parallel_loop3A_117 = vector.broadcast %parallel_loop3A_116 : i32 to vector<16xi32>
        %parallel_loop3A_118 = arith.shrsi %parallel_loop3A_115, %parallel_loop3A_117 : vector<16xi32>
        %parallel_loop3A_119 = arith.constant true
        %parallel_loop3A_120 = vector.broadcast %parallel_loop3A_119 : i1 to vector<16xi1>
        %parallel_loop3A_121, %parallel_loop3A_122 = tpu.scan_count mask(%parallel_loop3A_120 : vector<16xi1>) value(%parallel_loop3A_118 : vector<16xi32>) : vector<16xi1>, vector<16xi32>
        tpu.vector_store_idx %arg11[%parallel_loop3A_118], %parallel_loop3A_122 masked %parallel_loop3A_121 {add = true} : memref<2048xi32, #tpu.memory_space<vmem>>[vector<16xi32>], vector<16xi32>, vector<16xi1>
        %parallel_loop3A_123 = arith.constant 1536 : i32
        %parallel_loop3A_124 = arith.addi %parallel_loop3A_123, %parallel_loop3A_83 : i32
        %parallel_loop3A_125 = arith.constant 16 : i32
        %parallel_loop3A_126 = arith.muli %parallel_loop3A_124, %parallel_loop3A_125 : i32
        %parallel_loop3A_127 = arith.index_cast %parallel_loop3A_126 : i32 to index
        %parallel_loop3A_128 = tpu.vector_load %arg7[%parallel_loop3A_127] {strides = array<i32>} : memref<32768xi32, #tpu.memory_space<vmem>>, vector<16xi32>,
        %parallel_loop3A_129 = arith.constant 15 : i32
        %parallel_loop3A_130 = vector.broadcast %parallel_loop3A_129 : i32 to vector<16xi32>
        %parallel_loop3A_131 = arith.shrsi %parallel_loop3A_128, %parallel_loop3A_130 : vector<16xi32>
        %parallel_loop3A_132 = arith.constant true
        %parallel_loop3A_133 = vector.broadcast %parallel_loop3A_132 : i1 to vector<16xi1>
        %parallel_loop3A_134, %parallel_loop3A_135 = tpu.scan_count mask(%parallel_loop3A_133 : vector<16xi1>) value(%parallel_loop3A_131 : vector<16xi32>) : vector<16xi1>, vector<16xi32>
        tpu.vector_store_idx %arg12[%parallel_loop3A_131], %parallel_loop3A_135 masked %parallel_loop3A_134 {add = true} : memref<2048xi32, #tpu.memory_space<vmem>>[vector<16xi32>], vector<16xi32>, vector<16xi1>
      } {sc.loop_unroll_factor = 4 : i64, sc.parallel_access}
      %scan3A_45 = arith.constant 0 : i32
      %scan3A_46 = arith.constant 0 : i32
      %scan3A_47 = arith.constant 128 : i32
      %scan3A_48 = arith.addi %scan3A_46, %scan3A_47 : i32
      %scan3A_49 = arith.constant 2 : i32
      %scan3A_50 = scf.for %scan3A_83 = %scan3A_46 to %scan3A_48 step %scan3A_49 iter_args(%scan3A_84 = %scan3A_45) -> (i32)  : i32 {
        %mul3A_85 = arith.constant 16 : i32
        %mul3A_86 = arith.muli %scan3A_83, %mul3A_85 : i32
        %get3A_87 = arith.index_cast %mul3A_86 : i32 to index
        %get3A_88 = tpu.vector_load %arg9[%get3A_87] {strides = array<i32>} : memref<2048xi32, #tpu.memory_space<vmem>>, vector<16xi32>,
        %mul3A_89 = arith.constant 16 : i32
        %mul3A_90 = arith.muli %scan3A_83, %mul3A_89 : i32
        %get3A_91 = arith.index_cast %mul3A_90 : i32 to index
        %get3A_92 = tpu.vector_load %arg10[%get3A_91] {strides = array<i32>} : memref<2048xi32, #tpu.memory_space<vmem>>, vector<16xi32>,
        %mul3A_93 = arith.constant 16 : i32
        %mul3A_94 = arith.muli %scan3A_83, %mul3A_93 : i32
        %get3A_95 = arith.index_cast %mul3A_94 : i32 to index
        %get3A_96 = tpu.vector_load %arg11[%get3A_95] {strides = array<i32>} : memref<2048xi32, #tpu.memory_space<vmem>>, vector<16xi32>,
        %mul3A_97 = arith.constant 16 : i32
        %mul3A_98 = arith.muli %scan3A_83, %mul3A_97 : i32
        %get3A_99 = arith.index_cast %mul3A_98 : i32 to index
        %get3A_100 = tpu.vector_load %arg12[%get3A_99] {strides = array<i32>} : memref<2048xi32, #tpu.memory_space<vmem>>, vector<16xi32>,
        %add3A_101 = arith.addi %get3A_88, %get3A_92 : vector<16xi32>
        %add3A_102 = arith.addi %add3A_101, %get3A_96 : vector<16xi32>
        %add3A_103 = arith.addi %add3A_102, %get3A_100 : vector<16xi32>
        %broadcast_in_dim3A_104 = arith.constant true
        %broadcast_in_dim3A_105 = vector.broadcast %broadcast_in_dim3A_104 : i1 to vector<16xi1>
        %masked_cumsum3A = tpu.scan <sum>, %add3A_103 masked %broadcast_in_dim3A_105 : vector<16xi32>, vector<16xi1> -> vector<16xi32>
        %sub3A = arith.subi %masked_cumsum3A, %add3A_103 : vector<16xi32>
        %add3A_106 = vector.broadcast %scan3A_84 : i32 to vector<16xi32>
        %add3A_107 = arith.addi %sub3A, %add3A_106 : vector<16xi32>
        %mul3A_108 = arith.constant 16 : i32
        %mul3A_109 = arith.muli %scan3A_83, %mul3A_108 : i32
        %swap3A = arith.index_cast %mul3A_109 : i32 to index
        %swap3A_110 = tpu.vector_load %arg9[%swap3A] {strides = array<i32>} : memref<2048xi32, #tpu.memory_space<vmem>>, vector<16xi32>,
        tpu.vector_store %arg9[%swap3A], %add3A_107 {strides = array<i32>} : memref<2048xi32, #tpu.memory_space<vmem>>, vector<16xi32>,
        %add3A_111 = arith.addi %add3A_107, %get3A_88 : vector<16xi32>
        %mul3A_112 = arith.constant 16 : i32
        %mul3A_113 = arith.muli %scan3A_83, %mul3A_112 : i32
        %swap3A_114 = arith.index_cast %mul3A_113 : i32 to index
        %swap3A_115 = tpu.vector_load %arg10[%swap3A_114] {strides = array<i32>} : memref<2048xi32, #tpu.memory_space<vmem>>, vector<16xi32>,
        tpu.vector_store %arg10[%swap3A_114], %add3A_111 {strides = array<i32>} : memref<2048xi32, #tpu.memory_space<vmem>>, vector<16xi32>,
        %add3A_116 = arith.addi %add3A_111, %get3A_92 : vector<16xi32>
        %mul3A_117 = arith.constant 16 : i32
        %mul3A_118 = arith.muli %scan3A_83, %mul3A_117 : i32
        %swap3A_119 = arith.index_cast %mul3A_118 : i32 to index
        %swap3A_120 = tpu.vector_load %arg11[%swap3A_119] {strides = array<i32>} : memref<2048xi32, #tpu.memory_space<vmem>>, vector<16xi32>,
        tpu.vector_store %arg11[%swap3A_119], %add3A_116 {strides = array<i32>} : memref<2048xi32, #tpu.memory_space<vmem>>, vector<16xi32>,
        %add3A_121 = arith.addi %add3A_116, %get3A_96 : vector<16xi32>
        %mul3A_122 = arith.constant 16 : i32
        %mul3A_123 = arith.muli %scan3A_83, %mul3A_122 : i32
        %swap3A_124 = arith.index_cast %mul3A_123 : i32 to index
        %swap3A_125 = tpu.vector_load %arg12[%swap3A_124] {strides = array<i32>} : memref<2048xi32, #tpu.memory_space<vmem>>, vector<16xi32>,
        tpu.vector_store %arg12[%swap3A_124], %add3A_121 {strides = array<i32>} : memref<2048xi32, #tpu.memory_space<vmem>>, vector<16xi32>,
        %slice3A = vector.extract_strided_slice %masked_cumsum3A {offsets = [15], sizes = [1], strides = [1]} : vector<16xi32> to vector<1xi32>
        %squeeze3A = vector.extract %slice3A[0] : i32 from vector<1xi32>
        %add3A_126 = arith.addi %scan3A_84, %squeeze3A : i32
        %scan3A_127 = arith.constant 1 : i32
        %scan3A_128 = arith.addi %scan3A_83, %scan3A_127 : i32
        %mul3A_129 = arith.constant 16 : i32
        %mul3A_130 = arith.muli %scan3A_128, %mul3A_129 : i32
        %get3A_131 = arith.index_cast %mul3A_130 : i32 to index
        %get3A_132 = tpu.vector_load %arg9[%get3A_131] {strides = array<i32>} : memref<2048xi32, #tpu.memory_space<vmem>>, vector<16xi32>,
        %mul3A_133 = arith.constant 16 : i32
        %mul3A_134 = arith.muli %scan3A_128, %mul3A_133 : i32
        %get3A_135 = arith.index_cast %mul3A_134 : i32 to index
        %get3A_136 = tpu.vector_load %arg10[%get3A_135] {strides = array<i32>} : memref<2048xi32, #tpu.memory_space<vmem>>, vector<16xi32>,
        %mul3A_137 = arith.constant 16 : i32
        %mul3A_138 = arith.muli %scan3A_128, %mul3A_137 : i32
        %get3A_139 = arith.index_cast %mul3A_138 : i32 to index
        %get3A_140 = tpu.vector_load %arg11[%get3A_139] {strides = array<i32>} : memref<2048xi32, #tpu.memory_space<vmem>>, vector<16xi32>,
        %mul3A_141 = arith.constant 16 : i32
        %mul3A_142 = arith.muli %scan3A_128, %mul3A_141 : i32
        %get3A_143 = arith.index_cast %mul3A_142 : i32 to index
        %get3A_144 = tpu.vector_load %arg12[%get3A_143] {strides = array<i32>} : memref<2048xi32, #tpu.memory_space<vmem>>, vector<16xi32>,
        %add3A_145 = arith.addi %get3A_132, %get3A_136 : vector<16xi32>
        %add3A_146 = arith.addi %add3A_145, %get3A_140 : vector<16xi32>
        %add3A_147 = arith.addi %add3A_146, %get3A_144 : vector<16xi32>
        %broadcast_in_dim3A_148 = arith.constant true
        %broadcast_in_dim3A_149 = vector.broadcast %broadcast_in_dim3A_148 : i1 to vector<16xi1>
        %masked_cumsum3A_150 = tpu.scan <sum>, %add3A_147 masked %broadcast_in_dim3A_149 : vector<16xi32>, vector<16xi1> -> vector<16xi32>
        %sub3A_151 = arith.subi %masked_cumsum3A_150, %add3A_147 : vector<16xi32>
        %add3A_152 = vector.broadcast %add3A_126 : i32 to vector<16xi32>
        %add3A_153 = arith.addi %sub3A_151, %add3A_152 : vector<16xi32>
        %mul3A_154 = arith.constant 16 : i32
        %mul3A_155 = arith.muli %scan3A_128, %mul3A_154 : i32
        %swap3A_156 = arith.index_cast %mul3A_155 : i32 to index
        %swap3A_157 = tpu.vector_load %arg9[%swap3A_156] {strides = array<i32>} : memref<2048xi32, #tpu.memory_space<vmem>>, vector<16xi32>,
        tpu.vector_store %arg9[%swap3A_156], %add3A_153 {strides = array<i32>} : memref<2048xi32, #tpu.memory_space<vmem>>, vector<16xi32>,
        %add3A_158 = arith.addi %add3A_153, %get3A_132 : vector<16xi32>
        %mul3A_159 = arith.constant 16 : i32
        %mul3A_160 = arith.muli %scan3A_128, %mul3A_159 : i32
        %swap3A_161 = arith.index_cast %mul3A_160 : i32 to index
        %swap3A_162 = tpu.vector_load %arg10[%swap3A_161] {strides = array<i32>} : memref<2048xi32, #tpu.memory_space<vmem>>, vector<16xi32>,
        tpu.vector_store %arg10[%swap3A_161], %add3A_158 {strides = array<i32>} : memref<2048xi32, #tpu.memory_space<vmem>>, vector<16xi32>,
        %add3A_163 = arith.addi %add3A_158, %get3A_136 : vector<16xi32>
        %mul3A_164 = arith.constant 16 : i32
        %mul3A_165 = arith.muli %scan3A_128, %mul3A_164 : i32
        %swap3A_166 = arith.index_cast %mul3A_165 : i32 to index
        %swap3A_167 = tpu.vector_load %arg11[%swap3A_166] {strides = array<i32>} : memref<2048xi32, #tpu.memory_space<vmem>>, vector<16xi32>,
        tpu.vector_store %arg11[%swap3A_166], %add3A_163 {strides = array<i32>} : memref<2048xi32, #tpu.memory_space<vmem>>, vector<16xi32>,
        %add3A_168 = arith.addi %add3A_163, %get3A_140 : vector<16xi32>
        %mul3A_169 = arith.constant 16 : i32
        %mul3A_170 = arith.muli %scan3A_128, %mul3A_169 : i32
        %swap3A_171 = arith.index_cast %mul3A_170 : i32 to index
        %swap3A_172 = tpu.vector_load %arg12[%swap3A_171] {strides = array<i32>} : memref<2048xi32, #tpu.memory_space<vmem>>, vector<16xi32>,
        tpu.vector_store %arg12[%swap3A_171], %add3A_168 {strides = array<i32>} : memref<2048xi32, #tpu.memory_space<vmem>>, vector<16xi32>,
        %slice3A_173 = vector.extract_strided_slice %masked_cumsum3A_150 {offsets = [15], sizes = [1], strides = [1]} : vector<16xi32> to vector<1xi32>
        %squeeze3A_174 = vector.extract %slice3A_173[0] : i32 from vector<1xi32>
        %add3A_175 = arith.addi %add3A_126, %squeeze3A_174 : i32
        scf.yield %add3A_175 : i32
      }
      %scan3A_51 = arith.constant 128 : i32
      %scan3A_52 = arith.constant 0 : i32
      %scan3A_53 = arith.constant 0 : i32
      %scan3A_54 = arith.constant 512 : i32
      %scan3A_55 = arith.addi %scan3A_53, %scan3A_54 : i32
      %scan3A_56 = arith.constant 4 : i32
      %scan3A_57 = scf.for %scan3A_83 = %scan3A_53 to %scan3A_55 step %scan3A_56 iter_args(%scan3A_84 = %scan3A_52) -> (i32)  : i32 {
        %add3A_85 = arith.constant 0 : i32
        %add3A_86 = arith.addi %add3A_85, %scan3A_83 : i32
        %mul3A_87 = arith.constant 16 : i32
        %mul3A_88 = arith.muli %add3A_86, %mul3A_87 : i32
        %get3A_89 = arith.index_cast %mul3A_88 : i32 to index
        %get3A_90 = tpu.vector_load %arg7[%get3A_89] {strides = array<i32>} : memref<32768xi32, #tpu.memory_space<vmem>>, vector<16xi32>,
        %shift_right_arithmetic3A = arith.constant 15 : i32
        %shift_right_arithmetic3A_91 = vector.broadcast %shift_right_arithmetic3A : i32 to vector<16xi32>
        %shift_right_arithmetic3A_92 = arith.shrsi %get3A_90, %shift_right_arithmetic3A_91 : vector<16xi32>
        %and3A = arith.constant 32767 : i32
        %and3A_93 = vector.broadcast %and3A : i32 to vector<16xi32>
        %and3A_94 = arith.andi %get3A_90, %and3A_93 : vector<16xi32>
        %gather3A = tpu.vector_load_idx %arg6[%and3A_94] : memref<32768xf32, #tpu.memory_space<vmem>>[vector<16xi32>], vector<16xf32>,
        %bitcast3A = vector.bitcast %gather3A : vector<16xf32> to vector<16xi32>
        %shift_right_arithmetic3A_95 = arith.constant 22 : i32
        %shift_right_arithmetic3A_96 = vector.broadcast %shift_right_arithmetic3A_95 : i32 to vector<16xi32>
        %shift_right_arithmetic3A_97 = arith.shrsi %bitcast3A, %shift_right_arithmetic3A_96 : vector<16xi32>
        %and3A_98 = arith.constant 1023 : i32
        %and3A_99 = vector.broadcast %and3A_98 : i32 to vector<16xi32>
        %and3A_100 = arith.andi %shift_right_arithmetic3A_97, %and3A_99 : vector<16xi32>
        %broadcast_in_dim3A_101 = arith.constant true
        %broadcast_in_dim3A_102 = vector.broadcast %broadcast_in_dim3A_101 : i1 to vector<16xi1>
        %unique3A, %unique3A_103 = tpu.scan_count mask(%broadcast_in_dim3A_102 : vector<16xi1>) value(%shift_right_arithmetic3A_92 : vector<16xi32>) : vector<16xi1>, vector<16xi32>
        %gather3A_104 = tpu.vector_load_idx %arg9[%shift_right_arithmetic3A_92] : memref<2048xi32, #tpu.memory_space<vmem>>[vector<16xi32>], vector<16xi32>,
        %add3A_105 = arith.addi %gather3A_104, %unique3A_103 : vector<16xi32>
        %sub3A = arith.constant 1 : i32
        %sub3A_106 = vector.broadcast %sub3A : i32 to vector<16xi32>
        %sub3A_107 = arith.subi %add3A_105, %sub3A_106 : vector<16xi32>
        %shift_left3A = arith.constant 15 : i32
        %shift_left3A_108 = vector.broadcast %shift_left3A : i32 to vector<16xi32>
        %shift_left3A_109 = arith.shli %and3A_100, %shift_left3A_108 : vector<16xi32>
        %or3A = arith.ori %shift_left3A_109, %and3A_94 : vector<16xi32>
        %bitcast3A_110 = vector.bitcast %or3A : vector<16xi32> to vector<16xf32>
        tpu.vector_store_idx %arg8[%sub3A_107], %bitcast3A_110 : memref<32768xf32, #tpu.memory_space<vmem>>[vector<16xi32>], vector<16xf32>,
        tpu.vector_store_idx %arg9[%shift_right_arithmetic3A_92], %unique3A_103 masked %unique3A {add = true} : memref<2048xi32, #tpu.memory_space<vmem>>[vector<16xi32>], vector<16xi32>, vector<16xi1>
        %add3A_111 = arith.constant 512 : i32
        %add3A_112 = arith.addi %add3A_111, %scan3A_83 : i32
        %mul3A_113 = arith.constant 16 : i32
        %mul3A_114 = arith.muli %add3A_112, %mul3A_113 : i32
        %get3A_115 = arith.index_cast %mul3A_114 : i32 to index
        %get3A_116 = tpu.vector_load %arg7[%get3A_115] {strides = array<i32>} : memref<32768xi32, #tpu.memory_space<vmem>>, vector<16xi32>,
        %shift_right_arithmetic3A_117 = arith.constant 15 : i32
        %shift_right_arithmetic3A_118 = vector.broadcast %shift_right_arithmetic3A_117 : i32 to vector<16xi32>
        %shift_right_arithmetic3A_119 = arith.shrsi %get3A_116, %shift_right_arithmetic3A_118 : vector<16xi32>
        %and3A_120 = arith.constant 32767 : i32
        %and3A_121 = vector.broadcast %and3A_120 : i32 to vector<16xi32>
        %and3A_122 = arith.andi %get3A_116, %and3A_121 : vector<16xi32>
        %gather3A_123 = tpu.vector_load_idx %arg6[%and3A_122] : memref<32768xf32, #tpu.memory_space<vmem>>[vector<16xi32>], vector<16xf32>,
        %bitcast3A_124 = vector.bitcast %gather3A_123 : vector<16xf32> to vector<16xi32>
        %shift_right_arithmetic3A_125 = arith.constant 22 : i32
        %shift_right_arithmetic3A_126 = vector.broadcast %shift_right_arithmetic3A_125 : i32 to vector<16xi32>
        %shift_right_arithmetic3A_127 = arith.shrsi %bitcast3A_124, %shift_right_arithmetic3A_126 : vector<16xi32>
        %and3A_128 = arith.constant 1023 : i32
        %and3A_129 = vector.broadcast %and3A_128 : i32 to vector<16xi32>
        %and3A_130 = arith.andi %shift_right_arithmetic3A_127, %and3A_129 : vector<16xi32>
        %broadcast_in_dim3A_131 = arith.constant true
        %broadcast_in_dim3A_132 = vector.broadcast %broadcast_in_dim3A_131 : i1 to vector<16xi1>
        %unique3A_133, %unique3A_134 = tpu.scan_count mask(%broadcast_in_dim3A_132 : vector<16xi1>) value(%shift_right_arithmetic3A_119 : vector<16xi32>) : vector<16xi1>, vector<16xi32>
        %gather3A_135 = tpu.vector_load_idx %arg10[%shift_right_arithmetic3A_119] : memref<2048xi32, #tpu.memory_space<vmem>>[vector<16xi32>], vector<16xi32>,
        %add3A_136 = arith.addi %gather3A_135, %unique3A_134 : vector<16xi32>
        %sub3A_137 = arith.constant 1 : i32
        %sub3A_138 = vector.broadcast %sub3A_137 : i32 to vector<16xi32>
        %sub3A_139 = arith.subi %add3A_136, %sub3A_138 : vector<16xi32>
        %shift_left3A_140 = arith.constant 15 : i32
        %shift_left3A_141 = vector.broadcast %shift_left3A_140 : i32 to vector<16xi32>
        %shift_left3A_142 = arith.shli %and3A_130, %shift_left3A_141 : vector<16xi32>
        %or3A_143 = arith.ori %shift_left3A_142, %and3A_122 : vector<16xi32>
        %bitcast3A_144 = vector.bitcast %or3A_143 : vector<16xi32> to vector<16xf32>
        tpu.vector_store_idx %arg8[%sub3A_139], %bitcast3A_144 : memref<32768xf32, #tpu.memory_space<vmem>>[vector<16xi32>], vector<16xf32>,
        tpu.vector_store_idx %arg10[%shift_right_arithmetic3A_119], %unique3A_134 masked %unique3A_133 {add = true} : memref<2048xi32, #tpu.memory_space<vmem>>[vector<16xi32>], vector<16xi32>, vector<16xi1>
        %add3A_145 = arith.constant 1024 : i32
        %add3A_146 = arith.addi %add3A_145, %scan3A_83 : i32
        %mul3A_147 = arith.constant 16 : i32
        %mul3A_148 = arith.muli %add3A_146, %mul3A_147 : i32
        %get3A_149 = arith.index_cast %mul3A_148 : i32 to index
        %get3A_150 = tpu.vector_load %arg7[%get3A_149] {strides = array<i32>} : memref<32768xi32, #tpu.memory_space<vmem>>, vector<16xi32>,
        %shift_right_arithmetic3A_151 = arith.constant 15 : i32
        %shift_right_arithmetic3A_152 = vector.broadcast %shift_right_arithmetic3A_151 : i32 to vector<16xi32>
        %shift_right_arithmetic3A_153 = arith.shrsi %get3A_150, %shift_right_arithmetic3A_152 : vector<16xi32>
        %and3A_154 = arith.constant 32767 : i32
        %and3A_155 = vector.broadcast %and3A_154 : i32 to vector<16xi32>
        %and3A_156 = arith.andi %get3A_150, %and3A_155 : vector<16xi32>
        %gather3A_157 = tpu.vector_load_idx %arg6[%and3A_156] : memref<32768xf32, #tpu.memory_space<vmem>>[vector<16xi32>], vector<16xf32>,
        %bitcast3A_158 = vector.bitcast %gather3A_157 : vector<16xf32> to vector<16xi32>
        %shift_right_arithmetic3A_159 = arith.constant 22 : i32
        %shift_right_arithmetic3A_160 = vector.broadcast %shift_right_arithmetic3A_159 : i32 to vector<16xi32>
        %shift_right_arithmetic3A_161 = arith.shrsi %bitcast3A_158, %shift_right_arithmetic3A_160 : vector<16xi32>
        %and3A_162 = arith.constant 1023 : i32
        %and3A_163 = vector.broadcast %and3A_162 : i32 to vector<16xi32>
        %and3A_164 = arith.andi %shift_right_arithmetic3A_161, %and3A_163 : vector<16xi32>
        %broadcast_in_dim3A_165 = arith.constant true
        %broadcast_in_dim3A_166 = vector.broadcast %broadcast_in_dim3A_165 : i1 to vector<16xi1>
        %unique3A_167, %unique3A_168 = tpu.scan_count mask(%broadcast_in_dim3A_166 : vector<16xi1>) value(%shift_right_arithmetic3A_153 : vector<16xi32>) : vector<16xi1>, vector<16xi32>
        %gather3A_169 = tpu.vector_load_idx %arg11[%shift_right_arithmetic3A_153] : memref<2048xi32, #tpu.memory_space<vmem>>[vector<16xi32>], vector<16xi32>,
        %add3A_170 = arith.addi %gather3A_169, %unique3A_168 : vector<16xi32>
        %sub3A_171 = arith.constant 1 : i32
        %sub3A_172 = vector.broadcast %sub3A_171 : i32 to vector<16xi32>
        %sub3A_173 = arith.subi %add3A_170, %sub3A_172 : vector<16xi32>
        %shift_left3A_174 = arith.constant 15 : i32
        %shift_left3A_175 = vector.broadcast %shift_left3A_174 : i32 to vector<16xi32>
        %shift_left3A_176 = arith.shli %and3A_164, %shift_left3A_175 : vector<16xi32>
        %or3A_177 = arith.ori %shift_left3A_176, %and3A_156 : vector<16xi32>
        %bitcast3A_178 = vector.bitcast %or3A_177 : vector<16xi32> to vector<16xf32>
        tpu.vector_store_idx %arg8[%sub3A_173], %bitcast3A_178 : memref<32768xf32, #tpu.memory_space<vmem>>[vector<16xi32>], vector<16xf32>,
        tpu.vector_store_idx %arg11[%shift_right_arithmetic3A_153], %unique3A_168 masked %unique3A_167 {add = true} : memref<2048xi32, #tpu.memory_space<vmem>>[vector<16xi32>], vector<16xi32>, vector<16xi1>
        %add3A_179 = arith.constant 1536 : i32
        %add3A_180 = arith.addi %add3A_179, %scan3A_83 : i32
        %mul3A_181 = arith.constant 16 : i32
        %mul3A_182 = arith.muli %add3A_180, %mul3A_181 : i32
        %get3A_183 = arith.index_cast %mul3A_182 : i32 to index
        %get3A_184 = tpu.vector_load %arg7[%get3A_183] {strides = array<i32>} : memref<32768xi32, #tpu.memory_space<vmem>>, vector<16xi32>,
        %shift_right_arithmetic3A_185 = arith.constant 15 : i32
        %shift_right_arithmetic3A_186 = vector.broadcast %shift_right_arithmetic3A_185 : i32 to vector<16xi32>
        %shift_right_arithmetic3A_187 = arith.shrsi %get3A_184, %shift_right_arithmetic3A_186 : vector<16xi32>
        %and3A_188 = arith.constant 32767 : i32
        %and3A_189 = vector.broadcast %and3A_188 : i32 to vector<16xi32>
        %and3A_190 = arith.andi %get3A_184, %and3A_189 : vector<16xi32>
        %gather3A_191 = tpu.vector_load_idx %arg6[%and3A_190] : memref<32768xf32, #tpu.memory_space<vmem>>[vector<16xi32>], vector<16xf32>,
        %bitcast3A_192 = vector.bitcast %gather3A_191 : vector<16xf32> to vector<16xi32>
        %shift_right_arithmetic3A_193 = arith.constant 22 : i32
        %shift_right_arithmetic3A_194 = vector.broadcast %shift_right_arithmetic3A_193 : i32 to vector<16xi32>
        %shift_right_arithmetic3A_195 = arith.shrsi %bitcast3A_192, %shift_right_arithmetic3A_194 : vector<16xi32>
        %and3A_196 = arith.constant 1023 : i32
        %and3A_197 = vector.broadcast %and3A_196 : i32 to vector<16xi32>
        %and3A_198 = arith.andi %shift_right_arithmetic3A_195, %and3A_197 : vector<16xi32>
        %broadcast_in_dim3A_199 = arith.constant true
        %broadcast_in_dim3A_200 = vector.broadcast %broadcast_in_dim3A_199 : i1 to vector<16xi1>
        %unique3A_201, %unique3A_202 = tpu.scan_count mask(%broadcast_in_dim3A_200 : vector<16xi1>) value(%shift_right_arithmetic3A_187 : vector<16xi32>) : vector<16xi1>, vector<16xi32>
        %gather3A_203 = tpu.vector_load_idx %arg12[%shift_right_arithmetic3A_187] : memref<2048xi32, #tpu.memory_space<vmem>>[vector<16xi32>], vector<16xi32>,
        %add3A_204 = arith.addi %gather3A_203, %unique3A_202 : vector<16xi32>
        %sub3A_205 = arith.constant 1 : i32
        %sub3A_206 = vector.broadcast %sub3A_205 : i32 to vector<16xi32>
        %sub3A_207 = arith.subi %add3A_204, %sub3A_206 : vector<16xi32>
        %shift_left3A_208 = arith.constant 15 : i32
        %shift_left3A_209 = vector.broadcast %shift_left3A_208 : i32 to vector<16xi32>
        %shift_left3A_210 = arith.shli %and3A_198, %shift_left3A_209 : vector<16xi32>
        %or3A_211 = arith.ori %shift_left3A_210, %and3A_190 : vector<16xi32>
        %bitcast3A_212 = vector.bitcast %or3A_211 : vector<16xi32> to vector<16xf32>
        tpu.vector_store_idx %arg8[%sub3A_207], %bitcast3A_212 : memref<32768xf32, #tpu.memory_space<vmem>>[vector<16xi32>], vector<16xf32>,
        tpu.vector_store_idx %arg12[%shift_right_arithmetic3A_187], %unique3A_202 masked %unique3A_201 {add = true} : memref<2048xi32, #tpu.memory_space<vmem>>[vector<16xi32>], vector<16xi32>, vector<16xi1>
        %scan3A_213 = arith.constant 0 : i32
        %scan3A_214 = arith.constant 1 : i32
        %scan3A_215 = arith.addi %scan3A_83, %scan3A_214 : i32
        %add3A_216 = arith.constant 0 : i32
        %add3A_217 = arith.addi %add3A_216, %scan3A_215 : i32
        %mul3A_218 = arith.constant 16 : i32
        %mul3A_219 = arith.muli %add3A_217, %mul3A_218 : i32
        %get3A_220 = arith.index_cast %mul3A_219 : i32 to index
        %get3A_221 = tpu.vector_load %arg7[%get3A_220] {strides = array<i32>} : memref<32768xi32, #tpu.memory_space<vmem>>, vector<16xi32>,
        %shift_right_arithmetic3A_222 = arith.constant 15 : i32
        %shift_right_arithmetic3A_223 = vector.broadcast %shift_right_arithmetic3A_222 : i32 to vector<16xi32>
        %shift_right_arithmetic3A_224 = arith.shrsi %get3A_221, %shift_right_arithmetic3A_223 : vector<16xi32>
        %and3A_225 = arith.constant 32767 : i32
        %and3A_226 = vector.broadcast %and3A_225 : i32 to vector<16xi32>
        %and3A_227 = arith.andi %get3A_221, %and3A_226 : vector<16xi32>
        %gather3A_228 = tpu.vector_load_idx %arg6[%and3A_227] : memref<32768xf32, #tpu.memory_space<vmem>>[vector<16xi32>], vector<16xf32>,
        %bitcast3A_229 = vector.bitcast %gather3A_228 : vector<16xf32> to vector<16xi32>
        %shift_right_arithmetic3A_230 = arith.constant 22 : i32
        %shift_right_arithmetic3A_231 = vector.broadcast %shift_right_arithmetic3A_230 : i32 to vector<16xi32>
        %shift_right_arithmetic3A_232 = arith.shrsi %bitcast3A_229, %shift_right_arithmetic3A_231 : vector<16xi32>
        %and3A_233 = arith.constant 1023 : i32
        %and3A_234 = vector.broadcast %and3A_233 : i32 to vector<16xi32>
        %and3A_235 = arith.andi %shift_right_arithmetic3A_232, %and3A_234 : vector<16xi32>
        %broadcast_in_dim3A_236 = arith.constant true
        %broadcast_in_dim3A_237 = vector.broadcast %broadcast_in_dim3A_236 : i1 to vector<16xi1>
        %unique3A_238, %unique3A_239 = tpu.scan_count mask(%broadcast_in_dim3A_237 : vector<16xi1>) value(%shift_right_arithmetic3A_224 : vector<16xi32>) : vector<16xi1>, vector<16xi32>
        %gather3A_240 = tpu.vector_load_idx %arg9[%shift_right_arithmetic3A_224] : memref<2048xi32, #tpu.memory_space<vmem>>[vector<16xi32>], vector<16xi32>,
        %add3A_241 = arith.addi %gather3A_240, %unique3A_239 : vector<16xi32>
        %sub3A_242 = arith.constant 1 : i32
        %sub3A_243 = vector.broadcast %sub3A_242 : i32 to vector<16xi32>
        %sub3A_244 = arith.subi %add3A_241, %sub3A_243 : vector<16xi32>
        %shift_left3A_245 = arith.constant 15 : i32
        %shift_left3A_246 = vector.broadcast %shift_left3A_245 : i32 to vector<16xi32>
        %shift_left3A_247 = arith.shli %and3A_235, %shift_left3A_246 : vector<16xi32>
        %or3A_248 = arith.ori %shift_left3A_247, %and3A_227 : vector<16xi32>
        %bitcast3A_249 = vector.bitcast %or3A_248 : vector<16xi32> to vector<16xf32>
        tpu.vector_store_idx %arg8[%sub3A_244], %bitcast3A_249 : memref<32768xf32, #tpu.memory_space<vmem>>[vector<16xi32>], vector<16xf32>,
        tpu.vector_store_idx %arg9[%shift_right_arithmetic3A_224], %unique3A_239 masked %unique3A_238 {add = true} : memref<2048xi32, #tpu.memory_space<vmem>>[vector<16xi32>], vector<16xi32>, vector<16xi1>
        %add3A_250 = arith.constant 512 : i32
        %add3A_251 = arith.addi %add3A_250, %scan3A_215 : i32
        %mul3A_252 = arith.constant 16 : i32
        %mul3A_253 = arith.muli %add3A_251, %mul3A_252 : i32
        %get3A_254 = arith.index_cast %mul3A_253 : i32 to index
        %get3A_255 = tpu.vector_load %arg7[%get3A_254] {strides = array<i32>} : memref<32768xi32, #tpu.memory_space<vmem>>, vector<16xi32>,
        %shift_right_arithmetic3A_256 = arith.constant 15 : i32
        %shift_right_arithmetic3A_257 = vector.broadcast %shift_right_arithmetic3A_256 : i32 to vector<16xi32>
        %shift_right_arithmetic3A_258 = arith.shrsi %get3A_255, %shift_right_arithmetic3A_257 : vector<16xi32>
        %and3A_259 = arith.constant 32767 : i32
        %and3A_260 = vector.broadcast %and3A_259 : i32 to vector<16xi32>
        %and3A_261 = arith.andi %get3A_255, %and3A_260 : vector<16xi32>
        %gather3A_262 = tpu.vector_load_idx %arg6[%and3A_261] : memref<32768xf32, #tpu.memory_space<vmem>>[vector<16xi32>], vector<16xf32>,
        %bitcast3A_263 = vector.bitcast %gather3A_262 : vector<16xf32> to vector<16xi32>
        %shift_right_arithmetic3A_264 = arith.constant 22 : i32
        %shift_right_arithmetic3A_265 = vector.broadcast %shift_right_arithmetic3A_264 : i32 to vector<16xi32>
        %shift_right_arithmetic3A_266 = arith.shrsi %bitcast3A_263, %shift_right_arithmetic3A_265 : vector<16xi32>
        %and3A_267 = arith.constant 1023 : i32
        %and3A_268 = vector.broadcast %and3A_267 : i32 to vector<16xi32>
        %and3A_269 = arith.andi %shift_right_arithmetic3A_266, %and3A_268 : vector<16xi32>
        %broadcast_in_dim3A_270 = arith.constant true
        %broadcast_in_dim3A_271 = vector.broadcast %broadcast_in_dim3A_270 : i1 to vector<16xi1>
        %unique3A_272, %unique3A_273 = tpu.scan_count mask(%broadcast_in_dim3A_271 : vector<16xi1>) value(%shift_right_arithmetic3A_258 : vector<16xi32>) : vector<16xi1>, vector<16xi32>
        %gather3A_274 = tpu.vector_load_idx %arg10[%shift_right_arithmetic3A_258] : memref<2048xi32, #tpu.memory_space<vmem>>[vector<16xi32>], vector<16xi32>,
        %add3A_275 = arith.addi %gather3A_274, %unique3A_273 : vector<16xi32>
        %sub3A_276 = arith.constant 1 : i32
        %sub3A_277 = vector.broadcast %sub3A_276 : i32 to vector<16xi32>
        %sub3A_278 = arith.subi %add3A_275, %sub3A_277 : vector<16xi32>
        %shift_left3A_279 = arith.constant 15 : i32
        %shift_left3A_280 = vector.broadcast %shift_left3A_279 : i32 to vector<16xi32>
        %shift_left3A_281 = arith.shli %and3A_269, %shift_left3A_280 : vector<16xi32>
        %or3A_282 = arith.ori %shift_left3A_281, %and3A_261 : vector<16xi32>
        %bitcast3A_283 = vector.bitcast %or3A_282 : vector<16xi32> to vector<16xf32>
        tpu.vector_store_idx %arg8[%sub3A_278], %bitcast3A_283 : memref<32768xf32, #tpu.memory_space<vmem>>[vector<16xi32>], vector<16xf32>,
        tpu.vector_store_idx %arg10[%shift_right_arithmetic3A_258], %unique3A_273 masked %unique3A_272 {add = true} : memref<2048xi32, #tpu.memory_space<vmem>>[vector<16xi32>], vector<16xi32>, vector<16xi1>
        %add3A_284 = arith.constant 1024 : i32
        %add3A_285 = arith.addi %add3A_284, %scan3A_215 : i32
        %mul3A_286 = arith.constant 16 : i32
        %mul3A_287 = arith.muli %add3A_285, %mul3A_286 : i32
        %get3A_288 = arith.index_cast %mul3A_287 : i32 to index
        %get3A_289 = tpu.vector_load %arg7[%get3A_288] {strides = array<i32>} : memref<32768xi32, #tpu.memory_space<vmem>>, vector<16xi32>,
        %shift_right_arithmetic3A_290 = arith.constant 15 : i32
        %shift_right_arithmetic3A_291 = vector.broadcast %shift_right_arithmetic3A_290 : i32 to vector<16xi32>
        %shift_right_arithmetic3A_292 = arith.shrsi %get3A_289, %shift_right_arithmetic3A_291 : vector<16xi32>
        %and3A_293 = arith.constant 32767 : i32
        %and3A_294 = vector.broadcast %and3A_293 : i32 to vector<16xi32>
        %and3A_295 = arith.andi %get3A_289, %and3A_294 : vector<16xi32>
        %gather3A_296 = tpu.vector_load_idx %arg6[%and3A_295] : memref<32768xf32, #tpu.memory_space<vmem>>[vector<16xi32>], vector<16xf32>,
        %bitcast3A_297 = vector.bitcast %gather3A_296 : vector<16xf32> to vector<16xi32>
        %shift_right_arithmetic3A_298 = arith.constant 22 : i32
        %shift_right_arithmetic3A_299 = vector.broadcast %shift_right_arithmetic3A_298 : i32 to vector<16xi32>
        %shift_right_arithmetic3A_300 = arith.shrsi %bitcast3A_297, %shift_right_arithmetic3A_299 : vector<16xi32>
        %and3A_301 = arith.constant 1023 : i32
        %and3A_302 = vector.broadcast %and3A_301 : i32 to vector<16xi32>
        %and3A_303 = arith.andi %shift_right_arithmetic3A_300, %and3A_302 : vector<16xi32>
        %broadcast_in_dim3A_304 = arith.constant true
        %broadcast_in_dim3A_305 = vector.broadcast %broadcast_in_dim3A_304 : i1 to vector<16xi1>
        %unique3A_306, %unique3A_307 = tpu.scan_count mask(%broadcast_in_dim3A_305 : vector<16xi1>) value(%shift_right_arithmetic3A_292 : vector<16xi32>) : vector<16xi1>, vector<16xi32>
        %gather3A_308 = tpu.vector_load_idx %arg11[%shift_right_arithmetic3A_292] : memref<2048xi32, #tpu.memory_space<vmem>>[vector<16xi32>], vector<16xi32>,
        %add3A_309 = arith.addi %gather3A_308, %unique3A_307 : vector<16xi32>
        %sub3A_310 = arith.constant 1 : i32
        %sub3A_311 = vector.broadcast %sub3A_310 : i32 to vector<16xi32>
        %sub3A_312 = arith.subi %add3A_309, %sub3A_311 : vector<16xi32>
        %shift_left3A_313 = arith.constant 15 : i32
        %shift_left3A_314 = vector.broadcast %shift_left3A_313 : i32 to vector<16xi32>
        %shift_left3A_315 = arith.shli %and3A_303, %shift_left3A_314 : vector<16xi32>
        %or3A_316 = arith.ori %shift_left3A_315, %and3A_295 : vector<16xi32>
        %bitcast3A_317 = vector.bitcast %or3A_316 : vector<16xi32> to vector<16xf32>
        tpu.vector_store_idx %arg8[%sub3A_312], %bitcast3A_317 : memref<32768xf32, #tpu.memory_space<vmem>>[vector<16xi32>], vector<16xf32>,
        tpu.vector_store_idx %arg11[%shift_right_arithmetic3A_292], %unique3A_307 masked %unique3A_306 {add = true} : memref<2048xi32, #tpu.memory_space<vmem>>[vector<16xi32>], vector<16xi32>, vector<16xi1>
        %add3A_318 = arith.constant 1536 : i32
        %add3A_319 = arith.addi %add3A_318, %scan3A_215 : i32
        %mul3A_320 = arith.constant 16 : i32
        %mul3A_321 = arith.muli %add3A_319, %mul3A_320 : i32
        %get3A_322 = arith.index_cast %mul3A_321 : i32 to index
        %get3A_323 = tpu.vector_load %arg7[%get3A_322] {strides = array<i32>} : memref<32768xi32, #tpu.memory_space<vmem>>, vector<16xi32>,
        %shift_right_arithmetic3A_324 = arith.constant 15 : i32
        %shift_right_arithmetic3A_325 = vector.broadcast %shift_right_arithmetic3A_324 : i32 to vector<16xi32>
        %shift_right_arithmetic3A_326 = arith.shrsi %get3A_323, %shift_right_arithmetic3A_325 : vector<16xi32>
        %and3A_327 = arith.constant 32767 : i32
        %and3A_328 = vector.broadcast %and3A_327 : i32 to vector<16xi32>
        %and3A_329 = arith.andi %get3A_323, %and3A_328 : vector<16xi32>
        %gather3A_330 = tpu.vector_load_idx %arg6[%and3A_329] : memref<32768xf32, #tpu.memory_space<vmem>>[vector<16xi32>], vector<16xf32>,
        %bitcast3A_331 = vector.bitcast %gather3A_330 : vector<16xf32> to vector<16xi32>
        %shift_right_arithmetic3A_332 = arith.constant 22 : i32
        %shift_right_arithmetic3A_333 = vector.broadcast %shift_right_arithmetic3A_332 : i32 to vector<16xi32>
        %shift_right_arithmetic3A_334 = arith.shrsi %bitcast3A_331, %shift_right_arithmetic3A_333 : vector<16xi32>
        %and3A_335 = arith.constant 1023 : i32
        %and3A_336 = vector.broadcast %and3A_335 : i32 to vector<16xi32>
        %and3A_337 = arith.andi %shift_right_arithmetic3A_334, %and3A_336 : vector<16xi32>
        %broadcast_in_dim3A_338 = arith.constant true
        %broadcast_in_dim3A_339 = vector.broadcast %broadcast_in_dim3A_338 : i1 to vector<16xi1>
        %unique3A_340, %unique3A_341 = tpu.scan_count mask(%broadcast_in_dim3A_339 : vector<16xi1>) value(%shift_right_arithmetic3A_326 : vector<16xi32>) : vector<16xi1>, vector<16xi32>
        %gather3A_342 = tpu.vector_load_idx %arg12[%shift_right_arithmetic3A_326] : memref<2048xi32, #tpu.memory_space<vmem>>[vector<16xi32>], vector<16xi32>,
        %add3A_343 = arith.addi %gather3A_342, %unique3A_341 : vector<16xi32>
        %sub3A_344 = arith.constant 1 : i32
        %sub3A_345 = vector.broadcast %sub3A_344 : i32 to vector<16xi32>
        %sub3A_346 = arith.subi %add3A_343, %sub3A_345 : vector<16xi32>
        %shift_left3A_347 = arith.constant 15 : i32
        %shift_left3A_348 = vector.broadcast %shift_left3A_347 : i32 to vector<16xi32>
        %shift_left3A_349 = arith.shli %and3A_337, %shift_left3A_348 : vector<16xi32>
        %or3A_350 = arith.ori %shift_left3A_349, %and3A_329 : vector<16xi32>
        %bitcast3A_351 = vector.bitcast %or3A_350 : vector<16xi32> to vector<16xf32>
        tpu.vector_store_idx %arg8[%sub3A_346], %bitcast3A_351 : memref<32768xf32, #tpu.memory_space<vmem>>[vector<16xi32>], vector<16xf32>,
        tpu.vector_store_idx %arg12[%shift_right_arithmetic3A_326], %unique3A_341 masked %unique3A_340 {add = true} : memref<2048xi32, #tpu.memory_space<vmem>>[vector<16xi32>], vector<16xi32>, vector<16xi1>
        %scan3A_352 = arith.constant 0 : i32
        %scan3A_353 = arith.constant 2 : i32
        %scan3A_354 = arith.addi %scan3A_83, %scan3A_353 : i32
        %add3A_355 = arith.constant 0 : i32
        %add3A_356 = arith.addi %add3A_355, %scan3A_354 : i32
        %mul3A_357 = arith.constant 16 : i32
        %mul3A_358 = arith.muli %add3A_356, %mul3A_357 : i32
        %get3A_359 = arith.index_cast %mul3A_358 : i32 to index
        %get3A_360 = tpu.vector_load %arg7[%get3A_359] {strides = array<i32>} : memref<32768xi32, #tpu.memory_space<vmem>>, vector<16xi32>,
        %shift_right_arithmetic3A_361 = arith.constant 15 : i32
        %shift_right_arithmetic3A_362 = vector.broadcast %shift_right_arithmetic3A_361 : i32 to vector<16xi32>
        %shift_right_arithmetic3A_363 = arith.shrsi %get3A_360, %shift_right_arithmetic3A_362 : vector<16xi32>
        %and3A_364 = arith.constant 32767 : i32
        %and3A_365 = vector.broadcast %and3A_364 : i32 to vector<16xi32>
        %and3A_366 = arith.andi %get3A_360, %and3A_365 : vector<16xi32>
        %gather3A_367 = tpu.vector_load_idx %arg6[%and3A_366] : memref<32768xf32, #tpu.memory_space<vmem>>[vector<16xi32>], vector<16xf32>,
        %bitcast3A_368 = vector.bitcast %gather3A_367 : vector<16xf32> to vector<16xi32>
        %shift_right_arithmetic3A_369 = arith.constant 22 : i32
        %shift_right_arithmetic3A_370 = vector.broadcast %shift_right_arithmetic3A_369 : i32 to vector<16xi32>
        %shift_right_arithmetic3A_371 = arith.shrsi %bitcast3A_368, %shift_right_arithmetic3A_370 : vector<16xi32>
        %and3A_372 = arith.constant 1023 : i32
        %and3A_373 = vector.broadcast %and3A_372 : i32 to vector<16xi32>
        %and3A_374 = arith.andi %shift_right_arithmetic3A_371, %and3A_373 : vector<16xi32>
        %broadcast_in_dim3A_375 = arith.constant true
        %broadcast_in_dim3A_376 = vector.broadcast %broadcast_in_dim3A_375 : i1 to vector<16xi1>
        %unique3A_377, %unique3A_378 = tpu.scan_count mask(%broadcast_in_dim3A_376 : vector<16xi1>) value(%shift_right_arithmetic3A_363 : vector<16xi32>) : vector<16xi1>, vector<16xi32>
        %gather3A_379 = tpu.vector_load_idx %arg9[%shift_right_arithmetic3A_363] : memref<2048xi32, #tpu.memory_space<vmem>>[vector<16xi32>], vector<16xi32>,
        %add3A_380 = arith.addi %gather3A_379, %unique3A_378 : vector<16xi32>
        %sub3A_381 = arith.constant 1 : i32
        %sub3A_382 = vector.broadcast %sub3A_381 : i32 to vector<16xi32>
        %sub3A_383 = arith.subi %add3A_380, %sub3A_382 : vector<16xi32>
        %shift_left3A_384 = arith.constant 15 : i32
        %shift_left3A_385 = vector.broadcast %shift_left3A_384 : i32 to vector<16xi32>
        %shift_left3A_386 = arith.shli %and3A_374, %shift_left3A_385 : vector<16xi32>
        %or3A_387 = arith.ori %shift_left3A_386, %and3A_366 : vector<16xi32>
        %bitcast3A_388 = vector.bitcast %or3A_387 : vector<16xi32> to vector<16xf32>
        tpu.vector_store_idx %arg8[%sub3A_383], %bitcast3A_388 : memref<32768xf32, #tpu.memory_space<vmem>>[vector<16xi32>], vector<16xf32>,
        tpu.vector_store_idx %arg9[%shift_right_arithmetic3A_363], %unique3A_378 masked %unique3A_377 {add = true} : memref<2048xi32, #tpu.memory_space<vmem>>[vector<16xi32>], vector<16xi32>, vector<16xi1>
        %add3A_389 = arith.constant 512 : i32
        %add3A_390 = arith.addi %add3A_389, %scan3A_354 : i32
        %mul3A_391 = arith.constant 16 : i32
        %mul3A_392 = arith.muli %add3A_390, %mul3A_391 : i32
        %get3A_393 = arith.index_cast %mul3A_392 : i32 to index
        %get3A_394 = tpu.vector_load %arg7[%get3A_393] {strides = array<i32>} : memref<32768xi32, #tpu.memory_space<vmem>>, vector<16xi32>,
        %shift_right_arithmetic3A_395 = arith.constant 15 : i32
        %shift_right_arithmetic3A_396 = vector.broadcast %shift_right_arithmetic3A_395 : i32 to vector<16xi32>
        %shift_right_arithmetic3A_397 = arith.shrsi %get3A_394, %shift_right_arithmetic3A_396 : vector<16xi32>
        %and3A_398 = arith.constant 32767 : i32
        %and3A_399 = vector.broadcast %and3A_398 : i32 to vector<16xi32>
        %and3A_400 = arith.andi %get3A_394, %and3A_399 : vector<16xi32>
        %gather3A_401 = tpu.vector_load_idx %arg6[%and3A_400] : memref<32768xf32, #tpu.memory_space<vmem>>[vector<16xi32>], vector<16xf32>,
        %bitcast3A_402 = vector.bitcast %gather3A_401 : vector<16xf32> to vector<16xi32>
        %shift_right_arithmetic3A_403 = arith.constant 22 : i32
        %shift_right_arithmetic3A_404 = vector.broadcast %shift_right_arithmetic3A_403 : i32 to vector<16xi32>
        %shift_right_arithmetic3A_405 = arith.shrsi %bitcast3A_402, %shift_right_arithmetic3A_404 : vector<16xi32>
        %and3A_406 = arith.constant 1023 : i32
        %and3A_407 = vector.broadcast %and3A_406 : i32 to vector<16xi32>
        %and3A_408 = arith.andi %shift_right_arithmetic3A_405, %and3A_407 : vector<16xi32>
        %broadcast_in_dim3A_409 = arith.constant true
        %broadcast_in_dim3A_410 = vector.broadcast %broadcast_in_dim3A_409 : i1 to vector<16xi1>
        %unique3A_411, %unique3A_412 = tpu.scan_count mask(%broadcast_in_dim3A_410 : vector<16xi1>) value(%shift_right_arithmetic3A_397 : vector<16xi32>) : vector<16xi1>, vector<16xi32>
        %gather3A_413 = tpu.vector_load_idx %arg10[%shift_right_arithmetic3A_397] : memref<2048xi32, #tpu.memory_space<vmem>>[vector<16xi32>], vector<16xi32>,
        %add3A_414 = arith.addi %gather3A_413, %unique3A_412 : vector<16xi32>
        %sub3A_415 = arith.constant 1 : i32
        %sub3A_416 = vector.broadcast %sub3A_415 : i32 to vector<16xi32>
        %sub3A_417 = arith.subi %add3A_414, %sub3A_416 : vector<16xi32>
        %shift_left3A_418 = arith.constant 15 : i32
        %shift_left3A_419 = vector.broadcast %shift_left3A_418 : i32 to vector<16xi32>
        %shift_left3A_420 = arith.shli %and3A_408, %shift_left3A_419 : vector<16xi32>
        %or3A_421 = arith.ori %shift_left3A_420, %and3A_400 : vector<16xi32>
        %bitcast3A_422 = vector.bitcast %or3A_421 : vector<16xi32> to vector<16xf32>
        tpu.vector_store_idx %arg8[%sub3A_417], %bitcast3A_422 : memref<32768xf32, #tpu.memory_space<vmem>>[vector<16xi32>], vector<16xf32>,
        tpu.vector_store_idx %arg10[%shift_right_arithmetic3A_397], %unique3A_412 masked %unique3A_411 {add = true} : memref<2048xi32, #tpu.memory_space<vmem>>[vector<16xi32>], vector<16xi32>, vector<16xi1>
        %add3A_423 = arith.constant 1024 : i32
        %add3A_424 = arith.addi %add3A_423, %scan3A_354 : i32
        %mul3A_425 = arith.constant 16 : i32
        %mul3A_426 = arith.muli %add3A_424, %mul3A_425 : i32
        %get3A_427 = arith.index_cast %mul3A_426 : i32 to index
        %get3A_428 = tpu.vector_load %arg7[%get3A_427] {strides = array<i32>} : memref<32768xi32, #tpu.memory_space<vmem>>, vector<16xi32>,
        %shift_right_arithmetic3A_429 = arith.constant 15 : i32
        %shift_right_arithmetic3A_430 = vector.broadcast %shift_right_arithmetic3A_429 : i32 to vector<16xi32>
        %shift_right_arithmetic3A_431 = arith.shrsi %get3A_428, %shift_right_arithmetic3A_430 : vector<16xi32>
        %and3A_432 = arith.constant 32767 : i32
        %and3A_433 = vector.broadcast %and3A_432 : i32 to vector<16xi32>
        %and3A_434 = arith.andi %get3A_428, %and3A_433 : vector<16xi32>
        %gather3A_435 = tpu.vector_load_idx %arg6[%and3A_434] : memref<32768xf32, #tpu.memory_space<vmem>>[vector<16xi32>], vector<16xf32>,
        %bitcast3A_436 = vector.bitcast %gather3A_435 : vector<16xf32> to vector<16xi32>
        %shift_right_arithmetic3A_437 = arith.constant 22 : i32
        %shift_right_arithmetic3A_438 = vector.broadcast %shift_right_arithmetic3A_437 : i32 to vector<16xi32>
        %shift_right_arithmetic3A_439 = arith.shrsi %bitcast3A_436, %shift_right_arithmetic3A_438 : vector<16xi32>
        %and3A_440 = arith.constant 1023 : i32
        %and3A_441 = vector.broadcast %and3A_440 : i32 to vector<16xi32>
        %and3A_442 = arith.andi %shift_right_arithmetic3A_439, %and3A_441 : vector<16xi32>
        %broadcast_in_dim3A_443 = arith.constant true
        %broadcast_in_dim3A_444 = vector.broadcast %broadcast_in_dim3A_443 : i1 to vector<16xi1>
        %unique3A_445, %unique3A_446 = tpu.scan_count mask(%broadcast_in_dim3A_444 : vector<16xi1>) value(%shift_right_arithmetic3A_431 : vector<16xi32>) : vector<16xi1>, vector<16xi32>
        %gather3A_447 = tpu.vector_load_idx %arg11[%shift_right_arithmetic3A_431] : memref<2048xi32, #tpu.memory_space<vmem>>[vector<16xi32>], vector<16xi32>,
        %add3A_448 = arith.addi %gather3A_447, %unique3A_446 : vector<16xi32>
        %sub3A_449 = arith.constant 1 : i32
        %sub3A_450 = vector.broadcast %sub3A_449 : i32 to vector<16xi32>
        %sub3A_451 = arith.subi %add3A_448, %sub3A_450 : vector<16xi32>
        %shift_left3A_452 = arith.constant 15 : i32
        %shift_left3A_453 = vector.broadcast %shift_left3A_452 : i32 to vector<16xi32>
        %shift_left3A_454 = arith.shli %and3A_442, %shift_left3A_453 : vector<16xi32>
        %or3A_455 = arith.ori %shift_left3A_454, %and3A_434 : vector<16xi32>
        %bitcast3A_456 = vector.bitcast %or3A_455 : vector<16xi32> to vector<16xf32>
        tpu.vector_store_idx %arg8[%sub3A_451], %bitcast3A_456 : memref<32768xf32, #tpu.memory_space<vmem>>[vector<16xi32>], vector<16xf32>,
        tpu.vector_store_idx %arg11[%shift_right_arithmetic3A_431], %unique3A_446 masked %unique3A_445 {add = true} : memref<2048xi32, #tpu.memory_space<vmem>>[vector<16xi32>], vector<16xi32>, vector<16xi1>
        %add3A_457 = arith.constant 1536 : i32
        %add3A_458 = arith.addi %add3A_457, %scan3A_354 : i32
        %mul3A_459 = arith.constant 16 : i32
        %mul3A_460 = arith.muli %add3A_458, %mul3A_459 : i32
        %get3A_461 = arith.index_cast %mul3A_460 : i32 to index
        %get3A_462 = tpu.vector_load %arg7[%get3A_461] {strides = array<i32>} : memref<32768xi32, #tpu.memory_space<vmem>>, vector<16xi32>,
        %shift_right_arithmetic3A_463 = arith.constant 15 : i32
        %shift_right_arithmetic3A_464 = vector.broadcast %shift_right_arithmetic3A_463 : i32 to vector<16xi32>
        %shift_right_arithmetic3A_465 = arith.shrsi %get3A_462, %shift_right_arithmetic3A_464 : vector<16xi32>
        %and3A_466 = arith.constant 32767 : i32
        %and3A_467 = vector.broadcast %and3A_466 : i32 to vector<16xi32>
        %and3A_468 = arith.andi %get3A_462, %and3A_467 : vector<16xi32>
        %gather3A_469 = tpu.vector_load_idx %arg6[%and3A_468] : memref<32768xf32, #tpu.memory_space<vmem>>[vector<16xi32>], vector<16xf32>,
        %bitcast3A_470 = vector.bitcast %gather3A_469 : vector<16xf32> to vector<16xi32>
        %shift_right_arithmetic3A_471 = arith.constant 22 : i32
        %shift_right_arithmetic3A_472 = vector.broadcast %shift_right_arithmetic3A_471 : i32 to vector<16xi32>
        %shift_right_arithmetic3A_473 = arith.shrsi %bitcast3A_470, %shift_right_arithmetic3A_472 : vector<16xi32>
        %and3A_474 = arith.constant 1023 : i32
        %and3A_475 = vector.broadcast %and3A_474 : i32 to vector<16xi32>
        %and3A_476 = arith.andi %shift_right_arithmetic3A_473, %and3A_475 : vector<16xi32>
        %broadcast_in_dim3A_477 = arith.constant true
        %broadcast_in_dim3A_478 = vector.broadcast %broadcast_in_dim3A_477 : i1 to vector<16xi1>
        %unique3A_479, %unique3A_480 = tpu.scan_count mask(%broadcast_in_dim3A_478 : vector<16xi1>) value(%shift_right_arithmetic3A_465 : vector<16xi32>) : vector<16xi1>, vector<16xi32>
        %gather3A_481 = tpu.vector_load_idx %arg12[%shift_right_arithmetic3A_465] : memref<2048xi32, #tpu.memory_space<vmem>>[vector<16xi32>], vector<16xi32>,
        %add3A_482 = arith.addi %gather3A_481, %unique3A_480 : vector<16xi32>
        %sub3A_483 = arith.constant 1 : i32
        %sub3A_484 = vector.broadcast %sub3A_483 : i32 to vector<16xi32>
        %sub3A_485 = arith.subi %add3A_482, %sub3A_484 : vector<16xi32>
        %shift_left3A_486 = arith.constant 15 : i32
        %shift_left3A_487 = vector.broadcast %shift_left3A_486 : i32 to vector<16xi32>
        %shift_left3A_488 = arith.shli %and3A_476, %shift_left3A_487 : vector<16xi32>
        %or3A_489 = arith.ori %shift_left3A_488, %and3A_468 : vector<16xi32>
        %bitcast3A_490 = vector.bitcast %or3A_489 : vector<16xi32> to vector<16xf32>
        tpu.vector_store_idx %arg8[%sub3A_485], %bitcast3A_490 : memref<32768xf32, #tpu.memory_space<vmem>>[vector<16xi32>], vector<16xf32>,
        tpu.vector_store_idx %arg12[%shift_right_arithmetic3A_465], %unique3A_480 masked %unique3A_479 {add = true} : memref<2048xi32, #tpu.memory_space<vmem>>[vector<16xi32>], vector<16xi32>, vector<16xi1>
        %scan3A_491 = arith.constant 0 : i32
        %scan3A_492 = arith.constant 3 : i32
        %scan3A_493 = arith.addi %scan3A_83, %scan3A_492 : i32
        %add3A_494 = arith.constant 0 : i32
        %add3A_495 = arith.addi %add3A_494, %scan3A_493 : i32
        %mul3A_496 = arith.constant 16 : i32
        %mul3A_497 = arith.muli %add3A_495, %mul3A_496 : i32
        %get3A_498 = arith.index_cast %mul3A_497 : i32 to index
        %get3A_499 = tpu.vector_load %arg7[%get3A_498] {strides = array<i32>} : memref<32768xi32, #tpu.memory_space<vmem>>, vector<16xi32>,
        %shift_right_arithmetic3A_500 = arith.constant 15 : i32
        %shift_right_arithmetic3A_501 = vector.broadcast %shift_right_arithmetic3A_500 : i32 to vector<16xi32>
        %shift_right_arithmetic3A_502 = arith.shrsi %get3A_499, %shift_right_arithmetic3A_501 : vector<16xi32>
        %and3A_503 = arith.constant 32767 : i32
        %and3A_504 = vector.broadcast %and3A_503 : i32 to vector<16xi32>
        %and3A_505 = arith.andi %get3A_499, %and3A_504 : vector<16xi32>
        %gather3A_506 = tpu.vector_load_idx %arg6[%and3A_505] : memref<32768xf32, #tpu.memory_space<vmem>>[vector<16xi32>], vector<16xf32>,
        %bitcast3A_507 = vector.bitcast %gather3A_506 : vector<16xf32> to vector<16xi32>
        %shift_right_arithmetic3A_508 = arith.constant 22 : i32
        %shift_right_arithmetic3A_509 = vector.broadcast %shift_right_arithmetic3A_508 : i32 to vector<16xi32>
        %shift_right_arithmetic3A_510 = arith.shrsi %bitcast3A_507, %shift_right_arithmetic3A_509 : vector<16xi32>
        %and3A_511 = arith.constant 1023 : i32
        %and3A_512 = vector.broadcast %and3A_511 : i32 to vector<16xi32>
        %and3A_513 = arith.andi %shift_right_arithmetic3A_510, %and3A_512 : vector<16xi32>
        %broadcast_in_dim3A_514 = arith.constant true
        %broadcast_in_dim3A_515 = vector.broadcast %broadcast_in_dim3A_514 : i1 to vector<16xi1>
        %unique3A_516, %unique3A_517 = tpu.scan_count mask(%broadcast_in_dim3A_515 : vector<16xi1>) value(%shift_right_arithmetic3A_502 : vector<16xi32>) : vector<16xi1>, vector<16xi32>
        %gather3A_518 = tpu.vector_load_idx %arg9[%shift_right_arithmetic3A_502] : memref<2048xi32, #tpu.memory_space<vmem>>[vector<16xi32>], vector<16xi32>,
        %add3A_519 = arith.addi %gather3A_518, %unique3A_517 : vector<16xi32>
        %sub3A_520 = arith.constant 1 : i32
        %sub3A_521 = vector.broadcast %sub3A_520 : i32 to vector<16xi32>
        %sub3A_522 = arith.subi %add3A_519, %sub3A_521 : vector<16xi32>
        %shift_left3A_523 = arith.constant 15 : i32
        %shift_left3A_524 = vector.broadcast %shift_left3A_523 : i32 to vector<16xi32>
        %shift_left3A_525 = arith.shli %and3A_513, %shift_left3A_524 : vector<16xi32>
        %or3A_526 = arith.ori %shift_left3A_525, %and3A_505 : vector<16xi32>
        %bitcast3A_527 = vector.bitcast %or3A_526 : vector<16xi32> to vector<16xf32>
        tpu.vector_store_idx %arg8[%sub3A_522], %bitcast3A_527 : memref<32768xf32, #tpu.memory_space<vmem>>[vector<16xi32>], vector<16xf32>,
        tpu.vector_store_idx %arg9[%shift_right_arithmetic3A_502], %unique3A_517 masked %unique3A_516 {add = true} : memref<2048xi32, #tpu.memory_space<vmem>>[vector<16xi32>], vector<16xi32>, vector<16xi1>
        %add3A_528 = arith.constant 512 : i32
        %add3A_529 = arith.addi %add3A_528, %scan3A_493 : i32
        %mul3A_530 = arith.constant 16 : i32
        %mul3A_531 = arith.muli %add3A_529, %mul3A_530 : i32
        %get3A_532 = arith.index_cast %mul3A_531 : i32 to index
        %get3A_533 = tpu.vector_load %arg7[%get3A_532] {strides = array<i32>} : memref<32768xi32, #tpu.memory_space<vmem>>, vector<16xi32>,
        %shift_right_arithmetic3A_534 = arith.constant 15 : i32
        %shift_right_arithmetic3A_535 = vector.broadcast %shift_right_arithmetic3A_534 : i32 to vector<16xi32>
        %shift_right_arithmetic3A_536 = arith.shrsi %get3A_533, %shift_right_arithmetic3A_535 : vector<16xi32>
        %and3A_537 = arith.constant 32767 : i32
        %and3A_538 = vector.broadcast %and3A_537 : i32 to vector<16xi32>
        %and3A_539 = arith.andi %get3A_533, %and3A_538 : vector<16xi32>
        %gather3A_540 = tpu.vector_load_idx %arg6[%and3A_539] : memref<32768xf32, #tpu.memory_space<vmem>>[vector<16xi32>], vector<16xf32>,
        %bitcast3A_541 = vector.bitcast %gather3A_540 : vector<16xf32> to vector<16xi32>
        %shift_right_arithmetic3A_542 = arith.constant 22 : i32
        %shift_right_arithmetic3A_543 = vector.broadcast %shift_right_arithmetic3A_542 : i32 to vector<16xi32>
        %shift_right_arithmetic3A_544 = arith.shrsi %bitcast3A_541, %shift_right_arithmetic3A_543 : vector<16xi32>
        %and3A_545 = arith.constant 1023 : i32
        %and3A_546 = vector.broadcast %and3A_545 : i32 to vector<16xi32>
        %and3A_547 = arith.andi %shift_right_arithmetic3A_544, %and3A_546 : vector<16xi32>
        %broadcast_in_dim3A_548 = arith.constant true
        %broadcast_in_dim3A_549 = vector.broadcast %broadcast_in_dim3A_548 : i1 to vector<16xi1>
        %unique3A_550, %unique3A_551 = tpu.scan_count mask(%broadcast_in_dim3A_549 : vector<16xi1>) value(%shift_right_arithmetic3A_536 : vector<16xi32>) : vector<16xi1>, vector<16xi32>
        %gather3A_552 = tpu.vector_load_idx %arg10[%shift_right_arithmetic3A_536] : memref<2048xi32, #tpu.memory_space<vmem>>[vector<16xi32>], vector<16xi32>,
        %add3A_553 = arith.addi %gather3A_552, %unique3A_551 : vector<16xi32>
        %sub3A_554 = arith.constant 1 : i32
        %sub3A_555 = vector.broadcast %sub3A_554 : i32 to vector<16xi32>
        %sub3A_556 = arith.subi %add3A_553, %sub3A_555 : vector<16xi32>
        %shift_left3A_557 = arith.constant 15 : i32
        %shift_left3A_558 = vector.broadcast %shift_left3A_557 : i32 to vector<16xi32>
        %shift_left3A_559 = arith.shli %and3A_547, %shift_left3A_558 : vector<16xi32>
        %or3A_560 = arith.ori %shift_left3A_559, %and3A_539 : vector<16xi32>
        %bitcast3A_561 = vector.bitcast %or3A_560 : vector<16xi32> to vector<16xf32>
        tpu.vector_store_idx %arg8[%sub3A_556], %bitcast3A_561 : memref<32768xf32, #tpu.memory_space<vmem>>[vector<16xi32>], vector<16xf32>,
        tpu.vector_store_idx %arg10[%shift_right_arithmetic3A_536], %unique3A_551 masked %unique3A_550 {add = true} : memref<2048xi32, #tpu.memory_space<vmem>>[vector<16xi32>], vector<16xi32>, vector<16xi1>
        %add3A_562 = arith.constant 1024 : i32
        %add3A_563 = arith.addi %add3A_562, %scan3A_493 : i32
        %mul3A_564 = arith.constant 16 : i32
        %mul3A_565 = arith.muli %add3A_563, %mul3A_564 : i32
        %get3A_566 = arith.index_cast %mul3A_565 : i32 to index
        %get3A_567 = tpu.vector_load %arg7[%get3A_566] {strides = array<i32>} : memref<32768xi32, #tpu.memory_space<vmem>>, vector<16xi32>,
        %shift_right_arithmetic3A_568 = arith.constant 15 : i32
        %shift_right_arithmetic3A_569 = vector.broadcast %shift_right_arithmetic3A_568 : i32 to vector<16xi32>
        %shift_right_arithmetic3A_570 = arith.shrsi %get3A_567, %shift_right_arithmetic3A_569 : vector<16xi32>
        %and3A_571 = arith.constant 32767 : i32
        %and3A_572 = vector.broadcast %and3A_571 : i32 to vector<16xi32>
        %and3A_573 = arith.andi %get3A_567, %and3A_572 : vector<16xi32>
        %gather3A_574 = tpu.vector_load_idx %arg6[%and3A_573] : memref<32768xf32, #tpu.memory_space<vmem>>[vector<16xi32>], vector<16xf32>,
        %bitcast3A_575 = vector.bitcast %gather3A_574 : vector<16xf32> to vector<16xi32>
        %shift_right_arithmetic3A_576 = arith.constant 22 : i32
        %shift_right_arithmetic3A_577 = vector.broadcast %shift_right_arithmetic3A_576 : i32 to vector<16xi32>
        %shift_right_arithmetic3A_578 = arith.shrsi %bitcast3A_575, %shift_right_arithmetic3A_577 : vector<16xi32>
        %and3A_579 = arith.constant 1023 : i32
        %and3A_580 = vector.broadcast %and3A_579 : i32 to vector<16xi32>
        %and3A_581 = arith.andi %shift_right_arithmetic3A_578, %and3A_580 : vector<16xi32>
        %broadcast_in_dim3A_582 = arith.constant true
        %broadcast_in_dim3A_583 = vector.broadcast %broadcast_in_dim3A_582 : i1 to vector<16xi1>
        %unique3A_584, %unique3A_585 = tpu.scan_count mask(%broadcast_in_dim3A_583 : vector<16xi1>) value(%shift_right_arithmetic3A_570 : vector<16xi32>) : vector<16xi1>, vector<16xi32>
        %gather3A_586 = tpu.vector_load_idx %arg11[%shift_right_arithmetic3A_570] : memref<2048xi32, #tpu.memory_space<vmem>>[vector<16xi32>], vector<16xi32>,
        %add3A_587 = arith.addi %gather3A_586, %unique3A_585 : vector<16xi32>
        %sub3A_588 = arith.constant 1 : i32
        %sub3A_589 = vector.broadcast %sub3A_588 : i32 to vector<16xi32>
        %sub3A_590 = arith.subi %add3A_587, %sub3A_589 : vector<16xi32>
        %shift_left3A_591 = arith.constant 15 : i32
        %shift_left3A_592 = vector.broadcast %shift_left3A_591 : i32 to vector<16xi32>
        %shift_left3A_593 = arith.shli %and3A_581, %shift_left3A_592 : vector<16xi32>
        %or3A_594 = arith.ori %shift_left3A_593, %and3A_573 : vector<16xi32>
        %bitcast3A_595 = vector.bitcast %or3A_594 : vector<16xi32> to vector<16xf32>
        tpu.vector_store_idx %arg8[%sub3A_590], %bitcast3A_595 : memref<32768xf32, #tpu.memory_space<vmem>>[vector<16xi32>], vector<16xf32>,
        tpu.vector_store_idx %arg11[%shift_right_arithmetic3A_570], %unique3A_585 masked %unique3A_584 {add = true} : memref<2048xi32, #tpu.memory_space<vmem>>[vector<16xi32>], vector<16xi32>, vector<16xi1>
        %add3A_596 = arith.constant 1536 : i32
        %add3A_597 = arith.addi %add3A_596, %scan3A_493 : i32
        %mul3A_598 = arith.constant 16 : i32
        %mul3A_599 = arith.muli %add3A_597, %mul3A_598 : i32
        %get3A_600 = arith.index_cast %mul3A_599 : i32 to index
        %get3A_601 = tpu.vector_load %arg7[%get3A_600] {strides = array<i32>} : memref<32768xi32, #tpu.memory_space<vmem>>, vector<16xi32>,
        %shift_right_arithmetic3A_602 = arith.constant 15 : i32
        %shift_right_arithmetic3A_603 = vector.broadcast %shift_right_arithmetic3A_602 : i32 to vector<16xi32>
        %shift_right_arithmetic3A_604 = arith.shrsi %get3A_601, %shift_right_arithmetic3A_603 : vector<16xi32>
        %and3A_605 = arith.constant 32767 : i32
        %and3A_606 = vector.broadcast %and3A_605 : i32 to vector<16xi32>
        %and3A_607 = arith.andi %get3A_601, %and3A_606 : vector<16xi32>
        %gather3A_608 = tpu.vector_load_idx %arg6[%and3A_607] : memref<32768xf32, #tpu.memory_space<vmem>>[vector<16xi32>], vector<16xf32>,
        %bitcast3A_609 = vector.bitcast %gather3A_608 : vector<16xf32> to vector<16xi32>
        %shift_right_arithmetic3A_610 = arith.constant 22 : i32
        %shift_right_arithmetic3A_611 = vector.broadcast %shift_right_arithmetic3A_610 : i32 to vector<16xi32>
        %shift_right_arithmetic3A_612 = arith.shrsi %bitcast3A_609, %shift_right_arithmetic3A_611 : vector<16xi32>
        %and3A_613 = arith.constant 1023 : i32
        %and3A_614 = vector.broadcast %and3A_613 : i32 to vector<16xi32>
        %and3A_615 = arith.andi %shift_right_arithmetic3A_612, %and3A_614 : vector<16xi32>
        %broadcast_in_dim3A_616 = arith.constant true
        %broadcast_in_dim3A_617 = vector.broadcast %broadcast_in_dim3A_616 : i1 to vector<16xi1>
        %unique3A_618, %unique3A_619 = tpu.scan_count mask(%broadcast_in_dim3A_617 : vector<16xi1>) value(%shift_right_arithmetic3A_604 : vector<16xi32>) : vector<16xi1>, vector<16xi32>
        %gather3A_620 = tpu.vector_load_idx %arg12[%shift_right_arithmetic3A_604] : memref<2048xi32, #tpu.memory_space<vmem>>[vector<16xi32>], vector<16xi32>,
        %add3A_621 = arith.addi %gather3A_620, %unique3A_619 : vector<16xi32>
        %sub3A_622 = arith.constant 1 : i32
        %sub3A_623 = vector.broadcast %sub3A_622 : i32 to vector<16xi32>
        %sub3A_624 = arith.subi %add3A_621, %sub3A_623 : vector<16xi32>
        %shift_left3A_625 = arith.constant 15 : i32
        %shift_left3A_626 = vector.broadcast %shift_left3A_625 : i32 to vector<16xi32>
        %shift_left3A_627 = arith.shli %and3A_615, %shift_left3A_626 : vector<16xi32>
        %or3A_628 = arith.ori %shift_left3A_627, %and3A_607 : vector<16xi32>
        %bitcast3A_629 = vector.bitcast %or3A_628 : vector<16xi32> to vector<16xf32>
        tpu.vector_store_idx %arg8[%sub3A_624], %bitcast3A_629 : memref<32768xf32, #tpu.memory_space<vmem>>[vector<16xi32>], vector<16xf32>,
        tpu.vector_store_idx %arg12[%shift_right_arithmetic3A_604], %unique3A_619 masked %unique3A_618 {add = true} : memref<2048xi32, #tpu.memory_space<vmem>>[vector<16xi32>], vector<16xi32>, vector<16xi1>
        %scan3A_630 = arith.constant 0 : i32
        scf.yield %scan3A_630 : i32
      }
      %scan3A_58 = arith.constant 512 : i32
      %parallel_loop3A_59 = arith.constant 0 : i32
      %parallel_loop3A_60 = arith.constant 64 : i32
      %parallel_loop3A_61 = arith.constant 1 : i32
      scf.for %parallel_loop3A_83 = %parallel_loop3A_59 to %parallel_loop3A_60 step %parallel_loop3A_61  : i32 {
        %parallel_loop3A_84 = arith.constant 0 : i32
        %parallel_loop3A_85 = vector.broadcast %parallel_loop3A_84 : i32 to vector<16xi32>
        %parallel_loop3A_86 = arith.constant 16 : i32
        %parallel_loop3A_87 = arith.muli %parallel_loop3A_83, %parallel_loop3A_86 : i32
        %parallel_loop3A_88 = arith.index_cast %parallel_loop3A_87 : i32 to index
        %parallel_loop3A_89 = tpu.vector_load %arg9[%parallel_loop3A_88] {strides = array<i32>} : memref<2048xi32, #tpu.memory_space<vmem>>, vector<16xi32>,
        tpu.vector_store %arg9[%parallel_loop3A_88], %parallel_loop3A_85 {strides = array<i32>} : memref<2048xi32, #tpu.memory_space<vmem>>, vector<16xi32>,
        %parallel_loop3A_90 = arith.constant 16 : i32
        %parallel_loop3A_91 = arith.muli %parallel_loop3A_83, %parallel_loop3A_90 : i32
        %parallel_loop3A_92 = arith.index_cast %parallel_loop3A_91 : i32 to index
        %parallel_loop3A_93 = tpu.vector_load %arg10[%parallel_loop3A_92] {strides = array<i32>} : memref<2048xi32, #tpu.memory_space<vmem>>, vector<16xi32>,
        tpu.vector_store %arg10[%parallel_loop3A_92], %parallel_loop3A_85 {strides = array<i32>} : memref<2048xi32, #tpu.memory_space<vmem>>, vector<16xi32>,
        %parallel_loop3A_94 = arith.constant 16 : i32
        %parallel_loop3A_95 = arith.muli %parallel_loop3A_83, %parallel_loop3A_94 : i32
        %parallel_loop3A_96 = arith.index_cast %parallel_loop3A_95 : i32 to index
        %parallel_loop3A_97 = tpu.vector_load %arg11[%parallel_loop3A_96] {strides = array<i32>} : memref<2048xi32, #tpu.memory_space<vmem>>, vector<16xi32>,
        tpu.vector_store %arg11[%parallel_loop3A_96], %parallel_loop3A_85 {strides = array<i32>} : memref<2048xi32, #tpu.memory_space<vmem>>, vector<16xi32>,
        %parallel_loop3A_98 = arith.constant 16 : i32
        %parallel_loop3A_99 = arith.muli %parallel_loop3A_83, %parallel_loop3A_98 : i32
        %parallel_loop3A_100 = arith.index_cast %parallel_loop3A_99 : i32 to index
        %parallel_loop3A_101 = tpu.vector_load %arg12[%parallel_loop3A_100] {strides = array<i32>} : memref<2048xi32, #tpu.memory_space<vmem>>, vector<16xi32>,
        tpu.vector_store %arg12[%parallel_loop3A_100], %parallel_loop3A_85 {strides = array<i32>} : memref<2048xi32, #tpu.memory_space<vmem>>, vector<16xi32>,
      } {sc.loop_unroll_factor = 4 : i64, sc.parallel_access}
      %parallel_loop3A_62 = arith.constant 0 : i32
      %parallel_loop3A_63 = arith.constant 512 : i32
      %parallel_loop3A_64 = arith.constant 1 : i32
      scf.for %parallel_loop3A_83 = %parallel_loop3A_62 to %parallel_loop3A_63 step %parallel_loop3A_64  : i32 {
        %parallel_loop3A_84 = arith.constant 0 : i32
        %parallel_loop3A_85 = arith.addi %parallel_loop3A_84, %parallel_loop3A_83 : i32
        %parallel_loop3A_86 = arith.constant 16 : i32
        %parallel_loop3A_87 = arith.muli %parallel_loop3A_85, %parallel_loop3A_86 : i32
        %parallel_loop3A_88 = arith.index_cast %parallel_loop3A_87 : i32 to index
        %parallel_loop3A_89 = tpu.vector_load %arg8[%parallel_loop3A_88] {strides = array<i32>} : memref<32768xf32, #tpu.memory_space<vmem>>, vector<16xf32>,
        %parallel_loop3A_90 = vector.bitcast %parallel_loop3A_89 : vector<16xf32> to vector<16xi32>
        %parallel_loop3A_91 = arith.constant 15 : i32
        %parallel_loop3A_92 = vector.broadcast %parallel_loop3A_91 : i32 to vector<16xi32>
        %parallel_loop3A_93 = arith.shrsi %parallel_loop3A_90, %parallel_loop3A_92 : vector<16xi32>
        %parallel_loop3A_94 = arith.constant true
        %parallel_loop3A_95 = vector.broadcast %parallel_loop3A_94 : i1 to vector<16xi1>
        %parallel_loop3A_96, %parallel_loop3A_97 = tpu.scan_count mask(%parallel_loop3A_95 : vector<16xi1>) value(%parallel_loop3A_93 : vector<16xi32>) : vector<16xi1>, vector<16xi32>
        tpu.vector_store_idx %arg9[%parallel_loop3A_93], %parallel_loop3A_97 masked %parallel_loop3A_96 {add = true} : memref<2048xi32, #tpu.memory_space<vmem>>[vector<16xi32>], vector<16xi32>, vector<16xi1>
        %parallel_loop3A_98 = arith.constant 512 : i32
        %parallel_loop3A_99 = arith.addi %parallel_loop3A_98, %parallel_loop3A_83 : i32
        %parallel_loop3A_100 = arith.constant 16 : i32
        %parallel_loop3A_101 = arith.muli %parallel_loop3A_99, %parallel_loop3A_100 : i32
        %parallel_loop3A_102 = arith.index_cast %parallel_loop3A_101 : i32 to index
        %parallel_loop3A_103 = tpu.vector_load %arg8[%parallel_loop3A_102] {strides = array<i32>} : memref<32768xf32, #tpu.memory_space<vmem>>, vector<16xf32>,
        %parallel_loop3A_104 = vector.bitcast %parallel_loop3A_103 : vector<16xf32> to vector<16xi32>
        %parallel_loop3A_105 = arith.constant 15 : i32
        %parallel_loop3A_106 = vector.broadcast %parallel_loop3A_105 : i32 to vector<16xi32>
        %parallel_loop3A_107 = arith.shrsi %parallel_loop3A_104, %parallel_loop3A_106 : vector<16xi32>
        %parallel_loop3A_108 = arith.constant true
        %parallel_loop3A_109 = vector.broadcast %parallel_loop3A_108 : i1 to vector<16xi1>
        %parallel_loop3A_110, %parallel_loop3A_111 = tpu.scan_count mask(%parallel_loop3A_109 : vector<16xi1>) value(%parallel_loop3A_107 : vector<16xi32>) : vector<16xi1>, vector<16xi32>
        tpu.vector_store_idx %arg10[%parallel_loop3A_107], %parallel_loop3A_111 masked %parallel_loop3A_110 {add = true} : memref<2048xi32, #tpu.memory_space<vmem>>[vector<16xi32>], vector<16xi32>, vector<16xi1>
        %parallel_loop3A_112 = arith.constant 1024 : i32
        %parallel_loop3A_113 = arith.addi %parallel_loop3A_112, %parallel_loop3A_83 : i32
        %parallel_loop3A_114 = arith.constant 16 : i32
        %parallel_loop3A_115 = arith.muli %parallel_loop3A_113, %parallel_loop3A_114 : i32
        %parallel_loop3A_116 = arith.index_cast %parallel_loop3A_115 : i32 to index
        %parallel_loop3A_117 = tpu.vector_load %arg8[%parallel_loop3A_116] {strides = array<i32>} : memref<32768xf32, #tpu.memory_space<vmem>>, vector<16xf32>,
        %parallel_loop3A_118 = vector.bitcast %parallel_loop3A_117 : vector<16xf32> to vector<16xi32>
        %parallel_loop3A_119 = arith.constant 15 : i32
        %parallel_loop3A_120 = vector.broadcast %parallel_loop3A_119 : i32 to vector<16xi32>
        %parallel_loop3A_121 = arith.shrsi %parallel_loop3A_118, %parallel_loop3A_120 : vector<16xi32>
        %parallel_loop3A_122 = arith.constant true
        %parallel_loop3A_123 = vector.broadcast %parallel_loop3A_122 : i1 to vector<16xi1>
        %parallel_loop3A_124, %parallel_loop3A_125 = tpu.scan_count mask(%parallel_loop3A_123 : vector<16xi1>) value(%parallel_loop3A_121 : vector<16xi32>) : vector<16xi1>, vector<16xi32>
        tpu.vector_store_idx %arg11[%parallel_loop3A_121], %parallel_loop3A_125 masked %parallel_loop3A_124 {add = true} : memref<2048xi32, #tpu.memory_space<vmem>>[vector<16xi32>], vector<16xi32>, vector<16xi1>
        %parallel_loop3A_126 = arith.constant 1536 : i32
        %parallel_loop3A_127 = arith.addi %parallel_loop3A_126, %parallel_loop3A_83 : i32
        %parallel_loop3A_128 = arith.constant 16 : i32
        %parallel_loop3A_129 = arith.muli %parallel_loop3A_127, %parallel_loop3A_128 : i32
        %parallel_loop3A_130 = arith.index_cast %parallel_loop3A_129 : i32 to index
        %parallel_loop3A_131 = tpu.vector_load %arg8[%parallel_loop3A_130] {strides = array<i32>} : memref<32768xf32, #tpu.memory_space<vmem>>, vector<16xf32>,
        %parallel_loop3A_132 = vector.bitcast %parallel_loop3A_131 : vector<16xf32> to vector<16xi32>
        %parallel_loop3A_133 = arith.constant 15 : i32
        %parallel_loop3A_134 = vector.broadcast %parallel_loop3A_133 : i32 to vector<16xi32>
        %parallel_loop3A_135 = arith.shrsi %parallel_loop3A_132, %parallel_loop3A_134 : vector<16xi32>
        %parallel_loop3A_136 = arith.constant true
        %parallel_loop3A_137 = vector.broadcast %parallel_loop3A_136 : i1 to vector<16xi1>
        %parallel_loop3A_138, %parallel_loop3A_139 = tpu.scan_count mask(%parallel_loop3A_137 : vector<16xi1>) value(%parallel_loop3A_135 : vector<16xi32>) : vector<16xi1>, vector<16xi32>
        tpu.vector_store_idx %arg12[%parallel_loop3A_135], %parallel_loop3A_139 masked %parallel_loop3A_138 {add = true} : memref<2048xi32, #tpu.memory_space<vmem>>[vector<16xi32>], vector<16xi32>, vector<16xi1>
      } {sc.loop_unroll_factor = 4 : i64, sc.parallel_access}
      %scan3A_65 = arith.constant 0 : i32
      %scan3A_66 = arith.constant 0 : i32
      %scan3A_67 = arith.constant 64 : i32
      %scan3A_68 = arith.addi %scan3A_66, %scan3A_67 : i32
      %scan3A_69 = arith.constant 2 : i32
      %scan3A_70 = scf.for %scan3A_83 = %scan3A_66 to %scan3A_68 step %scan3A_69 iter_args(%scan3A_84 = %scan3A_65) -> (i32)  : i32 {
        %mul3A_85 = arith.constant 16 : i32
        %mul3A_86 = arith.muli %scan3A_83, %mul3A_85 : i32
        %get3A_87 = arith.index_cast %mul3A_86 : i32 to index
        %get3A_88 = tpu.vector_load %arg9[%get3A_87] {strides = array<i32>} : memref<2048xi32, #tpu.memory_space<vmem>>, vector<16xi32>,
        %mul3A_89 = arith.constant 16 : i32
        %mul3A_90 = arith.muli %scan3A_83, %mul3A_89 : i32
        %get3A_91 = arith.index_cast %mul3A_90 : i32 to index
        %get3A_92 = tpu.vector_load %arg10[%get3A_91] {strides = array<i32>} : memref<2048xi32, #tpu.memory_space<vmem>>, vector<16xi32>,
        %mul3A_93 = arith.constant 16 : i32
        %mul3A_94 = arith.muli %scan3A_83, %mul3A_93 : i32
        %get3A_95 = arith.index_cast %mul3A_94 : i32 to index
        %get3A_96 = tpu.vector_load %arg11[%get3A_95] {strides = array<i32>} : memref<2048xi32, #tpu.memory_space<vmem>>, vector<16xi32>,
        %mul3A_97 = arith.constant 16 : i32
        %mul3A_98 = arith.muli %scan3A_83, %mul3A_97 : i32
        %get3A_99 = arith.index_cast %mul3A_98 : i32 to index
        %get3A_100 = tpu.vector_load %arg12[%get3A_99] {strides = array<i32>} : memref<2048xi32, #tpu.memory_space<vmem>>, vector<16xi32>,
        %add3A_101 = arith.addi %get3A_88, %get3A_92 : vector<16xi32>
        %add3A_102 = arith.addi %add3A_101, %get3A_96 : vector<16xi32>
        %add3A_103 = arith.addi %add3A_102, %get3A_100 : vector<16xi32>
        %broadcast_in_dim3A_104 = arith.constant true
        %broadcast_in_dim3A_105 = vector.broadcast %broadcast_in_dim3A_104 : i1 to vector<16xi1>
        %masked_cumsum3A = tpu.scan <sum>, %add3A_103 masked %broadcast_in_dim3A_105 : vector<16xi32>, vector<16xi1> -> vector<16xi32>
        %sub3A = arith.subi %masked_cumsum3A, %add3A_103 : vector<16xi32>
        %add3A_106 = vector.broadcast %scan3A_84 : i32 to vector<16xi32>
        %add3A_107 = arith.addi %sub3A, %add3A_106 : vector<16xi32>
        %mul3A_108 = arith.constant 16 : i32
        %mul3A_109 = arith.muli %scan3A_83, %mul3A_108 : i32
        %swap3A = arith.index_cast %mul3A_109 : i32 to index
        %swap3A_110 = tpu.vector_load %arg9[%swap3A] {strides = array<i32>} : memref<2048xi32, #tpu.memory_space<vmem>>, vector<16xi32>,
        tpu.vector_store %arg9[%swap3A], %add3A_107 {strides = array<i32>} : memref<2048xi32, #tpu.memory_space<vmem>>, vector<16xi32>,
        %add3A_111 = arith.addi %add3A_107, %get3A_88 : vector<16xi32>
        %mul3A_112 = arith.constant 16 : i32
        %mul3A_113 = arith.muli %scan3A_83, %mul3A_112 : i32
        %swap3A_114 = arith.index_cast %mul3A_113 : i32 to index
        %swap3A_115 = tpu.vector_load %arg10[%swap3A_114] {strides = array<i32>} : memref<2048xi32, #tpu.memory_space<vmem>>, vector<16xi32>,
        tpu.vector_store %arg10[%swap3A_114], %add3A_111 {strides = array<i32>} : memref<2048xi32, #tpu.memory_space<vmem>>, vector<16xi32>,
        %add3A_116 = arith.addi %add3A_111, %get3A_92 : vector<16xi32>
        %mul3A_117 = arith.constant 16 : i32
        %mul3A_118 = arith.muli %scan3A_83, %mul3A_117 : i32
        %swap3A_119 = arith.index_cast %mul3A_118 : i32 to index
        %swap3A_120 = tpu.vector_load %arg11[%swap3A_119] {strides = array<i32>} : memref<2048xi32, #tpu.memory_space<vmem>>, vector<16xi32>,
        tpu.vector_store %arg11[%swap3A_119], %add3A_116 {strides = array<i32>} : memref<2048xi32, #tpu.memory_space<vmem>>, vector<16xi32>,
        %add3A_121 = arith.addi %add3A_116, %get3A_96 : vector<16xi32>
        %mul3A_122 = arith.constant 16 : i32
        %mul3A_123 = arith.muli %scan3A_83, %mul3A_122 : i32
        %swap3A_124 = arith.index_cast %mul3A_123 : i32 to index
        %swap3A_125 = tpu.vector_load %arg12[%swap3A_124] {strides = array<i32>} : memref<2048xi32, #tpu.memory_space<vmem>>, vector<16xi32>,
        tpu.vector_store %arg12[%swap3A_124], %add3A_121 {strides = array<i32>} : memref<2048xi32, #tpu.memory_space<vmem>>, vector<16xi32>,
        %slice3A = vector.extract_strided_slice %masked_cumsum3A {offsets = [15], sizes = [1], strides = [1]} : vector<16xi32> to vector<1xi32>
        %squeeze3A = vector.extract %slice3A[0] : i32 from vector<1xi32>
        %add3A_126 = arith.addi %scan3A_84, %squeeze3A : i32
        %scan3A_127 = arith.constant 1 : i32
        %scan3A_128 = arith.addi %scan3A_83, %scan3A_127 : i32
        %mul3A_129 = arith.constant 16 : i32
        %mul3A_130 = arith.muli %scan3A_128, %mul3A_129 : i32
        %get3A_131 = arith.index_cast %mul3A_130 : i32 to index
        %get3A_132 = tpu.vector_load %arg9[%get3A_131] {strides = array<i32>} : memref<2048xi32, #tpu.memory_space<vmem>>, vector<16xi32>,
        %mul3A_133 = arith.constant 16 : i32
        %mul3A_134 = arith.muli %scan3A_128, %mul3A_133 : i32
        %get3A_135 = arith.index_cast %mul3A_134 : i32 to index
        %get3A_136 = tpu.vector_load %arg10[%get3A_135] {strides = array<i32>} : memref<2048xi32, #tpu.memory_space<vmem>>, vector<16xi32>,
        %mul3A_137 = arith.constant 16 : i32
        %mul3A_138 = arith.muli %scan3A_128, %mul3A_137 : i32
        %get3A_139 = arith.index_cast %mul3A_138 : i32 to index
        %get3A_140 = tpu.vector_load %arg11[%get3A_139] {strides = array<i32>} : memref<2048xi32, #tpu.memory_space<vmem>>, vector<16xi32>,
        %mul3A_141 = arith.constant 16 : i32
        %mul3A_142 = arith.muli %scan3A_128, %mul3A_141 : i32
        %get3A_143 = arith.index_cast %mul3A_142 : i32 to index
        %get3A_144 = tpu.vector_load %arg12[%get3A_143] {strides = array<i32>} : memref<2048xi32, #tpu.memory_space<vmem>>, vector<16xi32>,
        %add3A_145 = arith.addi %get3A_132, %get3A_136 : vector<16xi32>
        %add3A_146 = arith.addi %add3A_145, %get3A_140 : vector<16xi32>
        %add3A_147 = arith.addi %add3A_146, %get3A_144 : vector<16xi32>
        %broadcast_in_dim3A_148 = arith.constant true
        %broadcast_in_dim3A_149 = vector.broadcast %broadcast_in_dim3A_148 : i1 to vector<16xi1>
        %masked_cumsum3A_150 = tpu.scan <sum>, %add3A_147 masked %broadcast_in_dim3A_149 : vector<16xi32>, vector<16xi1> -> vector<16xi32>
        %sub3A_151 = arith.subi %masked_cumsum3A_150, %add3A_147 : vector<16xi32>
        %add3A_152 = vector.broadcast %add3A_126 : i32 to vector<16xi32>
        %add3A_153 = arith.addi %sub3A_151, %add3A_152 : vector<16xi32>
        %mul3A_154 = arith.constant 16 : i32
        %mul3A_155 = arith.muli %scan3A_128, %mul3A_154 : i32
        %swap3A_156 = arith.index_cast %mul3A_155 : i32 to index
        %swap3A_157 = tpu.vector_load %arg9[%swap3A_156] {strides = array<i32>} : memref<2048xi32, #tpu.memory_space<vmem>>, vector<16xi32>,
        tpu.vector_store %arg9[%swap3A_156], %add3A_153 {strides = array<i32>} : memref<2048xi32, #tpu.memory_space<vmem>>, vector<16xi32>,
        %add3A_158 = arith.addi %add3A_153, %get3A_132 : vector<16xi32>
        %mul3A_159 = arith.constant 16 : i32
        %mul3A_160 = arith.muli %scan3A_128, %mul3A_159 : i32
        %swap3A_161 = arith.index_cast %mul3A_160 : i32 to index
        %swap3A_162 = tpu.vector_load %arg10[%swap3A_161] {strides = array<i32>} : memref<2048xi32, #tpu.memory_space<vmem>>, vector<16xi32>,
        tpu.vector_store %arg10[%swap3A_161], %add3A_158 {strides = array<i32>} : memref<2048xi32, #tpu.memory_space<vmem>>, vector<16xi32>,
        %add3A_163 = arith.addi %add3A_158, %get3A_136 : vector<16xi32>
        %mul3A_164 = arith.constant 16 : i32
        %mul3A_165 = arith.muli %scan3A_128, %mul3A_164 : i32
        %swap3A_166 = arith.index_cast %mul3A_165 : i32 to index
        %swap3A_167 = tpu.vector_load %arg11[%swap3A_166] {strides = array<i32>} : memref<2048xi32, #tpu.memory_space<vmem>>, vector<16xi32>,
        tpu.vector_store %arg11[%swap3A_166], %add3A_163 {strides = array<i32>} : memref<2048xi32, #tpu.memory_space<vmem>>, vector<16xi32>,
        %add3A_168 = arith.addi %add3A_163, %get3A_140 : vector<16xi32>
        %mul3A_169 = arith.constant 16 : i32
        %mul3A_170 = arith.muli %scan3A_128, %mul3A_169 : i32
        %swap3A_171 = arith.index_cast %mul3A_170 : i32 to index
        %swap3A_172 = tpu.vector_load %arg12[%swap3A_171] {strides = array<i32>} : memref<2048xi32, #tpu.memory_space<vmem>>, vector<16xi32>,
        tpu.vector_store %arg12[%swap3A_171], %add3A_168 {strides = array<i32>} : memref<2048xi32, #tpu.memory_space<vmem>>, vector<16xi32>,
        %slice3A_173 = vector.extract_strided_slice %masked_cumsum3A_150 {offsets = [15], sizes = [1], strides = [1]} : vector<16xi32> to vector<1xi32>
        %squeeze3A_174 = vector.extract %slice3A_173[0] : i32 from vector<1xi32>
        %add3A_175 = arith.addi %add3A_126, %squeeze3A_174 : i32
        scf.yield %add3A_175 : i32
      }
      %scan3A_71 = arith.constant 64 : i32
      %scan3A_72 = arith.constant 0 : i32
      %scan3A_73 = arith.constant 0 : i32
      %scan3A_74 = arith.constant 512 : i32
      %scan3A_75 = arith.addi %scan3A_73, %scan3A_74 : i32
      %scan3A_76 = arith.constant 4 : i32
      %scan3A_77 = scf.for %scan3A_83 = %scan3A_73 to %scan3A_75 step %scan3A_76 iter_args(%scan3A_84 = %scan3A_72) -> (i32)  : i32 {
        %add3A_85 = arith.constant 0 : i32
        %add3A_86 = arith.addi %add3A_85, %scan3A_83 : i32
        %mul3A_87 = arith.constant 16 : i32
        %mul3A_88 = arith.muli %add3A_86, %mul3A_87 : i32
        %get3A_89 = arith.index_cast %mul3A_88 : i32 to index
        %get3A_90 = tpu.vector_load %arg8[%get3A_89] {strides = array<i32>} : memref<32768xf32, #tpu.memory_space<vmem>>, vector<16xf32>,
        %bitcast3A = vector.bitcast %get3A_90 : vector<16xf32> to vector<16xi32>
        %shift_right_arithmetic3A = arith.constant 15 : i32
        %shift_right_arithmetic3A_91 = vector.broadcast %shift_right_arithmetic3A : i32 to vector<16xi32>
        %shift_right_arithmetic3A_92 = arith.shrsi %bitcast3A, %shift_right_arithmetic3A_91 : vector<16xi32>
        %and3A = arith.constant 32767 : i32
        %and3A_93 = vector.broadcast %and3A : i32 to vector<16xi32>
        %and3A_94 = arith.andi %bitcast3A, %and3A_93 : vector<16xi32>
        %broadcast_in_dim3A_95 = arith.constant true
        %broadcast_in_dim3A_96 = vector.broadcast %broadcast_in_dim3A_95 : i1 to vector<16xi1>
        %unique3A, %unique3A_97 = tpu.scan_count mask(%broadcast_in_dim3A_96 : vector<16xi1>) value(%shift_right_arithmetic3A_92 : vector<16xi32>) : vector<16xi1>, vector<16xi32>
        %gather3A = tpu.vector_load_idx %arg9[%shift_right_arithmetic3A_92] : memref<2048xi32, #tpu.memory_space<vmem>>[vector<16xi32>], vector<16xi32>,
        %add3A_98 = arith.addi %gather3A, %unique3A_97 : vector<16xi32>
        %sub3A = arith.constant 1 : i32
        %sub3A_99 = vector.broadcast %sub3A : i32 to vector<16xi32>
        %sub3A_100 = arith.subi %add3A_98, %sub3A_99 : vector<16xi32>
        tpu.vector_store_idx %arg7[%sub3A_100], %and3A_94 : memref<32768xi32, #tpu.memory_space<vmem>>[vector<16xi32>], vector<16xi32>,
        tpu.vector_store_idx %arg9[%shift_right_arithmetic3A_92], %unique3A_97 masked %unique3A {add = true} : memref<2048xi32, #tpu.memory_space<vmem>>[vector<16xi32>], vector<16xi32>, vector<16xi1>
        %add3A_101 = arith.constant 512 : i32
        %add3A_102 = arith.addi %add3A_101, %scan3A_83 : i32
        %mul3A_103 = arith.constant 16 : i32
        %mul3A_104 = arith.muli %add3A_102, %mul3A_103 : i32
        %get3A_105 = arith.index_cast %mul3A_104 : i32 to index
        %get3A_106 = tpu.vector_load %arg8[%get3A_105] {strides = array<i32>} : memref<32768xf32, #tpu.memory_space<vmem>>, vector<16xf32>,
        %bitcast3A_107 = vector.bitcast %get3A_106 : vector<16xf32> to vector<16xi32>
        %shift_right_arithmetic3A_108 = arith.constant 15 : i32
        %shift_right_arithmetic3A_109 = vector.broadcast %shift_right_arithmetic3A_108 : i32 to vector<16xi32>
        %shift_right_arithmetic3A_110 = arith.shrsi %bitcast3A_107, %shift_right_arithmetic3A_109 : vector<16xi32>
        %and3A_111 = arith.constant 32767 : i32
        %and3A_112 = vector.broadcast %and3A_111 : i32 to vector<16xi32>
        %and3A_113 = arith.andi %bitcast3A_107, %and3A_112 : vector<16xi32>
        %broadcast_in_dim3A_114 = arith.constant true
        %broadcast_in_dim3A_115 = vector.broadcast %broadcast_in_dim3A_114 : i1 to vector<16xi1>
        %unique3A_116, %unique3A_117 = tpu.scan_count mask(%broadcast_in_dim3A_115 : vector<16xi1>) value(%shift_right_arithmetic3A_110 : vector<16xi32>) : vector<16xi1>, vector<16xi32>
        %gather3A_118 = tpu.vector_load_idx %arg10[%shift_right_arithmetic3A_110] : memref<2048xi32, #tpu.memory_space<vmem>>[vector<16xi32>], vector<16xi32>,
        %add3A_119 = arith.addi %gather3A_118, %unique3A_117 : vector<16xi32>
        %sub3A_120 = arith.constant 1 : i32
        %sub3A_121 = vector.broadcast %sub3A_120 : i32 to vector<16xi32>
        %sub3A_122 = arith.subi %add3A_119, %sub3A_121 : vector<16xi32>
        tpu.vector_store_idx %arg7[%sub3A_122], %and3A_113 : memref<32768xi32, #tpu.memory_space<vmem>>[vector<16xi32>], vector<16xi32>,
        tpu.vector_store_idx %arg10[%shift_right_arithmetic3A_110], %unique3A_117 masked %unique3A_116 {add = true} : memref<2048xi32, #tpu.memory_space<vmem>>[vector<16xi32>], vector<16xi32>, vector<16xi1>
        %add3A_123 = arith.constant 1024 : i32
        %add3A_124 = arith.addi %add3A_123, %scan3A_83 : i32
        %mul3A_125 = arith.constant 16 : i32
        %mul3A_126 = arith.muli %add3A_124, %mul3A_125 : i32
        %get3A_127 = arith.index_cast %mul3A_126 : i32 to index
        %get3A_128 = tpu.vector_load %arg8[%get3A_127] {strides = array<i32>} : memref<32768xf32, #tpu.memory_space<vmem>>, vector<16xf32>,
        %bitcast3A_129 = vector.bitcast %get3A_128 : vector<16xf32> to vector<16xi32>
        %shift_right_arithmetic3A_130 = arith.constant 15 : i32
        %shift_right_arithmetic3A_131 = vector.broadcast %shift_right_arithmetic3A_130 : i32 to vector<16xi32>
        %shift_right_arithmetic3A_132 = arith.shrsi %bitcast3A_129, %shift_right_arithmetic3A_131 : vector<16xi32>
        %and3A_133 = arith.constant 32767 : i32
        %and3A_134 = vector.broadcast %and3A_133 : i32 to vector<16xi32>
        %and3A_135 = arith.andi %bitcast3A_129, %and3A_134 : vector<16xi32>
        %broadcast_in_dim3A_136 = arith.constant true
        %broadcast_in_dim3A_137 = vector.broadcast %broadcast_in_dim3A_136 : i1 to vector<16xi1>
        %unique3A_138, %unique3A_139 = tpu.scan_count mask(%broadcast_in_dim3A_137 : vector<16xi1>) value(%shift_right_arithmetic3A_132 : vector<16xi32>) : vector<16xi1>, vector<16xi32>
        %gather3A_140 = tpu.vector_load_idx %arg11[%shift_right_arithmetic3A_132] : memref<2048xi32, #tpu.memory_space<vmem>>[vector<16xi32>], vector<16xi32>,
        %add3A_141 = arith.addi %gather3A_140, %unique3A_139 : vector<16xi32>
        %sub3A_142 = arith.constant 1 : i32
        %sub3A_143 = vector.broadcast %sub3A_142 : i32 to vector<16xi32>
        %sub3A_144 = arith.subi %add3A_141, %sub3A_143 : vector<16xi32>
        tpu.vector_store_idx %arg7[%sub3A_144], %and3A_135 : memref<32768xi32, #tpu.memory_space<vmem>>[vector<16xi32>], vector<16xi32>,
        tpu.vector_store_idx %arg11[%shift_right_arithmetic3A_132], %unique3A_139 masked %unique3A_138 {add = true} : memref<2048xi32, #tpu.memory_space<vmem>>[vector<16xi32>], vector<16xi32>, vector<16xi1>
        %add3A_145 = arith.constant 1536 : i32
        %add3A_146 = arith.addi %add3A_145, %scan3A_83 : i32
        %mul3A_147 = arith.constant 16 : i32
        %mul3A_148 = arith.muli %add3A_146, %mul3A_147 : i32
        %get3A_149 = arith.index_cast %mul3A_148 : i32 to index
        %get3A_150 = tpu.vector_load %arg8[%get3A_149] {strides = array<i32>} : memref<32768xf32, #tpu.memory_space<vmem>>, vector<16xf32>,
        %bitcast3A_151 = vector.bitcast %get3A_150 : vector<16xf32> to vector<16xi32>
        %shift_right_arithmetic3A_152 = arith.constant 15 : i32
        %shift_right_arithmetic3A_153 = vector.broadcast %shift_right_arithmetic3A_152 : i32 to vector<16xi32>
        %shift_right_arithmetic3A_154 = arith.shrsi %bitcast3A_151, %shift_right_arithmetic3A_153 : vector<16xi32>
        %and3A_155 = arith.constant 32767 : i32
        %and3A_156 = vector.broadcast %and3A_155 : i32 to vector<16xi32>
        %and3A_157 = arith.andi %bitcast3A_151, %and3A_156 : vector<16xi32>
        %broadcast_in_dim3A_158 = arith.constant true
        %broadcast_in_dim3A_159 = vector.broadcast %broadcast_in_dim3A_158 : i1 to vector<16xi1>
        %unique3A_160, %unique3A_161 = tpu.scan_count mask(%broadcast_in_dim3A_159 : vector<16xi1>) value(%shift_right_arithmetic3A_154 : vector<16xi32>) : vector<16xi1>, vector<16xi32>
        %gather3A_162 = tpu.vector_load_idx %arg12[%shift_right_arithmetic3A_154] : memref<2048xi32, #tpu.memory_space<vmem>>[vector<16xi32>], vector<16xi32>,
        %add3A_163 = arith.addi %gather3A_162, %unique3A_161 : vector<16xi32>
        %sub3A_164 = arith.constant 1 : i32
        %sub3A_165 = vector.broadcast %sub3A_164 : i32 to vector<16xi32>
        %sub3A_166 = arith.subi %add3A_163, %sub3A_165 : vector<16xi32>
        tpu.vector_store_idx %arg7[%sub3A_166], %and3A_157 : memref<32768xi32, #tpu.memory_space<vmem>>[vector<16xi32>], vector<16xi32>,
        tpu.vector_store_idx %arg12[%shift_right_arithmetic3A_154], %unique3A_161 masked %unique3A_160 {add = true} : memref<2048xi32, #tpu.memory_space<vmem>>[vector<16xi32>], vector<16xi32>, vector<16xi1>
        %scan3A_167 = arith.constant 0 : i32
        %scan3A_168 = arith.constant 1 : i32
        %scan3A_169 = arith.addi %scan3A_83, %scan3A_168 : i32
        %add3A_170 = arith.constant 0 : i32
        %add3A_171 = arith.addi %add3A_170, %scan3A_169 : i32
        %mul3A_172 = arith.constant 16 : i32
        %mul3A_173 = arith.muli %add3A_171, %mul3A_172 : i32
        %get3A_174 = arith.index_cast %mul3A_173 : i32 to index
        %get3A_175 = tpu.vector_load %arg8[%get3A_174] {strides = array<i32>} : memref<32768xf32, #tpu.memory_space<vmem>>, vector<16xf32>,
        %bitcast3A_176 = vector.bitcast %get3A_175 : vector<16xf32> to vector<16xi32>
        %shift_right_arithmetic3A_177 = arith.constant 15 : i32
        %shift_right_arithmetic3A_178 = vector.broadcast %shift_right_arithmetic3A_177 : i32 to vector<16xi32>
        %shift_right_arithmetic3A_179 = arith.shrsi %bitcast3A_176, %shift_right_arithmetic3A_178 : vector<16xi32>
        %and3A_180 = arith.constant 32767 : i32
        %and3A_181 = vector.broadcast %and3A_180 : i32 to vector<16xi32>
        %and3A_182 = arith.andi %bitcast3A_176, %and3A_181 : vector<16xi32>
        %broadcast_in_dim3A_183 = arith.constant true
        %broadcast_in_dim3A_184 = vector.broadcast %broadcast_in_dim3A_183 : i1 to vector<16xi1>
        %unique3A_185, %unique3A_186 = tpu.scan_count mask(%broadcast_in_dim3A_184 : vector<16xi1>) value(%shift_right_arithmetic3A_179 : vector<16xi32>) : vector<16xi1>, vector<16xi32>
        %gather3A_187 = tpu.vector_load_idx %arg9[%shift_right_arithmetic3A_179] : memref<2048xi32, #tpu.memory_space<vmem>>[vector<16xi32>], vector<16xi32>,
        %add3A_188 = arith.addi %gather3A_187, %unique3A_186 : vector<16xi32>
        %sub3A_189 = arith.constant 1 : i32
        %sub3A_190 = vector.broadcast %sub3A_189 : i32 to vector<16xi32>
        %sub3A_191 = arith.subi %add3A_188, %sub3A_190 : vector<16xi32>
        tpu.vector_store_idx %arg7[%sub3A_191], %and3A_182 : memref<32768xi32, #tpu.memory_space<vmem>>[vector<16xi32>], vector<16xi32>,
        tpu.vector_store_idx %arg9[%shift_right_arithmetic3A_179], %unique3A_186 masked %unique3A_185 {add = true} : memref<2048xi32, #tpu.memory_space<vmem>>[vector<16xi32>], vector<16xi32>, vector<16xi1>
        %add3A_192 = arith.constant 512 : i32
        %add3A_193 = arith.addi %add3A_192, %scan3A_169 : i32
        %mul3A_194 = arith.constant 16 : i32
        %mul3A_195 = arith.muli %add3A_193, %mul3A_194 : i32
        %get3A_196 = arith.index_cast %mul3A_195 : i32 to index
        %get3A_197 = tpu.vector_load %arg8[%get3A_196] {strides = array<i32>} : memref<32768xf32, #tpu.memory_space<vmem>>, vector<16xf32>,
        %bitcast3A_198 = vector.bitcast %get3A_197 : vector<16xf32> to vector<16xi32>
        %shift_right_arithmetic3A_199 = arith.constant 15 : i32
        %shift_right_arithmetic3A_200 = vector.broadcast %shift_right_arithmetic3A_199 : i32 to vector<16xi32>
        %shift_right_arithmetic3A_201 = arith.shrsi %bitcast3A_198, %shift_right_arithmetic3A_200 : vector<16xi32>
        %and3A_202 = arith.constant 32767 : i32
        %and3A_203 = vector.broadcast %and3A_202 : i32 to vector<16xi32>
        %and3A_204 = arith.andi %bitcast3A_198, %and3A_203 : vector<16xi32>
        %broadcast_in_dim3A_205 = arith.constant true
        %broadcast_in_dim3A_206 = vector.broadcast %broadcast_in_dim3A_205 : i1 to vector<16xi1>
        %unique3A_207, %unique3A_208 = tpu.scan_count mask(%broadcast_in_dim3A_206 : vector<16xi1>) value(%shift_right_arithmetic3A_201 : vector<16xi32>) : vector<16xi1>, vector<16xi32>
        %gather3A_209 = tpu.vector_load_idx %arg10[%shift_right_arithmetic3A_201] : memref<2048xi32, #tpu.memory_space<vmem>>[vector<16xi32>], vector<16xi32>,
        %add3A_210 = arith.addi %gather3A_209, %unique3A_208 : vector<16xi32>
        %sub3A_211 = arith.constant 1 : i32
        %sub3A_212 = vector.broadcast %sub3A_211 : i32 to vector<16xi32>
        %sub3A_213 = arith.subi %add3A_210, %sub3A_212 : vector<16xi32>
        tpu.vector_store_idx %arg7[%sub3A_213], %and3A_204 : memref<32768xi32, #tpu.memory_space<vmem>>[vector<16xi32>], vector<16xi32>,
        tpu.vector_store_idx %arg10[%shift_right_arithmetic3A_201], %unique3A_208 masked %unique3A_207 {add = true} : memref<2048xi32, #tpu.memory_space<vmem>>[vector<16xi32>], vector<16xi32>, vector<16xi1>
        %add3A_214 = arith.constant 1024 : i32
        %add3A_215 = arith.addi %add3A_214, %scan3A_169 : i32
        %mul3A_216 = arith.constant 16 : i32
        %mul3A_217 = arith.muli %add3A_215, %mul3A_216 : i32
        %get3A_218 = arith.index_cast %mul3A_217 : i32 to index
        %get3A_219 = tpu.vector_load %arg8[%get3A_218] {strides = array<i32>} : memref<32768xf32, #tpu.memory_space<vmem>>, vector<16xf32>,
        %bitcast3A_220 = vector.bitcast %get3A_219 : vector<16xf32> to vector<16xi32>
        %shift_right_arithmetic3A_221 = arith.constant 15 : i32
        %shift_right_arithmetic3A_222 = vector.broadcast %shift_right_arithmetic3A_221 : i32 to vector<16xi32>
        %shift_right_arithmetic3A_223 = arith.shrsi %bitcast3A_220, %shift_right_arithmetic3A_222 : vector<16xi32>
        %and3A_224 = arith.constant 32767 : i32
        %and3A_225 = vector.broadcast %and3A_224 : i32 to vector<16xi32>
        %and3A_226 = arith.andi %bitcast3A_220, %and3A_225 : vector<16xi32>
        %broadcast_in_dim3A_227 = arith.constant true
        %broadcast_in_dim3A_228 = vector.broadcast %broadcast_in_dim3A_227 : i1 to vector<16xi1>
        %unique3A_229, %unique3A_230 = tpu.scan_count mask(%broadcast_in_dim3A_228 : vector<16xi1>) value(%shift_right_arithmetic3A_223 : vector<16xi32>) : vector<16xi1>, vector<16xi32>
        %gather3A_231 = tpu.vector_load_idx %arg11[%shift_right_arithmetic3A_223] : memref<2048xi32, #tpu.memory_space<vmem>>[vector<16xi32>], vector<16xi32>,
        %add3A_232 = arith.addi %gather3A_231, %unique3A_230 : vector<16xi32>
        %sub3A_233 = arith.constant 1 : i32
        %sub3A_234 = vector.broadcast %sub3A_233 : i32 to vector<16xi32>
        %sub3A_235 = arith.subi %add3A_232, %sub3A_234 : vector<16xi32>
        tpu.vector_store_idx %arg7[%sub3A_235], %and3A_226 : memref<32768xi32, #tpu.memory_space<vmem>>[vector<16xi32>], vector<16xi32>,
        tpu.vector_store_idx %arg11[%shift_right_arithmetic3A_223], %unique3A_230 masked %unique3A_229 {add = true} : memref<2048xi32, #tpu.memory_space<vmem>>[vector<16xi32>], vector<16xi32>, vector<16xi1>
        %add3A_236 = arith.constant 1536 : i32
        %add3A_237 = arith.addi %add3A_236, %scan3A_169 : i32
        %mul3A_238 = arith.constant 16 : i32
        %mul3A_239 = arith.muli %add3A_237, %mul3A_238 : i32
        %get3A_240 = arith.index_cast %mul3A_239 : i32 to index
        %get3A_241 = tpu.vector_load %arg8[%get3A_240] {strides = array<i32>} : memref<32768xf32, #tpu.memory_space<vmem>>, vector<16xf32>,
        %bitcast3A_242 = vector.bitcast %get3A_241 : vector<16xf32> to vector<16xi32>
        %shift_right_arithmetic3A_243 = arith.constant 15 : i32
        %shift_right_arithmetic3A_244 = vector.broadcast %shift_right_arithmetic3A_243 : i32 to vector<16xi32>
        %shift_right_arithmetic3A_245 = arith.shrsi %bitcast3A_242, %shift_right_arithmetic3A_244 : vector<16xi32>
        %and3A_246 = arith.constant 32767 : i32
        %and3A_247 = vector.broadcast %and3A_246 : i32 to vector<16xi32>
        %and3A_248 = arith.andi %bitcast3A_242, %and3A_247 : vector<16xi32>
        %broadcast_in_dim3A_249 = arith.constant true
        %broadcast_in_dim3A_250 = vector.broadcast %broadcast_in_dim3A_249 : i1 to vector<16xi1>
        %unique3A_251, %unique3A_252 = tpu.scan_count mask(%broadcast_in_dim3A_250 : vector<16xi1>) value(%shift_right_arithmetic3A_245 : vector<16xi32>) : vector<16xi1>, vector<16xi32>
        %gather3A_253 = tpu.vector_load_idx %arg12[%shift_right_arithmetic3A_245] : memref<2048xi32, #tpu.memory_space<vmem>>[vector<16xi32>], vector<16xi32>,
        %add3A_254 = arith.addi %gather3A_253, %unique3A_252 : vector<16xi32>
        %sub3A_255 = arith.constant 1 : i32
        %sub3A_256 = vector.broadcast %sub3A_255 : i32 to vector<16xi32>
        %sub3A_257 = arith.subi %add3A_254, %sub3A_256 : vector<16xi32>
        tpu.vector_store_idx %arg7[%sub3A_257], %and3A_248 : memref<32768xi32, #tpu.memory_space<vmem>>[vector<16xi32>], vector<16xi32>,
        tpu.vector_store_idx %arg12[%shift_right_arithmetic3A_245], %unique3A_252 masked %unique3A_251 {add = true} : memref<2048xi32, #tpu.memory_space<vmem>>[vector<16xi32>], vector<16xi32>, vector<16xi1>
        %scan3A_258 = arith.constant 0 : i32
        %scan3A_259 = arith.constant 2 : i32
        %scan3A_260 = arith.addi %scan3A_83, %scan3A_259 : i32
        %add3A_261 = arith.constant 0 : i32
        %add3A_262 = arith.addi %add3A_261, %scan3A_260 : i32
        %mul3A_263 = arith.constant 16 : i32
        %mul3A_264 = arith.muli %add3A_262, %mul3A_263 : i32
        %get3A_265 = arith.index_cast %mul3A_264 : i32 to index
        %get3A_266 = tpu.vector_load %arg8[%get3A_265] {strides = array<i32>} : memref<32768xf32, #tpu.memory_space<vmem>>, vector<16xf32>,
        %bitcast3A_267 = vector.bitcast %get3A_266 : vector<16xf32> to vector<16xi32>
        %shift_right_arithmetic3A_268 = arith.constant 15 : i32
        %shift_right_arithmetic3A_269 = vector.broadcast %shift_right_arithmetic3A_268 : i32 to vector<16xi32>
        %shift_right_arithmetic3A_270 = arith.shrsi %bitcast3A_267, %shift_right_arithmetic3A_269 : vector<16xi32>
        %and3A_271 = arith.constant 32767 : i32
        %and3A_272 = vector.broadcast %and3A_271 : i32 to vector<16xi32>
        %and3A_273 = arith.andi %bitcast3A_267, %and3A_272 : vector<16xi32>
        %broadcast_in_dim3A_274 = arith.constant true
        %broadcast_in_dim3A_275 = vector.broadcast %broadcast_in_dim3A_274 : i1 to vector<16xi1>
        %unique3A_276, %unique3A_277 = tpu.scan_count mask(%broadcast_in_dim3A_275 : vector<16xi1>) value(%shift_right_arithmetic3A_270 : vector<16xi32>) : vector<16xi1>, vector<16xi32>
        %gather3A_278 = tpu.vector_load_idx %arg9[%shift_right_arithmetic3A_270] : memref<2048xi32, #tpu.memory_space<vmem>>[vector<16xi32>], vector<16xi32>,
        %add3A_279 = arith.addi %gather3A_278, %unique3A_277 : vector<16xi32>
        %sub3A_280 = arith.constant 1 : i32
        %sub3A_281 = vector.broadcast %sub3A_280 : i32 to vector<16xi32>
        %sub3A_282 = arith.subi %add3A_279, %sub3A_281 : vector<16xi32>
        tpu.vector_store_idx %arg7[%sub3A_282], %and3A_273 : memref<32768xi32, #tpu.memory_space<vmem>>[vector<16xi32>], vector<16xi32>,
        tpu.vector_store_idx %arg9[%shift_right_arithmetic3A_270], %unique3A_277 masked %unique3A_276 {add = true} : memref<2048xi32, #tpu.memory_space<vmem>>[vector<16xi32>], vector<16xi32>, vector<16xi1>
        %add3A_283 = arith.constant 512 : i32
        %add3A_284 = arith.addi %add3A_283, %scan3A_260 : i32
        %mul3A_285 = arith.constant 16 : i32
        %mul3A_286 = arith.muli %add3A_284, %mul3A_285 : i32
        %get3A_287 = arith.index_cast %mul3A_286 : i32 to index
        %get3A_288 = tpu.vector_load %arg8[%get3A_287] {strides = array<i32>} : memref<32768xf32, #tpu.memory_space<vmem>>, vector<16xf32>,
        %bitcast3A_289 = vector.bitcast %get3A_288 : vector<16xf32> to vector<16xi32>
        %shift_right_arithmetic3A_290 = arith.constant 15 : i32
        %shift_right_arithmetic3A_291 = vector.broadcast %shift_right_arithmetic3A_290 : i32 to vector<16xi32>
        %shift_right_arithmetic3A_292 = arith.shrsi %bitcast3A_289, %shift_right_arithmetic3A_291 : vector<16xi32>
        %and3A_293 = arith.constant 32767 : i32
        %and3A_294 = vector.broadcast %and3A_293 : i32 to vector<16xi32>
        %and3A_295 = arith.andi %bitcast3A_289, %and3A_294 : vector<16xi32>
        %broadcast_in_dim3A_296 = arith.constant true
        %broadcast_in_dim3A_297 = vector.broadcast %broadcast_in_dim3A_296 : i1 to vector<16xi1>
        %unique3A_298, %unique3A_299 = tpu.scan_count mask(%broadcast_in_dim3A_297 : vector<16xi1>) value(%shift_right_arithmetic3A_292 : vector<16xi32>) : vector<16xi1>, vector<16xi32>
        %gather3A_300 = tpu.vector_load_idx %arg10[%shift_right_arithmetic3A_292] : memref<2048xi32, #tpu.memory_space<vmem>>[vector<16xi32>], vector<16xi32>,
        %add3A_301 = arith.addi %gather3A_300, %unique3A_299 : vector<16xi32>
        %sub3A_302 = arith.constant 1 : i32
        %sub3A_303 = vector.broadcast %sub3A_302 : i32 to vector<16xi32>
        %sub3A_304 = arith.subi %add3A_301, %sub3A_303 : vector<16xi32>
        tpu.vector_store_idx %arg7[%sub3A_304], %and3A_295 : memref<32768xi32, #tpu.memory_space<vmem>>[vector<16xi32>], vector<16xi32>,
        tpu.vector_store_idx %arg10[%shift_right_arithmetic3A_292], %unique3A_299 masked %unique3A_298 {add = true} : memref<2048xi32, #tpu.memory_space<vmem>>[vector<16xi32>], vector<16xi32>, vector<16xi1>
        %add3A_305 = arith.constant 1024 : i32
        %add3A_306 = arith.addi %add3A_305, %scan3A_260 : i32
        %mul3A_307 = arith.constant 16 : i32
        %mul3A_308 = arith.muli %add3A_306, %mul3A_307 : i32
        %get3A_309 = arith.index_cast %mul3A_308 : i32 to index
        %get3A_310 = tpu.vector_load %arg8[%get3A_309] {strides = array<i32>} : memref<32768xf32, #tpu.memory_space<vmem>>, vector<16xf32>,
        %bitcast3A_311 = vector.bitcast %get3A_310 : vector<16xf32> to vector<16xi32>
        %shift_right_arithmetic3A_312 = arith.constant 15 : i32
        %shift_right_arithmetic3A_313 = vector.broadcast %shift_right_arithmetic3A_312 : i32 to vector<16xi32>
        %shift_right_arithmetic3A_314 = arith.shrsi %bitcast3A_311, %shift_right_arithmetic3A_313 : vector<16xi32>
        %and3A_315 = arith.constant 32767 : i32
        %and3A_316 = vector.broadcast %and3A_315 : i32 to vector<16xi32>
        %and3A_317 = arith.andi %bitcast3A_311, %and3A_316 : vector<16xi32>
        %broadcast_in_dim3A_318 = arith.constant true
        %broadcast_in_dim3A_319 = vector.broadcast %broadcast_in_dim3A_318 : i1 to vector<16xi1>
        %unique3A_320, %unique3A_321 = tpu.scan_count mask(%broadcast_in_dim3A_319 : vector<16xi1>) value(%shift_right_arithmetic3A_314 : vector<16xi32>) : vector<16xi1>, vector<16xi32>
        %gather3A_322 = tpu.vector_load_idx %arg11[%shift_right_arithmetic3A_314] : memref<2048xi32, #tpu.memory_space<vmem>>[vector<16xi32>], vector<16xi32>,
        %add3A_323 = arith.addi %gather3A_322, %unique3A_321 : vector<16xi32>
        %sub3A_324 = arith.constant 1 : i32
        %sub3A_325 = vector.broadcast %sub3A_324 : i32 to vector<16xi32>
        %sub3A_326 = arith.subi %add3A_323, %sub3A_325 : vector<16xi32>
        tpu.vector_store_idx %arg7[%sub3A_326], %and3A_317 : memref<32768xi32, #tpu.memory_space<vmem>>[vector<16xi32>], vector<16xi32>,
        tpu.vector_store_idx %arg11[%shift_right_arithmetic3A_314], %unique3A_321 masked %unique3A_320 {add = true} : memref<2048xi32, #tpu.memory_space<vmem>>[vector<16xi32>], vector<16xi32>, vector<16xi1>
        %add3A_327 = arith.constant 1536 : i32
        %add3A_328 = arith.addi %add3A_327, %scan3A_260 : i32
        %mul3A_329 = arith.constant 16 : i32
        %mul3A_330 = arith.muli %add3A_328, %mul3A_329 : i32
        %get3A_331 = arith.index_cast %mul3A_330 : i32 to index
        %get3A_332 = tpu.vector_load %arg8[%get3A_331] {strides = array<i32>} : memref<32768xf32, #tpu.memory_space<vmem>>, vector<16xf32>,
        %bitcast3A_333 = vector.bitcast %get3A_332 : vector<16xf32> to vector<16xi32>
        %shift_right_arithmetic3A_334 = arith.constant 15 : i32
        %shift_right_arithmetic3A_335 = vector.broadcast %shift_right_arithmetic3A_334 : i32 to vector<16xi32>
        %shift_right_arithmetic3A_336 = arith.shrsi %bitcast3A_333, %shift_right_arithmetic3A_335 : vector<16xi32>
        %and3A_337 = arith.constant 32767 : i32
        %and3A_338 = vector.broadcast %and3A_337 : i32 to vector<16xi32>
        %and3A_339 = arith.andi %bitcast3A_333, %and3A_338 : vector<16xi32>
        %broadcast_in_dim3A_340 = arith.constant true
        %broadcast_in_dim3A_341 = vector.broadcast %broadcast_in_dim3A_340 : i1 to vector<16xi1>
        %unique3A_342, %unique3A_343 = tpu.scan_count mask(%broadcast_in_dim3A_341 : vector<16xi1>) value(%shift_right_arithmetic3A_336 : vector<16xi32>) : vector<16xi1>, vector<16xi32>
        %gather3A_344 = tpu.vector_load_idx %arg12[%shift_right_arithmetic3A_336] : memref<2048xi32, #tpu.memory_space<vmem>>[vector<16xi32>], vector<16xi32>,
        %add3A_345 = arith.addi %gather3A_344, %unique3A_343 : vector<16xi32>
        %sub3A_346 = arith.constant 1 : i32
        %sub3A_347 = vector.broadcast %sub3A_346 : i32 to vector<16xi32>
        %sub3A_348 = arith.subi %add3A_345, %sub3A_347 : vector<16xi32>
        tpu.vector_store_idx %arg7[%sub3A_348], %and3A_339 : memref<32768xi32, #tpu.memory_space<vmem>>[vector<16xi32>], vector<16xi32>,
        tpu.vector_store_idx %arg12[%shift_right_arithmetic3A_336], %unique3A_343 masked %unique3A_342 {add = true} : memref<2048xi32, #tpu.memory_space<vmem>>[vector<16xi32>], vector<16xi32>, vector<16xi1>
        %scan3A_349 = arith.constant 0 : i32
        %scan3A_350 = arith.constant 3 : i32
        %scan3A_351 = arith.addi %scan3A_83, %scan3A_350 : i32
        %add3A_352 = arith.constant 0 : i32
        %add3A_353 = arith.addi %add3A_352, %scan3A_351 : i32
        %mul3A_354 = arith.constant 16 : i32
        %mul3A_355 = arith.muli %add3A_353, %mul3A_354 : i32
        %get3A_356 = arith.index_cast %mul3A_355 : i32 to index
        %get3A_357 = tpu.vector_load %arg8[%get3A_356] {strides = array<i32>} : memref<32768xf32, #tpu.memory_space<vmem>>, vector<16xf32>,
        %bitcast3A_358 = vector.bitcast %get3A_357 : vector<16xf32> to vector<16xi32>
        %shift_right_arithmetic3A_359 = arith.constant 15 : i32
        %shift_right_arithmetic3A_360 = vector.broadcast %shift_right_arithmetic3A_359 : i32 to vector<16xi32>
        %shift_right_arithmetic3A_361 = arith.shrsi %bitcast3A_358, %shift_right_arithmetic3A_360 : vector<16xi32>
        %and3A_362 = arith.constant 32767 : i32
        %and3A_363 = vector.broadcast %and3A_362 : i32 to vector<16xi32>
        %and3A_364 = arith.andi %bitcast3A_358, %and3A_363 : vector<16xi32>
        %broadcast_in_dim3A_365 = arith.constant true
        %broadcast_in_dim3A_366 = vector.broadcast %broadcast_in_dim3A_365 : i1 to vector<16xi1>
        %unique3A_367, %unique3A_368 = tpu.scan_count mask(%broadcast_in_dim3A_366 : vector<16xi1>) value(%shift_right_arithmetic3A_361 : vector<16xi32>) : vector<16xi1>, vector<16xi32>
        %gather3A_369 = tpu.vector_load_idx %arg9[%shift_right_arithmetic3A_361] : memref<2048xi32, #tpu.memory_space<vmem>>[vector<16xi32>], vector<16xi32>,
        %add3A_370 = arith.addi %gather3A_369, %unique3A_368 : vector<16xi32>
        %sub3A_371 = arith.constant 1 : i32
        %sub3A_372 = vector.broadcast %sub3A_371 : i32 to vector<16xi32>
        %sub3A_373 = arith.subi %add3A_370, %sub3A_372 : vector<16xi32>
        tpu.vector_store_idx %arg7[%sub3A_373], %and3A_364 : memref<32768xi32, #tpu.memory_space<vmem>>[vector<16xi32>], vector<16xi32>,
        tpu.vector_store_idx %arg9[%shift_right_arithmetic3A_361], %unique3A_368 masked %unique3A_367 {add = true} : memref<2048xi32, #tpu.memory_space<vmem>>[vector<16xi32>], vector<16xi32>, vector<16xi1>
        %add3A_374 = arith.constant 512 : i32
        %add3A_375 = arith.addi %add3A_374, %scan3A_351 : i32
        %mul3A_376 = arith.constant 16 : i32
        %mul3A_377 = arith.muli %add3A_375, %mul3A_376 : i32
        %get3A_378 = arith.index_cast %mul3A_377 : i32 to index
        %get3A_379 = tpu.vector_load %arg8[%get3A_378] {strides = array<i32>} : memref<32768xf32, #tpu.memory_space<vmem>>, vector<16xf32>,
        %bitcast3A_380 = vector.bitcast %get3A_379 : vector<16xf32> to vector<16xi32>
        %shift_right_arithmetic3A_381 = arith.constant 15 : i32
        %shift_right_arithmetic3A_382 = vector.broadcast %shift_right_arithmetic3A_381 : i32 to vector<16xi32>
        %shift_right_arithmetic3A_383 = arith.shrsi %bitcast3A_380, %shift_right_arithmetic3A_382 : vector<16xi32>
        %and3A_384 = arith.constant 32767 : i32
        %and3A_385 = vector.broadcast %and3A_384 : i32 to vector<16xi32>
        %and3A_386 = arith.andi %bitcast3A_380, %and3A_385 : vector<16xi32>
        %broadcast_in_dim3A_387 = arith.constant true
        %broadcast_in_dim3A_388 = vector.broadcast %broadcast_in_dim3A_387 : i1 to vector<16xi1>
        %unique3A_389, %unique3A_390 = tpu.scan_count mask(%broadcast_in_dim3A_388 : vector<16xi1>) value(%shift_right_arithmetic3A_383 : vector<16xi32>) : vector<16xi1>, vector<16xi32>
        %gather3A_391 = tpu.vector_load_idx %arg10[%shift_right_arithmetic3A_383] : memref<2048xi32, #tpu.memory_space<vmem>>[vector<16xi32>], vector<16xi32>,
        %add3A_392 = arith.addi %gather3A_391, %unique3A_390 : vector<16xi32>
        %sub3A_393 = arith.constant 1 : i32
        %sub3A_394 = vector.broadcast %sub3A_393 : i32 to vector<16xi32>
        %sub3A_395 = arith.subi %add3A_392, %sub3A_394 : vector<16xi32>
        tpu.vector_store_idx %arg7[%sub3A_395], %and3A_386 : memref<32768xi32, #tpu.memory_space<vmem>>[vector<16xi32>], vector<16xi32>,
        tpu.vector_store_idx %arg10[%shift_right_arithmetic3A_383], %unique3A_390 masked %unique3A_389 {add = true} : memref<2048xi32, #tpu.memory_space<vmem>>[vector<16xi32>], vector<16xi32>, vector<16xi1>
        %add3A_396 = arith.constant 1024 : i32
        %add3A_397 = arith.addi %add3A_396, %scan3A_351 : i32
        %mul3A_398 = arith.constant 16 : i32
        %mul3A_399 = arith.muli %add3A_397, %mul3A_398 : i32
        %get3A_400 = arith.index_cast %mul3A_399 : i32 to index
        %get3A_401 = tpu.vector_load %arg8[%get3A_400] {strides = array<i32>} : memref<32768xf32, #tpu.memory_space<vmem>>, vector<16xf32>,
        %bitcast3A_402 = vector.bitcast %get3A_401 : vector<16xf32> to vector<16xi32>
        %shift_right_arithmetic3A_403 = arith.constant 15 : i32
        %shift_right_arithmetic3A_404 = vector.broadcast %shift_right_arithmetic3A_403 : i32 to vector<16xi32>
        %shift_right_arithmetic3A_405 = arith.shrsi %bitcast3A_402, %shift_right_arithmetic3A_404 : vector<16xi32>
        %and3A_406 = arith.constant 32767 : i32
        %and3A_407 = vector.broadcast %and3A_406 : i32 to vector<16xi32>
        %and3A_408 = arith.andi %bitcast3A_402, %and3A_407 : vector<16xi32>
        %broadcast_in_dim3A_409 = arith.constant true
        %broadcast_in_dim3A_410 = vector.broadcast %broadcast_in_dim3A_409 : i1 to vector<16xi1>
        %unique3A_411, %unique3A_412 = tpu.scan_count mask(%broadcast_in_dim3A_410 : vector<16xi1>) value(%shift_right_arithmetic3A_405 : vector<16xi32>) : vector<16xi1>, vector<16xi32>
        %gather3A_413 = tpu.vector_load_idx %arg11[%shift_right_arithmetic3A_405] : memref<2048xi32, #tpu.memory_space<vmem>>[vector<16xi32>], vector<16xi32>,
        %add3A_414 = arith.addi %gather3A_413, %unique3A_412 : vector<16xi32>
        %sub3A_415 = arith.constant 1 : i32
        %sub3A_416 = vector.broadcast %sub3A_415 : i32 to vector<16xi32>
        %sub3A_417 = arith.subi %add3A_414, %sub3A_416 : vector<16xi32>
        tpu.vector_store_idx %arg7[%sub3A_417], %and3A_408 : memref<32768xi32, #tpu.memory_space<vmem>>[vector<16xi32>], vector<16xi32>,
        tpu.vector_store_idx %arg11[%shift_right_arithmetic3A_405], %unique3A_412 masked %unique3A_411 {add = true} : memref<2048xi32, #tpu.memory_space<vmem>>[vector<16xi32>], vector<16xi32>, vector<16xi1>
        %add3A_418 = arith.constant 1536 : i32
        %add3A_419 = arith.addi %add3A_418, %scan3A_351 : i32
        %mul3A_420 = arith.constant 16 : i32
        %mul3A_421 = arith.muli %add3A_419, %mul3A_420 : i32
        %get3A_422 = arith.index_cast %mul3A_421 : i32 to index
        %get3A_423 = tpu.vector_load %arg8[%get3A_422] {strides = array<i32>} : memref<32768xf32, #tpu.memory_space<vmem>>, vector<16xf32>,
        %bitcast3A_424 = vector.bitcast %get3A_423 : vector<16xf32> to vector<16xi32>
        %shift_right_arithmetic3A_425 = arith.constant 15 : i32
        %shift_right_arithmetic3A_426 = vector.broadcast %shift_right_arithmetic3A_425 : i32 to vector<16xi32>
        %shift_right_arithmetic3A_427 = arith.shrsi %bitcast3A_424, %shift_right_arithmetic3A_426 : vector<16xi32>
        %and3A_428 = arith.constant 32767 : i32
        %and3A_429 = vector.broadcast %and3A_428 : i32 to vector<16xi32>
        %and3A_430 = arith.andi %bitcast3A_424, %and3A_429 : vector<16xi32>
        %broadcast_in_dim3A_431 = arith.constant true
        %broadcast_in_dim3A_432 = vector.broadcast %broadcast_in_dim3A_431 : i1 to vector<16xi1>
        %unique3A_433, %unique3A_434 = tpu.scan_count mask(%broadcast_in_dim3A_432 : vector<16xi1>) value(%shift_right_arithmetic3A_427 : vector<16xi32>) : vector<16xi1>, vector<16xi32>
        %gather3A_435 = tpu.vector_load_idx %arg12[%shift_right_arithmetic3A_427] : memref<2048xi32, #tpu.memory_space<vmem>>[vector<16xi32>], vector<16xi32>,
        %add3A_436 = arith.addi %gather3A_435, %unique3A_434 : vector<16xi32>
        %sub3A_437 = arith.constant 1 : i32
        %sub3A_438 = vector.broadcast %sub3A_437 : i32 to vector<16xi32>
        %sub3A_439 = arith.subi %add3A_436, %sub3A_438 : vector<16xi32>
        tpu.vector_store_idx %arg7[%sub3A_439], %and3A_430 : memref<32768xi32, #tpu.memory_space<vmem>>[vector<16xi32>], vector<16xi32>,
        tpu.vector_store_idx %arg12[%shift_right_arithmetic3A_427], %unique3A_434 masked %unique3A_433 {add = true} : memref<2048xi32, #tpu.memory_space<vmem>>[vector<16xi32>], vector<16xi32>, vector<16xi1>
        %scan3A_440 = arith.constant 0 : i32
        scf.yield %scan3A_440 : i32
      }
      %scan3A_78 = arith.constant 512 : i32
      "tpu.region"() ({
        %run_scoped3A = tpu.sem_alloc : memref<!tpu.dma_semaphore, #tpu.memory_space<semaphore_mem>>
        %dma_start3A = tpu.memref_slice %arg5[%mul3A_19] : memref<4194304xi32, #tpu.memory_space<hbm>> -> memref<32768xi32, #tpu.memory_space<hbm>>
        %dma_start3A_83 = tpu.memref_slice %arg5[%mul3A_19] : memref<4194304xi32, #tpu.memory_space<hbm>> -> memref<32768xi32, #tpu.memory_space<hbm>>
        tpu.enqueue_dma source(%arg7 : memref<32768xi32, #tpu.memory_space<vmem>>) target(%dma_start3A_83 : memref<32768xi32, #tpu.memory_space<hbm>>) target_semaphore(%run_scoped3A : memref<!tpu.dma_semaphore, #tpu.memory_space<semaphore_mem>>)
        %dma_wait3A = tpu.memref_slice %arg5[%mul3A_19] : memref<4194304xi32, #tpu.memory_space<hbm>> -> memref<32768xi32, #tpu.memory_space<hbm>>
        %dma_wait3A_84 = tpu.memref_slice %arg5[%mul3A_19] : memref<4194304xi32, #tpu.memory_space<hbm>> -> memref<32768xi32, #tpu.memory_space<hbm>>
        tpu.wait_dma2 semaphore(%run_scoped3A : memref<!tpu.dma_semaphore, #tpu.memory_space<semaphore_mem>>) src(%arg7 : memref<32768xi32, #tpu.memory_space<vmem>>) dst(%dma_wait3A_84 : memref<32768xi32, #tpu.memory_space<hbm>>)
        tpu.yield
      }) : () -> ()
      %parallel_loop3A_79 = arith.constant 0 : i32
      %parallel_loop3A_80 = arith.constant 2048 : i32
      %parallel_loop3A_81 = arith.constant 1 : i32
      scf.for %parallel_loop3A_83 = %parallel_loop3A_79 to %parallel_loop3A_80 step %parallel_loop3A_81  : i32 {
        %parallel_loop3A_84 = arith.constant 16 : i32
        %parallel_loop3A_85 = arith.muli %parallel_loop3A_83, %parallel_loop3A_84 : i32
        %parallel_loop3A_86 = arith.index_cast %parallel_loop3A_85 : i32 to index
        %parallel_loop3A_87 = tpu.vector_load %arg7[%parallel_loop3A_86] {strides = array<i32>} : memref<32768xi32, #tpu.memory_space<vmem>>, vector<16xi32>,
        %parallel_loop3A_88 = tpu.vector_load_idx %arg6[%parallel_loop3A_87] : memref<32768xf32, #tpu.memory_space<vmem>>[vector<16xi32>], vector<16xf32>,
        %parallel_loop3A_89 = vector.bitcast %parallel_loop3A_88 : vector<16xf32> to vector<16xi32>
        %parallel_loop3A_90 = arith.xori %parallel_loop3A_89, %select_n3A : vector<16xi32>
        %parallel_loop3A_91 = arith.constant 31 : i32
        %parallel_loop3A_92 = vector.broadcast %parallel_loop3A_91 : i32 to vector<16xi32>
        %parallel_loop3A_93 = arith.shrsi %parallel_loop3A_90, %parallel_loop3A_92 : vector<16xi32>
        %parallel_loop3A_94 = arith.constant dense<-1> : vector<16xi32>
        %parallel_loop3A_95 = arith.xori %parallel_loop3A_93, %parallel_loop3A_94 : vector<16xi32>
        %parallel_loop3A_96 = arith.constant -2147483648 : i32
        %parallel_loop3A_97 = vector.broadcast %parallel_loop3A_96 : i32 to vector<16xi32>
        %parallel_loop3A_98 = arith.ori %parallel_loop3A_95, %parallel_loop3A_97 : vector<16xi32>
        %parallel_loop3A_99 = arith.xori %parallel_loop3A_90, %parallel_loop3A_98 : vector<16xi32>
        %parallel_loop3A_100 = vector.bitcast %parallel_loop3A_99 : vector<16xi32> to vector<16xf32>
        %parallel_loop3A_101 = arith.constant 16 : i32
        %parallel_loop3A_102 = arith.muli %parallel_loop3A_83, %parallel_loop3A_101 : i32
        %parallel_loop3A_103 = arith.index_cast %parallel_loop3A_102 : i32 to index
        %parallel_loop3A_104 = tpu.vector_load %arg8[%parallel_loop3A_103] {strides = array<i32>} : memref<32768xf32, #tpu.memory_space<vmem>>, vector<16xf32>,
        tpu.vector_store %arg8[%parallel_loop3A_103], %parallel_loop3A_100 {strides = array<i32>} : memref<32768xf32, #tpu.memory_space<vmem>>, vector<16xf32>,
      } {sc.loop_unroll_factor = 4 : i64, sc.parallel_access}
      "tpu.region"() ({
        %run_scoped3A = tpu.sem_alloc : memref<!tpu.dma_semaphore, #tpu.memory_space<semaphore_mem>>
        %dma_start3A = tpu.memref_slice %arg4[%mul3A_19] : memref<4194304xf32, #tpu.memory_space<hbm>> -> memref<32768xf32, #tpu.memory_space<hbm>>
        %dma_start3A_83 = tpu.memref_slice %arg4[%mul3A_19] : memref<4194304xf32, #tpu.memory_space<hbm>> -> memref<32768xf32, #tpu.memory_space<hbm>>
        tpu.enqueue_dma source(%arg8 : memref<32768xf32, #tpu.memory_space<vmem>>) target(%dma_start3A_83 : memref<32768xf32, #tpu.memory_space<hbm>>) target_semaphore(%run_scoped3A : memref<!tpu.dma_semaphore, #tpu.memory_space<semaphore_mem>>)
        %dma_wait3A = tpu.memref_slice %arg4[%mul3A_19] : memref<4194304xf32, #tpu.memory_space<hbm>> -> memref<32768xf32, #tpu.memory_space<hbm>>
        %dma_wait3A_84 = tpu.memref_slice %arg4[%mul3A_19] : memref<4194304xf32, #tpu.memory_space<hbm>> -> memref<32768xf32, #tpu.memory_space<hbm>>
        tpu.wait_dma2 semaphore(%run_scoped3A : memref<!tpu.dma_semaphore, #tpu.memory_space<semaphore_mem>>) src(%arg8 : memref<32768xf32, #tpu.memory_space<vmem>>) dst(%dma_wait3A_84 : memref<32768xf32, #tpu.memory_space<hbm>>)
        tpu.yield
      }) : () -> ()
      %scan3A_82 = arith.constant 0 : i32
      scf.yield %scan3A_82 : i32
    }
    %scan3A_12 = arith.constant 4 : i32
    return
  }
}

</mosaic_0001>

<sc_bundles>
// kernel: _sc_sort.3.cloned.1.call-start
scs
__scs_entry_jumppad:
0x0: {  	(pc) =	sbr.rel $0x88, $3  }
0x1: {  	(tag) =	ssettag $0x0;
	lr =	simm.s32 $0x1  }
0x2: {  	[smem:$0x3F9F] =	sst lr;
	_ =	strace $0xD0000000  }
0x3: {  	_ = 	snop  }
0x4: {  	_ = 	snop  }
0x5: {  	_ = 	snop  }
0x6: {  	_ = 	snop  }
0x7: {  	_ = 	snop  }
__scs_overlays_trampoline_lowered:
0x8: {  	[smem:$0x3FAE] =	sst s0  }
0x9: {  	[smem:$0x3FAF] =	sst s1  }
0xa: {  	[smem:$0x3FB0] =	sst s2  }
0xb: {  	[smem:$0x3FB1] =	sst s3  }
0xc: {  	[smem:$0x3FB2] =	sst s4  }
0xd: {  	[smem:$0x3FB3] =	sst s5  }
0xe: {  	[smem:$0x3FB4] =	sst s6  }
0xf: {  	[smem:$0x3FB5] =	sst s7  }
0x10: {  	[smem:$0x3FB6] =	sst s8  }
0x11: {  	[smem:$0x3FB7] =	sst s9;
	s0 =	simm.s32 @!p0 $0x0  }
0x12: {  	s1 =	sld [smem:$0x3F9D];
	s0 =	simm.s32 @p0 $0x1  }
0x13: {  	[smem:$0x3FB8] =	sst s0;
	s0 =	simm.s32 @!p1 $0x0  }
0x14: {  	s2 =	sld [smem:$0x3F9C];
	s0 =	simm.s32 @p1 $0x1  }
0x15: {  	[smem:$0x3FB9] =	sst s0;
	s0 =	simm.s32 @!p2 $0x0  }
0x16: {  	s3 =	sld [smem:$0x3FDB];
	s0 =	simm.s32 @p2 $0x1  }
0x17: {  	s4 =	simm.s32 $0x1BF5;
	[smem:$0x3FBB] =	sst s0  }
0x18: {  	s0 =	sld [smem:$0x3F9E];
	_ =	swait.ge [sflag:s4], $0x0  }
0x19: {  	s7 =	sld [smem:$0x3F9F]  }
0x1a: {  	s8 =	sadd.s32 $0xFFFFE003, lr  }
0x1b: {  	s9 =	sadd.s32 $0xFFFFFEF7, lr;
	s5 =	simm.s32 $0xFFFFFFFF;
	p2 =	slt.u32 s8, $0xFFFFF086  }
0x1c: {  	p1 =	slt.u32 s9, $0xF7A;
	s5 =	simm.s32 @!p2 $0x0  }
0x1d: {  	s5 =	simm.s32 @p1 $0x1;
	p0 =	seq.s32 s7, s2  }
0x1e: {  	s7 =	smul.u32 @!p0 $0xF7A, s2;
	p2 =	seq.s32 @!p0 s5, $0x0  }
0x1f: {  	s9 =	smul.u32 $0xF7A, s1;
	s8 =	simm.s32 @!p0 $0x1BF5;
	p2 =	por !p2, p0  }
0x20: {  	[sflag:s8] =	ssyncset.s32 @!p0 $0xFFFFF086;
	s6 =	sadd.s32 @!p0 s3, s7;
	s7 =	simm.s32 @!p0 $0x108  }
0x21: {  	s3 =	sadd.s32 s3, s9;
	s6 =	sadd.s32 @!p0 $0x88, s6;
	s7 =	simm.s32 @p2 $0x1082  }
0x22: {  	[simem:s7], [sflag:s8] =	dma.local @!p0 [hbm:s6], $0xF7A  }
0x23: {  	s9 =	sor.u32 $0xD0000000, s2;
	s6 =	simm.s32 $0x108;
	_ =	swait.ge @!p0 [sflag:s8], $0x0  }
0x24: {  	s3 =	sadd.s32 $0x88, s3;
	s6 =	simm.s32 @!p1 $0x1082;
	[sflag:s4] =	ssyncset.s32 $0xFFFFF086  }
0x25: {  	[simem:s6], [sflag:s4] =	dma.local [hbm:s3], $0xF7A  }
0x26: {  	[smem:$0x3F9F] =	sst s1;
	(tag) =	ssettag s2;
	_ =	strace s9  }
0x27: {  	s1 =	sld [smem:$0x3FAF]  }
0x28: {  	s2 =	sld [smem:$0x3FB0]  }
0x29: {  	s4 =	sld [smem:$0x3FB2]  }
0x2a: {  	p0 =	seq.s32 s5, $0x0;
	s5 =	sld [smem:$0x3FB3]  }
0x2b: {  	s6 =	sld [smem:$0x3FB4]  }
0x2c: {  	s7 =	sld [smem:$0x3FB5]  }
0x2d: {  	s3 =	simm.s32 $0x108;
	s8 =	sld [smem:$0x3FB6]  }
0x2e: {  	s3 =	simm.s32 @!p0 $0x1082;
	s9 =	sld [smem:$0x3FB7]  }
0x2f: {  	lr =	sadd.s32 s0, s3;
	s0 =	sld [smem:$0x3FAE]  }
0x30: {  	s3 =	sld [smem:$0x3FB1]  }
0x31: {  	[smem:$0x3FBA] =	sst s10  }
0x32: {  	s10 =	sld [smem:$0x3FB8];
	_ =	sdelay $0x3  }
0x33: {  	p0 =	seq.s32 s10, $0x1;
	s10 =	sld [smem:$0x3FBA];
	_ =	sdelay $0x3  }
0x34: {  	[smem:$0x3FBA] =	sst s10  }
0x35: {  	s10 =	sld [smem:$0x3FB9];
	_ =	sdelay $0x3  }
0x36: {  	p1 =	seq.s32 s10, $0x1;
	s10 =	sld [smem:$0x3FBA];
	_ =	sdelay $0x3  }
0x37: {  	[smem:$0x3FBA] =	sst s10  }
0x38: {  	s10 =	sld [smem:$0x3FBB]  }
0x39: {  	_ = 	snop;
	(pc) =	sbr.ind lr, $3  }
0x3a: {  	_ = 	snop  }
0x3b: {  	_ = 	snop  }
0x3c: {  	p2 =	seq.s32 s10, $0x1;
	s10 =	sld [smem:$0x3FBA]  }
0x3d: {  	_ =	shalt  }
0x3e: {  	_ =	shalt  }
0x3f: {  	_ =	shalt  }
0x40: {  	_ =	shalt  }
0x41: {  	_ =	shalt  }
0x42: {  	_ =	shalt  }
0x43: {  	_ =	shalt  }
0x44: {  	_ =	shalt  }
0x45: {  	_ =	shalt  }
0x46: {  	_ =	shalt  }
0x47: {  	_ =	shalt  }
0x48: {  	_ =	shalt  }
0x49: {  	_ =	shalt  }
0x4a: {  	_ =	shalt  }
0x4b: {  	_ =	shalt  }
0x4c: {  	_ =	shalt  }
0x4d: {  	_ =	shalt  }
0x4e: {  	_ =	shalt  }
0x4f: {  	_ =	shalt  }
0x50: {  	_ =	shalt  }
0x51: {  	_ =	shalt  }
0x52: {  	_ =	shalt  }
0x53: {  	_ =	shalt  }
0x54: {  	_ =	shalt  }
0x55: {  	_ =	shalt  }
0x56: {  	_ =	shalt  }
0x57: {  	_ =	shalt  }
0x58: {  	_ =	shalt  }
0x59: {  	_ =	shalt  }
0x5a: {  	_ =	shalt  }
0x5b: {  	_ =	shalt  }
0x5c: {  	_ =	shalt  }
0x5d: {  	_ =	shalt  }
0x5e: {  	_ =	shalt  }
0x5f: {  	_ =	shalt  }
0x60: {  	_ =	shalt  }
0x61: {  	_ =	shalt  }
0x62: {  	_ =	shalt  }
0x63: {  	_ =	shalt  }
0x64: {  	_ =	shalt  }
0x65: {  	_ =	shalt  }
0x66: {  	_ =	shalt  }
0x67: {  	_ =	shalt  }
0x68: {  	_ =	shalt  }
0x69: {  	_ =	shalt  }
0x6a: {  	_ =	shalt  }
0x6b: {  	_ =	shalt  }
0x6c: {  	_ =	shalt  }
0x6d: {  	_ =	shalt  }
0x6e: {  	_ =	shalt  }
0x6f: {  	_ =	shalt  }
0x70: {  	_ =	shalt  }
0x71: {  	_ =	shalt  }
0x72: {  	_ =	shalt  }
0x73: {  	_ =	shalt  }
0x74: {  	_ =	shalt  }
0x75: {  	_ =	shalt  }
0x76: {  	_ =	shalt  }
0x77: {  	_ =	shalt  }
0x78: {  	_ =	shalt  }
0x79: {  	_ =	shalt  }
0x7a: {  	_ =	shalt  }
0x7b: {  	_ =	shalt  }
0x7c: {  	_ =	shalt  }
0x7d: {  	_ =	shalt  }
0x7e: {  	_ =	shalt  }
0x7f: {  	_ =	shalt  }
0x80: {  	_ =	shalt  }
0x81: {  	_ =	shalt  }
0x82: {  	_ =	shalt  }
0x83: {  	_ =	shalt  }
0x84: {  	_ =	shalt  }
0x85: {  	_ =	shalt  }
0x86: {  	_ =	shalt  }
0x87: {  	_ =	shalt  }
.Lfunc_end0:
.L_simem_size_0:
called_computation_lowered:
.L_overlay_start_0:
0x88: {  	s2 =	sld [smem:$0x3FD9]  }
0x89: {  	s3 =	sld [smem:$0x3FFE];
	_ =	sdelay $0x1  }
0x8a: {  	s1 =	srdreg.scid  }
0x8b: {  	s0 =	sand.u32 $0x1, s1  }
0x8c: {  	s15 =	sshll.u32 s0, $0xA;
	s2 =	sadd.s32 s3, s2  }
0x8d: {  	s2 =	sadd.s32 s2, s15  }
0x8e: {  	[smem:$0x3FC6] =	sst s2  }
0x8f: {  	_ = 	snop  }
0x90: {  	s2 =	sld [smem:$0x3FD0];
	_ =	sdelay $0x1  }
0x91: {  	s16 =	sld [smem:$0x3FC9]  }
0x92: {  	s5 =	simm.s32 $0xA;
	s6 =	simm.s32 $0x10;
	s4 =	sld [smem:$0x3FC8]  }
0x93: {  	[smem:s6], [sflag:s5] =	dma.local [hbm:s2], $0x1  }
0x94: {  	_ =	swait.eq [sflag:s5], $0x1  }
0x95: {  	[sflag:s5] =	ssyncset.done $0x0  }
0x96: {  	s17 =	sld [smem:$0x10];
	[sflag:s5] =	ssyncadd.s32 $0xFFFFFFFF  }
0x97: {  	s18 =	sld [smem:$0x11];
	(tm) =	ssettm $0x1  }
0x98: {  	s19 =	sld [smem:$0x3FFB];
	_ =	sdelay $0x3  }
0x99: {  	_ =	strace s19  }
0x9a: {  	s6 =	sld [smem:$0x3FFC];
	_ =	sdelay $0x3  }
0x9b: {  	_ =	strace s6  }
0x9c: {  	s6 =	sld [smem:$0x3FFD];
	_ =	sdelay $0x3  }
0x9d: {  	_ =	strace s6  }
0x9e: {  	_ =	strace $0x8FFFFFFF  }
0x9f: {  	s20 =	sld [smem:$0x3FDB];
	_ =	sdelay $0x1  }
0xa0: {  	s7 =	simm.s32 $_scs_section_size  }
0xa1: {  	s8 =	simm.s32 $_size__tile_overlayer_lowered;
	s9 =	simm.s32 $_tile_overlayer_lowered  }
0xa2: {  	s23 =	simm.s32 $0x1BFF;
	s22 =	sshll.u32 s9, $0x1;
	s6 =	sadd.s32 s7, s20  }
0xa3: {  	s10 =	simm.s32 $0x0;
	s21 =	sshll.u32 s8, $0x1;
	s8 =	sadd.s32 s22, s6  }
0xa4: {  	[timem:s10], [sflag:s23] =	dma.local [hbm:s8], s21  }
0xa5: {  	_ =	swait.ge [sflag:s23], s21  }
0xa6: {  	s7 =	ssub.s32 $0x0, s21;
	[sflag:s23] =	ssyncset.done $0x0  }
0xa7: {  	[sflag:s23] =	ssyncadd.s32 s7;
	_ =	sdelay $0x1  }
0xa8: {  	s24 =	simm.s32 $0x1B8B  }
0xa9: {  	_ =	swait.ge [sflag:s24], $0x1  }
0xaa: {  	[sflag:s24] =	ssyncset.done $0x0  }
0xab: {  	s25 =	simm.s32 $0x1B8E;
	[sflag:s24] =	ssyncadd.s32 $0xFFFFFFFF  }
0xac: {  	s26 =	simm.s32 $execute0_lowered;
	[smem:$0x3FD2] =	sst s25  }
0xad: {  	s7 =	sshll.u32 s26, $0x1;
	_ =	strace $0x80000046;
	[dreg:$0x1] =	wrdreg $0xFFFFFFFF  }
0xae: {  	s28 =	simm.s32 $_size_execute0_lowered;
	s6 =	sadd.s32 s6, s7;
	[dreg:$0x0] =	wrdreg $0x0  }
0xaf: {  	s7 =	sshll.u32 s28, $0x1;
	[dreg:$0x2] =	wrdreg s6  }
0xb0: {  	[dreg:$0x3] =	wrdreg s7  }
0xb1: {  	[dreg:$0x4] =	wrdreg $0xC0  }
0xb2: {  	_ =	task [dreg:s10], $0x5FFFF  }
0xb3: {  	[dreg:$0x1] =	wrdreg $0xFFFFFFFF  }
0xb4: {  	[dreg:$0x0] =	wrdreg $0x60  }
0xb5: {  	[dreg:$0x2] =	wrdreg s16  }
0xb6: {  	[dreg:$0x3] =	wrdreg s4  }
0xb7: {  	[dreg:$0x4] =	wrdreg s17  }
0xb8: {  	[dreg:$0x5] =	wrdreg s18  }
0xb9: {  	[dreg:$0x6] =	wrdreg $0x9  }
0xba: {  	_ =	task.clear_ibuf [dreg:s10], $0x7FFFF;
	_ =	strace $0x90000046  }
0xbb: {  	s29 =	simm.s32 $0x9;
	_ =	strace $0x80000048  }
0xbc: {  	_ =	swait.ge [sflag:s29], $0x1  }
0xbd: {  	[sflag:s29] =	ssyncadd.s32 $0xFFFFFFFF  }
0xbe: {  	_ =	strace $0x90000048  }
0xbf: {  	_ =	sfence  }
0xc0: {  	s30 =	sld [smem:$0x0];
	_ =	sdelay $0x2  }
0xc1: {  	s31 =	sshll.u32 s1, $0xD;
	s1 =	sshrl.u32 s1, $0x2  }
0xc2: {  	s3 =	sand.u32 $0x4000, s31;
	s1 =	sadd.s32 s1, s30  }
0xc3: {  	s0 =	sor.u32 s3, s0;
	s1 =	sshll.u32 s1, $0x11  }
0xc4: {  	s0 =	sor.u32 s1, s0  }
0xc5: {  	s0 =	sadd.s32 $0x8F2B, s0  }
0xc6: {  	[sflag:s0] =	ssyncadd.remote.s32 $0x1  }
0xc7: {  	_ =	sfence.sel $0xFFFF  }
0xc8: {  	[dreg:$0x0] =	wrdreg $0xFFFFFFFF;
	(pc) =	sbr.abs _section_cstart, $3  }
0xc9: {  	[dreg:$0x1] =	wrdreg $0xFFFFFFFF  }
0xca: {  	_ =	task.clear_ibuf [dreg:s10], $0x2FFFF;
	_ =	strace $0x9FFFFFFF  }
0xcb: {  	(tm) =	ssettm $0x7FFFFFFF  }
tec
execute0_lowered:
.L_overlay_start_1:
0x0: {  	(tag) =	ssettag $0x1  }
0x1: {  	s0 =	srdreg.scid;
	s4 =	rddreg [dreg:$0x3];
	s6 =	simm.s32 $0x0  }
0x2: {  	s3 =	stileid.u32;
	s10 =	simm.s32 $0x1;
	s11 =	simm.s32 $0x18000  }
0x3: {  	s12 =	simm.s32 $0x18800;
	s13 =	simm.s32 $0x19000;
	s0 =	sand.u32 $0x1, s0  }
.Ltmp0:
0x4: {  	s14 =	simm.s32 $0x19800;
	s1 =	ssub.s32 $0x2, s0;
	(pc) =	sbr.rel .LBB2_1-.Ltmp0, $4  }
0x5: {  	s15 =	simm.s32 $0x8000;
	s16 =	simm.s32 $0x10000;
	s2 =	sshrl.u32 s1, $0x1  }
0x6: {  	[smem:$0x7FF] =	sst s6;
	s30 =	sshll.u32 s3, $0x3;
	s1 =	ssub.s32 s1, s2  }
0x7: {  	s0 =	sshll.u32 s0, $0x2;
	_ =	strace $0x80000047;
	s31 =	smax.u32 s1, $0x1  }
0x8: {  	v0 =	vimm.s32 $0x0;
	v1 =	vlaneseq.u32;
	v2 =	vimm.s32 $0x80000000;
	s7 =	sor.u32 s0, s30;
	s1 =	simm.s32 $0x0;
	[dreg:$0x5] =	wrdreg s31  }
.LBB2_35:
0x9: {  	s1 =	rddreg [dreg:$0x6]  }
0xa: {  	s0 =	rddreg [dreg:$0x5];
	s1 =	sadd.s32 $0x1, s1  }
0xb: {  	p0 =	sne.s32 s1, s0  }
.Ltmp1:
0xc: {  	_ = 	snop;
	(pc) =	sbr.rel @!p0 .LBB2_36-.Ltmp1, $1  }
0xd: {  	_ =	sdelay $0x3  }
.LBB2_1:
0xe: {  	[dreg:$0x6] =	wrdreg s1  }
0xf: {  	s0 =	rddreg [dreg:$0x1];
	s31 =	simm.s32 $0x1A000  }
0x10: {  	[tilespmem:s31], [sflag:$0x1] =	stream.linear.gather [hbm4b:s0+s6], $0x80, $0x38;
	[tilespmem:$0x1A080] =	vst v63  }
0x11: {  	_ =	swait.ge [sflag:s10], $0x80  }
0x12: {  	[sflag:s10] =	ssyncset.done $0x0  }
0x13: {  	[sflag:s10] =	ssyncadd.s32 $0xFFFFFF80  }
0x14: {  	v3 =	vld [tilespmem:$0x1A000];
	_ =	sdelay $0x4  }
0x15: {  	vm0 =	vne.s32 v3, $0x0  }
0x16: {  	s18 =	simm.s32 $0x0;
	v3 =	vsel vm0, $0xFFFFFFFF, v0  }
.LBB2_2:
0x17: {  	s0 =	sadd.s32 s7, s18  }
0x18: {  	s31 =	rddreg [dreg:$0x0];
	s19 =	sshll.u32 s0, $0xC  }
0x19: {  	s0 =	sadd.s32 s31, s19  }
0x1a: {  	[tilespmem:s6], [sflag:$0x1] =	stream.linear.gather [hbm4b:s0+s6], $0x8000, $0x38;
	[tilespmem:$0x1A080] =	vst v63  }
0x1b: {  	_ =	swait.ge [sflag:s10], $0x8000  }
0x1c: {  	[sflag:s10] =	ssyncset.done $0x0  }
0x1d: {  	s3 =	simm.s32 $0x18020;
	[sflag:s10] =	ssyncadd.s32 $0xFFFF8000  }
0x1e: {  	[tilespmem:s3+$0xFFFFFFF0] =	vst v0  }
0x1f: {  	[tilespmem:s3+$0x0] =	vst v0  }
0x20: {  	[tilespmem:s3+$0x10] =	vst v0  }
0x21: {  	s0 =	simm.s32 $0x18820;
	[tilespmem:s3+$0xFFFFFFE0] =	vst v0  }
0x22: {  	[tilespmem:s0+$0xFFFFFFF0] =	vst v0  }
0x23: {  	[tilespmem:s0+$0x0] =	vst v0  }
0x24: {  	[tilespmem:s0+$0x10] =	vst v0  }
0x25: {  	s1 =	simm.s32 $0x19020;
	[tilespmem:s0+$0xFFFFFFE0] =	vst v0  }
0x26: {  	[tilespmem:s1+$0xFFFFFFF0] =	vst v0  }
0x27: {  	[tilespmem:s1+$0x0] =	vst v0  }
0x28: {  	[tilespmem:s1+$0x10] =	vst v0  }
0x29: {  	s2 =	simm.s32 $0x19820;
	[tilespmem:s1+$0xFFFFFFE0] =	vst v0  }
0x2a: {  	[tilespmem:s2+$0xFFFFFFF0] =	vst v0  }
0x2b: {  	[tilespmem:s2+$0x0] =	vst v0  }
0x2c: {  	[tilespmem:s2+$0x10] =	vst v0  }
0x2d: {  	s5 =	simm.s32 $0x18060;
	s3 =	simm.s32 $0x0;
	[tilespmem:s2+$0xFFFFFFE0] =	vst v0  }
.LBB2_3:
0x2e: {  	[tilespmem:s5+$0xFFFFFFF0] =	vst v0;
	s0 =	sadd.s32 $0x40, s0  }
0x2f: {  	s1 =	sadd.s32 $0x40, s1;
	[tilespmem:s0+$0xFFFFFFF0] =	vst v0  }
0x30: {  	s2 =	sadd.s32 $0x40, s2;
	[tilespmem:s1+$0xFFFFFFF0] =	vst v0  }
0x31: {  	[tilespmem:s2+$0xFFFFFFF0] =	vst v0  }
0x32: {  	[tilespmem:s5+$0x0] =	vst v0  }
0x33: {  	[tilespmem:s0+$0x0] =	vst v0  }
0x34: {  	[tilespmem:s1+$0x0] =	vst v0  }
0x35: {  	[tilespmem:s2+$0x0] =	vst v0  }
0x36: {  	[tilespmem:s5+$0x10] =	vst v0  }
0x37: {  	s3 =	sadd.s32 $0x4, s3;
	[tilespmem:s0+$0x10] =	vst v0  }
0x38: {  	p0 =	slt.u32 s3, $0x7C;
	[tilespmem:s1+$0x10] =	vst v0  }
.Ltmp2:
0x39: {  	[tilespmem:s2+$0x10] =	vst v0;
	(pc) =	sbr.rel @p0 .LBB2_3-.Ltmp2, $4  }
0x3a: {  	[tilespmem:s5+$0xFFFFFFE0] =	vst v0  }
0x3b: {  	[tilespmem:s0+$0xFFFFFFE0] =	vst v0  }
0x3c: {  	s20 =	simm.s32 $0x0;
	[tilespmem:s1+$0xFFFFFFE0] =	vst v0  }
0x3d: {  	s5 =	sadd.s32 $0x40, s5;
	[tilespmem:s2+$0xFFFFFFE0] =	vst v0  }
0x3e: {  	v4 =	vld [tilespmem:s20+$0x10];
	_ =	sdelay $0x2  }
0x3f: {  	v5 =	vld [tilespmem:s20+$0x0];
	_ =	sdelay $0x1  }
0x40: {  	v6 =	vshra.s32 v4, $0x1F  }
0x41: {  	v6 =	vor.u32 $0x80000000, v6  }
0x42: {  	v6 =	vxor.u32 v3, v6  }
0x43: {  	v4 =	vxor.u32 v4, v6;
	v6 =	vshra.s32 v5, $0x1F  }
0x44: {  	v6 =	vor.u32 $0x80000000, v6  }
0x45: {  	v7 =	vand.u32 $0x7FF, v4;
	v6 =	vxor.u32 v3, v6  }
0x46: {  	(xrf1) =	vunique.msk.u32 $0xffff, v7;
	v5 =	vxor.u32 v5, v6  }
0x47: {  	v6 =	vand.u32 $0x7FF, v5  }
0x48: {  	s23 =	simm.s32 $0x20;
	(xrf1) =	vunique.msk.u32 $0xffff, v6  }
0x49: {  	v8 =	vld [tilespmem:s23+$0x10];
	_ =	sdelay $0x1  }
0x4a: {  	v9 =	vld [tilespmem:s23+$0x0];
	_ =	sdelay $0x2  }
0x4b: {  	v10 =	vshra.s32 v8, $0x1F  }
0x4c: {  	v10 =	vor.u32 $0x80000000, v10  }
0x4d: {  	v12 =	vshra.s32 v9, $0x1F;
	v10 =	vxor.u32 v3, v10  }
0x4e: {  	v12 =	vor.u32 $0x80000000, v12  }
0x4f: {  	v12 =	vxor.u32 v3, v12  }
0x50: {  	v8 =	vxor.u32 v8, v10  }
0x51: {  	s21 =	simm.s32 $0x40;
	v11 =	vand.u32 $0x7FF, v8;
	_, v10, vm0 =	vpop (xrf1)  }
0x52: {  	v13 =	vld [tilespmem:s21+$0x10];
	(xrf1) =	vunique.msk.u32 $0xffff, v11  }
0x53: {  	v9 =	vxor.u32 v9, v12;
	_, v12, vm1 =	vpop (xrf1);
	_ =	sdelay $0x2  }
0x54: {  	v14 =	vld [tilespmem:s21+$0x0];
	[tilespmem:s20+$0x10] =	vst v4;
	v4 =	vand.u32 $0x7FF, v9  }
0x55: {  	(xrf1) =	vunique.msk.u32 $0xffff, v4;
	[tilespmem:v7+s11+$0x0] =	vst.idx.add.s32.msk vm0, v10;
	v10 =	vshra.s32 v13, $0x1F  }
0x56: {  	[tilespmem:s20+$0x0] =	vst v5;
	v7 =	vld [tilespmem:s20+$0x2010];
	v10 =	vor.u32 $0x80000000, v10  }
0x57: {  	s8 =	sand.u32 $0x1FE0, s20;
	v10 =	vxor.u32 v3, v10;
	[tilespmem:v6+s11+$0x0] =	vst.idx.add.s32.msk vm1, v12  }
0x58: {  	v6 =	vxor.u32 v13, v10;
	v10 =	vld [tilespmem:s8+$0x2000]  }
0x59: {  	v15 =	vshra.s32 v14, $0x1F  }
0x5a: {  	v5 =	vor.u32 $0x80000000, v15  }
0x5b: {  	v5 =	vxor.u32 v3, v5  }
0x5c: {  	v5 =	vxor.u32 v14, v5;
	v14 =	vshra.s32 v7, $0x1F  }
0x5d: {  	v12 =	vand.u32 $0x7FF, v6;
	v14 =	vor.u32 $0x80000000, v14;
	v16 =	vshra.s32 v10, $0x1F  }
0x5e: {  	_, v15, vm0 =	vpop (xrf1);
	v13 =	vand.u32 $0x7FF, v5;
	(xrf1) =	vunique.msk.u32 $0xffff, v12;
	v14 =	vxor.u32 v3, v14;
	v16 =	vor.u32 $0x80000000, v16  }
0x5f: {  	(xrf1) =	vunique.msk.u32 $0xffff, v13;
	v7 =	vxor.u32 v7, v14;
	v16 =	vxor.u32 v3, v16  }
0x60: {  	s22 =	simm.s32 $0x60;
	v17 =	vand.u32 $0x7FF, v7  }
0x61: {  	v14 =	vld [tilespmem:s22+$0x10];
	(xrf1) =	vunique.msk.u32 $0xffff, v17;
	_ =	sdelay $0x1  }
0x62: {  	[tilespmem:s23+$0x10] =	vst v8;
	v8 =	vld [tilespmem:s22+$0x0];
	v10 =	vxor.u32 v10, v16;
	_, v16, vm1 =	vpop (xrf1)  }
0x63: {  	[tilespmem:v11+s11+$0x0] =	vst.idx.add.s32.msk vm0, v15  }
0x64: {  	v15 =	vld [tilespmem:s23+$0x2010];
	v18 =	vand.u32 $0x7FF, v10  }
0x65: {  	(xrf1) =	vunique.msk.u32 $0xffff, v18;
	v11 =	vshra.s32 v14, $0x1F  }
0x66: {  	v11 =	vor.u32 $0x80000000, v11  }
0x67: {  	[tilespmem:s23+$0x0] =	vst v9;
	v9 =	vshra.s32 v8, $0x1F;
	v11 =	vxor.u32 v3, v11  }
0x68: {  	v11 =	vxor.u32 v14, v11;
	[tilespmem:v4+s11+$0x0] =	vst.idx.add.s32.msk vm1, v16;
	v4 =	vor.u32 $0x80000000, v9  }
0x69: {  	s28 =	sand.u32 $0x1FE0, s23;
	v20 =	vshra.s32 v15, $0x1F;
	v14 =	vand.u32 $0x7FF, v11;
	v4 =	vxor.u32 v3, v4  }
0x6a: {  	(xrf1) =	vunique.msk.u32 $0xffff, v14;
	v16 =	vld [tilespmem:s28+$0x2000];
	v4 =	vxor.u32 v8, v4;
	v8 =	vor.u32 $0x80000000, v20  }
0x6b: {  	_, v9, vm0 =	vpop (xrf1);
	v8 =	vxor.u32 v3, v8  }
0x6c: {  	_, v19, vm1 =	vpop (xrf1);
	v20 =	vand.u32 $0x7FF, v4;
	v8 =	vxor.u32 v15, v8  }
0x6d: {  	s24 =	simm.s32 $0x80;
	(xrf1) =	vunique.msk.u32 $0xffff, v20;
	v22 =	vand.u32 $0x7FF, v8  }
0x6e: {  	v21 =	vld [tilespmem:s24+$0x10];
	_, v15, vm2 =	vpop (xrf1);
	(xrf1) =	vunique.msk.u32 $0xffff, v22  }
0x6f: {  	[tilespmem:s21+$0x10] =	vst v6;
	v6 =	vld [tilespmem:s24+$0x0];
	v23 =	vshra.s32 v16, $0x1F  }
0x70: {  	[tilespmem:s21+$0x0] =	vst v5;
	v5 =	vor.u32 $0x80000000, v23  }
0x71: {  	[tilespmem:v12+s11+$0x0] =	vst.idx.add.s32.msk vm0, v9;
	v5 =	vxor.u32 v3, v5  }
0x72: {  	[tilespmem:v13+s11+$0x0] =	vst.idx.add.s32.msk vm1, v19;
	v5 =	vxor.u32 v16, v5  }
0x73: {  	[tilespmem:s20+$0x2010] =	vst v7;
	_, v9, vm0 =	vpop (xrf1);
	v12 =	vld [tilespmem:s21+$0x2010];
	v13 =	vshra.s32 v21, $0x1F;
	v7 =	vand.u32 $0x7FF, v5  }
0x74: {  	v13 =	vor.u32 $0x80000000, v13;
	v16 =	vshra.s32 v6, $0x1F;
	(xrf1) =	vunique.msk.u32 $0xffff, v7  }
0x75: {  	v13 =	vxor.u32 v3, v13;
	[tilespmem:v17+s12+$0x0] =	vst.idx.add.s32.msk vm2, v15;
	v15 =	vor.u32 $0x80000000, v16  }
0x76: {  	s26 =	sand.u32 $0x1FE0, s21;
	v13 =	vxor.u32 v21, v13;
	v16 =	vld [tilespmem:s20+$0x4010];
	v15 =	vxor.u32 v3, v15  }
0x77: {  	v17 =	vld [tilespmem:s26+$0x2000];
	v6 =	vxor.u32 v6, v15;
	v15 =	vand.u32 $0x7FF, v13  }
0x78: {  	[tilespmem:s8+$0x2000] =	vst v10;
	_, v19, vm1 =	vpop (xrf1);
	v21 =	vshra.s32 v12, $0x1F;
	v10 =	vand.u32 $0x7FF, v6;
	(xrf1) =	vunique.msk.u32 $0xffff, v15  }
0x79: {  	[tilespmem:v18+s12+$0x0] =	vst.idx.add.s32.msk vm0, v9;
	v9 =	vor.u32 $0x80000000, v21;
	(xrf1) =	vunique.msk.u32 $0xffff, v10  }
0x7a: {  	v9 =	vxor.u32 v3, v9  }
0x7b: {  	v18 =	vld [tilespmem:s8+$0x4000];
	v9 =	vxor.u32 v12, v9;
	v12 =	vshra.s32 v16, $0x1F;
	_, v23, vm0 =	vpop (xrf1)  }
0x7c: {  	s25 =	simm.s32 $0xA0;
	v24 =	vshra.s32 v17, $0x1F;
	v25 =	vand.u32 $0x7FF, v9;
	v12 =	vor.u32 $0x80000000, v12;
	_, v26, vm2 =	vpop (xrf1)  }
0x7d: {  	[tilespmem:s22+$0x10] =	vst v11;
	v21 =	vld [tilespmem:s25+$0x10];
	v24 =	vor.u32 $0x80000000, v24;
	(xrf1) =	vunique.msk.u32 $0xffff, v25;
	v12 =	vxor.u32 v3, v12  }
0x7e: {  	v11 =	vld [tilespmem:s25+$0x0];
	[tilespmem:s22+$0x0] =	vst v4;
	v24 =	vxor.u32 v3, v24;
	v12 =	vxor.u32 v16, v12  }
0x7f: {  	[tilespmem:v14+s11+$0x0] =	vst.idx.add.s32.msk vm1, v19;
	v16 =	vxor.u32 v17, v24;
	v17 =	vand.u32 $0x7FF, v12  }
0x80: {  	[tilespmem:s23+$0x2010] =	vst v8;
	v14 =	vshra.s32 v18, $0x1F;
	v19 =	vld [tilespmem:s22+$0x2010];
	v24 =	vand.u32 $0x7FF, v16;
	(xrf1) =	vunique.msk.u32 $0xffff, v17  }
0x81: {  	v14 =	vor.u32 $0x80000000, v14;
	(xrf1) =	vunique.msk.u32 $0xffff, v24;
	[tilespmem:v20+s11+$0x0] =	vst.idx.add.s32.msk vm0, v23  }
0x82: {  	v4 =	vxor.u32 v3, v14;
	v14 =	vshra.s32 v21, $0x1F;
	_, v8, vm0 =	vpop (xrf1);
	[tilespmem:v22+s12+$0x0] =	vst.idx.add.s32.msk vm2, v26  }
0x83: {  	v4 =	vxor.u32 v18, v4;
	v18 =	vshra.s32 v11, $0x1F;
	v14 =	vor.u32 $0x80000000, v14;
	v22 =	vld [tilespmem:s23+$0x4010]  }
0x84: {  	v18 =	vor.u32 $0x80000000, v18;
	v14 =	vxor.u32 v3, v14;
	v20 =	vand.u32 $0x7FF, v4  }
0x85: {  	s29 =	sand.u32 $0x1FE0, s22;
	[tilespmem:s28+$0x2000] =	vst v5;
	v18 =	vxor.u32 v3, v18;
	v14 =	vxor.u32 v21, v14;
	v21 =	vshra.s32 v19, $0x1F  }
0x86: {  	(xrf1) =	vunique.msk.u32 $0xffff, v20;
	v11 =	vxor.u32 v11, v18;
	v18 =	vand.u32 $0x7FF, v14;
	v21 =	vor.u32 $0x80000000, v21;
	v23 =	vld [tilespmem:s29+$0x2000];
	_, v27, vm2 =	vpop (xrf1)  }
0x87: {  	[tilespmem:s20+$0x4010] =	vst v12;
	v26 =	vand.u32 $0x7FF, v11;
	(xrf1) =	vunique.msk.u32 $0xffff, v18;
	v21 =	vxor.u32 v3, v21;
	_, v5, vm1 =	vpop (xrf1)  }
0x88: {  	s31 =	simm.s32 $0xC0;
	(xrf1) =	vunique.msk.u32 $0xffff, v26;
	v19 =	vxor.u32 v19, v21;
	[tilespmem:v7+s12+$0x0] =	vst.idx.add.s32.msk vm0, v8;
	v8 =	vshra.s32 v22, $0x1F  }
0x89: {  	[tilespmem:s26+$0x2000] =	vst v16;
	v16 =	vld [tilespmem:s31+$0x10];
	v12 =	vand.u32 $0x7FF, v19;
	v8 =	vor.u32 $0x80000000, v8  }
0x8a: {  	[tilespmem:s24+$0x10] =	vst v13;
	(xrf1) =	vunique.msk.u32 $0xffff, v12;
	v7 =	vld [tilespmem:s28+$0x4000];
	v8 =	vxor.u32 v3, v8  }
0x8b: {  	v28 =	vld [tilespmem:s31+$0x0];
	[tilespmem:s24+$0x0] =	vst v6;
	v21 =	vshra.s32 v23, $0x1F;
	_, v13, vm0 =	vpop (xrf1)  }
0x8c: {  	[tilespmem:s21+$0x2010] =	vst v9;
	v6 =	vor.u32 $0x80000000, v21  }
0x8d: {  	[tilespmem:v10+s11+$0x0] =	vst.idx.add.s32.msk vm1, v5;
	v5 =	vxor.u32 v3, v6  }
0x8e: {  	[tilespmem:s8+$0x4000] =	vst v4;
	v9 =	vshra.s32 v16, $0x1F;
	v6 =	vxor.u32 v22, v8;
	v5 =	vxor.u32 v23, v5;
	_, v8, vm1 =	vpop (xrf1)  }
0x8f: {  	[tilespmem:v15+s11+$0x0] =	vst.idx.add.s32.msk vm2, v27;
	v10 =	vand.u32 $0x7FF, v6;
	v21 =	vand.u32 $0x7FF, v5;
	v4 =	vshra.s32 v7, $0x1F;
	_, v15, vm2 =	vpop (xrf1)  }
0x90: {  	v22 =	vld [tilespmem:s24+$0x2010];
	[tilespmem:s23+$0x4010] =	vst v6;
	v6 =	vshra.s32 v28, $0x1F;
	v4 =	vor.u32 $0x80000000, v4;
	(xrf1) =	vunique.msk.u32 $0xffff, v10  }
0x91: {  	s5 =	sand.u32 $0x1FE0, s24;
	[tilespmem:v25+s12+$0x0] =	vst.idx.add.s32.msk vm0, v13;
	v6 =	vor.u32 $0x80000000, v6;
	v4 =	vxor.u32 v3, v4;
	(xrf1) =	vunique.msk.u32 $0xffff, v21  }
0x92: {  	s0 =	simm.s32 $0xE0;
	v13 =	vld [tilespmem:s5+$0x2000];
	v6 =	vxor.u32 v3, v6;
	v4 =	vxor.u32 v7, v4  }
0x93: {  	[tilespmem:s25+$0x10] =	vst v14;
	v25 =	vld [tilespmem:s0+$0x10];
	v7 =	vor.u32 $0x80000000, v9;
	v23 =	vand.u32 $0x7FF, v4  }
0x94: {  	[tilespmem:s29+$0x2000] =	vst v5;
	v5 =	vld [tilespmem:s21+$0x4010];
	_, v9, vm3 =	vpop (xrf1);
	v7 =	vxor.u32 v3, v7;
	(xrf1) =	vunique.msk.u32 $0xffff, v23  }
0x95: {  	_, v27, vm0 =	vpop (xrf1);
	v7 =	vxor.u32 v16, v7;
	v16 =	vshra.s32 v22, $0x1F;
	[tilespmem:v24+s12+$0x0] =	vst.idx.add.s32.msk vm2, v15  }
0x96: {  	[tilespmem:s28+$0x4000] =	vst v4;
	v16 =	vor.u32 $0x80000000, v16;
	v15 =	vxor.u32 v28, v6;
	v24 =	vand.u32 $0x7FF, v7;
	_, v6, vm2 =	vpop (xrf1);
	v4 =	vld [tilespmem:s26+$0x4000]  }
0x97: {  	v16 =	vxor.u32 v3, v16;
	[tilespmem:v17+s13+$0x0] =	vst.idx.add.s32.msk vm1, v8;
	v28 =	vand.u32 $0x7FF, v15;
	(xrf1) =	vunique.msk.u32 $0xffff, v24  }
0x98: {  	[tilespmem:s25+$0x0] =	vst v11;
	v17 =	vxor.u32 v22, v16;
	v14 =	vld [tilespmem:s20+$0x6010];
	_, v8, vm4 =	vpop (xrf1);
	(xrf1) =	vunique.msk.u32 $0xffff, v28  }
0x99: {  	[tilespmem:s22+$0x2010] =	vst v19;
	v22 =	vld [tilespmem:s0+$0x0];
	v29 =	vand.u32 $0x7FF, v17  }
0x9a: {  	v16 =	vshra.s32 v5, $0x1F;
	[tilespmem:v20+s13+$0x0] =	vst.idx.add.s32.msk vm3, v9;
	v9 =	vshra.s32 v13, $0x1F;
	(xrf1) =	vunique.msk.u32 $0xffff, v29  }
0x9b: {  	[tilespmem:s31+$0x10] =	vst v7;
	v16 =	vor.u32 $0x80000000, v16;
	v9 =	vor.u32 $0x80000000, v9;
	v20 =	vld [tilespmem:s8+$0x6000];
	v11 =	vshra.s32 v4, $0x1F  }
0x9c: {  	[tilespmem:v26+s11+$0x0] =	vst.idx.add.s32.msk vm2, v6;
	v6 =	vxor.u32 v3, v9;
	v9 =	vor.u32 $0x80000000, v11;
	v11 =	vxor.u32 v3, v16  }
0x9d: {  	[tilespmem:v18+s11+$0x0] =	vst.idx.add.s32.msk vm0, v27;
	v5 =	vxor.u32 v5, v11  }
0x9e: {  	v18 =	vshra.s32 v22, $0x1F;
	v6 =	vxor.u32 v13, v6;
	[tilespmem:v12+s12+$0x0] =	vst.idx.add.s32.msk vm4, v8;
	_, v13, vm1 =	vpop (xrf1);
	v11 =	vand.u32 $0x7FF, v5  }
0x9f: {  	v12 =	vshra.s32 v14, $0x1F;
	v9 =	vxor.u32 v3, v9;
	v16 =	vand.u32 $0x7FF, v6;
	_, v8, vm3 =	vpop (xrf1);
	(xrf1) =	vunique.msk.u32 $0xffff, v11  }
0xa0: {  	[tilespmem:s5+$0x2000] =	vst v6;
	v12 =	vor.u32 $0x80000000, v12;
	v4 =	vxor.u32 v4, v9;
	(xrf1) =	vunique.msk.u32 $0xffff, v16  }
0xa1: {  	s2 =	sand.u32 $0x1FE0, s25;
	v6 =	vld [tilespmem:s25+$0x2010];
	[tilespmem:s21+$0x4010] =	vst v5;
	v5 =	vshra.s32 v20, $0x1F;
	v12 =	vxor.u32 v3, v12;
	v9 =	vand.u32 $0x7FF, v4  }
0xa2: {  	v26 =	vld [tilespmem:s2+$0x2000];
	v5 =	vor.u32 $0x80000000, v5;
	[tilespmem:s26+$0x4000] =	vst v4;
	v4 =	vor.u32 $0x80000000, v18;
	v18 =	vshra.s32 v25, $0x1F;
	_, v27, vm2 =	vpop (xrf1)  }
0xa3: {  	v30 =	vld [tilespmem:s22+$0x4010];
	v12 =	vxor.u32 v14, v12;
	v5 =	vxor.u32 v3, v5;
	v4 =	vxor.u32 v3, v4;
	(xrf1) =	vunique.msk.u32 $0xffff, v9  }
0xa4: {  	v7 =	vor.u32 $0x80000000, v18;
	v14 =	vxor.u32 v22, v4;
	v4 =	vand.u32 $0x7FF, v12;
	[tilespmem:v10+s13+$0x0] =	vst.idx.add.s32.msk vm1, v13  }
0xa5: {  	v7 =	vxor.u32 v3, v7;
	v18 =	vxor.u32 v20, v5;
	(xrf1) =	vunique.msk.u32 $0xffff, v4;
	[tilespmem:v21+s12+$0x0] =	vst.idx.add.s32.msk vm3, v8;
	_, v31, vm0 =	vpop (xrf1)  }
0xa6: {  	s1 =	simm.s32 $0x100;
	[tilespmem:s20+$0x6010] =	vst v12;
	v19 =	vxor.u32 v25, v7;
	v5 =	vand.u32 $0x7FF, v18;
	v8 =	vshra.s32 v6, $0x1F;
	v7 =	vld [tilespmem:s29+$0x4000];
	_, v20, vm3 =	vpop (xrf1)  }
0xa7: {  	v22 =	vand.u32 $0x7FF, v14;
	v12 =	vand.u32 $0x7FF, v19;
	(xrf1) =	vunique.msk.u32 $0xffff, v5;
	v10 =	vor.u32 $0x80000000, v8;
	v8 =	vld [tilespmem:s1+$0x10]  }
0xa8: {  	v13 =	vshra.s32 v26, $0x1F;
	v10 =	vxor.u32 v3, v10;
	_, v25, vm1 =	vpop (xrf1);
	(xrf1) =	vunique.msk.u32 $0xffff, v12;
	[tilespmem:v23+s13+$0x0] =	vst.idx.add.s32.msk vm2, v27  }
0xa9: {  	[tilespmem:s8+$0x6000] =	vst v18;
	v27 =	vor.u32 $0x80000000, v13;
	v13 =	vld [tilespmem:s1+$0x0];
	v18 =	vxor.u32 v6, v10;
	(xrf1) =	vunique.msk.u32 $0xffff, v22  }
0xaa: {  	[tilespmem:s31+$0x0] =	vst v15;
	v6 =	vld [tilespmem:s23+$0x6010];
	v10 =	vshra.s32 v30, $0x1F;
	v21 =	vand.u32 $0x7FF, v18  }
0xab: {  	[tilespmem:s24+$0x2010] =	vst v17;
	v15 =	vld [tilespmem:s28+$0x6000];
	v10 =	vor.u32 $0x80000000, v10;
	(xrf1) =	vunique.msk.u32 $0xffff, v21;
	v23 =	vshra.s32 v7, $0x1F  }
0xac: {  	v10 =	vxor.u32 v3, v10;
	[tilespmem:v28+s11+$0x0] =	vst.idx.add.s32.msk vm3, v20;
	v20 =	vor.u32 $0x80000000, v23;
	v23 =	vxor.u32 v3, v27  }
0xad: {  	v10 =	vxor.u32 v30, v10;
	[tilespmem:v24+s11+$0x0] =	vst.idx.add.s32.msk vm0, v31;
	v30 =	vxor.u32 v26, v23;
	_, v26, vm2 =	vpop (xrf1)  }
0xae: {  	v17 =	vxor.u32 v3, v20;
	[tilespmem:v29+s12+$0x0] =	vst.idx.add.s32.msk vm1, v25;
	v23 =	vand.u32 $0x7FF, v10;
	_, v29, vm4 =	vpop (xrf1)  }
0xaf: {  	s8 =	sand.u32 $0x1FE0, s31;
	[tilespmem:s22+$0x4010] =	vst v10;
	v28 =	vxor.u32 v7, v17;
	v25 =	vand.u32 $0x7FF, v30;
	(xrf1) =	vunique.msk.u32 $0xffff, v23  }
0xb0: {  	s30 =	simm.s32 $0x2;
	v20 =	vld [tilespmem:s8+$0x2000];
	v31 =	vshra.s32 v6, $0x1F;
	v7 =	vshra.s32 v15, $0x1F;
	v17 =	vand.u32 $0x7FF, v28;
	(xrf1) =	vunique.msk.u32 $0xffff, v25  }
0xb1: {  	s3 =	simm.s32 $0x10;
	s9 =	simm.s32 $0x100;
	s17 =	simm.s32 $0xC0;
	[tilespmem:s2+$0x2000] =	vst v30;
	v24 =	vld [tilespmem:s24+$0x4010];
	v10 =	vor.u32 $0x80000000, v7;
	v7 =	vor.u32 $0x80000000, v31;
	_, v27, vm3 =	vpop (xrf1);
	(xrf1) =	vunique.msk.u32 $0xffff, v17  }
.LBB2_5:
0xb2: {  	s3 =	sadd.s32 $0x2, s3;
	v35 =	vshra.s32 v13, $0x1F;
	s1 =	sadd.s32 $0x20, s1;
	v31 =	vld [tilespmem:s31+$0x2010];
	[tilespmem:s29+$0x4000] =	vst v28;
	v10 =	vxor.u32 v3, v10  }
0xb3: {  	v32 =	vshra.s32 v8, $0x1F;
	v7 =	vxor.u32 v3, v7;
	v28 =	vld [tilespmem:s1+$0x10];
	p0 =	slt.u32 s3, $0x1FE;
	v35 =	vor.u32 $0x80000000, v35;
	[tilespmem:s0+$0x10] =	vst v19;
	_, v33, vm1 =	vpop (xrf1)  }
0xb4: {  	v32 =	vor.u32 $0x80000000, v32;
	v6 =	vxor.u32 v6, v7;
	v19 =	vxor.u32 v3, v35;
	[tilespmem:v16+s12+$0x0] =	vst.idx.add.s32.msk vm4, v29  }
0xb5: {  	v16 =	vxor.u32 v3, v32;
	v29 =	vand.u32 $0x7FF, v6;
	v7 =	vxor.u32 v13, v19;
	v13 =	vld [tilespmem:s1+$0x0];
	[tilespmem:s23+$0x6010] =	vst v6;
	_, v30, vm4 =	vpop (xrf1);
	s23 =	smov.u32 s21;
	s21 =	smov.u32 s22;
	s22 =	smov.u32 s24  }
0xb6: {  	v37 =	vxor.u32 v15, v10;
	v19 =	vxor.u32 v8, v16;
	s24 =	smov.u32 s25;
	s25 =	smov.u32 s31;
	s31 =	smov.u32 s0;
	v32 =	vand.u32 $0x7FF, v7;
	_, v34, vm0 =	vpop (xrf1);
	v35 =	vld [tilespmem:s5+$0x4000];
	(xrf1) =	vunique.msk.u32 $0xffff, v29  }
0xb7: {  	v15 =	vand.u32 $0x7FF, v37;
	s0 =	smov.u32 s9;
	s9 =	smov.u32 s1;
	v10 =	vand.u32 $0x7FF, v19;
	_, v36, vm5 =	vpop (xrf1);
	v6 =	vshra.s32 v31, $0x1F;
	[tilespmem:v11+s13+$0x0] =	vst.idx.add.s32.msk vm2, v26  }
0xb8: {  	v16 =	vmovc v25;
	v26 =	vor.u32 $0x80000000, v6;
	v6 =	vld [tilespmem:s23+$0x6010];
	[tilespmem:s28+$0x6000] =	vst v37;
	(xrf1) =	vunique.msk.u32 $0xffff, v15;
	v8 =	vmov v28;
	s28 =	smov.u32 s26;
	s26 =	smov.u32 s29;
	s29 =	smov.u32 s5  }
0xb9: {  	s17 =	sadd.s32 $0x20, s17;
	v11 =	vmov v23;
	s5 =	smov.u32 s2;
	s2 =	smov.u32 s8;
	(xrf1) =	vunique.msk.u32 $0xffff, v10;
	v25 =	vxor.u32 v3, v26;
	_, v28, vm6 =	vpop (xrf1);
	[tilespmem:v9+s13+$0x0] =	vst.idx.add.s32.msk vm3, v27  }
0xba: {  	v23 =	vshra.s32 v24, $0x1F;
	(xrf1) =	vunique.msk.u32 $0xffff, v32;
	v31 =	vxor.u32 v31, v25;
	[tilespmem:v4+s14+$0x0] =	vst.idx.add.s32.msk vm1, v33;
	v4 =	vmovc v29  }
0xbb: {  	v9 =	vmovc v17;
	v25 =	vshra.s32 v20, $0x1F;
	v33 =	vand.u32 $0x7FF, v31;
	v27 =	vshra.s32 v35, $0x1F;
	[tilespmem:v5+s14+$0x0] =	vst.idx.add.s32.msk vm4, v30;
	v5 =	vmovc v15  }
0xbc: {  	v23 =	vor.u32 $0x80000000, v23;
	v17 =	vor.u32 $0x80000000, v25;
	[tilespmem:s31+$0x0] =	vst v14;
	(xrf1) =	vunique.msk.u32 $0xffff, v33;
	v15 =	vld [tilespmem:s28+$0x6000];
	v14 =	vmovc v7  }
0xbd: {  	s8 =	sand.u32 $0x1FE0, s17;
	v7 =	vxor.u32 v3, v17;
	v17 =	vor.u32 $0x80000000, v27;
	[tilespmem:v22+s11+$0x0] =	vst.idx.add.s32.msk vm5, v36;
	v22 =	vxor.u32 v3, v23;
	_, v26, vm2 =	vpop (xrf1)  }
.Ltmp3:
0xbe: {  	v7 =	vxor.u32 v20, v7;
	v17 =	vxor.u32 v3, v17;
	v20 =	vld [tilespmem:s8+$0x2000];
	[tilespmem:s24+$0x2010] =	vst v18;
	_, v29, vm4 =	vpop (xrf1);
	v24 =	vxor.u32 v24, v22;
	(pc) =	sbr.rel @p0 .LBB2_5-.Ltmp3, $4  }
0xbf: {  	v25 =	vand.u32 $0x7FF, v7;
	[tilespmem:v21+s12+$0x0] =	vst.idx.add.s32.msk vm6, v28;
	v28 =	vxor.u32 v35, v17;
	v23 =	vand.u32 $0x7FF, v24;
	_, v27, vm3 =	vpop (xrf1)  }
0xc0: {  	v18 =	vmovc v31;
	v17 =	vand.u32 $0x7FF, v28;
	[tilespmem:s22+$0x4010] =	vst v24;
	(xrf1) =	vunique.msk.u32 $0xffff, v23;
	v22 =	vmov v32  }
0xc1: {  	v30 =	vshra.s32 v6, $0x1F;
	[tilespmem:v12+s11+$0x0] =	vst.idx.add.s32.msk vm0, v34;
	(xrf1) =	vunique.msk.u32 $0xffff, v25;
	v31 =	vshra.s32 v15, $0x1F;
	v12 =	vmovc v10  }
0xc2: {  	v21 =	vmovc v33;
	[tilespmem:s2+$0x2000] =	vst v7;
	v24 =	vld [tilespmem:s24+$0x4010];
	(xrf1) =	vunique.msk.u32 $0xffff, v17;
	v10 =	vor.u32 $0x80000000, v31;
	v7 =	vor.u32 $0x80000000, v30  }
0xc3: {  	v31 =	vld [tilespmem:s31+$0x2010]  }
0xc4: {  	v30 =	vshra.s32 v13, $0x1F;
	v32 =	vxor.u32 v3, v10  }
0xc5: {  	v49 =	vshra.s32 v8, $0x1F;
	v7 =	vxor.u32 v3, v7;
	v30 =	vor.u32 $0x80000000, v30  }
0xc6: {  	v33 =	vor.u32 $0x80000000, v49;
	v10 =	vxor.u32 v6, v7;
	v6 =	vxor.u32 v15, v32  }
0xc7: {  	v33 =	vxor.u32 v3, v33;
	v7 =	vand.u32 $0x7FF, v10;
	v50 =	vxor.u32 v3, v30  }
0xc8: {  	v51 =	vxor.u32 v8, v33;
	(xrf1) =	vunique.msk.u32 $0xffff, v7;
	v8 =	vand.u32 $0x7FF, v6;
	v53 =	vshra.s32 v31, $0x1F  }
0xc9: {  	v52 =	vxor.u32 v13, v50;
	v33 =	vand.u32 $0x7FF, v51;
	(xrf1) =	vunique.msk.u32 $0xffff, v8;
	v35 =	vor.u32 $0x80000000, v53  }
0xca: {  	_, v13, vm0 =	vpop (xrf1);
	v34 =	vand.u32 $0x7FF, v52;
	(xrf1) =	vunique.msk.u32 $0xffff, v33;
	v35 =	vxor.u32 v3, v35  }
0xcb: {  	_, v15, vm1 =	vpop (xrf1);
	(xrf1) =	vunique.msk.u32 $0xffff, v34;
	v31 =	vxor.u32 v31, v35  }
0xcc: {  	[tilespmem:v16+s12+$0x0] =	vst.idx.add.s32.msk vm4, v29;
	_, v36, vm6 =	vpop (xrf1);
	v29 =	vand.u32 $0x7FF, v31  }
0xcd: {  	[tilespmem:v11+s13+$0x0] =	vst.idx.add.s32.msk vm2, v26;
	_, v54, vm5 =	vpop (xrf1);
	(xrf1) =	vunique.msk.u32 $0xffff, v29  }
0xce: {  	[tilespmem:v9+s13+$0x0] =	vst.idx.add.s32.msk vm3, v27  }
0xcf: {  	[tilespmem:s0+$0x10] =	vst v19;
	v55 =	vld [tilespmem:s5+$0x4000]  }
0xd0: {  	[tilespmem:s0+$0x0] =	vst v14;
	v56 =	vld [tilespmem:s21+$0x6010];
	_, v11, vm2 =	vpop (xrf1)  }
0xd1: {  	[tilespmem:s25+$0x2010] =	vst v18;
	v9 =	vld [tilespmem:s26+$0x6000];
	v60 =	vshra.s32 v24, $0x1F  }
0xd2: {  	v58 =	vshra.s32 v20, $0x1F;
	v16 =	vor.u32 $0x80000000, v60;
	_, v57, vm12 =	vpop (xrf1);
	[tilespmem:v12+s11+$0x0] =	vst.idx.add.s32.msk vm6, v36  }
0xd3: {  	s1 =	sadd.s32 $0x20, s17;
	v14 =	vor.u32 $0x80000000, v58;
	[tilespmem:v22+s11+$0x0] =	vst.idx.add.s32.msk vm5, v54;
	_, v59, vm7 =	vpop (xrf1)  }
0xd4: {  	[tilespmem:s29+$0x4000] =	vst v28;
	s17 =	sand.u32 $0x1FE0, s1;
	v14 =	vxor.u32 v3, v14;
	v46 =	vld [tilespmem:s0+$0x2010]  }
0xd5: {  	v37 =	vxor.u32 v20, v14;
	[tilespmem:s9+$0x10] =	vst v51;
	v62 =	vshra.s32 v55, $0x1F;
	v61 =	vld [tilespmem:s17+$0x2000];
	_, v63, vm13 =	vpop (xrf1)  }
0xd6: {  	v45 =	vxor.u32 v3, v16;
	v47 =	vshra.s32 v56, $0x1F;
	v44 =	vor.u32 $0x80000000, v62;
	[tilespmem:v21+s12+$0x0] =	vst.idx.add.s32.msk vm2, v11;
	_, v16, vm2 =	vpop (xrf1)  }
0xd7: {  	[tilespmem:s9+$0x0] =	vst v52;
	v48 =	vshra.s32 v9, $0x1F;
	v24 =	vxor.u32 v24, v45;
	v11 =	vxor.u32 v3, v44;
	v38 =	vld [tilespmem:s25+$0x4010];
	_, v18, vm3 =	vpop (xrf1)  }
0xd8: {  	v35 =	vand.u32 $0x7FF, v24;
	v28 =	vxor.u32 v55, v11;
	v11 =	vor.u32 $0x80000000, v47;
	[tilespmem:v23+s13+$0x0] =	vst.idx.add.s32.msk vm12, v57;
	_, v39, vm14 =	vpop (xrf1)  }
0xd9: {  	v36 =	vand.u32 $0x7FF, v37;
	v12 =	vor.u32 $0x80000000, v48;
	v11 =	vxor.u32 v3, v11;
	[tilespmem:v25+s12+$0x0] =	vst.idx.add.s32.msk vm7, v59;
	_, v22, vm7 =	vpop (xrf1)  }
0xda: {  	[tilespmem:s31+$0x2010] =	vst v31;
	v41 =	vxor.u32 v3, v12;
	v40 =	vand.u32 $0x7FF, v28;
	v14 =	vxor.u32 v56, v11;
	v23 =	vld [tilespmem:s22+$0x6010]  }
0xdb: {  	(xrf1) =	vunique.msk.u32 $0xffff, v35;
	v11 =	vxor.u32 v9, v41;
	v12 =	vand.u32 $0x7FF, v14;
	v49 =	vshra.s32 v46, $0x1F;
	v25 =	vld [tilespmem:s2+$0x4000];
	_, v26, vm4 =	vpop (xrf1)  }
0xdc: {  	v9 =	vand.u32 $0x7FF, v11;
	v19 =	vor.u32 $0x80000000, v49;
	v51 =	vshra.s32 v61, $0x1F;
	[tilespmem:v17+s13+$0x0] =	vst.idx.add.s32.msk vm13, v63  }
0xdd: {  	v50 =	vxor.u32 v3, v19;
	v53 =	vshra.s32 v38, $0x1F;
	v19 =	vor.u32 $0x80000000, v51;
	(xrf1) =	vunique.msk.u32 $0xffff, v36;
	v52 =	vld [tilespmem:s29+$0x6000]  }
0xde: {  	v32 =	vxor.u32 v46, v50;
	v17 =	vor.u32 $0x80000000, v53;
	v19 =	vxor.u32 v3, v19;
	[tilespmem:v33+s11+$0x0] =	vst.idx.add.s32.msk vm14, v39  }
0xdf: {  	(xrf1) =	vunique.msk.u32 $0xffff, v40;
	v17 =	vxor.u32 v3, v17;
	v27 =	vxor.u32 v61, v19;
	[tilespmem:v34+s11+$0x0] =	vst.idx.add.s32.msk vm7, v22  }
0xe0: {  	v31 =	vand.u32 $0x7FF, v32;
	(xrf1) =	vunique.msk.u32 $0xffff, v12;
	v57 =	vxor.u32 v38, v17;
	v58 =	vshra.s32 v23, $0x1F;
	v55 =	vld [tilespmem:s9+$0x2010]  }
0xe1: {  	s1 =	sadd.s32 $0x20, s1;
	(xrf1) =	vunique.msk.u32 $0xffff, v9;
	v54 =	vshra.s32 v25, $0x1F;
	v17 =	vor.u32 $0x80000000, v58;
	[tilespmem:v29+s12+$0x0] =	vst.idx.add.s32.msk vm4, v26  }
0xe2: {  	s1 =	sand.u32 $0x1FE0, s1;
	(xrf1) =	vunique.msk.u32 $0xffff, v31;
	v20 =	vor.u32 $0x80000000, v54;
	v62 =	vshra.s32 v52, $0x1F;
	v29 =	vand.u32 $0x7FF, v57;
	v59 =	vld [tilespmem:s31+$0x4010]  }
0xe3: {  	v17 =	vxor.u32 v3, v17;
	v56 =	vxor.u32 v3, v20;
	v60 =	vld [tilespmem:s1+$0x2000];
	v26 =	vand.u32 $0x7FF, v27;
	(xrf1) =	vunique.msk.u32 $0xffff, v29  }
0xe4: {  	v19 =	vor.u32 $0x80000000, v62;
	v21 =	vxor.u32 v23, v17;
	v61 =	vxor.u32 v25, v56;
	(xrf1) =	vunique.msk.u32 $0xffff, v26  }
0xe5: {  	v19 =	vxor.u32 v3, v19;
	v17 =	vand.u32 $0x7FF, v21;
	v48 =	vshra.s32 v55, $0x1F  }
0xe6: {  	v63 =	vand.u32 $0x7FF, v61;
	v20 =	vxor.u32 v52, v19;
	v23 =	vor.u32 $0x80000000, v48  }
0xe7: {  	v19 =	vand.u32 $0x7FF, v20;
	(xrf1) =	vunique.msk.u32 $0xffff, v63;
	v23 =	vxor.u32 v3, v23;
	v49 =	vshra.s32 v59, $0x1F  }
0xe8: {  	v50 =	vshra.s32 v60, $0x1F;
	(xrf1) =	vunique.msk.u32 $0xffff, v17;
	v30 =	vxor.u32 v55, v23;
	v51 =	vor.u32 $0x80000000, v49  }
0xe9: {  	v22 =	vor.u32 $0x80000000, v50;
	(xrf1) =	vunique.msk.u32 $0xffff, v19;
	v43 =	vand.u32 $0x7FF, v30;
	v23 =	vxor.u32 v3, v51  }
0xea: {  	_, v42, vm15 =	vpop (xrf1);
	v22 =	vxor.u32 v3, v22;
	(xrf1) =	vunique.msk.u32 $0xffff, v43;
	v34 =	vxor.u32 v59, v23  }
0xeb: {  	v38 =	vxor.u32 v60, v22;
	v45 =	vand.u32 $0x7FF, v34  }
0xec: {  	_, v44, vm12 =	vpop (xrf1);
	v46 =	vand.u32 $0x7FF, v38;
	(xrf1) =	vunique.msk.u32 $0xffff, v45  }
0xed: {  	_, v52, vm8 =	vpop (xrf1);
	(xrf1) =	vunique.msk.u32 $0xffff, v46  }
0xee: {  	[tilespmem:s8+$0x2000] =	vst v37;
	_, v25, vm7 =	vpop (xrf1)  }
0xef: {  	[tilespmem:s24+$0x4010] =	vst v24;
	_, v24, vm6 =	vpop (xrf1)  }
0xf0: {  	[tilespmem:v35+s13+$0x0] =	vst.idx.add.s32.msk vm15, v42;
	_, v53, vm13 =	vpop (xrf1)  }
0xf1: {  	[tilespmem:s25+$0x4010] =	vst v57;
	v57 =	vld [tilespmem:s24+$0x6010];
	_, v55, vm9 =	vpop (xrf1)  }
0xf2: {  	[tilespmem:v36+s12+$0x0] =	vst.idx.add.s32.msk vm12, v44;
	_, v56, vm10 =	vpop (xrf1)  }
0xf3: {  	[tilespmem:s5+$0x4000] =	vst v28;
	v54 =	vld [tilespmem:s8+$0x4000]  }
0xf4: {  	[tilespmem:v40+s13+$0x0] =	vst.idx.add.s32.msk vm8, v52  }
0xf5: {  	[tilespmem:s0+$0x2010] =	vst v32;
	v58 =	vld [tilespmem:s5+$0x6000];
	_, v59, vm11 =	vpop (xrf1)  }
0xf6: {  	[tilespmem:v31+s12+$0x0] =	vst.idx.add.s32.msk vm13, v53;
	_, v22, vm4 =	vpop (xrf1)  }
0xf7: {  	[tilespmem:s17+$0x2000] =	vst v27;
	v60 =	vld [tilespmem:s0+$0x4010];
	_, v23, vm5 =	vpop (xrf1)  }
0xf8: {  	[tilespmem:v26+s12+$0x0] =	vst.idx.add.s32.msk vm10, v56;
	_, v26, vm10 =	vpop (xrf1)  }
0xf9: {  	v62 =	vshra.s32 v57, $0x1F;
	[tilespmem:v29+s13+$0x0] =	vst.idx.add.s32.msk vm9, v55  }
0xfa: {  	[tilespmem:s2+$0x4000] =	vst v61;
	v36 =	vor.u32 $0x80000000, v62;
	v61 =	vshra.s32 v54, $0x1F;
	v35 =	vld [tilespmem:s17+$0x4000];
	_, v29, vm14 =	vpop (xrf1)  }
0xfb: {  	v36 =	vxor.u32 v3, v36;
	v31 =	vor.u32 $0x80000000, v61;
	[tilespmem:v63+s13+$0x0] =	vst.idx.add.s32.msk vm11, v59;
	_, v63, vm15 =	vpop (xrf1)  }
0xfc: {  	v47 =	vshra.s32 v58, $0x1F;
	v31 =	vxor.u32 v3, v31;
	v51 =	vshra.s32 v60, $0x1F;
	v48 =	vld [tilespmem:s25+$0x6010]  }
0xfd: {  	[tilespmem:s9+$0x2010] =	vst v30;
	v28 =	vxor.u32 v54, v31;
	v31 =	vor.u32 $0x80000000, v47;
	v33 =	vor.u32 $0x80000000, v51;
	v41 =	vld [tilespmem:s2+$0x6000]  }
0xfe: {  	v49 =	vand.u32 $0x7FF, v28;
	v50 =	vxor.u32 v3, v31;
	v33 =	vxor.u32 v3, v33;
	[tilespmem:v43+s12+$0x0] =	vst.idx.add.s32.msk vm10, v26  }
0xff: {  	v31 =	vxor.u32 v57, v36;
	v30 =	vxor.u32 v58, v50;
	v27 =	vxor.u32 v60, v33;
	v53 =	vld [tilespmem:s9+$0x4010]  }
0x100: {  	[tilespmem:s1+$0x2000] =	vst v38;
	v37 =	vand.u32 $0x7FF, v30;
	v33 =	vand.u32 $0x7FF, v27;
	v52 =	vshra.s32 v35, $0x1F  }
0x101: {  	(xrf1) =	vunique.msk.u32 $0xffff, v49;
	v26 =	vand.u32 $0x7FF, v31;
	v36 =	vor.u32 $0x80000000, v52;
	[tilespmem:v46+s12+$0x0] =	vst.idx.add.s32.msk vm15, v63  }
0x102: {  	v55 =	vshra.s32 v48, $0x1F;
	(xrf1) =	vunique.msk.u32 $0xffff, v26;
	v58 =	vshra.s32 v41, $0x1F;
	v36 =	vxor.u32 v3, v36;
	v56 =	vld [tilespmem:s1+$0x4000]  }
0x103: {  	(xrf1) =	vunique.msk.u32 $0xffff, v37;
	v43 =	vor.u32 $0x80000000, v58;
	v54 =	vxor.u32 v35, v36;
	v35 =	vor.u32 $0x80000000, v55  }
0x104: {  	(xrf1) =	vunique.msk.u32 $0xffff, v33;
	v43 =	vxor.u32 v3, v43;
	v35 =	vxor.u32 v3, v35;
	v59 =	vshra.s32 v53, $0x1F  }
0x105: {  	v57 =	vand.u32 $0x7FF, v54;
	v35 =	vxor.u32 v48, v35;
	v60 =	vor.u32 $0x80000000, v59  }
0x106: {  	v41 =	vxor.u32 v41, v43;
	(xrf1) =	vunique.msk.u32 $0xffff, v57;
	v44 =	vand.u32 $0x7FF, v35;
	v39 =	vxor.u32 v3, v60  }
0x107: {  	v43 =	vand.u32 $0x7FF, v41;
	(xrf1) =	vunique.msk.u32 $0xffff, v44;
	v39 =	vxor.u32 v53, v39;
	v61 =	vshra.s32 v56, $0x1F  }
0x108: {  	(xrf1) =	vunique.msk.u32 $0xffff, v43;
	v63 =	vand.u32 $0x7FF, v39;
	v62 =	vor.u32 $0x80000000, v61  }
0x109: {  	(xrf1) =	vunique.msk.u32 $0xffff, v63;
	v42 =	vxor.u32 v3, v62  }
0x10a: {  	v36 =	vxor.u32 v56, v42  }
0x10b: {  	v42 =	vand.u32 $0x7FF, v36  }
0x10c: {  	(xrf1) =	vunique.msk.u32 $0xffff, v42  }
0x10d: {  	[tilespmem:s23+$0x6010] =	vst v10  }
0x10e: {  	[tilespmem:s28+$0x6000] =	vst v6  }
0x10f: {  	[tilespmem:v4+s14+$0x0] =	vst.idx.add.s32.msk vm0, v13;
	_, v4, vm12 =	vpop (xrf1)  }
0x110: {  	[tilespmem:v5+s14+$0x0] =	vst.idx.add.s32.msk vm1, v15;
	_, v5, vm0 =	vpop (xrf1)  }
0x111: {  	[tilespmem:v7+s14+$0x0] =	vst.idx.add.s32.msk vm2, v16;
	_, v6, vm1 =	vpop (xrf1)  }
0x112: {  	[tilespmem:v8+s14+$0x0] =	vst.idx.add.s32.msk vm3, v18;
	_, v7, vm13 =	vpop (xrf1)  }
0x113: {  	[tilespmem:s31+$0x4010] =	vst v34  }
0x114: {  	[tilespmem:s8+$0x4000] =	vst v28;
	_, v8, vm11 =	vpop (xrf1)  }
0x115: {  	[tilespmem:v45+s13+$0x0] =	vst.idx.add.s32.msk vm14, v29;
	_, v10, vm14 =	vpop (xrf1)  }
0x116: {  	[tilespmem:s0+$0x4010] =	vst v27;
	_, v34, vm15 =	vpop (xrf1)  }
0x117: {  	[tilespmem:v49+s13+$0x0] =	vst.idx.add.s32.msk vm12, v4;
	_, v4, vm12 =	vpop (xrf1)  }
0x118: {  	[tilespmem:v33+s13+$0x0] =	vst.idx.add.s32.msk vm13, v7  }
0x119: {  	[tilespmem:s17+$0x4000] =	vst v54;
	v7 =	vld [tilespmem:s31+$0x6010]  }
0x11a: {  	[tilespmem:v57+s13+$0x0] =	vst.idx.add.s32.msk vm11, v8;
	_, v40, vm13 =	vpop (xrf1)  }
0x11b: {  	v8 =	vld [tilespmem:s8+$0x6000]  }
0x11c: {  	[tilespmem:s9+$0x4010] =	vst v39;
	v46 =	vld [tilespmem:s17+$0x6000]  }
0x11d: {  	[tilespmem:v63+s13+$0x0] =	vst.idx.add.s32.msk vm12, v4  }
0x11e: {  	v45 =	vshra.s32 v7, $0x1F;
	v4 =	vld [tilespmem:s0+$0x6010]  }
0x11f: {  	[tilespmem:s1+$0x4000] =	vst v36;
	v47 =	vor.u32 $0x80000000, v45;
	v49 =	vld [tilespmem:s9+$0x6010]  }
0x120: {  	v48 =	vshra.s32 v8, $0x1F;
	v15 =	vxor.u32 v3, v47;
	[tilespmem:v42+s13+$0x0] =	vst.idx.add.s32.msk vm13, v40  }
0x121: {  	[tilespmem:s21+$0x6010] =	vst v14;
	v50 =	vor.u32 $0x80000000, v48;
	v7 =	vxor.u32 v7, v15;
	v51 =	vld [tilespmem:s1+$0x6000]  }
0x122: {  	[tilespmem:s26+$0x6000] =	vst v11;
	v55 =	vshra.s32 v46, $0x1F;
	v52 =	vxor.u32 v3, v50;
	v53 =	vand.u32 $0x7FF, v7  }
0x123: {  	[tilespmem:v12+s14+$0x0] =	vst.idx.add.s32.msk vm7, v25;
	v11 =	vor.u32 $0x80000000, v55;
	v8 =	vxor.u32 v8, v52;
	v54 =	vshra.s32 v4, $0x1F  }
0x124: {  	(xrf1) =	vunique.msk.u32 $0xffff, v53;
	v11 =	vxor.u32 v3, v11;
	v57 =	vand.u32 $0x7FF, v8;
	v56 =	vor.u32 $0x80000000, v54  }
0x125: {  	v11 =	vxor.u32 v46, v11;
	(xrf1) =	vunique.msk.u32 $0xffff, v57;
	v58 =	vshra.s32 v49, $0x1F;
	v12 =	vxor.u32 v3, v56  }
0x126: {  	[tilespmem:s22+$0x6010] =	vst v21;
	v4 =	vxor.u32 v4, v12;
	v12 =	vor.u32 $0x80000000, v58;
	v60 =	vshra.s32 v51, $0x1F  }
0x127: {  	[tilespmem:s29+$0x6000] =	vst v20;
	v59 =	vand.u32 $0x7FF, v4;
	v12 =	vxor.u32 v3, v12;
	v61 =	vor.u32 $0x80000000, v60  }
0x128: {  	v62 =	vand.u32 $0x7FF, v11;
	(xrf1) =	vunique.msk.u32 $0xffff, v59;
	v12 =	vxor.u32 v49, v12;
	v18 =	vxor.u32 v3, v61  }
0x129: {  	[tilespmem:v9+s14+$0x0] =	vst.idx.add.s32.msk vm6, v24;
	(xrf1) =	vunique.msk.u32 $0xffff, v62;
	v63 =	vand.u32 $0x7FF, v12;
	v15 =	vxor.u32 v51, v18  }
0x12a: {  	[tilespmem:s24+$0x6010] =	vst v31;
	(xrf1) =	vunique.msk.u32 $0xffff, v63;
	v18 =	vand.u32 $0x7FF, v15  }
0x12b: {  	[tilespmem:s5+$0x6000] =	vst v30;
	(xrf1) =	vunique.msk.u32 $0xffff, v18  }
0x12c: {  	[tilespmem:v17+s14+$0x0] =	vst.idx.add.s32.msk vm4, v22  }
0x12d: {  	[tilespmem:v19+s14+$0x0] =	vst.idx.add.s32.msk vm5, v23  }
0x12e: {  	[tilespmem:s2+$0x6000] =	vst v41  }
0x12f: {  	[tilespmem:s25+$0x6010] =	vst v35  }
0x130: {  	[tilespmem:v26+s14+$0x0] =	vst.idx.add.s32.msk vm0, v5  }
0x131: {  	[tilespmem:v37+s14+$0x0] =	vst.idx.add.s32.msk vm1, v6  }
0x132: {  	[tilespmem:v44+s14+$0x0] =	vst.idx.add.s32.msk vm14, v10;
	_, v5, vm0 =	vpop (xrf1)  }
0x133: {  	[tilespmem:v43+s14+$0x0] =	vst.idx.add.s32.msk vm15, v34;
	_, v6, vm1 =	vpop (xrf1)  }
0x134: {  	[tilespmem:s31+$0x6010] =	vst v7  }
0x135: {  	[tilespmem:s8+$0x6000] =	vst v8  }
0x136: {  	[tilespmem:s0+$0x6010] =	vst v4;
	_, v4, vm14 =	vpop (xrf1)  }
0x137: {  	[tilespmem:s17+$0x6000] =	vst v11;
	_, v7, vm15 =	vpop (xrf1)  }
0x138: {  	[tilespmem:v53+s14+$0x0] =	vst.idx.add.s32.msk vm0, v5;
	_, v5, vm0 =	vpop (xrf1)  }
0x139: {  	[tilespmem:v57+s14+$0x0] =	vst.idx.add.s32.msk vm1, v6;
	_, v6, vm1 =	vpop (xrf1)  }
0x13a: {  	[tilespmem:s9+$0x6010] =	vst v12  }
0x13b: {  	[tilespmem:s1+$0x6000] =	vst v15  }
0x13c: {  	[tilespmem:v59+s14+$0x0] =	vst.idx.add.s32.msk vm14, v4  }
0x13d: {  	[tilespmem:v62+s14+$0x0] =	vst.idx.add.s32.msk vm15, v7  }
0x13e: {  	[tilespmem:v63+s14+$0x0] =	vst.idx.add.s32.msk vm0, v5  }
0x13f: {  	s26 =	simm.s32 $0x18810;
	[tilespmem:v18+s14+$0x0] =	vst.idx.add.s32.msk vm1, v6  }
0x140: {  	s28 =	simm.s32 $0x18010;
	v4 =	vld [tilespmem:s26+$0xFFFFFFF0]  }
0x141: {  	s29 =	simm.s32 $0x19010;
	v5 =	vld [tilespmem:s28+$0xFFFFFFF0]  }
0x142: {  	s3 =	simm.s32 $0x19810;
	v6 =	vld [tilespmem:s29+$0xFFFFFFF0]  }
0x143: {  	v7 =	vld [tilespmem:s3+$0xFFFFFFF0];
	_ =	sdelay $0x2  }
0x144: {  	v8 =	vadd.s32 v5, v4  }
0x145: {  	v8 =	vadd.s32 v6, v8  }
0x146: {  	v7 =	vadd.s32 v7, v8  }
0x147: {  	(xrf0) =	vadd.scan.msk.s32 $0xffff, v7;
	_ =	sdelay $0x5  }
0x148: {  	v8, _, _ =	vpop (xrf0)  }
0x149: {  	v7 =	vsub.s32 v8, v7  }
0x14a: {  	v7 =	vadd.s32 s20, v7  }
0x14b: {  	[tilespmem:s28+$0xFFFFFFF0] =	vst v7;
	v5 =	vadd.s32 v5, v7  }
0x14c: {  	[tilespmem:s26+$0xFFFFFFF0] =	vst v5;
	v4 =	vadd.s32 v4, v5  }
0x14d: {  	[tilespmem:s29+$0xFFFFFFF0] =	vst v4;
	v4 =	vadd.s32 v6, v4  }
0x14e: {  	[tilespmem:s3+$0xFFFFFFF0] =	vst v4  }
0x14f: {  	(v2sf) =	vpush v8, $0xF;
	v4 =	vld [tilespmem:s28+$0x0]  }
0x150: {  	v5 =	vld [tilespmem:s26+$0x0]  }
0x151: {  	v6 =	vld [tilespmem:s29+$0x0]  }
0x152: {  	v7 =	vld [tilespmem:s3+$0x0];
	_ =	sdelay $0x2  }
0x153: {  	v8 =	vadd.s32 v4, v5  }
0x154: {  	v8 =	vadd.s32 v6, v8  }
0x155: {  	v7 =	vadd.s32 v7, v8  }
0x156: {  	(xrf0) =	vadd.scan.msk.s32 $0xffff, v7;
	_ =	sdelay $0x5  }
0x157: {  	s31 =	spop (v2sf);
	v8, _, _ =	vpop (xrf0)  }
0x158: {  	s21 =	sadd.s32 $0x0, s31;
	v7 =	vsub.s32 v8, v7;
	(v2sf) =	vpush v8, $0xF  }
0x159: {  	v7 =	vadd.s32 s21, v7  }
0x15a: {  	[tilespmem:s28+$0x0] =	vst v7;
	v4 =	vadd.s32 v4, v7  }
0x15b: {  	[tilespmem:s26+$0x0] =	vst v4;
	v4 =	vadd.s32 v5, v4  }
0x15c: {  	[tilespmem:s29+$0x0] =	vst v4;
	v4 =	vadd.s32 v6, v4  }
0x15d: {  	s8 =	simm.s32 $0x18830;
	[tilespmem:s3+$0x0] =	vst v4  }
0x15e: {  	s9 =	simm.s32 $0x18030;
	v4 =	vld [tilespmem:s8+$0xFFFFFFF0]  }
0x15f: {  	s17 =	simm.s32 $0x19030;
	v6 =	vld [tilespmem:s9+$0xFFFFFFF0]  }
0x160: {  	s5 =	simm.s32 $0x18830;
	s20 =	simm.s32 $0x19830;
	v5 =	vld [tilespmem:s17+$0xFFFFFFF0]  }
0x161: {  	s2 =	simm.s32 $0x18030;
	s1 =	simm.s32 $0x19830;
	s3 =	simm.s32 $0x19030;
	v7 =	vld [tilespmem:s20+$0xFFFFFFF0]  }
.LBB2_7:
0x162: {  	_ = 	snop  }
0x163: {  	s30 =	sadd.s32 $0x2, s30;
	s0 =	simm.s32 $0x6030  }
0x164: {  	p0 =	slt.u32 s30, $0x7E;
	v8 =	vadd.s32 v6, v4  }
0x165: {  	v8 =	vadd.s32 v5, v8  }
0x166: {  	v7 =	vadd.s32 v7, v8  }
0x167: {  	(xrf0) =	vadd.scan.msk.s32 $0xffff, v7;
	s22 =	spop (v2sf)  }
0x168: {  	s21 =	sadd.s32 s21, s22;
	_ =	sdelay $0x4  }
0x169: {  	v8, _, _ =	vpop (xrf0)  }
0x16a: {  	v7 =	vsub.s32 v8, v7;
	(v2sf) =	vpush v8, $0xF  }
0x16b: {  	v7 =	vadd.s32 s21, v7  }
0x16c: {  	[tilespmem:s9+$0xFFFFFFF0] =	vst v7;
	v6 =	vadd.s32 v6, v7  }
0x16d: {  	[tilespmem:s8+$0xFFFFFFF0] =	vst v6;
	v4 =	vadd.s32 v4, v6  }
0x16e: {  	[tilespmem:s17+$0xFFFFFFF0] =	vst v4;
	v4 =	vadd.s32 v5, v4  }
0x16f: {  	[tilespmem:s20+$0xFFFFFFF0] =	vst v4  }
0x170: {  	v4 =	vld [tilespmem:s9+$0x0]  }
0x171: {  	v5 =	vld [tilespmem:s8+$0x0]  }
0x172: {  	v6 =	vld [tilespmem:s17+$0x0]  }
0x173: {  	v7 =	vld [tilespmem:s20+$0x0];
	_ =	sdelay $0x2  }
0x174: {  	v8 =	vadd.s32 v4, v5  }
0x175: {  	v8 =	vadd.s32 v6, v8  }
0x176: {  	v7 =	vadd.s32 v7, v8  }
0x177: {  	s22 =	spop (v2sf);
	(xrf0) =	vadd.scan.msk.s32 $0xffff, v7;
	_ =	sdelay $0x5  }
0x178: {  	s21 =	sadd.s32 s21, s22;
	v8, _, _ =	vpop (xrf0)  }
0x179: {  	v7 =	vsub.s32 v8, v7;
	(v2sf) =	vpush v8, $0xF  }
0x17a: {  	s9 =	sadd.s32 $0x20, s9;
	v7 =	vadd.s32 s21, v7  }
0x17b: {  	s8 =	sadd.s32 $0x20, s8;
	[tilespmem:s2+$0x0] =	vst v7;
	v4 =	vadd.s32 v4, v7;
	s2 =	smov.u32 s9  }
0x17c: {  	s17 =	sadd.s32 $0x20, s17;
	[tilespmem:s5+$0x0] =	vst v4;
	v4 =	vadd.s32 v5, v4;
	s5 =	smov.u32 s8  }
0x17d: {  	s20 =	sadd.s32 $0x20, s20;
	[tilespmem:s3+$0x0] =	vst v4;
	v4 =	vadd.s32 v6, v4;
	s3 =	smov.u32 s17  }
.Ltmp4:
0x17e: {  	[tilespmem:s1+$0x0] =	vst v4;
	s1 =	smov.u32 s20;
	(pc) =	sbr.rel @p0 .LBB2_7-.Ltmp4, $4  }
0x17f: {  	v4 =	vld [tilespmem:s8+$0xFFFFFFF0]  }
0x180: {  	v6 =	vld [tilespmem:s9+$0xFFFFFFF0]  }
0x181: {  	v5 =	vld [tilespmem:s17+$0xFFFFFFF0]  }
0x182: {  	v7 =	vld [tilespmem:s20+$0xFFFFFFF0]  }
0x183: {  	_ =	sdelay $0x1  }
0x184: {  	v8 =	vadd.s32 v6, v4  }
0x185: {  	v8 =	vadd.s32 v5, v8  }
0x186: {  	v7 =	vadd.s32 v7, v8  }
0x187: {  	(xrf0) =	vadd.scan.msk.s32 $0xffff, v7;
	_ =	sdelay $0x5  }
0x188: {  	s22 =	spop (v2sf);
	v59, _, _ =	vpop (xrf0)  }
0x189: {  	s21 =	sadd.s32 s21, s22;
	v7 =	vsub.s32 v59, v7  }
0x18a: {  	v7 =	vadd.s32 s21, v7  }
0x18b: {  	[tilespmem:s9+$0xFFFFFFF0] =	vst v7;
	v60 =	vadd.s32 v6, v7  }
0x18c: {  	[tilespmem:s8+$0xFFFFFFF0] =	vst v60;
	v4 =	vadd.s32 v4, v60  }
0x18d: {  	[tilespmem:s17+$0xFFFFFFF0] =	vst v4;
	v4 =	vadd.s32 v5, v4  }
0x18e: {  	[tilespmem:s20+$0xFFFFFFF0] =	vst v4  }
0x18f: {  	v4 =	vld [tilespmem:s9+$0x0]  }
0x190: {  	v5 =	vld [tilespmem:s8+$0x0]  }
0x191: {  	v61 =	vld [tilespmem:s17+$0x0]  }
0x192: {  	v62 =	vld [tilespmem:s20+$0x0];
	_ =	sdelay $0x2  }
0x193: {  	v9 =	vadd.s32 v4, v5  }
0x194: {  	v9 =	vadd.s32 v61, v9  }
0x195: {  	v7 =	vadd.s32 v62, v9  }
0x196: {  	(xrf0) =	vadd.scan.msk.s32 $0xffff, v7  }
0x197: {  	(v2sf) =	vpush v59, $0xF;
	_ =	sdelay $0x4  }
0x198: {  	v63, _, _ =	vpop (xrf0)  }
0x199: {  	(v2sf) =	vpush v63, $0xF;
	_ =	sdelay $0x8  }
0x19a: {  	s30 =	spop (v2sf)  }
0x19b: {  	s8 =	sadd.s32 s21, s30;
	v7 =	vsub.s32 v63, v7  }
0x19c: {  	v7 =	vadd.s32 s8, v7  }
0x19d: {  	[tilespmem:s2+$0x0] =	vst v7;
	v4 =	vadd.s32 v4, v7  }
0x19e: {  	[tilespmem:s5+$0x0] =	vst v4;
	v4 =	vadd.s32 v5, v4  }
0x19f: {  	s8 =	simm.s32 $0xFFFFFFFC;
	[tilespmem:s3+$0x0] =	vst v4;
	v4 =	vadd.s32 v61, v4  }
0x1a0: {  	s2 =	simm.s32 $0xFFFFFFFC;
	s5 =	simm.s32 $0x6030;
	[tilespmem:s1+$0x0] =	vst v4;
	s31 =	spop (v2sf)  }
.LBB2_9:
0x1a1: {  	v4 =	vld [tilespmem:s0+$0xFFFF9FD0];
	_ =	sdelay $0x4  }
0x1a2: {  	v5 =	vand.u32 $0x7FF, v4  }
0x1a3: {  	(xrf1) =	vunique.msk.u32 $0xffff, v5;
	_ =	sdelay $0x9  }
0x1a4: {  	v6 =	vld.idx.msk [tilespmem:v5+s11+$0x0], $0xffff;
	_ =	sdelay $0x3  }
0x1a5: {  	_, v7, vm0 =	vpop (xrf1)  }
0x1a6: {  	v6 =	vadd.s32 v7, v6  }
0x1a7: {  	v6 =	vadd.s32 $0xFFFFFFFF, v6  }
0x1a8: {  	v4 =	vshll.u32 v4, $0x4  }
0x1a9: {  	s1 =	sadd.s32 $0xFFFF9FD0, s5;
	v4 =	vand.u32 $0x3FF8000, v4  }
0x1aa: {  	v4 =	vor.u32 s1, v4  }
0x1ab: {  	s3 =	sadd.s32 $0xFFFFBFD0, s5;
	v4 =	vor.u32 v1, v4  }
0x1ac: {  	s9 =	sand.u32 $0x3F80, s3;
	s1 =	sand.u32 $0x40, s1;
	[tilespmem:v6+s15+$0x0] =	vst.idx.msk $0xffff, v4  }
0x1ad: {  	s9 =	sor.u32 s1, s9;
	[tilespmem:v5+s11+$0x0] =	vst.idx.add.s32.msk vm0, v7  }
0x1ae: {  	v4 =	vld [tilespmem:s9+$0x0];
	_ =	sdelay $0x4  }
0x1af: {  	v5 =	vand.u32 $0x7FF, v4  }
0x1b0: {  	(xrf1) =	vunique.msk.u32 $0xffff, v5;
	_ =	sdelay $0x9  }
0x1b1: {  	v6 =	vld.idx.msk [tilespmem:v5+s12+$0x0], $0xffff;
	_ =	sdelay $0x3  }
0x1b2: {  	_, v7, vm0 =	vpop (xrf1)  }
0x1b3: {  	v6 =	vadd.s32 v7, v6  }
0x1b4: {  	v6 =	vadd.s32 $0xFFFFFFFF, v6  }
0x1b5: {  	v4 =	vshll.u32 v4, $0x4  }
0x1b6: {  	v4 =	vand.u32 $0x3FF8000, v4  }
0x1b7: {  	v4 =	vor.u32 s3, v4  }
0x1b8: {  	s29 =	sadd.s32 $0xFFFFDFD0, s5;
	v4 =	vor.u32 v1, v4  }
0x1b9: {  	s30 =	sand.u32 $0x5F80, s29;
	[tilespmem:v6+s15+$0x0] =	vst.idx.msk $0xffff, v4  }
0x1ba: {  	s9 =	sor.u32 s1, s30;
	[tilespmem:v5+s12+$0x0] =	vst.idx.add.s32.msk vm0, v7  }
0x1bb: {  	v4 =	vld [tilespmem:s9+$0x0];
	_ =	sdelay $0x4  }
0x1bc: {  	v5 =	vand.u32 $0x7FF, v4  }
0x1bd: {  	(xrf1) =	vunique.msk.u32 $0xffff, v5;
	_ =	sdelay $0x9  }
0x1be: {  	v6 =	vld.idx.msk [tilespmem:v5+s13+$0x0], $0xffff;
	_ =	sdelay $0x3  }
0x1bf: {  	_, v7, vm0 =	vpop (xrf1)  }
0x1c0: {  	v6 =	vadd.s32 v7, v6  }
0x1c1: {  	v6 =	vadd.s32 $0xFFFFFFFF, v6  }
0x1c2: {  	v4 =	vshll.u32 v4, $0x4  }
0x1c3: {  	v4 =	vand.u32 $0x3FF8000, v4  }
0x1c4: {  	v4 =	vor.u32 s29, v4  }
0x1c5: {  	s31 =	sadd.s32 $0xFFFFFFD0, s5;
	v4 =	vor.u32 v1, v4  }
0x1c6: {  	s17 =	sand.u32 $0x7F80, s31;
	[tilespmem:v6+s15+$0x0] =	vst.idx.msk $0xffff, v4  }
0x1c7: {  	s1 =	sor.u32 s1, s17;
	[tilespmem:v5+s13+$0x0] =	vst.idx.add.s32.msk vm0, v7  }
0x1c8: {  	v4 =	vld [tilespmem:s1+$0x0];
	_ =	sdelay $0x4  }
0x1c9: {  	v5 =	vand.u32 $0x7FF, v4  }
0x1ca: {  	(xrf1) =	vunique.msk.u32 $0xffff, v5;
	_ =	sdelay $0x9  }
0x1cb: {  	v6 =	vld.idx.msk [tilespmem:v5+s14+$0x0], $0xffff;
	_ =	sdelay $0x3  }
0x1cc: {  	_, v7, vm0 =	vpop (xrf1)  }
0x1cd: {  	v6 =	vadd.s32 v7, v6  }
0x1ce: {  	v6 =	vadd.s32 $0xFFFFFFFF, v6  }
0x1cf: {  	v4 =	vshll.u32 v4, $0x4  }
0x1d0: {  	v4 =	vand.u32 $0x3FF8000, v4  }
0x1d1: {  	v4 =	vor.u32 s31, v4  }
0x1d2: {  	v4 =	vor.u32 v1, v4  }
0x1d3: {  	[tilespmem:v6+s15+$0x0] =	vst.idx.msk $0xffff, v4  }
0x1d4: {  	[tilespmem:v5+s14+$0x0] =	vst.idx.add.s32.msk vm0, v7  }
0x1d5: {  	v4 =	vld [tilespmem:s0+$0xFFFF9FE0];
	_ =	sdelay $0x4  }
0x1d6: {  	v5 =	vand.u32 $0x7FF, v4  }
0x1d7: {  	(xrf1) =	vunique.msk.u32 $0xffff, v5;
	_ =	sdelay $0x9  }
0x1d8: {  	v6 =	vld.idx.msk [tilespmem:v5+s11+$0x0], $0xffff;
	_ =	sdelay $0x3  }
0x1d9: {  	_, v7, vm0 =	vpop (xrf1)  }
0x1da: {  	v6 =	vadd.s32 v7, v6  }
0x1db: {  	v6 =	vadd.s32 $0xFFFFFFFF, v6  }
0x1dc: {  	v4 =	vshll.u32 v4, $0x4  }
0x1dd: {  	s20 =	sadd.s32 $0xFFFF9FE0, s5;
	v4 =	vand.u32 $0x3FF8000, v4  }
0x1de: {  	v4 =	vor.u32 s20, v4  }
0x1df: {  	v4 =	vor.u32 v1, v4  }
0x1e0: {  	[tilespmem:v6+s15+$0x0] =	vst.idx.msk $0xffff, v4  }
0x1e1: {  	[tilespmem:v5+s11+$0x0] =	vst.idx.add.s32.msk vm0, v7  }
0x1e2: {  	v4 =	vld [tilespmem:s0+$0xFFFFBFE0];
	_ =	sdelay $0x4  }
0x1e3: {  	v5 =	vand.u32 $0x7FF, v4  }
0x1e4: {  	(xrf1) =	vunique.msk.u32 $0xffff, v5;
	_ =	sdelay $0x9  }
0x1e5: {  	v6 =	vld.idx.msk [tilespmem:v5+s12+$0x0], $0xffff;
	_ =	sdelay $0x3  }
0x1e6: {  	_, v7, vm0 =	vpop (xrf1)  }
0x1e7: {  	v6 =	vadd.s32 v7, v6  }
0x1e8: {  	v6 =	vadd.s32 $0xFFFFFFFF, v6  }
0x1e9: {  	v4 =	vshll.u32 v4, $0x4  }
0x1ea: {  	s21 =	sadd.s32 $0xFFFFBFE0, s5;
	v4 =	vand.u32 $0x3FF8000, v4  }
0x1eb: {  	v4 =	vor.u32 s21, v4  }
0x1ec: {  	v4 =	vor.u32 v1, v4  }
0x1ed: {  	[tilespmem:v6+s15+$0x0] =	vst.idx.msk $0xffff, v4  }
0x1ee: {  	[tilespmem:v5+s12+$0x0] =	vst.idx.add.s32.msk vm0, v7  }
0x1ef: {  	v4 =	vld [tilespmem:s0+$0xFFFFDFE0];
	_ =	sdelay $0x4  }
0x1f0: {  	v5 =	vand.u32 $0x7FF, v4  }
0x1f1: {  	(xrf1) =	vunique.msk.u32 $0xffff, v5;
	_ =	sdelay $0x9  }
0x1f2: {  	v6 =	vld.idx.msk [tilespmem:v5+s13+$0x0], $0xffff;
	_ =	sdelay $0x3  }
0x1f3: {  	_, v7, vm0 =	vpop (xrf1)  }
0x1f4: {  	v6 =	vadd.s32 v7, v6  }
0x1f5: {  	v6 =	vadd.s32 $0xFFFFFFFF, v6  }
0x1f6: {  	v4 =	vshll.u32 v4, $0x4  }
0x1f7: {  	s22 =	sadd.s32 $0xFFFFDFE0, s5;
	v4 =	vand.u32 $0x3FF8000, v4  }
0x1f8: {  	v4 =	vor.u32 s22, v4  }
0x1f9: {  	v4 =	vor.u32 v1, v4  }
0x1fa: {  	[tilespmem:v6+s15+$0x0] =	vst.idx.msk $0xffff, v4  }
0x1fb: {  	[tilespmem:v5+s13+$0x0] =	vst.idx.add.s32.msk vm0, v7  }
0x1fc: {  	v4 =	vld [tilespmem:s0+$0xFFFFFFE0];
	_ =	sdelay $0x4  }
0x1fd: {  	v5 =	vand.u32 $0x7FF, v4  }
0x1fe: {  	(xrf1) =	vunique.msk.u32 $0xffff, v5;
	_ =	sdelay $0x9  }
0x1ff: {  	v6 =	vld.idx.msk [tilespmem:v5+s14+$0x0], $0xffff;
	_ =	sdelay $0x3  }
0x200: {  	_, v7, vm0 =	vpop (xrf1)  }
0x201: {  	v6 =	vadd.s32 v7, v6  }
0x202: {  	v6 =	vadd.s32 $0xFFFFFFFF, v6  }
0x203: {  	v4 =	vshll.u32 v4, $0x4  }
0x204: {  	s23 =	sadd.s32 $0xFFFFFFE0, s5;
	v4 =	vand.u32 $0x3FF8000, v4  }
0x205: {  	v4 =	vor.u32 s23, v4  }
0x206: {  	v4 =	vor.u32 v1, v4  }
0x207: {  	[tilespmem:v6+s15+$0x0] =	vst.idx.msk $0xffff, v4  }
0x208: {  	[tilespmem:v5+s14+$0x0] =	vst.idx.add.s32.msk vm0, v7  }
0x209: {  	v4 =	vld [tilespmem:s0+$0xFFFF9FF0];
	_ =	sdelay $0x4  }
0x20a: {  	v5 =	vand.u32 $0x7FF, v4  }
0x20b: {  	(xrf1) =	vunique.msk.u32 $0xffff, v5;
	_ =	sdelay $0x9  }
0x20c: {  	v6 =	vld.idx.msk [tilespmem:v5+s11+$0x0], $0xffff;
	_ =	sdelay $0x3  }
0x20d: {  	_, v7, vm0 =	vpop (xrf1)  }
0x20e: {  	v6 =	vadd.s32 v7, v6  }
0x20f: {  	v6 =	vadd.s32 $0xFFFFFFFF, v6  }
0x210: {  	v4 =	vshll.u32 v4, $0x4  }
0x211: {  	s24 =	sadd.s32 $0xFFFF9FF0, s5;
	v4 =	vand.u32 $0x3FF8000, v4  }
0x212: {  	v4 =	vor.u32 s24, v4  }
0x213: {  	v4 =	vor.u32 v1, v4  }
0x214: {  	[tilespmem:v6+s15+$0x0] =	vst.idx.msk $0xffff, v4  }
0x215: {  	[tilespmem:v5+s11+$0x0] =	vst.idx.add.s32.msk vm0, v7  }
0x216: {  	v4 =	vld [tilespmem:s0+$0xFFFFBFF0];
	_ =	sdelay $0x4  }
0x217: {  	v5 =	vand.u32 $0x7FF, v4  }
0x218: {  	(xrf1) =	vunique.msk.u32 $0xffff, v5;
	_ =	sdelay $0x9  }
0x219: {  	v6 =	vld.idx.msk [tilespmem:v5+s12+$0x0], $0xffff;
	_ =	sdelay $0x3  }
0x21a: {  	_, v7, vm0 =	vpop (xrf1)  }
0x21b: {  	v6 =	vadd.s32 v7, v6  }
0x21c: {  	v6 =	vadd.s32 $0xFFFFFFFF, v6  }
0x21d: {  	v4 =	vshll.u32 v4, $0x4  }
0x21e: {  	s25 =	sadd.s32 $0xFFFFBFF0, s5;
	v4 =	vand.u32 $0x3FF8000, v4  }
0x21f: {  	v4 =	vor.u32 s25, v4  }
0x220: {  	v4 =	vor.u32 v1, v4  }
0x221: {  	[tilespmem:v6+s15+$0x0] =	vst.idx.msk $0xffff, v4  }
0x222: {  	[tilespmem:v5+s12+$0x0] =	vst.idx.add.s32.msk vm0, v7  }
0x223: {  	v4 =	vld [tilespmem:s0+$0xFFFFDFF0];
	_ =	sdelay $0x4  }
0x224: {  	v5 =	vand.u32 $0x7FF, v4  }
0x225: {  	(xrf1) =	vunique.msk.u32 $0xffff, v5;
	_ =	sdelay $0x9  }
0x226: {  	v6 =	vld.idx.msk [tilespmem:v5+s13+$0x0], $0xffff;
	_ =	sdelay $0x3  }
0x227: {  	_, v7, vm0 =	vpop (xrf1)  }
0x228: {  	v6 =	vadd.s32 v7, v6  }
0x229: {  	v6 =	vadd.s32 $0xFFFFFFFF, v6  }
0x22a: {  	v4 =	vshll.u32 v4, $0x4  }
0x22b: {  	s26 =	sadd.s32 $0xFFFFDFF0, s5;
	v4 =	vand.u32 $0x3FF8000, v4  }
0x22c: {  	v4 =	vor.u32 s26, v4  }
0x22d: {  	v4 =	vor.u32 v1, v4  }
0x22e: {  	[tilespmem:v6+s15+$0x0] =	vst.idx.msk $0xffff, v4  }
0x22f: {  	[tilespmem:v5+s13+$0x0] =	vst.idx.add.s32.msk vm0, v7  }
0x230: {  	v4 =	vld [tilespmem:s0+$0xFFFFFFF0];
	_ =	sdelay $0x4  }
0x231: {  	v5 =	vand.u32 $0x7FF, v4  }
0x232: {  	(xrf1) =	vunique.msk.u32 $0xffff, v5;
	_ =	sdelay $0x9  }
0x233: {  	v6 =	vld.idx.msk [tilespmem:v5+s14+$0x0], $0xffff;
	_ =	sdelay $0x3  }
0x234: {  	_, v7, vm0 =	vpop (xrf1)  }
0x235: {  	v6 =	vadd.s32 v7, v6  }
0x236: {  	v6 =	vadd.s32 $0xFFFFFFFF, v6  }
0x237: {  	v4 =	vshll.u32 v4, $0x4  }
0x238: {  	s28 =	sadd.s32 $0xFFFFFFF0, s5;
	v4 =	vand.u32 $0x3FF8000, v4  }
0x239: {  	v4 =	vor.u32 s28, v4  }
0x23a: {  	v4 =	vor.u32 v1, v4  }
0x23b: {  	[tilespmem:v6+s15+$0x0] =	vst.idx.msk $0xffff, v4  }
0x23c: {  	[tilespmem:v5+s14+$0x0] =	vst.idx.add.s32.msk vm0, v7  }
0x23d: {  	v4 =	vld [tilespmem:s0+$0xFFFFA000];
	_ =	sdelay $0x4  }
0x23e: {  	v5 =	vand.u32 $0x7FF, v4  }
0x23f: {  	(xrf1) =	vunique.msk.u32 $0xffff, v5;
	_ =	sdelay $0x9  }
0x240: {  	v6 =	vld.idx.msk [tilespmem:v5+s11+$0x0], $0xffff;
	_ =	sdelay $0x3  }
0x241: {  	_, v7, vm0 =	vpop (xrf1)  }
0x242: {  	v6 =	vadd.s32 v7, v6  }
0x243: {  	v6 =	vadd.s32 $0xFFFFFFFF, v6  }
0x244: {  	v4 =	vshll.u32 v4, $0x4  }
0x245: {  	s29 =	sadd.s32 $0xFFFFA000, s5;
	v4 =	vand.u32 $0x3FF8000, v4  }
0x246: {  	v4 =	vor.u32 s29, v4  }
0x247: {  	v4 =	vor.u32 v1, v4  }
0x248: {  	[tilespmem:v6+s15+$0x0] =	vst.idx.msk $0xffff, v4  }
0x249: {  	[tilespmem:v5+s11+$0x0] =	vst.idx.add.s32.msk vm0, v7  }
0x24a: {  	v4 =	vld [tilespmem:s0+$0xFFFFC000];
	_ =	sdelay $0x4  }
0x24b: {  	v5 =	vand.u32 $0x7FF, v4  }
0x24c: {  	(xrf1) =	vunique.msk.u32 $0xffff, v5;
	_ =	sdelay $0x9  }
0x24d: {  	v6 =	vld.idx.msk [tilespmem:v5+s12+$0x0], $0xffff;
	_ =	sdelay $0x3  }
0x24e: {  	_, v7, vm0 =	vpop (xrf1)  }
0x24f: {  	v6 =	vadd.s32 v7, v6  }
0x250: {  	v6 =	vadd.s32 $0xFFFFFFFF, v6  }
0x251: {  	v4 =	vshll.u32 v4, $0x4  }
0x252: {  	s30 =	sadd.s32 $0xFFFFC000, s5;
	v4 =	vand.u32 $0x3FF8000, v4  }
0x253: {  	v4 =	vor.u32 s30, v4  }
0x254: {  	v4 =	vor.u32 v1, v4  }
0x255: {  	[tilespmem:v6+s15+$0x0] =	vst.idx.msk $0xffff, v4  }
0x256: {  	[tilespmem:v5+s12+$0x0] =	vst.idx.add.s32.msk vm0, v7  }
0x257: {  	v4 =	vld [tilespmem:s0+$0xFFFFE000];
	_ =	sdelay $0x4  }
0x258: {  	v5 =	vand.u32 $0x7FF, v4  }
0x259: {  	(xrf1) =	vunique.msk.u32 $0xffff, v5;
	_ =	sdelay $0x9  }
0x25a: {  	v6 =	vld.idx.msk [tilespmem:v5+s13+$0x0], $0xffff;
	_ =	sdelay $0x3  }
0x25b: {  	_, v7, vm0 =	vpop (xrf1)  }
0x25c: {  	v6 =	vadd.s32 v7, v6  }
0x25d: {  	v6 =	vadd.s32 $0xFFFFFFFF, v6  }
0x25e: {  	v4 =	vshll.u32 v4, $0x4  }
0x25f: {  	s31 =	sadd.s32 $0xFFFFE000, s5;
	v4 =	vand.u32 $0x3FF8000, v4  }
0x260: {  	v4 =	vor.u32 s31, v4  }
0x261: {  	v4 =	vor.u32 v1, v4  }
0x262: {  	[tilespmem:v6+s15+$0x0] =	vst.idx.msk $0xffff, v4  }
0x263: {  	[tilespmem:v5+s13+$0x0] =	vst.idx.add.s32.msk vm0, v7  }
0x264: {  	v4 =	vld [tilespmem:s0+$0x0];
	_ =	sdelay $0x4  }
0x265: {  	v5 =	vand.u32 $0x7FF, v4  }
0x266: {  	(xrf1) =	vunique.msk.u32 $0xffff, v5;
	_ =	sdelay $0x9  }
0x267: {  	v6 =	vld.idx.msk [tilespmem:v5+s14+$0x0], $0xffff;
	_ =	sdelay $0x3  }
0x268: {  	_, v7, vm0 =	vpop (xrf1)  }
0x269: {  	v6 =	vadd.s32 v7, v6  }
0x26a: {  	s8 =	sadd.s32 $0x4, s8;
	v6 =	vadd.s32 $0xFFFFFFFF, v6  }
0x26b: {  	p0 =	slt.u32 s8, $0x1FC;
	v4 =	vshll.u32 v4, $0x4  }
.Ltmp5:
0x26c: {  	v4 =	vand.u32 $0x3FF8000, v4;
	(pc) =	sbr.rel @p0 .LBB2_9-.Ltmp5, $4  }
0x26d: {  	v4 =	vor.u32 s5, v4  }
0x26e: {  	v4 =	vor.u32 v1, v4  }
0x26f: {  	s17 =	simm.s32 $0x18820;
	s3 =	simm.s32 $0x19820;
	s9 =	simm.s32 $0x19020;
	[tilespmem:v6+s15+$0x0] =	vst.idx.msk $0xffff, v4  }
0x270: {  	s20 =	simm.s32 $0x18020;
	s0 =	sadd.s32 $0x40, s0;
	s5 =	sadd.s32 $0x40, s5;
	[tilespmem:v5+s14+$0x0] =	vst.idx.add.s32.msk vm0, v7  }
0x271: {  	[tilespmem:s20+$0xFFFFFFF0] =	vst v0  }
0x272: {  	[tilespmem:s20+$0x0] =	vst v0  }
0x273: {  	[tilespmem:s20+$0x10] =	vst v0  }
0x274: {  	[tilespmem:s20+$0xFFFFFFE0] =	vst v0  }
0x275: {  	[tilespmem:s17+$0xFFFFFFF0] =	vst v0  }
0x276: {  	[tilespmem:s17+$0x0] =	vst v0  }
0x277: {  	[tilespmem:s17+$0x10] =	vst v0  }
0x278: {  	[tilespmem:s17+$0xFFFFFFE0] =	vst v0  }
0x279: {  	[tilespmem:s9+$0xFFFFFFF0] =	vst v0  }
0x27a: {  	[tilespmem:s9+$0x0] =	vst v0  }
0x27b: {  	[tilespmem:s9+$0x10] =	vst v0  }
0x27c: {  	[tilespmem:s9+$0xFFFFFFE0] =	vst v0  }
0x27d: {  	[tilespmem:s3+$0xFFFFFFF0] =	vst v0  }
0x27e: {  	[tilespmem:s3+$0x0] =	vst v0  }
0x27f: {  	[tilespmem:s3+$0x10] =	vst v0  }
0x280: {  	s0 =	sadd.s32 $0x4, s2;
	s1 =	simm.s32 $0xE030;
	s2 =	sadd.s32 $0x40, s20;
	[tilespmem:s3+$0xFFFFFFE0] =	vst v0  }
.LBB2_11:
0x281: {  	[tilespmem:s2+$0xFFFFFFF0] =	vst v0;
	s17 =	sadd.s32 $0x40, s17  }
0x282: {  	s9 =	sadd.s32 $0x40, s9;
	[tilespmem:s17+$0xFFFFFFF0] =	vst v0  }
0x283: {  	s3 =	sadd.s32 $0x40, s3;
	[tilespmem:s9+$0xFFFFFFF0] =	vst v0  }
0x284: {  	[tilespmem:s3+$0xFFFFFFF0] =	vst v0  }
0x285: {  	[tilespmem:s2+$0x0] =	vst v0  }
0x286: {  	[tilespmem:s17+$0x0] =	vst v0  }
0x287: {  	[tilespmem:s9+$0x0] =	vst v0  }
0x288: {  	[tilespmem:s3+$0x0] =	vst v0  }
0x289: {  	[tilespmem:s2+$0x10] =	vst v0  }
0x28a: {  	s0 =	sadd.s32 $0x4, s0;
	[tilespmem:s17+$0x10] =	vst v0  }
0x28b: {  	p0 =	slt.u32 s0, $0x7C;
	[tilespmem:s9+$0x10] =	vst v0  }
.Ltmp6:
0x28c: {  	[tilespmem:s3+$0x10] =	vst v0;
	(pc) =	sbr.rel @p0 .LBB2_11-.Ltmp6, $4  }
0x28d: {  	[tilespmem:s2+$0xFFFFFFE0] =	vst v0  }
0x28e: {  	[tilespmem:s17+$0xFFFFFFE0] =	vst v0  }
0x28f: {  	s20 =	simm.s32 $0x0;
	[tilespmem:s9+$0xFFFFFFE0] =	vst v0  }
0x290: {  	s2 =	sadd.s32 $0x40, s2;
	[tilespmem:s3+$0xFFFFFFE0] =	vst v0  }
0x291: {  	v4 =	vld [tilespmem:s1+$0xFFFFA000]  }
0x292: {  	v5 =	vld [tilespmem:s1+$0xFFFF9FE0]  }
0x293: {  	v6 =	vld [tilespmem:s1+$0xFFFF9FF0]  }
0x294: {  	v7 =	vld [tilespmem:s1+$0xFFFF9FD0];
	_ =	sdelay $0x1  }
0x295: {  	v4 =	vshra.s32 v4, $0xF  }
0x296: {  	v5 =	vshra.s32 v5, $0xF;
	(xrf1) =	vunique.msk.u32 $0xffff, v4  }
0x297: {  	v6 =	vshra.s32 v6, $0xF;
	(xrf1) =	vunique.msk.u32 $0xffff, v5  }
0x298: {  	v7 =	vshra.s32 v7, $0xF;
	(xrf1) =	vunique.msk.u32 $0xffff, v6  }
0x299: {  	(xrf1) =	vunique.msk.u32 $0xffff, v7;
	_ =	sdelay $0xa  }
0x29a: {  	_, v8, vm0 =	vpop (xrf1)  }
0x29b: {  	_, v9, vm1 =	vpop (xrf1)  }
0x29c: {  	_, v10, vm2 =	vpop (xrf1)  }
0x29d: {  	_, v11, vm3 =	vpop (xrf1);
	_ =	sdelay $0x2  }
0x29e: {  	[tilespmem:v4+s11+$0x0] =	vst.idx.add.s32.msk vm0, v8  }
0x29f: {  	v4 =	vld [tilespmem:s1+$0xFFFFC000];
	_ =	sdelay $0x1  }
0x2a0: {  	s17 =	sand.u32 $0x1FC0, s20;
	[tilespmem:v7+s11+$0x0] =	vst.idx.add.s32.msk vm3, v11  }
0x2a1: {  	s2 =	simm.s32 $0xE070;
	v7 =	vld [tilespmem:s17+$0xA000]  }
0x2a2: {  	v8 =	vld [tilespmem:s2+$0xFFFFA000]  }
0x2a3: {  	v11 =	vld [tilespmem:s2+$0xFFFF9FE0];
	v4 =	vshra.s32 v4, $0xF  }
0x2a4: {  	v12 =	vld [tilespmem:s2+$0xFFFF9FF0];
	(xrf1) =	vunique.msk.u32 $0xffff, v4  }
0x2a5: {  	v13 =	vld [tilespmem:s2+$0xFFFF9FD0]  }
0x2a6: {  	v7 =	vshra.s32 v7, $0xF  }
0x2a7: {  	v8 =	vshra.s32 v8, $0xF;
	(xrf1) =	vunique.msk.u32 $0xffff, v7  }
0x2a8: {  	v11 =	vshra.s32 v11, $0xF;
	(xrf1) =	vunique.msk.u32 $0xffff, v8  }
0x2a9: {  	v12 =	vshra.s32 v12, $0xF;
	(xrf1) =	vunique.msk.u32 $0xffff, v11  }
0x2aa: {  	v13 =	vshra.s32 v13, $0xF;
	(xrf1) =	vunique.msk.u32 $0xffff, v12  }
0x2ab: {  	(xrf1) =	vunique.msk.u32 $0xffff, v13;
	_ =	sdelay $0x6  }
0x2ac: {  	[tilespmem:v5+s11+$0x0] =	vst.idx.add.s32.msk vm1, v9;
	_, v5, vm1 =	vpop (xrf1);
	_ =	sdelay $0x1  }
0x2ad: {  	[tilespmem:v6+s11+$0x0] =	vst.idx.add.s32.msk vm2, v10  }
0x2ae: {  	v6 =	vld [tilespmem:s1+$0xFFFFBFE0];
	_, v10, vm2 =	vpop (xrf1)  }
0x2af: {  	_, v14, vm3 =	vpop (xrf1)  }
0x2b0: {  	v9 =	vld [tilespmem:s1+$0xFFFFBFF0];
	_, v15, vm0 =	vpop (xrf1)  }
0x2b1: {  	[tilespmem:v4+s12+$0x0] =	vst.idx.add.s32.msk vm1, v5;
	_, v4, vm1 =	vpop (xrf1)  }
0x2b2: {  	_, v16, vm4 =	vpop (xrf1)  }
0x2b3: {  	v5 =	vshra.s32 v6, $0xF;
	v6 =	vld [tilespmem:s1+$0xFFFFE000]  }
0x2b4: {  	(xrf1) =	vunique.msk.u32 $0xffff, v5  }
0x2b5: {  	v9 =	vshra.s32 v9, $0xF;
	[tilespmem:v8+s11+$0x0] =	vst.idx.add.s32.msk vm3, v14  }
0x2b6: {  	(xrf1) =	vunique.msk.u32 $0xffff, v9;
	v8 =	vld [tilespmem:s2+$0xFFFFC000]  }
0x2b7: {  	s0 =	simm.s32 $0x40  }
0x2b8: {  	s8 =	sand.u32 $0x1FC0, s0;
	v6 =	vshra.s32 v6, $0xF;
	[tilespmem:v13+s11+$0x0] =	vst.idx.add.s32.msk vm4, v16  }
0x2b9: {  	s0 =	simm.s32 $0xE0B0;
	(xrf1) =	vunique.msk.u32 $0xffff, v6;
	v13 =	vld [tilespmem:s8+$0xA000]  }
0x2ba: {  	v14 =	vld [tilespmem:s0+$0xFFFFA000]  }
0x2bb: {  	v8 =	vshra.s32 v8, $0xF  }
0x2bc: {  	v16 =	vld [tilespmem:s0+$0xFFFF9FE0];
	(xrf1) =	vunique.msk.u32 $0xffff, v8  }
0x2bd: {  	v17 =	vld [tilespmem:s0+$0xFFFF9FF0]  }
0x2be: {  	v18 =	vld [tilespmem:s0+$0xFFFF9FD0];
	v13 =	vshra.s32 v13, $0xF  }
0x2bf: {  	v14 =	vshra.s32 v14, $0xF;
	(xrf1) =	vunique.msk.u32 $0xffff, v13  }
0x2c0: {  	(xrf1) =	vunique.msk.u32 $0xffff, v14  }
0x2c1: {  	v16 =	vshra.s32 v16, $0xF  }
0x2c2: {  	v17 =	vshra.s32 v17, $0xF;
	_, v19, vm3 =	vpop (xrf1);
	(xrf1) =	vunique.msk.u32 $0xffff, v16  }
0x2c3: {  	[tilespmem:v7+s12+$0x0] =	vst.idx.add.s32.msk vm2, v10;
	v10 =	vshra.s32 v18, $0xF;
	(xrf1) =	vunique.msk.u32 $0xffff, v17  }
0x2c4: {  	[tilespmem:v11+s11+$0x0] =	vst.idx.add.s32.msk vm0, v15;
	_, v7, vm2 =	vpop (xrf1);
	(xrf1) =	vunique.msk.u32 $0xffff, v10  }
0x2c5: {  	[tilespmem:v12+s11+$0x0] =	vst.idx.add.s32.msk vm1, v4  }
0x2c6: {  	v4 =	vld [tilespmem:s2+$0xFFFFBFE0]  }
0x2c7: {  	v11 =	vld [tilespmem:s2+$0xFFFFBFF0];
	_, v12, vm0 =	vpop (xrf1)  }
0x2c8: {  	[tilespmem:v5+s12+$0x0] =	vst.idx.add.s32.msk vm3, v19  }
0x2c9: {  	v5 =	vld [tilespmem:s17+$0xC000]  }
0x2ca: {  	[tilespmem:v9+s12+$0x0] =	vst.idx.add.s32.msk vm2, v7;
	_, v15, vm1 =	vpop (xrf1)  }
0x2cb: {  	v4 =	vshra.s32 v4, $0xF;
	v7 =	vld [tilespmem:s1+$0xFFFFDFE0]  }
0x2cc: {  	v11 =	vshra.s32 v11, $0xF;
	(xrf1) =	vunique.msk.u32 $0xffff, v4;
	v9 =	vld [tilespmem:s1+$0xFFFFDFF0]  }
0x2cd: {  	(xrf1) =	vunique.msk.u32 $0xffff, v11;
	[tilespmem:v6+s13+$0x0] =	vst.idx.add.s32.msk vm0, v12;
	_, v12, vm0 =	vpop (xrf1)  }
0x2ce: {  	_, v18, vm2 =	vpop (xrf1)  }
0x2cf: {  	v6 =	vld [tilespmem:s1+$0x0]  }
0x2d0: {  	_, v19, vm3 =	vpop (xrf1);
	[tilespmem:v8+s12+$0x0] =	vst.idx.add.s32.msk vm1, v15  }
0x2d1: {  	v5 =	vshra.s32 v5, $0xF;
	v21 =	vshra.s32 v9, $0xF;
	_, v20, vm4 =	vpop (xrf1);
	v9 =	vld [tilespmem:s2+$0xFFFFE000]  }
0x2d2: {  	v7 =	vshra.s32 v7, $0xF;
	(xrf1) =	vunique.msk.u32 $0xffff, v5;
	_, v8, vm1 =	vpop (xrf1)  }
0x2d3: {  	(xrf1) =	vunique.msk.u32 $0xffff, v7;
	[tilespmem:v13+s12+$0x0] =	vst.idx.add.s32.msk vm0, v12  }
0x2d4: {  	(xrf1) =	vunique.msk.u32 $0xffff, v21;
	v6 =	vshra.s32 v6, $0xF;
	[tilespmem:v14+s11+$0x0] =	vst.idx.add.s32.msk vm2, v18  }
0x2d5: {  	(xrf1) =	vunique.msk.u32 $0xffff, v6;
	v12 =	vld [tilespmem:s0+$0xFFFFC000]  }
0x2d6: {  	v13 =	vshra.s32 v9, $0xF  }
0x2d7: {  	s3 =	simm.s32 $0x80;
	[tilespmem:v16+s11+$0x0] =	vst.idx.add.s32.msk vm3, v19;
	(xrf1) =	vunique.msk.u32 $0xffff, v13  }
0x2d8: {  	s9 =	sand.u32 $0x1FC0, s3;
	[tilespmem:v10+s11+$0x0] =	vst.idx.add.s32.msk vm1, v8  }
0x2d9: {  	s5 =	simm.s32 $0xE0F0;
	v8 =	vld [tilespmem:s9+$0xA000]  }
0x2da: {  	v9 =	vld [tilespmem:s5+$0xFFFFA000];
	_, v10, vm0 =	vpop (xrf1);
	v16 =	vshra.s32 v12, $0xF  }
0x2db: {  	v14 =	vld [tilespmem:s5+$0xFFFF9FE0];
	_, v15, vm1 =	vpop (xrf1);
	(xrf1) =	vunique.msk.u32 $0xffff, v16  }
0x2dc: {  	v18 =	vld [tilespmem:s5+$0xFFFF9FD0]  }
0x2dd: {  	[tilespmem:v17+s11+$0x0] =	vst.idx.add.s32.msk vm4, v20  }
0x2de: {  	v12 =	vld [tilespmem:s5+$0xFFFF9FF0];
	v17 =	vshra.s32 v8, $0xF  }
0x2df: {  	v20 =	vshra.s32 v9, $0xF;
	v9 =	vld [tilespmem:s0+$0xFFFFBFF0];
	(xrf1) =	vunique.msk.u32 $0xffff, v17  }
0x2e0: {  	_, v19, vm2 =	vpop (xrf1);
	v8 =	vld [tilespmem:s0+$0xFFFFBFE0]  }
0x2e1: {  	_, v22, vm3 =	vpop (xrf1);
	[tilespmem:v4+s12+$0x0] =	vst.idx.add.s32.msk vm0, v10;
	(xrf1) =	vunique.msk.u32 $0xffff, v20  }
0x2e2: {  	v14 =	vshra.s32 v14, $0xF;
	_, v23, vm4 =	vpop (xrf1);
	v10 =	vld [tilespmem:s8+$0xC000]  }
0x2e3: {  	[tilespmem:v11+s12+$0x0] =	vst.idx.add.s32.msk vm1, v15;
	v24 =	vshra.s32 v12, $0xF;
	(xrf1) =	vunique.msk.u32 $0xffff, v14;
	_, v4, vm0 =	vpop (xrf1)  }
0x2e4: {  	v15 =	vshra.s32 v18, $0xF;
	v18 =	vld [tilespmem:s2+$0xFFFFDFE0];
	(xrf1) =	vunique.msk.u32 $0xffff, v24  }
0x2e5: {  	v25 =	vld [tilespmem:s2+$0xFFFFDFF0];
	(xrf1) =	vunique.msk.u32 $0xffff, v15;
	_, v26, vm1 =	vpop (xrf1)  }
0x2e6: {  	[tilespmem:v5+s13+$0x0] =	vst.idx.add.s32.msk vm2, v19  }
0x2e7: {  	[tilespmem:v7+s13+$0x0] =	vst.idx.add.s32.msk vm3, v22;
	v12 =	vshra.s32 v8, $0xF  }
0x2e8: {  	v11 =	vshra.s32 v9, $0xF;
	v5 =	vld [tilespmem:s17+$0xE000];
	(xrf1) =	vunique.msk.u32 $0xffff, v12  }
0x2e9: {  	v8 =	vshra.s32 v10, $0xF;
	(xrf1) =	vunique.msk.u32 $0xffff, v11;
	[tilespmem:v6+s14+$0x0] =	vst.idx.add.s32.msk vm0, v4;
	_, v4, vm0 =	vpop (xrf1)  }
0x2ea: {  	[tilespmem:v21+s13+$0x0] =	vst.idx.add.s32.msk vm4, v23;
	v9 =	vshra.s32 v18, $0xF;
	(xrf1) =	vunique.msk.u32 $0xffff, v8  }
0x2eb: {  	v10 =	vshra.s32 v25, $0xF;
	(xrf1) =	vunique.msk.u32 $0xffff, v9;
	[tilespmem:v13+s13+$0x0] =	vst.idx.add.s32.msk vm1, v26  }
0x2ec: {  	(xrf1) =	vunique.msk.u32 $0xffff, v10;
	v7 =	vld [tilespmem:s2+$0x0]  }
0x2ed: {  	v18 =	vld [tilespmem:s1+$0xFFFFFFE0];
	_, v6, vm1 =	vpop (xrf1)  }
0x2ee: {  	v22 =	vld [tilespmem:s1+$0xFFFFFFF0]  }
0x2ef: {  	_, v13, vm2 =	vpop (xrf1);
	[tilespmem:v16+s12+$0x0] =	vst.idx.add.s32.msk vm0, v4;
	v4 =	vshra.s32 v5, $0xF  }
0x2f0: {  	(xrf1) =	vunique.msk.u32 $0xffff, v4  }
0x2f1: {  	_, v21, vm3 =	vpop (xrf1);
	v63 =	vld [tilespmem:s0+$0xFFFFE000];
	v7 =	vshra.s32 v7, $0xF  }
0x2f2: {  	_, v23, vm6 =	vpop (xrf1);
	v5 =	vshra.s32 v18, $0xF;
	(xrf1) =	vunique.msk.u32 $0xffff, v7  }
0x2f3: {  	_, v62, vm7 =	vpop (xrf1);
	[tilespmem:v17+s12+$0x0] =	vst.idx.add.s32.msk vm1, v6;
	v6 =	vshra.s32 v22, $0xF;
	(xrf1) =	vunique.msk.u32 $0xffff, v5  }
0x2f4: {  	(xrf1) =	vunique.msk.u32 $0xffff, v6  }
0x2f5: {  	[tilespmem:v20+s11+$0x0] =	vst.idx.add.s32.msk vm2, v13  }
0x2f6: {  	_, v16, vm4 =	vpop (xrf1);
	v19 =	vld [tilespmem:s5+$0xFFFFC000];
	v13 =	vshra.s32 v63, $0xF  }
0x2f7: {  	_, v18, vm5 =	vpop (xrf1);
	[tilespmem:v14+s11+$0x0] =	vst.idx.add.s32.msk vm3, v21;
	(xrf1) =	vunique.msk.u32 $0xffff, v13  }
0x2f8: {  	s3 =	simm.s32 $0xC0;
	_, v14, vm0 =	vpop (xrf1);
	[tilespmem:v24+s11+$0x0] =	vst.idx.add.s32.msk vm6, v23  }
0x2f9: {  	s1 =	sand.u32 $0x1FC0, s3;
	[tilespmem:v15+s11+$0x0] =	vst.idx.add.s32.msk vm7, v62;
	_, v15, vm2 =	vpop (xrf1)  }
0x2fa: {  	s21 =	simm.s32 $0xE130;
	s17 =	simm.s32 $0xC;
	_, v17, vm6 =	vpop (xrf1);
	v20 =	vld [tilespmem:s1+$0xA000]  }
.LBB2_13:
0x2fb: {  	v21 =	vld [tilespmem:s21+$0xFFFFA000];
	s17 =	sadd.s32 $0x4, s17;
	v19 =	vshra.s32 v19, $0xF  }
0x2fc: {  	v22 =	vld [tilespmem:s21+$0xFFFF9FE0];
	p0 =	slt.u32 s17, $0x1FC;
	(xrf1) =	vunique.msk.u32 $0xffff, v19  }
0x2fd: {  	v23 =	vld [tilespmem:s21+$0xFFFF9FF0]  }
0x2fe: {  	v24 =	vld [tilespmem:s21+$0xFFFF9FD0];
	_, v25, vm1 =	vpop (xrf1)  }
0x2ff: {  	v20 =	vshra.s32 v20, $0xF;
	v26 =	vld [tilespmem:s5+$0xFFFFBFE0]  }
0x300: {  	v21 =	vshra.s32 v21, $0xF;
	v27 =	vld [tilespmem:s5+$0xFFFFBFF0];
	(xrf1) =	vunique.msk.u32 $0xffff, v20;
	_, v28, vm7 =	vpop (xrf1)  }
0x301: {  	v22 =	vshra.s32 v22, $0xF;
	(xrf1) =	vunique.msk.u32 $0xffff, v21;
	[tilespmem:v12+s12+$0x0] =	vst.idx.add.s32.msk vm4, v16;
	_, v16, vm3 =	vpop (xrf1)  }
0x302: {  	v23 =	vshra.s32 v23, $0xF;
	(xrf1) =	vunique.msk.u32 $0xffff, v22;
	[tilespmem:v11+s12+$0x0] =	vst.idx.add.s32.msk vm5, v18;
	_, v18, vm5 =	vpop (xrf1)  }
0x303: {  	v24 =	vshra.s32 v24, $0xF;
	(xrf1) =	vunique.msk.u32 $0xffff, v23;
	v29 =	vld [tilespmem:s9+$0xC000]  }
0x304: {  	(xrf1) =	vunique.msk.u32 $0xffff, v24;
	v12 =	vshra.s32 v26, $0xF;
	v26 =	vld [tilespmem:s0+$0xFFFFDFE0]  }
0x305: {  	v11 =	vshra.s32 v27, $0xF;
	(xrf1) =	vunique.msk.u32 $0xffff, v12;
	v27 =	vld [tilespmem:s0+$0xFFFFDFF0];
	_, v30, vm4 =	vpop (xrf1)  }
0x306: {  	(xrf1) =	vunique.msk.u32 $0xffff, v11;
	[tilespmem:v7+s14+$0x0] =	vst.idx.add.s32.msk vm7, v28  }
0x307: {  	[tilespmem:v8+s13+$0x0] =	vst.idx.add.s32.msk vm0, v14  }
0x308: {  	v8 =	vshra.s32 v29, $0xF;
	[tilespmem:v9+s13+$0x0] =	vst.idx.add.s32.msk vm2, v15  }
0x309: {  	v9 =	vshra.s32 v26, $0xF;
	(xrf1) =	vunique.msk.u32 $0xffff, v8;
	[tilespmem:v10+s13+$0x0] =	vst.idx.add.s32.msk vm6, v17  }
0x30a: {  	_, v7, vm0 =	vpop (xrf1);
	v10 =	vshra.s32 v27, $0xF;
	(xrf1) =	vunique.msk.u32 $0xffff, v9;
	v14 =	vld [tilespmem:s8+$0xE000];
	s8 =	smov.u32 s9;
	s9 =	smov.u32 s1  }
0x30b: {  	[tilespmem:v13+s13+$0x0] =	vst.idx.add.s32.msk vm4, v30;
	(xrf1) =	vunique.msk.u32 $0xffff, v10  }
0x30c: {  	v13 =	vld [tilespmem:s0+$0x0]  }
0x30d: {  	v15 =	vld [tilespmem:s2+$0xFFFFFFE0]  }
0x30e: {  	_, v17, vm2 =	vpop (xrf1);
	v26 =	vld [tilespmem:s2+$0xFFFFFFF0];
	s2 =	smov.u32 s0;
	s0 =	smov.u32 s5;
	s5 =	smov.u32 s21  }
0x30f: {  	_, v27, vm6 =	vpop (xrf1);
	[tilespmem:v4+s14+$0x0] =	vst.idx.add.s32.msk vm1, v25;
	v4 =	vshra.s32 v14, $0xF  }
0x310: {  	_, v14, vm1 =	vpop (xrf1);
	[tilespmem:v19+s12+$0x0] =	vst.idx.add.s32.msk vm0, v7;
	(xrf1) =	vunique.msk.u32 $0xffff, v4  }
0x311: {  	_, v25, vm7 =	vpop (xrf1);
	v28 =	vld [tilespmem:s0+$0xFFFFE000];
	v7 =	vshra.s32 v13, $0xF  }
0x312: {  	_, v29, vm8 =	vpop (xrf1);
	(xrf1) =	vunique.msk.u32 $0xffff, v7;
	[tilespmem:v5+s14+$0x0] =	vst.idx.add.s32.msk vm3, v16;
	v5 =	vshra.s32 v15, $0xF  }
0x313: {  	_, v16, vm4 =	vpop (xrf1);
	(xrf1) =	vunique.msk.u32 $0xffff, v5;
	[tilespmem:v6+s14+$0x0] =	vst.idx.add.s32.msk vm5, v18;
	v6 =	vshra.s32 v26, $0xF  }
0x314: {  	[tilespmem:v20+s12+$0x0] =	vst.idx.add.s32.msk vm2, v17;
	_, v18, vm5 =	vpop (xrf1);
	(xrf1) =	vunique.msk.u32 $0xffff, v6  }
0x315: {  	[tilespmem:v21+s11+$0x0] =	vst.idx.add.s32.msk vm6, v27  }
.Ltmp7:
0x316: {  	v19 =	vld [tilespmem:s21+$0xFFFFC000];
	v13 =	vshra.s32 v28, $0xF;
	(pc) =	sbr.rel @p0 .LBB2_13-.Ltmp7, $4  }
0x317: {  	[tilespmem:v22+s11+$0x0] =	vst.idx.add.s32.msk vm1, v14;
	(xrf1) =	vunique.msk.u32 $0xffff, v13;
	_, v14, vm0 =	vpop (xrf1)  }
0x318: {  	s3 =	sadd.s32 $0x40, s3;
	[tilespmem:v24+s11+$0x0] =	vst.idx.add.s32.msk vm8, v29;
	_, v15, vm2 =	vpop (xrf1)  }
0x319: {  	s1 =	sand.u32 $0x1FC0, s3;
	[tilespmem:v23+s11+$0x0] =	vst.idx.add.s32.msk vm7, v25;
	_, v17, vm6 =	vpop (xrf1)  }
0x31a: {  	s21 =	sadd.s32 $0x40, s21;
	v20 =	vld [tilespmem:s1+$0xA000]  }
0x31b: {  	v21 =	vld [tilespmem:s5+$0xFFFFBFE0];
	_ =	sdelay $0x1  }
0x31c: {  	v19 =	vshra.s32 v19, $0xF  }
0x31d: {  	v22 =	vld [tilespmem:s5+$0xFFFFBFF0];
	(xrf1) =	vunique.msk.u32 $0xffff, v19  }
0x31e: {  	v20 =	vshra.s32 v20, $0xF  }
0x31f: {  	(xrf1) =	vunique.msk.u32 $0xffff, v20;
	v21 =	vshra.s32 v21, $0xF  }
0x320: {  	(xrf1) =	vunique.msk.u32 $0xffff, v21;
	_ =	sdelay $0x1  }
0x321: {  	v22 =	vshra.s32 v22, $0xF  }
0x322: {  	(xrf1) =	vunique.msk.u32 $0xffff, v22  }
0x323: {  	[tilespmem:v12+s12+$0x0] =	vst.idx.add.s32.msk vm4, v16  }
0x324: {  	[tilespmem:v11+s12+$0x0] =	vst.idx.add.s32.msk vm5, v18;
	_, v23, vm1 =	vpop (xrf1)  }
0x325: {  	v43 =	vld [tilespmem:s9+$0xC000];
	_, v24, vm3 =	vpop (xrf1)  }
0x326: {  	[tilespmem:v8+s13+$0x0] =	vst.idx.add.s32.msk vm0, v14;
	_, v12, vm4 =	vpop (xrf1)  }
0x327: {  	[tilespmem:v9+s13+$0x0] =	vst.idx.add.s32.msk vm2, v15;
	_, v11, vm5 =	vpop (xrf1)  }
0x328: {  	[tilespmem:v10+s13+$0x0] =	vst.idx.add.s32.msk vm6, v17;
	_, v25, vm7 =	vpop (xrf1)  }
0x329: {  	v44 =	vld [tilespmem:s0+$0xFFFFDFE0]  }
0x32a: {  	v26 =	vld [tilespmem:s0+$0xFFFFDFF0];
	_, v8, vm0 =	vpop (xrf1)  }
0x32b: {  	v45 =	vld [tilespmem:s8+$0xE000]  }
0x32c: {  	v15 =	vld [tilespmem:s2+$0xFFFFFFE0];
	_, v46, vm9 =	vpop (xrf1)  }
0x32d: {  	v17 =	vld [tilespmem:s2+$0xFFFFFFF0];
	_, v47, vm10 =	vpop (xrf1)  }
0x32e: {  	[tilespmem:v13+s13+$0x0] =	vst.idx.add.s32.msk vm7, v25  }
0x32f: {  	v13 =	vld [tilespmem:s0+$0x0]  }
0x330: {  	[tilespmem:v19+s12+$0x0] =	vst.idx.add.s32.msk vm0, v8;
	_, v19, vm0 =	vpop (xrf1)  }
0x331: {  	v48 =	vld [tilespmem:s5+$0xFFFFE000]  }
0x332: {  	v8 =	vshra.s32 v43, $0xF;
	[tilespmem:v20+s12+$0x0] =	vst.idx.add.s32.msk vm9, v46  }
0x333: {  	v18 =	vshra.s32 v44, $0xF;
	(xrf1) =	vunique.msk.u32 $0xffff, v8;
	[tilespmem:v21+s12+$0x0] =	vst.idx.add.s32.msk vm10, v47  }
0x334: {  	v49 =	vshra.s32 v26, $0xF;
	(xrf1) =	vunique.msk.u32 $0xffff, v18;
	v50 =	vld [tilespmem:s1+$0xC000]  }
0x335: {  	v9 =	vshra.s32 v45, $0xF;
	(xrf1) =	vunique.msk.u32 $0xffff, v49;
	v51 =	vld [tilespmem:s5+$0xFFFFDFE0]  }
0x336: {  	v13 =	vshra.s32 v13, $0xF;
	(xrf1) =	vunique.msk.u32 $0xffff, v9;
	[tilespmem:v22+s12+$0x0] =	vst.idx.add.s32.msk vm0, v19  }
0x337: {  	v15 =	vshra.s32 v15, $0xF;
	(xrf1) =	vunique.msk.u32 $0xffff, v13;
	v19 =	vld [tilespmem:s5+$0xFFFFDFF0]  }
0x338: {  	v17 =	vshra.s32 v17, $0xF;
	(xrf1) =	vunique.msk.u32 $0xffff, v15  }
0x339: {  	v16 =	vshra.s32 v48, $0xF;
	(xrf1) =	vunique.msk.u32 $0xffff, v17  }
0x33a: {  	(xrf1) =	vunique.msk.u32 $0xffff, v16;
	v14 =	vshra.s32 v50, $0xF  }
0x33b: {  	v20 =	vshra.s32 v51, $0xF;
	(xrf1) =	vunique.msk.u32 $0xffff, v14  }
0x33c: {  	(xrf1) =	vunique.msk.u32 $0xffff, v20;
	v19 =	vshra.s32 v19, $0xF  }
0x33d: {  	(xrf1) =	vunique.msk.u32 $0xffff, v19;
	_ =	sdelay $0x3  }
0x33e: {  	_, v52, vm8 =	vpop (xrf1)  }
0x33f: {  	_, v53, vm9 =	vpop (xrf1)  }
0x340: {  	_, v54, vm10 =	vpop (xrf1)  }
0x341: {  	_, v55, vm2 =	vpop (xrf1)  }
0x342: {  	_, v27, vm7 =	vpop (xrf1)  }
0x343: {  	_, v28, vm6 =	vpop (xrf1)  }
0x344: {  	_, v29, vm0 =	vpop (xrf1)  }
0x345: {  	_, v30, vm11 =	vpop (xrf1)  }
0x346: {  	[tilespmem:v8+s13+$0x0] =	vst.idx.add.s32.msk vm8, v52;
	_, v31, vm12 =	vpop (xrf1)  }
0x347: {  	[tilespmem:v18+s13+$0x0] =	vst.idx.add.s32.msk vm9, v53;
	_, v32, vm13 =	vpop (xrf1)  }
0x348: {  	v56 =	vld [tilespmem:s9+$0xE000];
	_, v8, vm8 =	vpop (xrf1)  }
0x349: {  	[tilespmem:v49+s13+$0x0] =	vst.idx.add.s32.msk vm10, v54  }
0x34a: {  	v58 =	vld [tilespmem:s0+$0xFFFFFFF0]  }
0x34b: {  	[tilespmem:v16+s13+$0x0] =	vst.idx.add.s32.msk vm11, v30  }
0x34c: {  	v57 =	vld [tilespmem:s5+$0x0]  }
0x34d: {  	[tilespmem:v14+s13+$0x0] =	vst.idx.add.s32.msk vm12, v31  }
0x34e: {  	[tilespmem:v19+s13+$0x0] =	vst.idx.add.s32.msk vm8, v8  }
0x34f: {  	v8 =	vld [tilespmem:s0+$0xFFFFFFE0]  }
0x350: {  	[tilespmem:v20+s13+$0x0] =	vst.idx.add.s32.msk vm13, v32  }
0x351: {  	v10 =	vshra.s32 v56, $0xF;
	v59 =	vld [tilespmem:s1+$0xE000]  }
0x352: {  	(xrf1) =	vunique.msk.u32 $0xffff, v10;
	v60 =	vld [tilespmem:s5+$0xFFFFFFE0];
	v14 =	vshra.s32 v57, $0xF  }
0x353: {  	v61 =	vld [tilespmem:s5+$0xFFFFFFF0];
	(xrf1) =	vunique.msk.u32 $0xffff, v14  }
0x354: {  	v8 =	vshra.s32 v8, $0xF  }
0x355: {  	v16 =	vshra.s32 v58, $0xF;
	(xrf1) =	vunique.msk.u32 $0xffff, v8  }
0x356: {  	v18 =	vshra.s32 v59, $0xF;
	(xrf1) =	vunique.msk.u32 $0xffff, v16  }
0x357: {  	v19 =	vshra.s32 v60, $0xF;
	(xrf1) =	vunique.msk.u32 $0xffff, v18  }
0x358: {  	v20 =	vshra.s32 v61, $0xF;
	(xrf1) =	vunique.msk.u32 $0xffff, v19  }
0x359: {  	(xrf1) =	vunique.msk.u32 $0xffff, v20;
	_ =	sdelay $0x5  }
0x35a: {  	[tilespmem:v4+s14+$0x0] =	vst.idx.add.s32.msk vm1, v23  }
0x35b: {  	[tilespmem:v7+s14+$0x0] =	vst.idx.add.s32.msk vm3, v24;
	_, v4, vm1 =	vpop (xrf1)  }
0x35c: {  	[tilespmem:v5+s14+$0x0] =	vst.idx.add.s32.msk vm4, v12;
	_, v5, vm11 =	vpop (xrf1)  }
0x35d: {  	[tilespmem:v6+s14+$0x0] =	vst.idx.add.s32.msk vm5, v11  }
0x35e: {  	[tilespmem:v9+s14+$0x0] =	vst.idx.add.s32.msk vm2, v55;
	_, v6, vm12 =	vpop (xrf1)  }
0x35f: {  	[tilespmem:v13+s14+$0x0] =	vst.idx.add.s32.msk vm7, v27;
	_, v7, vm13 =	vpop (xrf1)  }
0x360: {  	[tilespmem:v15+s14+$0x0] =	vst.idx.add.s32.msk vm6, v28;
	_, v62, vm14 =	vpop (xrf1)  }
0x361: {  	[tilespmem:v17+s14+$0x0] =	vst.idx.add.s32.msk vm0, v29;
	_, v63, vm15 =	vpop (xrf1)  }
0x362: {  	[tilespmem:v14+s14+$0x0] =	vst.idx.add.s32.msk vm11, v5;
	_, v5, vm3 =	vpop (xrf1)  }
0x363: {  	[tilespmem:v10+s14+$0x0] =	vst.idx.add.s32.msk vm1, v4  }
0x364: {  	[tilespmem:v8+s14+$0x0] =	vst.idx.add.s32.msk vm12, v6  }
0x365: {  	[tilespmem:v16+s14+$0x0] =	vst.idx.add.s32.msk vm13, v7  }
0x366: {  	[tilespmem:v18+s14+$0x0] =	vst.idx.add.s32.msk vm14, v62  }
0x367: {  	p1 =	por $0x1, $0x1;
	[tilespmem:v19+s14+$0x0] =	vst.idx.add.s32.msk vm15, v63  }
.Ltmp8:
0x368: {  	s3 =	simm.s32 $0x18810;
	[tilespmem:v20+s14+$0x0] =	vst.idx.add.s32.msk vm3, v5;
	(pc) =	sbr.rel @!p1 .LBB2_15-.Ltmp8, $4  }
0x369: {  	s8 =	simm.s32 $0x18010;
	v4 =	vld [tilespmem:s3+$0xFFFFFFF0]  }
0x36a: {  	s9 =	simm.s32 $0x19010;
	v6 =	vld [tilespmem:s8+$0xFFFFFFF0]  }
0x36b: {  	s17 =	simm.s32 $0x19810;
	v5 =	vld [tilespmem:s9+$0xFFFFFFF0]  }
0x36c: {  	p0 =	por $0x0, $0x0;
	v7 =	vld [tilespmem:s17+$0xFFFFFFF0]  }
0x36d: {  	_ =	sdelay $0x1  }
0x36e: {  	v8 =	vadd.s32 v6, v4  }
0x36f: {  	v8 =	vadd.s32 v5, v8  }
0x370: {  	v7 =	vadd.s32 v7, v8  }
0x371: {  	(xrf0) =	vadd.scan.msk.s32 $0xffff, v7;
	_ =	sdelay $0x5  }
0x372: {  	v8, _, _ =	vpop (xrf0)  }
0x373: {  	v7 =	vsub.s32 v8, v7  }
0x374: {  	v7 =	vadd.s32 s20, v7  }
0x375: {  	[tilespmem:s8+$0xFFFFFFF0] =	vst v7;
	v6 =	vadd.s32 v6, v7  }
0x376: {  	[tilespmem:s3+$0xFFFFFFF0] =	vst v6;
	v4 =	vadd.s32 v4, v6  }
0x377: {  	[tilespmem:s9+$0xFFFFFFF0] =	vst v4;
	v4 =	vadd.s32 v5, v4  }
0x378: {  	[tilespmem:s17+$0xFFFFFFF0] =	vst v4  }
0x379: {  	(v2sf) =	vpush v8, $0xF;
	v4 =	vld [tilespmem:s8+$0x0]  }
0x37a: {  	v5 =	vld [tilespmem:s3+$0x0]  }
0x37b: {  	v6 =	vld [tilespmem:s9+$0x0]  }
0x37c: {  	v7 =	vld [tilespmem:s17+$0x0];
	_ =	sdelay $0x2  }
0x37d: {  	v8 =	vadd.s32 v4, v5  }
0x37e: {  	v8 =	vadd.s32 v6, v8  }
0x37f: {  	v7 =	vadd.s32 v7, v8  }
0x380: {  	(xrf0) =	vadd.scan.msk.s32 $0xffff, v7;
	_ =	sdelay $0x5  }
0x381: {  	s0 =	spop (v2sf);
	v8, _, _ =	vpop (xrf0)  }
0x382: {  	s22 =	sadd.s32 $0x0, s0;
	v7 =	vsub.s32 v8, v7;
	(v2sf) =	vpush v8, $0xF  }
0x383: {  	v7 =	vadd.s32 s22, v7  }
0x384: {  	[tilespmem:s8+$0x0] =	vst v7;
	v4 =	vadd.s32 v4, v7  }
0x385: {  	[tilespmem:s3+$0x0] =	vst v4;
	v4 =	vadd.s32 v5, v4  }
0x386: {  	[tilespmem:s9+$0x0] =	vst v4;
	v4 =	vadd.s32 v6, v4  }
0x387: {  	p1 =	por $0x1, $0x1;
	s3 =	simm.s32 $0x18830;
	[tilespmem:s17+$0x0] =	vst v4  }
.Ltmp9:
0x388: {  	s8 =	simm.s32 $0x18030;
	v4 =	vld [tilespmem:s3+$0xFFFFFFF0];
	(pc) =	sbr.rel @!p1 .LBB2_17-.Ltmp9, $4  }
0x389: {  	s9 =	simm.s32 $0x19030;
	v6 =	vld [tilespmem:s8+$0xFFFFFFF0]  }
0x38a: {  	s17 =	simm.s32 $0x19830;
	v5 =	vld [tilespmem:s9+$0xFFFFFFF0]  }
0x38b: {  	s21 =	simm.s32 $0x2;
	p0 =	por $0x1, $0x1;
	s2 =	simm.s32 $0x18830;
	v7 =	vld [tilespmem:s17+$0xFFFFFFF0]  }
0x38c: {  	s5 =	simm.s32 $0x19030;
	s1 =	simm.s32 $0x19830;
	s0 =	simm.s32 $0x18030  }
.LBB2_18:
0x38d: {  	s21 =	sadd.s32 $0x2, s21  }
0x38e: {  	p1 =	slt.u32 s21, $0x7E;
	v8 =	vadd.s32 v6, v4  }
0x38f: {  	v8 =	vadd.s32 v5, v8  }
0x390: {  	v7 =	vadd.s32 v7, v8  }
0x391: {  	(xrf0) =	vadd.scan.msk.s32 $0xffff, v7;
	s23 =	spop (v2sf)  }
0x392: {  	s22 =	sadd.s32 s22, s23;
	_ =	sdelay $0x4  }
0x393: {  	v8, _, _ =	vpop (xrf0)  }
0x394: {  	v7 =	vsub.s32 v8, v7;
	(v2sf) =	vpush v8, $0xF  }
0x395: {  	v7 =	vadd.s32 s22, v7  }
0x396: {  	[tilespmem:s8+$0xFFFFFFF0] =	vst v7;
	v6 =	vadd.s32 v6, v7  }
0x397: {  	[tilespmem:s3+$0xFFFFFFF0] =	vst v6;
	v4 =	vadd.s32 v4, v6  }
0x398: {  	[tilespmem:s9+$0xFFFFFFF0] =	vst v4;
	v4 =	vadd.s32 v5, v4  }
0x399: {  	[tilespmem:s17+$0xFFFFFFF0] =	vst v4  }
0x39a: {  	v4 =	vld [tilespmem:s8+$0x0]  }
0x39b: {  	v5 =	vld [tilespmem:s3+$0x0]  }
0x39c: {  	v6 =	vld [tilespmem:s9+$0x0]  }
0x39d: {  	v7 =	vld [tilespmem:s17+$0x0];
	_ =	sdelay $0x2  }
0x39e: {  	v8 =	vadd.s32 v4, v5  }
0x39f: {  	v8 =	vadd.s32 v6, v8  }
0x3a0: {  	v7 =	vadd.s32 v7, v8  }
0x3a1: {  	s23 =	spop (v2sf);
	(xrf0) =	vadd.scan.msk.s32 $0xffff, v7;
	_ =	sdelay $0x5  }
0x3a2: {  	s22 =	sadd.s32 s22, s23;
	v8, _, _ =	vpop (xrf0)  }
0x3a3: {  	v7 =	vsub.s32 v8, v7;
	(v2sf) =	vpush v8, $0xF  }
0x3a4: {  	s8 =	sadd.s32 $0x20, s8;
	v7 =	vadd.s32 s22, v7  }
0x3a5: {  	s3 =	sadd.s32 $0x20, s3;
	[tilespmem:s0+$0x0] =	vst v7;
	v4 =	vadd.s32 v4, v7;
	s0 =	smov.u32 s8  }
0x3a6: {  	s9 =	sadd.s32 $0x20, s9;
	[tilespmem:s2+$0x0] =	vst v4;
	v4 =	vadd.s32 v5, v4;
	s2 =	smov.u32 s3  }
0x3a7: {  	s17 =	sadd.s32 $0x20, s17;
	[tilespmem:s5+$0x0] =	vst v4;
	v4 =	vadd.s32 v6, v4;
	s5 =	smov.u32 s9  }
0x3a8: {  	[tilespmem:s1+$0x0] =	vst v4;
	s1 =	smov.u32 s17  }
.Ltmp10:
0x3a9: {  	v4 =	vld [tilespmem:s3+$0xFFFFFFF0];
	(pc) =	sbr.rel @p1 .LBB2_18-.Ltmp10, $3  }
0x3aa: {  	v6 =	vld [tilespmem:s8+$0xFFFFFFF0]  }
0x3ab: {  	v5 =	vld [tilespmem:s9+$0xFFFFFFF0]  }
0x3ac: {  	v7 =	vld [tilespmem:s17+$0xFFFFFFF0];
	_ =	sdelay $0x1  }
.LBB2_19:
0x3ad: {  	_ = 	snop  }
0x3ae: {  	v8 =	vadd.s32 v6, v4  }
0x3af: {  	v8 =	vadd.s32 v5, v8  }
0x3b0: {  	v7 =	vadd.s32 v7, v8  }
0x3b1: {  	(xrf0) =	vadd.scan.msk.s32 $0xffff, v7;
	_ =	sdelay $0x4  }
0x3b2: {  	s21 =	spop @p0 (v2sf)  }
0x3b3: {  	s21 =	sadd.s32 @p0 s22, s21;
	v59, _, _ =	vpop (xrf0)  }
0x3b4: {  	s20 =	smov.u32 @p0 s21;
	v7 =	vsub.s32 v59, v7  }
0x3b5: {  	v7 =	vadd.s32 s20, v7  }
0x3b6: {  	[tilespmem:s8+$0xFFFFFFF0] =	vst v7;
	v60 =	vadd.s32 v6, v7  }
0x3b7: {  	[tilespmem:s3+$0xFFFFFFF0] =	vst v60;
	v4 =	vadd.s32 v4, v60  }
0x3b8: {  	[tilespmem:s9+$0xFFFFFFF0] =	vst v4;
	v4 =	vadd.s32 v5, v4  }
0x3b9: {  	[tilespmem:s17+$0xFFFFFFF0] =	vst v4  }
0x3ba: {  	v4 =	vld [tilespmem:s8+$0x0]  }
0x3bb: {  	v5 =	vld [tilespmem:s3+$0x0]  }
0x3bc: {  	v61 =	vld [tilespmem:s9+$0x0]  }
0x3bd: {  	v62 =	vld [tilespmem:s17+$0x0];
	_ =	sdelay $0x2  }
0x3be: {  	v9 =	vadd.s32 v4, v5  }
0x3bf: {  	v9 =	vadd.s32 v61, v9  }
0x3c0: {  	v7 =	vadd.s32 v62, v9  }
0x3c1: {  	(xrf0) =	vadd.scan.msk.s32 $0xffff, v7  }
0x3c2: {  	(v2sf) =	vpush v59, $0xF;
	_ =	sdelay $0x4  }
0x3c3: {  	v63, _, _ =	vpop (xrf0)  }
0x3c4: {  	(v2sf) =	vpush v63, $0xF;
	_ =	sdelay $0x8  }
0x3c5: {  	s30 =	spop (v2sf)  }
0x3c6: {  	s3 =	sadd.s32 s20, s30;
	v7 =	vsub.s32 v63, v7  }
0x3c7: {  	v7 =	vadd.s32 s3, v7  }
0x3c8: {  	[tilespmem:s0+$0x0] =	vst v7;
	v4 =	vadd.s32 v4, v7  }
0x3c9: {  	[tilespmem:s2+$0x0] =	vst v4;
	v4 =	vadd.s32 v5, v4  }
0x3ca: {  	s8 =	simm.s32 $0xFFFFFFFC;
	s0 =	simm.s32 $0xFFFFFFFC;
	[tilespmem:s5+$0x0] =	vst v4;
	v4 =	vadd.s32 v61, v4  }
0x3cb: {  	s2 =	simm.s32 $0xE030;
	s5 =	simm.s32 $0x0;
	[tilespmem:s1+$0x0] =	vst v4;
	s31 =	spop (v2sf)  }
.LBB2_20:
0x3cc: {  	v4 =	vld [tilespmem:s2+$0xFFFF9FD0];
	_ =	sdelay $0x4  }
0x3cd: {  	v5 =	vshra.s32 v4, $0xF  }
0x3ce: {  	(xrf1) =	vunique.msk.u32 $0xffff, v5;
	_ =	sdelay $0x7  }
0x3cf: {  	v4 =	vand.u32 $0x7FFF, v4;
	_ =	sdelay $0x1  }
0x3d0: {  	v6 =	vld.idx.msk [tilespmem:v5+s11+$0x0], $0xffff;
	_ =	sdelay $0x2  }
0x3d1: {  	v7 =	vld.idx.msk [tilespmem:v4+s6+$0x0], $0xffff  }
0x3d2: {  	_, v8, vm0 =	vpop (xrf1)  }
0x3d3: {  	v6 =	vadd.s32 v8, v6  }
0x3d4: {  	v6 =	vadd.s32 $0xFFFFFFFF, v6;
	_ =	sdelay $0x1  }
0x3d5: {  	v7 =	vshrl.u32 v7, $0x7  }
0x3d6: {  	v7 =	vand.u32 $0x1FF8000, v7  }
0x3d7: {  	v4 =	vor.u32 v4, v7  }
0x3d8: {  	[tilespmem:v6+s16+$0x0] =	vst.idx.msk $0xffff, v4  }
0x3d9: {  	s1 =	sand.u32 $0x1FC0, s5;
	[tilespmem:v5+s11+$0x0] =	vst.idx.add.s32.msk vm0, v8  }
0x3da: {  	v4 =	vld [tilespmem:s1+$0xA000];
	_ =	sdelay $0x4  }
0x3db: {  	v5 =	vshra.s32 v4, $0xF  }
0x3dc: {  	(xrf1) =	vunique.msk.u32 $0xffff, v5;
	_ =	sdelay $0x7  }
0x3dd: {  	v4 =	vand.u32 $0x7FFF, v4;
	_ =	sdelay $0x1  }
0x3de: {  	v6 =	vld.idx.msk [tilespmem:v5+s12+$0x0], $0xffff;
	_ =	sdelay $0x2  }
0x3df: {  	v49 =	vld.idx.msk [tilespmem:v4+s6+$0x0], $0xffff  }
0x3e0: {  	_, v8, vm0 =	vpop (xrf1)  }
0x3e1: {  	v6 =	vadd.s32 v8, v6  }
0x3e2: {  	v6 =	vadd.s32 $0xFFFFFFFF, v6;
	_ =	sdelay $0x1  }
0x3e3: {  	v7 =	vshrl.u32 v49, $0x7  }
0x3e4: {  	v7 =	vand.u32 $0x1FF8000, v7  }
0x3e5: {  	v4 =	vor.u32 v4, v7  }
0x3e6: {  	[tilespmem:v6+s16+$0x0] =	vst.idx.msk $0xffff, v4  }
0x3e7: {  	[tilespmem:v5+s12+$0x0] =	vst.idx.add.s32.msk vm0, v8  }
0x3e8: {  	v4 =	vld [tilespmem:s1+$0xC000];
	_ =	sdelay $0x4  }
0x3e9: {  	v5 =	vshra.s32 v4, $0xF  }
0x3ea: {  	(xrf1) =	vunique.msk.u32 $0xffff, v5;
	_ =	sdelay $0x7  }
0x3eb: {  	v4 =	vand.u32 $0x7FFF, v4;
	_ =	sdelay $0x1  }
0x3ec: {  	v6 =	vld.idx.msk [tilespmem:v5+s13+$0x0], $0xffff;
	_ =	sdelay $0x2  }
0x3ed: {  	v50 =	vld.idx.msk [tilespmem:v4+s6+$0x0], $0xffff  }
0x3ee: {  	_, v8, vm0 =	vpop (xrf1)  }
0x3ef: {  	v6 =	vadd.s32 v8, v6  }
0x3f0: {  	v6 =	vadd.s32 $0xFFFFFFFF, v6;
	_ =	sdelay $0x1  }
0x3f1: {  	v7 =	vshrl.u32 v50, $0x7  }
0x3f2: {  	v7 =	vand.u32 $0x1FF8000, v7  }
0x3f3: {  	v4 =	vor.u32 v4, v7  }
0x3f4: {  	[tilespmem:v6+s16+$0x0] =	vst.idx.msk $0xffff, v4  }
0x3f5: {  	[tilespmem:v5+s13+$0x0] =	vst.idx.add.s32.msk vm0, v8  }
0x3f6: {  	v4 =	vld [tilespmem:s1+$0xE000];
	_ =	sdelay $0x4  }
0x3f7: {  	v5 =	vshra.s32 v4, $0xF  }
0x3f8: {  	(xrf1) =	vunique.msk.u32 $0xffff, v5;
	_ =	sdelay $0x7  }
0x3f9: {  	v4 =	vand.u32 $0x7FFF, v4;
	_ =	sdelay $0x1  }
0x3fa: {  	v6 =	vld.idx.msk [tilespmem:v5+s14+$0x0], $0xffff;
	_ =	sdelay $0x2  }
0x3fb: {  	v51 =	vld.idx.msk [tilespmem:v4+s6+$0x0], $0xffff  }
0x3fc: {  	_, v8, vm0 =	vpop (xrf1)  }
0x3fd: {  	v6 =	vadd.s32 v8, v6  }
0x3fe: {  	v6 =	vadd.s32 $0xFFFFFFFF, v6;
	_ =	sdelay $0x1  }
0x3ff: {  	v7 =	vshrl.u32 v51, $0x7  }
0x400: {  	v7 =	vand.u32 $0x1FF8000, v7  }
0x401: {  	v4 =	vor.u32 v4, v7  }
0x402: {  	[tilespmem:v6+s16+$0x0] =	vst.idx.msk $0xffff, v4  }
0x403: {  	[tilespmem:v5+s14+$0x0] =	vst.idx.add.s32.msk vm0, v8  }
0x404: {  	v4 =	vld [tilespmem:s2+$0xFFFF9FE0];
	_ =	sdelay $0x4  }
0x405: {  	v5 =	vshra.s32 v4, $0xF  }
0x406: {  	(xrf1) =	vunique.msk.u32 $0xffff, v5;
	_ =	sdelay $0x7  }
0x407: {  	v4 =	vand.u32 $0x7FFF, v4;
	_ =	sdelay $0x1  }
0x408: {  	v6 =	vld.idx.msk [tilespmem:v5+s11+$0x0], $0xffff;
	_ =	sdelay $0x2  }
0x409: {  	v52 =	vld.idx.msk [tilespmem:v4+s6+$0x0], $0xffff  }
0x40a: {  	_, v8, vm0 =	vpop (xrf1)  }
0x40b: {  	v6 =	vadd.s32 v8, v6  }
0x40c: {  	v6 =	vadd.s32 $0xFFFFFFFF, v6;
	_ =	sdelay $0x1  }
0x40d: {  	v7 =	vshrl.u32 v52, $0x7  }
0x40e: {  	v7 =	vand.u32 $0x1FF8000, v7  }
0x40f: {  	v4 =	vor.u32 v4, v7  }
0x410: {  	[tilespmem:v6+s16+$0x0] =	vst.idx.msk $0xffff, v4  }
0x411: {  	[tilespmem:v5+s11+$0x0] =	vst.idx.add.s32.msk vm0, v8  }
0x412: {  	v4 =	vld [tilespmem:s2+$0xFFFFBFE0];
	_ =	sdelay $0x4  }
0x413: {  	v5 =	vshra.s32 v4, $0xF  }
0x414: {  	(xrf1) =	vunique.msk.u32 $0xffff, v5;
	_ =	sdelay $0x7  }
0x415: {  	v4 =	vand.u32 $0x7FFF, v4;
	_ =	sdelay $0x1  }
0x416: {  	v6 =	vld.idx.msk [tilespmem:v5+s12+$0x0], $0xffff;
	_ =	sdelay $0x2  }
0x417: {  	v53 =	vld.idx.msk [tilespmem:v4+s6+$0x0], $0xffff  }
0x418: {  	_, v8, vm0 =	vpop (xrf1)  }
0x419: {  	v6 =	vadd.s32 v8, v6  }
0x41a: {  	v6 =	vadd.s32 $0xFFFFFFFF, v6;
	_ =	sdelay $0x1  }
0x41b: {  	v7 =	vshrl.u32 v53, $0x7  }
0x41c: {  	v7 =	vand.u32 $0x1FF8000, v7  }
0x41d: {  	v4 =	vor.u32 v4, v7  }
0x41e: {  	[tilespmem:v6+s16+$0x0] =	vst.idx.msk $0xffff, v4  }
0x41f: {  	[tilespmem:v5+s12+$0x0] =	vst.idx.add.s32.msk vm0, v8  }
0x420: {  	v4 =	vld [tilespmem:s2+$0xFFFFDFE0];
	_ =	sdelay $0x4  }
0x421: {  	v5 =	vshra.s32 v4, $0xF  }
0x422: {  	(xrf1) =	vunique.msk.u32 $0xffff, v5;
	_ =	sdelay $0x7  }
0x423: {  	v4 =	vand.u32 $0x7FFF, v4;
	_ =	sdelay $0x1  }
0x424: {  	v6 =	vld.idx.msk [tilespmem:v5+s13+$0x0], $0xffff;
	_ =	sdelay $0x2  }
0x425: {  	v54 =	vld.idx.msk [tilespmem:v4+s6+$0x0], $0xffff  }
0x426: {  	_, v8, vm0 =	vpop (xrf1)  }
0x427: {  	v6 =	vadd.s32 v8, v6  }
0x428: {  	v6 =	vadd.s32 $0xFFFFFFFF, v6;
	_ =	sdelay $0x1  }
0x429: {  	v7 =	vshrl.u32 v54, $0x7  }
0x42a: {  	v7 =	vand.u32 $0x1FF8000, v7  }
0x42b: {  	v4 =	vor.u32 v4, v7  }
0x42c: {  	[tilespmem:v6+s16+$0x0] =	vst.idx.msk $0xffff, v4  }
0x42d: {  	[tilespmem:v5+s13+$0x0] =	vst.idx.add.s32.msk vm0, v8  }
0x42e: {  	v4 =	vld [tilespmem:s2+$0xFFFFFFE0];
	_ =	sdelay $0x4  }
0x42f: {  	v5 =	vshra.s32 v4, $0xF  }
0x430: {  	(xrf1) =	vunique.msk.u32 $0xffff, v5;
	_ =	sdelay $0x7  }
0x431: {  	v4 =	vand.u32 $0x7FFF, v4;
	_ =	sdelay $0x1  }
0x432: {  	v6 =	vld.idx.msk [tilespmem:v5+s14+$0x0], $0xffff;
	_ =	sdelay $0x2  }
0x433: {  	v55 =	vld.idx.msk [tilespmem:v4+s6+$0x0], $0xffff  }
0x434: {  	_, v8, vm0 =	vpop (xrf1)  }
0x435: {  	v6 =	vadd.s32 v8, v6  }
0x436: {  	v6 =	vadd.s32 $0xFFFFFFFF, v6;
	_ =	sdelay $0x1  }
0x437: {  	v7 =	vshrl.u32 v55, $0x7  }
0x438: {  	v7 =	vand.u32 $0x1FF8000, v7  }
0x439: {  	v4 =	vor.u32 v4, v7  }
0x43a: {  	[tilespmem:v6+s16+$0x0] =	vst.idx.msk $0xffff, v4  }
0x43b: {  	[tilespmem:v5+s14+$0x0] =	vst.idx.add.s32.msk vm0, v8  }
0x43c: {  	v4 =	vld [tilespmem:s2+$0xFFFF9FF0];
	_ =	sdelay $0x4  }
0x43d: {  	v5 =	vshra.s32 v4, $0xF  }
0x43e: {  	(xrf1) =	vunique.msk.u32 $0xffff, v5;
	_ =	sdelay $0x7  }
0x43f: {  	v4 =	vand.u32 $0x7FFF, v4;
	_ =	sdelay $0x1  }
0x440: {  	v6 =	vld.idx.msk [tilespmem:v5+s11+$0x0], $0xffff;
	_ =	sdelay $0x2  }
0x441: {  	v56 =	vld.idx.msk [tilespmem:v4+s6+$0x0], $0xffff  }
0x442: {  	_, v8, vm0 =	vpop (xrf1)  }
0x443: {  	v6 =	vadd.s32 v8, v6  }
0x444: {  	v6 =	vadd.s32 $0xFFFFFFFF, v6;
	_ =	sdelay $0x1  }
0x445: {  	v7 =	vshrl.u32 v56, $0x7  }
0x446: {  	v7 =	vand.u32 $0x1FF8000, v7  }
0x447: {  	v4 =	vor.u32 v4, v7  }
0x448: {  	[tilespmem:v6+s16+$0x0] =	vst.idx.msk $0xffff, v4  }
0x449: {  	[tilespmem:v5+s11+$0x0] =	vst.idx.add.s32.msk vm0, v8  }
0x44a: {  	v4 =	vld [tilespmem:s2+$0xFFFFBFF0];
	_ =	sdelay $0x4  }
0x44b: {  	v5 =	vshra.s32 v4, $0xF  }
0x44c: {  	(xrf1) =	vunique.msk.u32 $0xffff, v5;
	_ =	sdelay $0x7  }
0x44d: {  	v4 =	vand.u32 $0x7FFF, v4;
	_ =	sdelay $0x1  }
0x44e: {  	v6 =	vld.idx.msk [tilespmem:v5+s12+$0x0], $0xffff;
	_ =	sdelay $0x2  }
0x44f: {  	v57 =	vld.idx.msk [tilespmem:v4+s6+$0x0], $0xffff  }
0x450: {  	_, v8, vm0 =	vpop (xrf1)  }
0x451: {  	v6 =	vadd.s32 v8, v6  }
0x452: {  	v6 =	vadd.s32 $0xFFFFFFFF, v6;
	_ =	sdelay $0x1  }
0x453: {  	v7 =	vshrl.u32 v57, $0x7  }
0x454: {  	v7 =	vand.u32 $0x1FF8000, v7  }
0x455: {  	v4 =	vor.u32 v4, v7  }
0x456: {  	[tilespmem:v6+s16+$0x0] =	vst.idx.msk $0xffff, v4  }
0x457: {  	[tilespmem:v5+s12+$0x0] =	vst.idx.add.s32.msk vm0, v8  }
0x458: {  	v4 =	vld [tilespmem:s2+$0xFFFFDFF0];
	_ =	sdelay $0x4  }
0x459: {  	v5 =	vshra.s32 v4, $0xF  }
0x45a: {  	(xrf1) =	vunique.msk.u32 $0xffff, v5;
	_ =	sdelay $0x7  }
0x45b: {  	v4 =	vand.u32 $0x7FFF, v4;
	_ =	sdelay $0x1  }
0x45c: {  	v6 =	vld.idx.msk [tilespmem:v5+s13+$0x0], $0xffff;
	_ =	sdelay $0x2  }
0x45d: {  	v58 =	vld.idx.msk [tilespmem:v4+s6+$0x0], $0xffff  }
0x45e: {  	_, v8, vm0 =	vpop (xrf1)  }
0x45f: {  	v6 =	vadd.s32 v8, v6  }
0x460: {  	v6 =	vadd.s32 $0xFFFFFFFF, v6;
	_ =	sdelay $0x1  }
0x461: {  	v7 =	vshrl.u32 v58, $0x7  }
0x462: {  	v7 =	vand.u32 $0x1FF8000, v7  }
0x463: {  	v4 =	vor.u32 v4, v7  }
0x464: {  	[tilespmem:v6+s16+$0x0] =	vst.idx.msk $0xffff, v4  }
0x465: {  	[tilespmem:v5+s13+$0x0] =	vst.idx.add.s32.msk vm0, v8  }
0x466: {  	v4 =	vld [tilespmem:s2+$0xFFFFFFF0];
	_ =	sdelay $0x4  }
0x467: {  	v5 =	vshra.s32 v4, $0xF  }
0x468: {  	(xrf1) =	vunique.msk.u32 $0xffff, v5;
	_ =	sdelay $0x7  }
0x469: {  	v4 =	vand.u32 $0x7FFF, v4;
	_ =	sdelay $0x1  }
0x46a: {  	v6 =	vld.idx.msk [tilespmem:v5+s14+$0x0], $0xffff;
	_ =	sdelay $0x2  }
0x46b: {  	v59 =	vld.idx.msk [tilespmem:v4+s6+$0x0], $0xffff  }
0x46c: {  	_, v8, vm0 =	vpop (xrf1)  }
0x46d: {  	v6 =	vadd.s32 v8, v6  }
0x46e: {  	v6 =	vadd.s32 $0xFFFFFFFF, v6;
	_ =	sdelay $0x1  }
0x46f: {  	v7 =	vshrl.u32 v59, $0x7  }
0x470: {  	v7 =	vand.u32 $0x1FF8000, v7  }
0x471: {  	v4 =	vor.u32 v4, v7  }
0x472: {  	[tilespmem:v6+s16+$0x0] =	vst.idx.msk $0xffff, v4  }
0x473: {  	[tilespmem:v5+s14+$0x0] =	vst.idx.add.s32.msk vm0, v8  }
0x474: {  	v4 =	vld [tilespmem:s2+$0xFFFFA000];
	_ =	sdelay $0x4  }
0x475: {  	v5 =	vshra.s32 v4, $0xF  }
0x476: {  	(xrf1) =	vunique.msk.u32 $0xffff, v5;
	_ =	sdelay $0x7  }
0x477: {  	v4 =	vand.u32 $0x7FFF, v4;
	_ =	sdelay $0x1  }
0x478: {  	v6 =	vld.idx.msk [tilespmem:v5+s11+$0x0], $0xffff;
	_ =	sdelay $0x2  }
0x479: {  	v60 =	vld.idx.msk [tilespmem:v4+s6+$0x0], $0xffff  }
0x47a: {  	_, v8, vm0 =	vpop (xrf1)  }
0x47b: {  	v6 =	vadd.s32 v8, v6  }
0x47c: {  	v6 =	vadd.s32 $0xFFFFFFFF, v6;
	_ =	sdelay $0x1  }
0x47d: {  	v7 =	vshrl.u32 v60, $0x7  }
0x47e: {  	v7 =	vand.u32 $0x1FF8000, v7  }
0x47f: {  	v4 =	vor.u32 v4, v7  }
0x480: {  	[tilespmem:v6+s16+$0x0] =	vst.idx.msk $0xffff, v4  }
0x481: {  	[tilespmem:v5+s11+$0x0] =	vst.idx.add.s32.msk vm0, v8  }
0x482: {  	v4 =	vld [tilespmem:s2+$0xFFFFC000];
	_ =	sdelay $0x4  }
0x483: {  	v5 =	vshra.s32 v4, $0xF  }
0x484: {  	(xrf1) =	vunique.msk.u32 $0xffff, v5;
	_ =	sdelay $0x7  }
0x485: {  	v4 =	vand.u32 $0x7FFF, v4;
	_ =	sdelay $0x1  }
0x486: {  	v6 =	vld.idx.msk [tilespmem:v5+s12+$0x0], $0xffff;
	_ =	sdelay $0x2  }
0x487: {  	v61 =	vld.idx.msk [tilespmem:v4+s6+$0x0], $0xffff  }
0x488: {  	_, v8, vm0 =	vpop (xrf1)  }
0x489: {  	v6 =	vadd.s32 v8, v6  }
0x48a: {  	v6 =	vadd.s32 $0xFFFFFFFF, v6;
	_ =	sdelay $0x1  }
0x48b: {  	v7 =	vshrl.u32 v61, $0x7  }
0x48c: {  	v7 =	vand.u32 $0x1FF8000, v7  }
0x48d: {  	v4 =	vor.u32 v4, v7  }
0x48e: {  	[tilespmem:v6+s16+$0x0] =	vst.idx.msk $0xffff, v4  }
0x48f: {  	[tilespmem:v5+s12+$0x0] =	vst.idx.add.s32.msk vm0, v8  }
0x490: {  	v4 =	vld [tilespmem:s2+$0xFFFFE000];
	_ =	sdelay $0x4  }
0x491: {  	v5 =	vshra.s32 v4, $0xF  }
0x492: {  	(xrf1) =	vunique.msk.u32 $0xffff, v5;
	_ =	sdelay $0x7  }
0x493: {  	v4 =	vand.u32 $0x7FFF, v4;
	_ =	sdelay $0x1  }
0x494: {  	v6 =	vld.idx.msk [tilespmem:v5+s13+$0x0], $0xffff;
	_ =	sdelay $0x2  }
0x495: {  	v62 =	vld.idx.msk [tilespmem:v4+s6+$0x0], $0xffff  }
0x496: {  	_, v8, vm0 =	vpop (xrf1)  }
0x497: {  	v6 =	vadd.s32 v8, v6  }
0x498: {  	v6 =	vadd.s32 $0xFFFFFFFF, v6;
	_ =	sdelay $0x1  }
0x499: {  	v7 =	vshrl.u32 v62, $0x7  }
0x49a: {  	v7 =	vand.u32 $0x1FF8000, v7  }
0x49b: {  	v4 =	vor.u32 v4, v7  }
0x49c: {  	[tilespmem:v6+s16+$0x0] =	vst.idx.msk $0xffff, v4  }
0x49d: {  	[tilespmem:v5+s13+$0x0] =	vst.idx.add.s32.msk vm0, v8  }
0x49e: {  	v4 =	vld [tilespmem:s2+$0x0];
	_ =	sdelay $0x4  }
0x49f: {  	v5 =	vshra.s32 v4, $0xF  }
0x4a0: {  	(xrf1) =	vunique.msk.u32 $0xffff, v5;
	_ =	sdelay $0x7  }
0x4a1: {  	v4 =	vand.u32 $0x7FFF, v4;
	_ =	sdelay $0x1  }
0x4a2: {  	v6 =	vld.idx.msk [tilespmem:v5+s14+$0x0], $0xffff;
	_ =	sdelay $0x2  }
0x4a3: {  	v63 =	vld.idx.msk [tilespmem:v4+s6+$0x0], $0xffff  }
0x4a4: {  	_, v8, vm0 =	vpop (xrf1)  }
0x4a5: {  	v6 =	vadd.s32 v8, v6  }
0x4a6: {  	s8 =	sadd.s32 $0x4, s8;
	v6 =	vadd.s32 $0xFFFFFFFF, v6  }
0x4a7: {  	p0 =	slt.u32 s8, $0x1FC  }
.Ltmp11:
0x4a8: {  	v7 =	vshrl.u32 v63, $0x7;
	(pc) =	sbr.rel @p0 .LBB2_20-.Ltmp11, $4  }
0x4a9: {  	v7 =	vand.u32 $0x1FF8000, v7  }
0x4aa: {  	v4 =	vor.u32 v4, v7  }
0x4ab: {  	s5 =	sadd.s32 $0x40, s5;
	s3 =	simm.s32 $0x19820;
	s9 =	simm.s32 $0x19020;
	[tilespmem:v6+s16+$0x0] =	vst.idx.msk $0xffff, v4  }
0x4ac: {  	s17 =	simm.s32 $0x18820;
	s20 =	simm.s32 $0x18020;
	s2 =	sadd.s32 $0x40, s2;
	[tilespmem:v5+s14+$0x0] =	vst.idx.add.s32.msk vm0, v8  }
0x4ad: {  	[tilespmem:s20+$0xFFFFFFF0] =	vst v0  }
0x4ae: {  	[tilespmem:s20+$0x0] =	vst v0  }
0x4af: {  	[tilespmem:s20+$0x10] =	vst v0  }
0x4b0: {  	[tilespmem:s20+$0xFFFFFFE0] =	vst v0  }
0x4b1: {  	[tilespmem:s17+$0xFFFFFFF0] =	vst v0  }
0x4b2: {  	[tilespmem:s17+$0x0] =	vst v0  }
0x4b3: {  	[tilespmem:s17+$0x10] =	vst v0  }
0x4b4: {  	[tilespmem:s17+$0xFFFFFFE0] =	vst v0  }
0x4b5: {  	[tilespmem:s9+$0xFFFFFFF0] =	vst v0  }
0x4b6: {  	[tilespmem:s9+$0x0] =	vst v0  }
0x4b7: {  	[tilespmem:s9+$0x10] =	vst v0  }
0x4b8: {  	[tilespmem:s9+$0xFFFFFFE0] =	vst v0  }
0x4b9: {  	[tilespmem:s3+$0xFFFFFFF0] =	vst v0  }
0x4ba: {  	[tilespmem:s3+$0x0] =	vst v0  }
0x4bb: {  	[tilespmem:s3+$0x10] =	vst v0  }
0x4bc: {  	s0 =	sadd.s32 $0x4, s0;
	s1 =	simm.s32 $0x16030;
	s2 =	sadd.s32 $0x40, s20;
	[tilespmem:s3+$0xFFFFFFE0] =	vst v0  }
.LBB2_22:
0x4bd: {  	[tilespmem:s2+$0xFFFFFFF0] =	vst v0;
	s17 =	sadd.s32 $0x40, s17  }
0x4be: {  	s9 =	sadd.s32 $0x40, s9;
	[tilespmem:s17+$0xFFFFFFF0] =	vst v0  }
0x4bf: {  	s3 =	sadd.s32 $0x40, s3;
	[tilespmem:s9+$0xFFFFFFF0] =	vst v0  }
0x4c0: {  	[tilespmem:s3+$0xFFFFFFF0] =	vst v0  }
0x4c1: {  	[tilespmem:s2+$0x0] =	vst v0  }
0x4c2: {  	[tilespmem:s17+$0x0] =	vst v0  }
0x4c3: {  	[tilespmem:s9+$0x0] =	vst v0  }
0x4c4: {  	[tilespmem:s3+$0x0] =	vst v0  }
0x4c5: {  	[tilespmem:s2+$0x10] =	vst v0  }
0x4c6: {  	s0 =	sadd.s32 $0x4, s0;
	[tilespmem:s17+$0x10] =	vst v0  }
0x4c7: {  	p0 =	slt.u32 s0, $0x3C;
	[tilespmem:s9+$0x10] =	vst v0  }
.Ltmp12:
0x4c8: {  	[tilespmem:s3+$0x10] =	vst v0;
	(pc) =	sbr.rel @p0 .LBB2_22-.Ltmp12, $4  }
0x4c9: {  	[tilespmem:s2+$0xFFFFFFE0] =	vst v0  }
0x4ca: {  	[tilespmem:s17+$0xFFFFFFE0] =	vst v0  }
0x4cb: {  	s20 =	simm.s32 $0x0;
	[tilespmem:s9+$0xFFFFFFE0] =	vst v0  }
0x4cc: {  	s2 =	sadd.s32 $0x40, s2;
	[tilespmem:s3+$0xFFFFFFE0] =	vst v0  }
0x4cd: {  	v4 =	vld [tilespmem:s1+$0xFFFFA000]  }
0x4ce: {  	v5 =	vld [tilespmem:s1+$0xFFFF9FE0]  }
0x4cf: {  	v6 =	vld [tilespmem:s1+$0xFFFF9FF0]  }
0x4d0: {  	v7 =	vld [tilespmem:s1+$0xFFFF9FD0];
	_ =	sdelay $0x1  }
0x4d1: {  	v4 =	vshra.s32 v4, $0xF  }
0x4d2: {  	v5 =	vshra.s32 v5, $0xF;
	(xrf1) =	vunique.msk.u32 $0xffff, v4  }
0x4d3: {  	v6 =	vshra.s32 v6, $0xF;
	(xrf1) =	vunique.msk.u32 $0xffff, v5  }
0x4d4: {  	v7 =	vshra.s32 v7, $0xF;
	(xrf1) =	vunique.msk.u32 $0xffff, v6  }
0x4d5: {  	(xrf1) =	vunique.msk.u32 $0xffff, v7;
	_ =	sdelay $0xa  }
0x4d6: {  	_, v8, vm0 =	vpop (xrf1)  }
0x4d7: {  	_, v9, vm1 =	vpop (xrf1)  }
0x4d8: {  	_, v10, vm2 =	vpop (xrf1)  }
0x4d9: {  	_, v11, vm3 =	vpop (xrf1);
	_ =	sdelay $0x2  }
0x4da: {  	[tilespmem:v4+s11+$0x0] =	vst.idx.add.s32.msk vm0, v8  }
0x4db: {  	v4 =	vld [tilespmem:s1+$0xFFFFC000];
	_ =	sdelay $0x1  }
0x4dc: {  	s17 =	sand.u32 $0x1FC0, s20;
	[tilespmem:v7+s11+$0x0] =	vst.idx.add.s32.msk vm3, v11  }
0x4dd: {  	s2 =	simm.s32 $0x16070;
	v7 =	vld [tilespmem:s17+$0x12000]  }
0x4de: {  	v8 =	vld [tilespmem:s2+$0xFFFFA000]  }
0x4df: {  	v11 =	vld [tilespmem:s2+$0xFFFF9FE0];
	v4 =	vshra.s32 v4, $0xF  }
0x4e0: {  	v12 =	vld [tilespmem:s2+$0xFFFF9FF0];
	(xrf1) =	vunique.msk.u32 $0xffff, v4  }
0x4e1: {  	v13 =	vld [tilespmem:s2+$0xFFFF9FD0]  }
0x4e2: {  	v7 =	vshra.s32 v7, $0xF  }
0x4e3: {  	v8 =	vshra.s32 v8, $0xF;
	(xrf1) =	vunique.msk.u32 $0xffff, v7  }
0x4e4: {  	v11 =	vshra.s32 v11, $0xF;
	(xrf1) =	vunique.msk.u32 $0xffff, v8  }
0x4e5: {  	v12 =	vshra.s32 v12, $0xF;
	(xrf1) =	vunique.msk.u32 $0xffff, v11  }
0x4e6: {  	v13 =	vshra.s32 v13, $0xF;
	(xrf1) =	vunique.msk.u32 $0xffff, v12  }
0x4e7: {  	(xrf1) =	vunique.msk.u32 $0xffff, v13;
	_ =	sdelay $0x6  }
0x4e8: {  	[tilespmem:v5+s11+$0x0] =	vst.idx.add.s32.msk vm1, v9;
	_, v5, vm1 =	vpop (xrf1);
	_ =	sdelay $0x1  }
0x4e9: {  	[tilespmem:v6+s11+$0x0] =	vst.idx.add.s32.msk vm2, v10  }
0x4ea: {  	v6 =	vld [tilespmem:s1+$0xFFFFBFE0];
	_, v10, vm2 =	vpop (xrf1)  }
0x4eb: {  	_, v14, vm3 =	vpop (xrf1)  }
0x4ec: {  	v9 =	vld [tilespmem:s1+$0xFFFFBFF0];
	_, v15, vm0 =	vpop (xrf1)  }
0x4ed: {  	[tilespmem:v4+s12+$0x0] =	vst.idx.add.s32.msk vm1, v5;
	_, v4, vm1 =	vpop (xrf1)  }
0x4ee: {  	_, v16, vm4 =	vpop (xrf1)  }
0x4ef: {  	v5 =	vshra.s32 v6, $0xF;
	v6 =	vld [tilespmem:s1+$0xFFFFE000]  }
0x4f0: {  	(xrf1) =	vunique.msk.u32 $0xffff, v5  }
0x4f1: {  	v9 =	vshra.s32 v9, $0xF;
	[tilespmem:v8+s11+$0x0] =	vst.idx.add.s32.msk vm3, v14  }
0x4f2: {  	(xrf1) =	vunique.msk.u32 $0xffff, v9;
	v8 =	vld [tilespmem:s2+$0xFFFFC000]  }
0x4f3: {  	s0 =	simm.s32 $0x40  }
0x4f4: {  	s8 =	sand.u32 $0x1FC0, s0;
	v6 =	vshra.s32 v6, $0xF;
	[tilespmem:v13+s11+$0x0] =	vst.idx.add.s32.msk vm4, v16  }
0x4f5: {  	s0 =	simm.s32 $0x160B0;
	(xrf1) =	vunique.msk.u32 $0xffff, v6;
	v13 =	vld [tilespmem:s8+$0x12000]  }
0x4f6: {  	v14 =	vld [tilespmem:s0+$0xFFFFA000]  }
0x4f7: {  	v8 =	vshra.s32 v8, $0xF  }
0x4f8: {  	v16 =	vld [tilespmem:s0+$0xFFFF9FE0];
	(xrf1) =	vunique.msk.u32 $0xffff, v8  }
0x4f9: {  	v17 =	vld [tilespmem:s0+$0xFFFF9FF0]  }
0x4fa: {  	v18 =	vld [tilespmem:s0+$0xFFFF9FD0];
	v13 =	vshra.s32 v13, $0xF  }
0x4fb: {  	v14 =	vshra.s32 v14, $0xF;
	(xrf1) =	vunique.msk.u32 $0xffff, v13  }
0x4fc: {  	(xrf1) =	vunique.msk.u32 $0xffff, v14  }
0x4fd: {  	v16 =	vshra.s32 v16, $0xF  }
0x4fe: {  	v17 =	vshra.s32 v17, $0xF;
	_, v19, vm3 =	vpop (xrf1);
	(xrf1) =	vunique.msk.u32 $0xffff, v16  }
0x4ff: {  	[tilespmem:v7+s12+$0x0] =	vst.idx.add.s32.msk vm2, v10;
	v10 =	vshra.s32 v18, $0xF;
	(xrf1) =	vunique.msk.u32 $0xffff, v17  }
0x500: {  	[tilespmem:v11+s11+$0x0] =	vst.idx.add.s32.msk vm0, v15;
	_, v7, vm2 =	vpop (xrf1);
	(xrf1) =	vunique.msk.u32 $0xffff, v10  }
0x501: {  	[tilespmem:v12+s11+$0x0] =	vst.idx.add.s32.msk vm1, v4  }
0x502: {  	v4 =	vld [tilespmem:s2+$0xFFFFBFE0]  }
0x503: {  	v11 =	vld [tilespmem:s2+$0xFFFFBFF0];
	_, v12, vm0 =	vpop (xrf1)  }
0x504: {  	[tilespmem:v5+s12+$0x0] =	vst.idx.add.s32.msk vm3, v19  }
0x505: {  	v5 =	vld [tilespmem:s17+$0x14000]  }
0x506: {  	[tilespmem:v9+s12+$0x0] =	vst.idx.add.s32.msk vm2, v7;
	_, v15, vm1 =	vpop (xrf1)  }
0x507: {  	v4 =	vshra.s32 v4, $0xF;
	v7 =	vld [tilespmem:s1+$0xFFFFDFE0]  }
0x508: {  	v11 =	vshra.s32 v11, $0xF;
	(xrf1) =	vunique.msk.u32 $0xffff, v4;
	v9 =	vld [tilespmem:s1+$0xFFFFDFF0]  }
0x509: {  	(xrf1) =	vunique.msk.u32 $0xffff, v11;
	[tilespmem:v6+s13+$0x0] =	vst.idx.add.s32.msk vm0, v12;
	_, v12, vm0 =	vpop (xrf1)  }
0x50a: {  	_, v18, vm2 =	vpop (xrf1)  }
0x50b: {  	v6 =	vld [tilespmem:s1+$0x0]  }
0x50c: {  	_, v19, vm3 =	vpop (xrf1);
	[tilespmem:v8+s12+$0x0] =	vst.idx.add.s32.msk vm1, v15  }
0x50d: {  	v5 =	vshra.s32 v5, $0xF;
	v21 =	vshra.s32 v9, $0xF;
	_, v20, vm4 =	vpop (xrf1);
	v9 =	vld [tilespmem:s2+$0xFFFFE000]  }
0x50e: {  	v7 =	vshra.s32 v7, $0xF;
	(xrf1) =	vunique.msk.u32 $0xffff, v5;
	_, v8, vm1 =	vpop (xrf1)  }
0x50f: {  	(xrf1) =	vunique.msk.u32 $0xffff, v7;
	[tilespmem:v13+s12+$0x0] =	vst.idx.add.s32.msk vm0, v12  }
0x510: {  	(xrf1) =	vunique.msk.u32 $0xffff, v21;
	v6 =	vshra.s32 v6, $0xF;
	[tilespmem:v14+s11+$0x0] =	vst.idx.add.s32.msk vm2, v18  }
0x511: {  	(xrf1) =	vunique.msk.u32 $0xffff, v6;
	v12 =	vld [tilespmem:s0+$0xFFFFC000]  }
0x512: {  	v13 =	vshra.s32 v9, $0xF  }
0x513: {  	s3 =	simm.s32 $0x80;
	[tilespmem:v16+s11+$0x0] =	vst.idx.add.s32.msk vm3, v19;
	(xrf1) =	vunique.msk.u32 $0xffff, v13  }
0x514: {  	s9 =	sand.u32 $0x1FC0, s3;
	[tilespmem:v10+s11+$0x0] =	vst.idx.add.s32.msk vm1, v8  }
0x515: {  	s5 =	simm.s32 $0x160F0;
	v8 =	vld [tilespmem:s9+$0x12000]  }
0x516: {  	v9 =	vld [tilespmem:s5+$0xFFFFA000];
	_, v10, vm0 =	vpop (xrf1);
	v16 =	vshra.s32 v12, $0xF  }
0x517: {  	v14 =	vld [tilespmem:s5+$0xFFFF9FE0];
	_, v15, vm1 =	vpop (xrf1);
	(xrf1) =	vunique.msk.u32 $0xffff, v16  }
0x518: {  	v18 =	vld [tilespmem:s5+$0xFFFF9FD0]  }
0x519: {  	[tilespmem:v17+s11+$0x0] =	vst.idx.add.s32.msk vm4, v20  }
0x51a: {  	v12 =	vld [tilespmem:s5+$0xFFFF9FF0];
	v17 =	vshra.s32 v8, $0xF  }
0x51b: {  	v20 =	vshra.s32 v9, $0xF;
	v9 =	vld [tilespmem:s0+$0xFFFFBFF0];
	(xrf1) =	vunique.msk.u32 $0xffff, v17  }
0x51c: {  	_, v19, vm2 =	vpop (xrf1);
	v8 =	vld [tilespmem:s0+$0xFFFFBFE0]  }
0x51d: {  	_, v22, vm3 =	vpop (xrf1);
	[tilespmem:v4+s12+$0x0] =	vst.idx.add.s32.msk vm0, v10;
	(xrf1) =	vunique.msk.u32 $0xffff, v20  }
0x51e: {  	v14 =	vshra.s32 v14, $0xF;
	_, v23, vm4 =	vpop (xrf1);
	v10 =	vld [tilespmem:s8+$0x14000]  }
0x51f: {  	[tilespmem:v11+s12+$0x0] =	vst.idx.add.s32.msk vm1, v15;
	v24 =	vshra.s32 v12, $0xF;
	(xrf1) =	vunique.msk.u32 $0xffff, v14;
	_, v4, vm0 =	vpop (xrf1)  }
0x520: {  	v15 =	vshra.s32 v18, $0xF;
	v18 =	vld [tilespmem:s2+$0xFFFFDFE0];
	(xrf1) =	vunique.msk.u32 $0xffff, v24  }
0x521: {  	v25 =	vld [tilespmem:s2+$0xFFFFDFF0];
	(xrf1) =	vunique.msk.u32 $0xffff, v15;
	_, v26, vm1 =	vpop (xrf1)  }
0x522: {  	[tilespmem:v5+s13+$0x0] =	vst.idx.add.s32.msk vm2, v19  }
0x523: {  	[tilespmem:v7+s13+$0x0] =	vst.idx.add.s32.msk vm3, v22;
	v12 =	vshra.s32 v8, $0xF  }
0x524: {  	v11 =	vshra.s32 v9, $0xF;
	v5 =	vld [tilespmem:s17+$0x16000];
	(xrf1) =	vunique.msk.u32 $0xffff, v12  }
0x525: {  	v8 =	vshra.s32 v10, $0xF;
	(xrf1) =	vunique.msk.u32 $0xffff, v11;
	[tilespmem:v6+s14+$0x0] =	vst.idx.add.s32.msk vm0, v4;
	_, v4, vm0 =	vpop (xrf1)  }
0x526: {  	[tilespmem:v21+s13+$0x0] =	vst.idx.add.s32.msk vm4, v23;
	v9 =	vshra.s32 v18, $0xF;
	(xrf1) =	vunique.msk.u32 $0xffff, v8  }
0x527: {  	v10 =	vshra.s32 v25, $0xF;
	(xrf1) =	vunique.msk.u32 $0xffff, v9;
	[tilespmem:v13+s13+$0x0] =	vst.idx.add.s32.msk vm1, v26  }
0x528: {  	(xrf1) =	vunique.msk.u32 $0xffff, v10;
	v7 =	vld [tilespmem:s2+$0x0]  }
0x529: {  	v18 =	vld [tilespmem:s1+$0xFFFFFFE0];
	_, v6, vm1 =	vpop (xrf1)  }
0x52a: {  	v22 =	vld [tilespmem:s1+$0xFFFFFFF0]  }
0x52b: {  	_, v13, vm2 =	vpop (xrf1);
	[tilespmem:v16+s12+$0x0] =	vst.idx.add.s32.msk vm0, v4;
	v4 =	vshra.s32 v5, $0xF  }
0x52c: {  	(xrf1) =	vunique.msk.u32 $0xffff, v4  }
0x52d: {  	_, v21, vm3 =	vpop (xrf1);
	v63 =	vld [tilespmem:s0+$0xFFFFE000];
	v7 =	vshra.s32 v7, $0xF  }
0x52e: {  	_, v23, vm6 =	vpop (xrf1);
	v5 =	vshra.s32 v18, $0xF;
	(xrf1) =	vunique.msk.u32 $0xffff, v7  }
0x52f: {  	_, v62, vm7 =	vpop (xrf1);
	[tilespmem:v17+s12+$0x0] =	vst.idx.add.s32.msk vm1, v6;
	v6 =	vshra.s32 v22, $0xF;
	(xrf1) =	vunique.msk.u32 $0xffff, v5  }
0x530: {  	(xrf1) =	vunique.msk.u32 $0xffff, v6  }
0x531: {  	[tilespmem:v20+s11+$0x0] =	vst.idx.add.s32.msk vm2, v13  }
0x532: {  	_, v16, vm4 =	vpop (xrf1);
	v19 =	vld [tilespmem:s5+$0xFFFFC000];
	v13 =	vshra.s32 v63, $0xF  }
0x533: {  	_, v18, vm5 =	vpop (xrf1);
	[tilespmem:v14+s11+$0x0] =	vst.idx.add.s32.msk vm3, v21;
	(xrf1) =	vunique.msk.u32 $0xffff, v13  }
0x534: {  	s3 =	simm.s32 $0xC0;
	_, v14, vm0 =	vpop (xrf1);
	[tilespmem:v24+s11+$0x0] =	vst.idx.add.s32.msk vm6, v23  }
0x535: {  	s1 =	sand.u32 $0x1FC0, s3;
	[tilespmem:v15+s11+$0x0] =	vst.idx.add.s32.msk vm7, v62;
	_, v15, vm2 =	vpop (xrf1)  }
0x536: {  	s21 =	simm.s32 $0x16130;
	s17 =	simm.s32 $0xC;
	_, v17, vm6 =	vpop (xrf1);
	v20 =	vld [tilespmem:s1+$0x12000]  }
.LBB2_24:
0x537: {  	v21 =	vld [tilespmem:s21+$0xFFFFA000];
	s17 =	sadd.s32 $0x4, s17;
	v19 =	vshra.s32 v19, $0xF  }
0x538: {  	v22 =	vld [tilespmem:s21+$0xFFFF9FE0];
	p0 =	slt.u32 s17, $0x1FC;
	(xrf1) =	vunique.msk.u32 $0xffff, v19  }
0x539: {  	v23 =	vld [tilespmem:s21+$0xFFFF9FF0]  }
0x53a: {  	v24 =	vld [tilespmem:s21+$0xFFFF9FD0];
	_, v25, vm1 =	vpop (xrf1)  }
0x53b: {  	v20 =	vshra.s32 v20, $0xF;
	v26 =	vld [tilespmem:s5+$0xFFFFBFE0]  }
0x53c: {  	v21 =	vshra.s32 v21, $0xF;
	v27 =	vld [tilespmem:s5+$0xFFFFBFF0];
	(xrf1) =	vunique.msk.u32 $0xffff, v20;
	_, v28, vm7 =	vpop (xrf1)  }
0x53d: {  	v22 =	vshra.s32 v22, $0xF;
	(xrf1) =	vunique.msk.u32 $0xffff, v21;
	[tilespmem:v12+s12+$0x0] =	vst.idx.add.s32.msk vm4, v16;
	_, v16, vm3 =	vpop (xrf1)  }
0x53e: {  	v23 =	vshra.s32 v23, $0xF;
	(xrf1) =	vunique.msk.u32 $0xffff, v22;
	[tilespmem:v11+s12+$0x0] =	vst.idx.add.s32.msk vm5, v18;
	_, v18, vm5 =	vpop (xrf1)  }
0x53f: {  	v24 =	vshra.s32 v24, $0xF;
	(xrf1) =	vunique.msk.u32 $0xffff, v23;
	v29 =	vld [tilespmem:s9+$0x14000]  }
0x540: {  	(xrf1) =	vunique.msk.u32 $0xffff, v24;
	v12 =	vshra.s32 v26, $0xF;
	v26 =	vld [tilespmem:s0+$0xFFFFDFE0]  }
0x541: {  	v11 =	vshra.s32 v27, $0xF;
	(xrf1) =	vunique.msk.u32 $0xffff, v12;
	v27 =	vld [tilespmem:s0+$0xFFFFDFF0];
	_, v30, vm4 =	vpop (xrf1)  }
0x542: {  	(xrf1) =	vunique.msk.u32 $0xffff, v11;
	[tilespmem:v7+s14+$0x0] =	vst.idx.add.s32.msk vm7, v28  }
0x543: {  	[tilespmem:v8+s13+$0x0] =	vst.idx.add.s32.msk vm0, v14  }
0x544: {  	v8 =	vshra.s32 v29, $0xF;
	[tilespmem:v9+s13+$0x0] =	vst.idx.add.s32.msk vm2, v15  }
0x545: {  	v9 =	vshra.s32 v26, $0xF;
	(xrf1) =	vunique.msk.u32 $0xffff, v8;
	[tilespmem:v10+s13+$0x0] =	vst.idx.add.s32.msk vm6, v17  }
0x546: {  	_, v7, vm0 =	vpop (xrf1);
	v10 =	vshra.s32 v27, $0xF;
	(xrf1) =	vunique.msk.u32 $0xffff, v9;
	v14 =	vld [tilespmem:s8+$0x16000];
	s8 =	smov.u32 s9;
	s9 =	smov.u32 s1  }
0x547: {  	[tilespmem:v13+s13+$0x0] =	vst.idx.add.s32.msk vm4, v30;
	(xrf1) =	vunique.msk.u32 $0xffff, v10  }
0x548: {  	v13 =	vld [tilespmem:s0+$0x0]  }
0x549: {  	v15 =	vld [tilespmem:s2+$0xFFFFFFE0]  }
0x54a: {  	_, v17, vm2 =	vpop (xrf1);
	v26 =	vld [tilespmem:s2+$0xFFFFFFF0];
	s2 =	smov.u32 s0;
	s0 =	smov.u32 s5;
	s5 =	smov.u32 s21  }
0x54b: {  	_, v27, vm6 =	vpop (xrf1);
	[tilespmem:v4+s14+$0x0] =	vst.idx.add.s32.msk vm1, v25;
	v4 =	vshra.s32 v14, $0xF  }
0x54c: {  	_, v14, vm1 =	vpop (xrf1);
	[tilespmem:v19+s12+$0x0] =	vst.idx.add.s32.msk vm0, v7;
	(xrf1) =	vunique.msk.u32 $0xffff, v4  }
0x54d: {  	_, v25, vm7 =	vpop (xrf1);
	v28 =	vld [tilespmem:s0+$0xFFFFE000];
	v7 =	vshra.s32 v13, $0xF  }
0x54e: {  	_, v29, vm8 =	vpop (xrf1);
	(xrf1) =	vunique.msk.u32 $0xffff, v7;
	[tilespmem:v5+s14+$0x0] =	vst.idx.add.s32.msk vm3, v16;
	v5 =	vshra.s32 v15, $0xF  }
0x54f: {  	_, v16, vm4 =	vpop (xrf1);
	(xrf1) =	vunique.msk.u32 $0xffff, v5;
	[tilespmem:v6+s14+$0x0] =	vst.idx.add.s32.msk vm5, v18;
	v6 =	vshra.s32 v26, $0xF  }
0x550: {  	[tilespmem:v20+s12+$0x0] =	vst.idx.add.s32.msk vm2, v17;
	_, v18, vm5 =	vpop (xrf1);
	(xrf1) =	vunique.msk.u32 $0xffff, v6  }
0x551: {  	[tilespmem:v21+s11+$0x0] =	vst.idx.add.s32.msk vm6, v27  }
.Ltmp13:
0x552: {  	v19 =	vld [tilespmem:s21+$0xFFFFC000];
	v13 =	vshra.s32 v28, $0xF;
	(pc) =	sbr.rel @p0 .LBB2_24-.Ltmp13, $4  }
0x553: {  	[tilespmem:v22+s11+$0x0] =	vst.idx.add.s32.msk vm1, v14;
	(xrf1) =	vunique.msk.u32 $0xffff, v13;
	_, v14, vm0 =	vpop (xrf1)  }
0x554: {  	s3 =	sadd.s32 $0x40, s3;
	[tilespmem:v24+s11+$0x0] =	vst.idx.add.s32.msk vm8, v29;
	_, v15, vm2 =	vpop (xrf1)  }
0x555: {  	s1 =	sand.u32 $0x1FC0, s3;
	[tilespmem:v23+s11+$0x0] =	vst.idx.add.s32.msk vm7, v25;
	_, v17, vm6 =	vpop (xrf1)  }
0x556: {  	s21 =	sadd.s32 $0x40, s21;
	v20 =	vld [tilespmem:s1+$0x12000]  }
0x557: {  	v21 =	vld [tilespmem:s5+$0xFFFFBFE0];
	_ =	sdelay $0x1  }
0x558: {  	v19 =	vshra.s32 v19, $0xF  }
0x559: {  	v22 =	vld [tilespmem:s5+$0xFFFFBFF0];
	(xrf1) =	vunique.msk.u32 $0xffff, v19  }
0x55a: {  	v20 =	vshra.s32 v20, $0xF  }
0x55b: {  	(xrf1) =	vunique.msk.u32 $0xffff, v20;
	v21 =	vshra.s32 v21, $0xF  }
0x55c: {  	(xrf1) =	vunique.msk.u32 $0xffff, v21;
	_ =	sdelay $0x1  }
0x55d: {  	v22 =	vshra.s32 v22, $0xF  }
0x55e: {  	(xrf1) =	vunique.msk.u32 $0xffff, v22  }
0x55f: {  	[tilespmem:v12+s12+$0x0] =	vst.idx.add.s32.msk vm4, v16  }
0x560: {  	[tilespmem:v11+s12+$0x0] =	vst.idx.add.s32.msk vm5, v18;
	_, v23, vm1 =	vpop (xrf1)  }
0x561: {  	v43 =	vld [tilespmem:s9+$0x14000];
	_, v24, vm3 =	vpop (xrf1)  }
0x562: {  	[tilespmem:v8+s13+$0x0] =	vst.idx.add.s32.msk vm0, v14;
	_, v12, vm4 =	vpop (xrf1)  }
0x563: {  	[tilespmem:v9+s13+$0x0] =	vst.idx.add.s32.msk vm2, v15;
	_, v11, vm5 =	vpop (xrf1)  }
0x564: {  	[tilespmem:v10+s13+$0x0] =	vst.idx.add.s32.msk vm6, v17;
	_, v25, vm7 =	vpop (xrf1)  }
0x565: {  	v44 =	vld [tilespmem:s0+$0xFFFFDFE0]  }
0x566: {  	v26 =	vld [tilespmem:s0+$0xFFFFDFF0];
	_, v8, vm0 =	vpop (xrf1)  }
0x567: {  	v45 =	vld [tilespmem:s8+$0x16000]  }
0x568: {  	v15 =	vld [tilespmem:s2+$0xFFFFFFE0];
	_, v46, vm9 =	vpop (xrf1)  }
0x569: {  	v17 =	vld [tilespmem:s2+$0xFFFFFFF0];
	_, v47, vm10 =	vpop (xrf1)  }
0x56a: {  	[tilespmem:v13+s13+$0x0] =	vst.idx.add.s32.msk vm7, v25  }
0x56b: {  	v13 =	vld [tilespmem:s0+$0x0]  }
0x56c: {  	[tilespmem:v19+s12+$0x0] =	vst.idx.add.s32.msk vm0, v8;
	_, v19, vm0 =	vpop (xrf1)  }
0x56d: {  	v48 =	vld [tilespmem:s5+$0xFFFFE000]  }
0x56e: {  	v8 =	vshra.s32 v43, $0xF;
	[tilespmem:v20+s12+$0x0] =	vst.idx.add.s32.msk vm9, v46  }
0x56f: {  	v18 =	vshra.s32 v44, $0xF;
	(xrf1) =	vunique.msk.u32 $0xffff, v8;
	[tilespmem:v21+s12+$0x0] =	vst.idx.add.s32.msk vm10, v47  }
0x570: {  	v49 =	vshra.s32 v26, $0xF;
	(xrf1) =	vunique.msk.u32 $0xffff, v18;
	v50 =	vld [tilespmem:s1+$0x14000]  }
0x571: {  	v9 =	vshra.s32 v45, $0xF;
	(xrf1) =	vunique.msk.u32 $0xffff, v49;
	v51 =	vld [tilespmem:s5+$0xFFFFDFE0]  }
0x572: {  	v13 =	vshra.s32 v13, $0xF;
	(xrf1) =	vunique.msk.u32 $0xffff, v9;
	[tilespmem:v22+s12+$0x0] =	vst.idx.add.s32.msk vm0, v19  }
0x573: {  	v15 =	vshra.s32 v15, $0xF;
	(xrf1) =	vunique.msk.u32 $0xffff, v13;
	v19 =	vld [tilespmem:s5+$0xFFFFDFF0]  }
0x574: {  	v17 =	vshra.s32 v17, $0xF;
	(xrf1) =	vunique.msk.u32 $0xffff, v15  }
0x575: {  	v16 =	vshra.s32 v48, $0xF;
	(xrf1) =	vunique.msk.u32 $0xffff, v17  }
0x576: {  	(xrf1) =	vunique.msk.u32 $0xffff, v16;
	v14 =	vshra.s32 v50, $0xF  }
0x577: {  	v20 =	vshra.s32 v51, $0xF;
	(xrf1) =	vunique.msk.u32 $0xffff, v14  }
0x578: {  	(xrf1) =	vunique.msk.u32 $0xffff, v20;
	v19 =	vshra.s32 v19, $0xF  }
0x579: {  	(xrf1) =	vunique.msk.u32 $0xffff, v19;
	_ =	sdelay $0x3  }
0x57a: {  	_, v52, vm8 =	vpop (xrf1)  }
0x57b: {  	_, v53, vm9 =	vpop (xrf1)  }
0x57c: {  	_, v54, vm10 =	vpop (xrf1)  }
0x57d: {  	_, v55, vm2 =	vpop (xrf1)  }
0x57e: {  	_, v27, vm7 =	vpop (xrf1)  }
0x57f: {  	_, v28, vm6 =	vpop (xrf1)  }
0x580: {  	_, v29, vm0 =	vpop (xrf1)  }
0x581: {  	_, v30, vm11 =	vpop (xrf1)  }
0x582: {  	[tilespmem:v8+s13+$0x0] =	vst.idx.add.s32.msk vm8, v52;
	_, v31, vm12 =	vpop (xrf1)  }
0x583: {  	[tilespmem:v18+s13+$0x0] =	vst.idx.add.s32.msk vm9, v53;
	_, v32, vm13 =	vpop (xrf1)  }
0x584: {  	v56 =	vld [tilespmem:s9+$0x16000];
	_, v8, vm8 =	vpop (xrf1)  }
0x585: {  	[tilespmem:v49+s13+$0x0] =	vst.idx.add.s32.msk vm10, v54  }
0x586: {  	v58 =	vld [tilespmem:s0+$0xFFFFFFF0]  }
0x587: {  	[tilespmem:v16+s13+$0x0] =	vst.idx.add.s32.msk vm11, v30  }
0x588: {  	v57 =	vld [tilespmem:s5+$0x0]  }
0x589: {  	[tilespmem:v14+s13+$0x0] =	vst.idx.add.s32.msk vm12, v31  }
0x58a: {  	[tilespmem:v19+s13+$0x0] =	vst.idx.add.s32.msk vm8, v8  }
0x58b: {  	v8 =	vld [tilespmem:s0+$0xFFFFFFE0]  }
0x58c: {  	[tilespmem:v20+s13+$0x0] =	vst.idx.add.s32.msk vm13, v32  }
0x58d: {  	v10 =	vshra.s32 v56, $0xF;
	v59 =	vld [tilespmem:s1+$0x16000]  }
0x58e: {  	(xrf1) =	vunique.msk.u32 $0xffff, v10;
	v60 =	vld [tilespmem:s5+$0xFFFFFFE0];
	v14 =	vshra.s32 v57, $0xF  }
0x58f: {  	v61 =	vld [tilespmem:s5+$0xFFFFFFF0];
	(xrf1) =	vunique.msk.u32 $0xffff, v14  }
0x590: {  	v8 =	vshra.s32 v8, $0xF  }
0x591: {  	v16 =	vshra.s32 v58, $0xF;
	(xrf1) =	vunique.msk.u32 $0xffff, v8  }
0x592: {  	v18 =	vshra.s32 v59, $0xF;
	(xrf1) =	vunique.msk.u32 $0xffff, v16  }
0x593: {  	v19 =	vshra.s32 v60, $0xF;
	(xrf1) =	vunique.msk.u32 $0xffff, v18  }
0x594: {  	v20 =	vshra.s32 v61, $0xF;
	(xrf1) =	vunique.msk.u32 $0xffff, v19  }
0x595: {  	(xrf1) =	vunique.msk.u32 $0xffff, v20;
	_ =	sdelay $0x5  }
0x596: {  	[tilespmem:v4+s14+$0x0] =	vst.idx.add.s32.msk vm1, v23  }
0x597: {  	[tilespmem:v7+s14+$0x0] =	vst.idx.add.s32.msk vm3, v24;
	_, v4, vm1 =	vpop (xrf1)  }
0x598: {  	[tilespmem:v5+s14+$0x0] =	vst.idx.add.s32.msk vm4, v12;
	_, v5, vm11 =	vpop (xrf1)  }
0x599: {  	[tilespmem:v6+s14+$0x0] =	vst.idx.add.s32.msk vm5, v11  }
0x59a: {  	[tilespmem:v9+s14+$0x0] =	vst.idx.add.s32.msk vm2, v55;
	_, v6, vm12 =	vpop (xrf1)  }
0x59b: {  	[tilespmem:v13+s14+$0x0] =	vst.idx.add.s32.msk vm7, v27;
	_, v7, vm13 =	vpop (xrf1)  }
0x59c: {  	[tilespmem:v15+s14+$0x0] =	vst.idx.add.s32.msk vm6, v28;
	_, v62, vm14 =	vpop (xrf1)  }
0x59d: {  	[tilespmem:v17+s14+$0x0] =	vst.idx.add.s32.msk vm0, v29;
	_, v63, vm15 =	vpop (xrf1)  }
0x59e: {  	[tilespmem:v14+s14+$0x0] =	vst.idx.add.s32.msk vm11, v5;
	_, v5, vm3 =	vpop (xrf1)  }
0x59f: {  	[tilespmem:v10+s14+$0x0] =	vst.idx.add.s32.msk vm1, v4  }
0x5a0: {  	[tilespmem:v8+s14+$0x0] =	vst.idx.add.s32.msk vm12, v6  }
0x5a1: {  	[tilespmem:v16+s14+$0x0] =	vst.idx.add.s32.msk vm13, v7  }
0x5a2: {  	[tilespmem:v18+s14+$0x0] =	vst.idx.add.s32.msk vm14, v62  }
0x5a3: {  	p1 =	por $0x1, $0x1;
	[tilespmem:v19+s14+$0x0] =	vst.idx.add.s32.msk vm15, v63  }
.Ltmp14:
0x5a4: {  	s3 =	simm.s32 $0x18810;
	[tilespmem:v20+s14+$0x0] =	vst.idx.add.s32.msk vm3, v5;
	(pc) =	sbr.rel @!p1 .LBB2_26-.Ltmp14, $4  }
0x5a5: {  	s8 =	simm.s32 $0x18010;
	v4 =	vld [tilespmem:s3+$0xFFFFFFF0]  }
0x5a6: {  	s9 =	simm.s32 $0x19010;
	v6 =	vld [tilespmem:s8+$0xFFFFFFF0]  }
0x5a7: {  	s17 =	simm.s32 $0x19810;
	v5 =	vld [tilespmem:s9+$0xFFFFFFF0]  }
0x5a8: {  	p0 =	por $0x0, $0x0;
	v7 =	vld [tilespmem:s17+$0xFFFFFFF0]  }
0x5a9: {  	_ =	sdelay $0x1  }
0x5aa: {  	v8 =	vadd.s32 v6, v4  }
0x5ab: {  	v8 =	vadd.s32 v5, v8  }
0x5ac: {  	v7 =	vadd.s32 v7, v8  }
0x5ad: {  	(xrf0) =	vadd.scan.msk.s32 $0xffff, v7;
	_ =	sdelay $0x5  }
0x5ae: {  	v8, _, _ =	vpop (xrf0)  }
0x5af: {  	v7 =	vsub.s32 v8, v7  }
0x5b0: {  	v7 =	vadd.s32 s20, v7  }
0x5b1: {  	[tilespmem:s8+$0xFFFFFFF0] =	vst v7;
	v6 =	vadd.s32 v6, v7  }
0x5b2: {  	[tilespmem:s3+$0xFFFFFFF0] =	vst v6;
	v4 =	vadd.s32 v4, v6  }
0x5b3: {  	[tilespmem:s9+$0xFFFFFFF0] =	vst v4;
	v4 =	vadd.s32 v5, v4  }
0x5b4: {  	[tilespmem:s17+$0xFFFFFFF0] =	vst v4  }
0x5b5: {  	(v2sf) =	vpush v8, $0xF;
	v4 =	vld [tilespmem:s8+$0x0]  }
0x5b6: {  	v5 =	vld [tilespmem:s3+$0x0]  }
0x5b7: {  	v6 =	vld [tilespmem:s9+$0x0]  }
0x5b8: {  	v7 =	vld [tilespmem:s17+$0x0];
	_ =	sdelay $0x2  }
0x5b9: {  	v8 =	vadd.s32 v4, v5  }
0x5ba: {  	v8 =	vadd.s32 v6, v8  }
0x5bb: {  	v7 =	vadd.s32 v7, v8  }
0x5bc: {  	(xrf0) =	vadd.scan.msk.s32 $0xffff, v7;
	_ =	sdelay $0x5  }
0x5bd: {  	s0 =	spop (v2sf);
	v8, _, _ =	vpop (xrf0)  }
0x5be: {  	s22 =	sadd.s32 $0x0, s0;
	v7 =	vsub.s32 v8, v7;
	(v2sf) =	vpush v8, $0xF  }
0x5bf: {  	v7 =	vadd.s32 s22, v7  }
0x5c0: {  	[tilespmem:s8+$0x0] =	vst v7;
	v4 =	vadd.s32 v4, v7  }
0x5c1: {  	[tilespmem:s3+$0x0] =	vst v4;
	v4 =	vadd.s32 v5, v4  }
0x5c2: {  	[tilespmem:s9+$0x0] =	vst v4;
	v4 =	vadd.s32 v6, v4  }
0x5c3: {  	p1 =	por $0x1, $0x1;
	s3 =	simm.s32 $0x18830;
	[tilespmem:s17+$0x0] =	vst v4  }
.Ltmp15:
0x5c4: {  	s8 =	simm.s32 $0x18030;
	v4 =	vld [tilespmem:s3+$0xFFFFFFF0];
	(pc) =	sbr.rel @!p1 .LBB2_28-.Ltmp15, $4  }
0x5c5: {  	s9 =	simm.s32 $0x19030;
	v6 =	vld [tilespmem:s8+$0xFFFFFFF0]  }
0x5c6: {  	s17 =	simm.s32 $0x19830;
	v5 =	vld [tilespmem:s9+$0xFFFFFFF0]  }
0x5c7: {  	s21 =	simm.s32 $0x2;
	p0 =	por $0x1, $0x1;
	s2 =	simm.s32 $0x18830;
	v7 =	vld [tilespmem:s17+$0xFFFFFFF0]  }
0x5c8: {  	s5 =	simm.s32 $0x19030;
	s1 =	simm.s32 $0x19830;
	s0 =	simm.s32 $0x18030  }
.LBB2_29:
0x5c9: {  	s21 =	sadd.s32 $0x2, s21  }
0x5ca: {  	p1 =	slt.u32 s21, $0x3E;
	v8 =	vadd.s32 v6, v4  }
0x5cb: {  	v8 =	vadd.s32 v5, v8  }
0x5cc: {  	v7 =	vadd.s32 v7, v8  }
0x5cd: {  	(xrf0) =	vadd.scan.msk.s32 $0xffff, v7;
	s23 =	spop (v2sf)  }
0x5ce: {  	s22 =	sadd.s32 s22, s23;
	_ =	sdelay $0x4  }
0x5cf: {  	v8, _, _ =	vpop (xrf0)  }
0x5d0: {  	v7 =	vsub.s32 v8, v7;
	(v2sf) =	vpush v8, $0xF  }
0x5d1: {  	v7 =	vadd.s32 s22, v7  }
0x5d2: {  	[tilespmem:s8+$0xFFFFFFF0] =	vst v7;
	v6 =	vadd.s32 v6, v7  }
0x5d3: {  	[tilespmem:s3+$0xFFFFFFF0] =	vst v6;
	v4 =	vadd.s32 v4, v6  }
0x5d4: {  	[tilespmem:s9+$0xFFFFFFF0] =	vst v4;
	v4 =	vadd.s32 v5, v4  }
0x5d5: {  	[tilespmem:s17+$0xFFFFFFF0] =	vst v4  }
0x5d6: {  	v4 =	vld [tilespmem:s8+$0x0]  }
0x5d7: {  	v5 =	vld [tilespmem:s3+$0x0]  }
0x5d8: {  	v6 =	vld [tilespmem:s9+$0x0]  }
0x5d9: {  	v7 =	vld [tilespmem:s17+$0x0];
	_ =	sdelay $0x2  }
0x5da: {  	v8 =	vadd.s32 v4, v5  }
0x5db: {  	v8 =	vadd.s32 v6, v8  }
0x5dc: {  	v7 =	vadd.s32 v7, v8  }
0x5dd: {  	s23 =	spop (v2sf);
	(xrf0) =	vadd.scan.msk.s32 $0xffff, v7;
	_ =	sdelay $0x5  }
0x5de: {  	s22 =	sadd.s32 s22, s23;
	v8, _, _ =	vpop (xrf0)  }
0x5df: {  	v7 =	vsub.s32 v8, v7;
	(v2sf) =	vpush v8, $0xF  }
0x5e0: {  	s8 =	sadd.s32 $0x20, s8;
	v7 =	vadd.s32 s22, v7  }
0x5e1: {  	s3 =	sadd.s32 $0x20, s3;
	[tilespmem:s0+$0x0] =	vst v7;
	v4 =	vadd.s32 v4, v7;
	s0 =	smov.u32 s8  }
0x5e2: {  	s9 =	sadd.s32 $0x20, s9;
	[tilespmem:s2+$0x0] =	vst v4;
	v4 =	vadd.s32 v5, v4;
	s2 =	smov.u32 s3  }
0x5e3: {  	s17 =	sadd.s32 $0x20, s17;
	[tilespmem:s5+$0x0] =	vst v4;
	v4 =	vadd.s32 v6, v4;
	s5 =	smov.u32 s9  }
0x5e4: {  	[tilespmem:s1+$0x0] =	vst v4;
	s1 =	smov.u32 s17  }
.Ltmp16:
0x5e5: {  	v4 =	vld [tilespmem:s3+$0xFFFFFFF0];
	(pc) =	sbr.rel @p1 .LBB2_29-.Ltmp16, $3  }
0x5e6: {  	v6 =	vld [tilespmem:s8+$0xFFFFFFF0]  }
0x5e7: {  	v5 =	vld [tilespmem:s9+$0xFFFFFFF0]  }
0x5e8: {  	v7 =	vld [tilespmem:s17+$0xFFFFFFF0];
	_ =	sdelay $0x1  }
.LBB2_30:
0x5e9: {  	_ = 	snop  }
0x5ea: {  	v8 =	vadd.s32 v6, v4  }
0x5eb: {  	v8 =	vadd.s32 v5, v8  }
0x5ec: {  	v7 =	vadd.s32 v7, v8  }
0x5ed: {  	(xrf0) =	vadd.scan.msk.s32 $0xffff, v7;
	_ =	sdelay $0x4  }
0x5ee: {  	s21 =	spop @p0 (v2sf)  }
0x5ef: {  	s21 =	sadd.s32 @p0 s22, s21;
	v59, _, _ =	vpop (xrf0)  }
0x5f0: {  	s20 =	smov.u32 @p0 s21;
	v7 =	vsub.s32 v59, v7  }
0x5f1: {  	v7 =	vadd.s32 s20, v7  }
0x5f2: {  	[tilespmem:s8+$0xFFFFFFF0] =	vst v7;
	v60 =	vadd.s32 v6, v7  }
0x5f3: {  	[tilespmem:s3+$0xFFFFFFF0] =	vst v60;
	v4 =	vadd.s32 v4, v60  }
0x5f4: {  	[tilespmem:s9+$0xFFFFFFF0] =	vst v4;
	v4 =	vadd.s32 v5, v4  }
0x5f5: {  	[tilespmem:s17+$0xFFFFFFF0] =	vst v4  }
0x5f6: {  	v4 =	vld [tilespmem:s8+$0x0]  }
0x5f7: {  	v5 =	vld [tilespmem:s3+$0x0]  }
0x5f8: {  	v61 =	vld [tilespmem:s9+$0x0]  }
0x5f9: {  	v62 =	vld [tilespmem:s17+$0x0];
	_ =	sdelay $0x2  }
0x5fa: {  	v9 =	vadd.s32 v4, v5  }
0x5fb: {  	v9 =	vadd.s32 v61, v9  }
0x5fc: {  	v7 =	vadd.s32 v62, v9  }
0x5fd: {  	(xrf0) =	vadd.scan.msk.s32 $0xffff, v7  }
0x5fe: {  	(v2sf) =	vpush v59, $0xF;
	_ =	sdelay $0x4  }
0x5ff: {  	v63, _, _ =	vpop (xrf0)  }
0x600: {  	(v2sf) =	vpush v63, $0xF;
	_ =	sdelay $0x8  }
0x601: {  	s30 =	spop (v2sf)  }
0x602: {  	s3 =	sadd.s32 s20, s30;
	v7 =	vsub.s32 v63, v7  }
0x603: {  	v7 =	vadd.s32 s3, v7  }
0x604: {  	[tilespmem:s0+$0x0] =	vst v7;
	v4 =	vadd.s32 v4, v7  }
0x605: {  	[tilespmem:s2+$0x0] =	vst v4;
	v4 =	vadd.s32 v5, v4  }
0x606: {  	s0 =	simm.s32 $0x16030;
	[tilespmem:s5+$0x0] =	vst v4;
	v4 =	vadd.s32 v61, v4  }
0x607: {  	s2 =	simm.s32 $0x0;
	[tilespmem:s1+$0x0] =	vst v4;
	s1 =	simm.s32 $0xFFFFFFFC;
	s31 =	spop (v2sf)  }
.LBB2_31:
0x608: {  	v4 =	vld [tilespmem:s0+$0xFFFF9FD0];
	_ =	sdelay $0x4  }
0x609: {  	v5 =	vshra.s32 v4, $0xF  }
0x60a: {  	(xrf1) =	vunique.msk.u32 $0xffff, v5;
	_ =	sdelay $0x9  }
0x60b: {  	v6 =	vld.idx.msk [tilespmem:v5+s11+$0x0], $0xffff;
	_ =	sdelay $0x3  }
0x60c: {  	_, v7, vm0 =	vpop (xrf1)  }
0x60d: {  	v6 =	vadd.s32 v7, v6  }
0x60e: {  	v6 =	vadd.s32 $0xFFFFFFFF, v6;
	_ =	sdelay $0x3  }
0x60f: {  	v4 =	vand.u32 $0x7FFF, v4  }
0x610: {  	[tilespmem:v6+s15+$0x0] =	vst.idx.msk $0xffff, v4  }
0x611: {  	s3 =	sand.u32 $0x1FC0, s2;
	[tilespmem:v5+s11+$0x0] =	vst.idx.add.s32.msk vm0, v7  }
0x612: {  	v4 =	vld [tilespmem:s3+$0x12000];
	_ =	sdelay $0x4  }
0x613: {  	v5 =	vshra.s32 v4, $0xF  }
0x614: {  	(xrf1) =	vunique.msk.u32 $0xffff, v5;
	_ =	sdelay $0x9  }
0x615: {  	v6 =	vld.idx.msk [tilespmem:v5+s12+$0x0], $0xffff;
	_ =	sdelay $0x3  }
0x616: {  	_, v7, vm0 =	vpop (xrf1)  }
0x617: {  	v6 =	vadd.s32 v7, v6  }
0x618: {  	v6 =	vadd.s32 $0xFFFFFFFF, v6;
	_ =	sdelay $0x3  }
0x619: {  	v4 =	vand.u32 $0x7FFF, v4  }
0x61a: {  	[tilespmem:v6+s15+$0x0] =	vst.idx.msk $0xffff, v4  }
0x61b: {  	[tilespmem:v5+s12+$0x0] =	vst.idx.add.s32.msk vm0, v7  }
0x61c: {  	v4 =	vld [tilespmem:s3+$0x14000];
	_ =	sdelay $0x4  }
0x61d: {  	v5 =	vshra.s32 v4, $0xF  }
0x61e: {  	(xrf1) =	vunique.msk.u32 $0xffff, v5;
	_ =	sdelay $0x9  }
0x61f: {  	v6 =	vld.idx.msk [tilespmem:v5+s13+$0x0], $0xffff;
	_ =	sdelay $0x3  }
0x620: {  	_, v7, vm0 =	vpop (xrf1)  }
0x621: {  	v6 =	vadd.s32 v7, v6  }
0x622: {  	v6 =	vadd.s32 $0xFFFFFFFF, v6;
	_ =	sdelay $0x3  }
0x623: {  	v4 =	vand.u32 $0x7FFF, v4  }
0x624: {  	[tilespmem:v6+s15+$0x0] =	vst.idx.msk $0xffff, v4  }
0x625: {  	[tilespmem:v5+s13+$0x0] =	vst.idx.add.s32.msk vm0, v7  }
0x626: {  	v4 =	vld [tilespmem:s3+$0x16000];
	_ =	sdelay $0x4  }
0x627: {  	v5 =	vshra.s32 v4, $0xF  }
0x628: {  	(xrf1) =	vunique.msk.u32 $0xffff, v5;
	_ =	sdelay $0x9  }
0x629: {  	v6 =	vld.idx.msk [tilespmem:v5+s14+$0x0], $0xffff;
	_ =	sdelay $0x3  }
0x62a: {  	_, v7, vm0 =	vpop (xrf1)  }
0x62b: {  	v6 =	vadd.s32 v7, v6  }
0x62c: {  	v6 =	vadd.s32 $0xFFFFFFFF, v6;
	_ =	sdelay $0x3  }
0x62d: {  	v4 =	vand.u32 $0x7FFF, v4  }
0x62e: {  	[tilespmem:v6+s15+$0x0] =	vst.idx.msk $0xffff, v4  }
0x62f: {  	[tilespmem:v5+s14+$0x0] =	vst.idx.add.s32.msk vm0, v7  }
0x630: {  	v4 =	vld [tilespmem:s0+$0xFFFF9FE0];
	_ =	sdelay $0x4  }
0x631: {  	v5 =	vshra.s32 v4, $0xF  }
0x632: {  	(xrf1) =	vunique.msk.u32 $0xffff, v5;
	_ =	sdelay $0x9  }
0x633: {  	v6 =	vld.idx.msk [tilespmem:v5+s11+$0x0], $0xffff;
	_ =	sdelay $0x3  }
0x634: {  	_, v7, vm0 =	vpop (xrf1)  }
0x635: {  	v6 =	vadd.s32 v7, v6  }
0x636: {  	v6 =	vadd.s32 $0xFFFFFFFF, v6;
	_ =	sdelay $0x3  }
0x637: {  	v4 =	vand.u32 $0x7FFF, v4  }
0x638: {  	[tilespmem:v6+s15+$0x0] =	vst.idx.msk $0xffff, v4  }
0x639: {  	[tilespmem:v5+s11+$0x0] =	vst.idx.add.s32.msk vm0, v7  }
0x63a: {  	v4 =	vld [tilespmem:s0+$0xFFFFBFE0];
	_ =	sdelay $0x4  }
0x63b: {  	v5 =	vshra.s32 v4, $0xF  }
0x63c: {  	(xrf1) =	vunique.msk.u32 $0xffff, v5;
	_ =	sdelay $0x9  }
0x63d: {  	v6 =	vld.idx.msk [tilespmem:v5+s12+$0x0], $0xffff;
	_ =	sdelay $0x3  }
0x63e: {  	_, v7, vm0 =	vpop (xrf1)  }
0x63f: {  	v6 =	vadd.s32 v7, v6  }
0x640: {  	v6 =	vadd.s32 $0xFFFFFFFF, v6;
	_ =	sdelay $0x3  }
0x641: {  	v4 =	vand.u32 $0x7FFF, v4  }
0x642: {  	[tilespmem:v6+s15+$0x0] =	vst.idx.msk $0xffff, v4  }
0x643: {  	[tilespmem:v5+s12+$0x0] =	vst.idx.add.s32.msk vm0, v7  }
0x644: {  	v4 =	vld [tilespmem:s0+$0xFFFFDFE0];
	_ =	sdelay $0x4  }
0x645: {  	v5 =	vshra.s32 v4, $0xF  }
0x646: {  	(xrf1) =	vunique.msk.u32 $0xffff, v5;
	_ =	sdelay $0x9  }
0x647: {  	v6 =	vld.idx.msk [tilespmem:v5+s13+$0x0], $0xffff;
	_ =	sdelay $0x3  }
0x648: {  	_, v7, vm0 =	vpop (xrf1)  }
0x649: {  	v6 =	vadd.s32 v7, v6  }
0x64a: {  	v6 =	vadd.s32 $0xFFFFFFFF, v6;
	_ =	sdelay $0x3  }
0x64b: {  	v4 =	vand.u32 $0x7FFF, v4  }
0x64c: {  	[tilespmem:v6+s15+$0x0] =	vst.idx.msk $0xffff, v4  }
0x64d: {  	[tilespmem:v5+s13+$0x0] =	vst.idx.add.s32.msk vm0, v7  }
0x64e: {  	v4 =	vld [tilespmem:s0+$0xFFFFFFE0];
	_ =	sdelay $0x4  }
0x64f: {  	v5 =	vshra.s32 v4, $0xF  }
0x650: {  	(xrf1) =	vunique.msk.u32 $0xffff, v5;
	_ =	sdelay $0x9  }
0x651: {  	v6 =	vld.idx.msk [tilespmem:v5+s14+$0x0], $0xffff;
	_ =	sdelay $0x3  }
0x652: {  	_, v7, vm0 =	vpop (xrf1)  }
0x653: {  	v6 =	vadd.s32 v7, v6  }
0x654: {  	v6 =	vadd.s32 $0xFFFFFFFF, v6;
	_ =	sdelay $0x3  }
0x655: {  	v4 =	vand.u32 $0x7FFF, v4  }
0x656: {  	[tilespmem:v6+s15+$0x0] =	vst.idx.msk $0xffff, v4  }
0x657: {  	[tilespmem:v5+s14+$0x0] =	vst.idx.add.s32.msk vm0, v7  }
0x658: {  	v4 =	vld [tilespmem:s0+$0xFFFF9FF0];
	_ =	sdelay $0x4  }
0x659: {  	v5 =	vshra.s32 v4, $0xF  }
0x65a: {  	(xrf1) =	vunique.msk.u32 $0xffff, v5;
	_ =	sdelay $0x9  }
0x65b: {  	v6 =	vld.idx.msk [tilespmem:v5+s11+$0x0], $0xffff;
	_ =	sdelay $0x3  }
0x65c: {  	_, v7, vm0 =	vpop (xrf1)  }
0x65d: {  	v6 =	vadd.s32 v7, v6  }
0x65e: {  	v6 =	vadd.s32 $0xFFFFFFFF, v6;
	_ =	sdelay $0x3  }
0x65f: {  	v4 =	vand.u32 $0x7FFF, v4  }
0x660: {  	[tilespmem:v6+s15+$0x0] =	vst.idx.msk $0xffff, v4  }
0x661: {  	[tilespmem:v5+s11+$0x0] =	vst.idx.add.s32.msk vm0, v7  }
0x662: {  	v4 =	vld [tilespmem:s0+$0xFFFFBFF0];
	_ =	sdelay $0x4  }
0x663: {  	v5 =	vshra.s32 v4, $0xF  }
0x664: {  	(xrf1) =	vunique.msk.u32 $0xffff, v5;
	_ =	sdelay $0x9  }
0x665: {  	v6 =	vld.idx.msk [tilespmem:v5+s12+$0x0], $0xffff;
	_ =	sdelay $0x3  }
0x666: {  	_, v7, vm0 =	vpop (xrf1)  }
0x667: {  	v6 =	vadd.s32 v7, v6  }
0x668: {  	v6 =	vadd.s32 $0xFFFFFFFF, v6;
	_ =	sdelay $0x3  }
0x669: {  	v4 =	vand.u32 $0x7FFF, v4  }
0x66a: {  	[tilespmem:v6+s15+$0x0] =	vst.idx.msk $0xffff, v4  }
0x66b: {  	[tilespmem:v5+s12+$0x0] =	vst.idx.add.s32.msk vm0, v7  }
0x66c: {  	v4 =	vld [tilespmem:s0+$0xFFFFDFF0];
	_ =	sdelay $0x4  }
0x66d: {  	v5 =	vshra.s32 v4, $0xF  }
0x66e: {  	(xrf1) =	vunique.msk.u32 $0xffff, v5;
	_ =	sdelay $0x9  }
0x66f: {  	v6 =	vld.idx.msk [tilespmem:v5+s13+$0x0], $0xffff;
	_ =	sdelay $0x3  }
0x670: {  	_, v7, vm0 =	vpop (xrf1)  }
0x671: {  	v6 =	vadd.s32 v7, v6  }
0x672: {  	v6 =	vadd.s32 $0xFFFFFFFF, v6;
	_ =	sdelay $0x3  }
0x673: {  	v4 =	vand.u32 $0x7FFF, v4  }
0x674: {  	[tilespmem:v6+s15+$0x0] =	vst.idx.msk $0xffff, v4  }
0x675: {  	[tilespmem:v5+s13+$0x0] =	vst.idx.add.s32.msk vm0, v7  }
0x676: {  	v4 =	vld [tilespmem:s0+$0xFFFFFFF0];
	_ =	sdelay $0x4  }
0x677: {  	v5 =	vshra.s32 v4, $0xF  }
0x678: {  	(xrf1) =	vunique.msk.u32 $0xffff, v5;
	_ =	sdelay $0x9  }
0x679: {  	v6 =	vld.idx.msk [tilespmem:v5+s14+$0x0], $0xffff;
	_ =	sdelay $0x3  }
0x67a: {  	_, v7, vm0 =	vpop (xrf1)  }
0x67b: {  	v6 =	vadd.s32 v7, v6  }
0x67c: {  	v6 =	vadd.s32 $0xFFFFFFFF, v6;
	_ =	sdelay $0x3  }
0x67d: {  	v4 =	vand.u32 $0x7FFF, v4  }
0x67e: {  	[tilespmem:v6+s15+$0x0] =	vst.idx.msk $0xffff, v4  }
0x67f: {  	[tilespmem:v5+s14+$0x0] =	vst.idx.add.s32.msk vm0, v7  }
0x680: {  	v4 =	vld [tilespmem:s0+$0xFFFFA000];
	_ =	sdelay $0x4  }
0x681: {  	v5 =	vshra.s32 v4, $0xF  }
0x682: {  	(xrf1) =	vunique.msk.u32 $0xffff, v5;
	_ =	sdelay $0x9  }
0x683: {  	v6 =	vld.idx.msk [tilespmem:v5+s11+$0x0], $0xffff;
	_ =	sdelay $0x3  }
0x684: {  	_, v7, vm0 =	vpop (xrf1)  }
0x685: {  	v6 =	vadd.s32 v7, v6  }
0x686: {  	v6 =	vadd.s32 $0xFFFFFFFF, v6;
	_ =	sdelay $0x3  }
0x687: {  	v4 =	vand.u32 $0x7FFF, v4  }
0x688: {  	[tilespmem:v6+s15+$0x0] =	vst.idx.msk $0xffff, v4  }
0x689: {  	[tilespmem:v5+s11+$0x0] =	vst.idx.add.s32.msk vm0, v7  }
0x68a: {  	v4 =	vld [tilespmem:s0+$0xFFFFC000];
	_ =	sdelay $0x4  }
0x68b: {  	v5 =	vshra.s32 v4, $0xF  }
0x68c: {  	(xrf1) =	vunique.msk.u32 $0xffff, v5;
	_ =	sdelay $0x9  }
0x68d: {  	v6 =	vld.idx.msk [tilespmem:v5+s12+$0x0], $0xffff;
	_ =	sdelay $0x3  }
0x68e: {  	_, v7, vm0 =	vpop (xrf1)  }
0x68f: {  	v6 =	vadd.s32 v7, v6  }
0x690: {  	v6 =	vadd.s32 $0xFFFFFFFF, v6;
	_ =	sdelay $0x3  }
0x691: {  	v4 =	vand.u32 $0x7FFF, v4  }
0x692: {  	[tilespmem:v6+s15+$0x0] =	vst.idx.msk $0xffff, v4  }
0x693: {  	[tilespmem:v5+s12+$0x0] =	vst.idx.add.s32.msk vm0, v7  }
0x694: {  	v4 =	vld [tilespmem:s0+$0xFFFFE000];
	_ =	sdelay $0x4  }
0x695: {  	v5 =	vshra.s32 v4, $0xF  }
0x696: {  	(xrf1) =	vunique.msk.u32 $0xffff, v5;
	_ =	sdelay $0x9  }
0x697: {  	v6 =	vld.idx.msk [tilespmem:v5+s13+$0x0], $0xffff;
	_ =	sdelay $0x3  }
0x698: {  	_, v7, vm0 =	vpop (xrf1)  }
0x699: {  	v6 =	vadd.s32 v7, v6  }
0x69a: {  	v6 =	vadd.s32 $0xFFFFFFFF, v6;
	_ =	sdelay $0x3  }
0x69b: {  	v4 =	vand.u32 $0x7FFF, v4  }
0x69c: {  	[tilespmem:v6+s15+$0x0] =	vst.idx.msk $0xffff, v4  }
0x69d: {  	[tilespmem:v5+s13+$0x0] =	vst.idx.add.s32.msk vm0, v7  }
0x69e: {  	v4 =	vld [tilespmem:s0+$0x0];
	_ =	sdelay $0x4  }
0x69f: {  	v5 =	vshra.s32 v4, $0xF  }
0x6a0: {  	(xrf1) =	vunique.msk.u32 $0xffff, v5;
	_ =	sdelay $0x9  }
0x6a1: {  	v6 =	vld.idx.msk [tilespmem:v5+s14+$0x0], $0xffff;
	_ =	sdelay $0x3  }
0x6a2: {  	_, v7, vm0 =	vpop (xrf1)  }
0x6a3: {  	v6 =	vadd.s32 v7, v6  }
0x6a4: {  	s1 =	sadd.s32 $0x4, s1;
	v6 =	vadd.s32 $0xFFFFFFFF, v6  }
0x6a5: {  	p0 =	slt.u32 s1, $0x1FC  }
.Ltmp17:
0x6a6: {  	_ = 	snop;
	(pc) =	sbr.rel @p0 .LBB2_31-.Ltmp17, $4  }
0x6a7: {  	_ = 	snop  }
0x6a8: {  	v4 =	vand.u32 $0x7FFF, v4  }
0x6a9: {  	[tilespmem:v6+s15+$0x0] =	vst.idx.msk $0xffff, v4  }
0x6aa: {  	s2 =	sadd.s32 $0x40, s2;
	s0 =	sadd.s32 $0x40, s0;
	[tilespmem:v5+s14+$0x0] =	vst.idx.add.s32.msk vm0, v7  }
0x6ab: {  	s0 =	sadd.s32 s4, s19  }
0x6ac: {  	[hbm4b:s0+s6] =	stream.linear.scatter [tilespmem:s15], [sflag:$0x1], $0x8000, $0x38;
	[tilespmem:$0x1A080] =	vst v63  }
0x6ad: {  	_ =	swait.ge [sflag:s10], $0x8000  }
0x6ae: {  	[sflag:s10] =	ssyncset.done $0x0  }
0x6af: {  	s29 =	simm.s32 $0x8020;
	[sflag:s10] =	ssyncadd.s32 $0xFFFF8000  }
0x6b0: {  	v4 =	vld [tilespmem:s29+$0xFFFFFFE0]  }
0x6b1: {  	v5 =	vld [tilespmem:s29+$0x10]  }
0x6b2: {  	v6 =	vld [tilespmem:s29+$0x0]  }
0x6b3: {  	s30 =	simm.s32 $0x8060;
	v7 =	vld [tilespmem:s29+$0xFFFFFFF0]  }
0x6b4: {  	v10 =	vld [tilespmem:s30+$0x0]  }
0x6b5: {  	v9 =	vld [tilespmem:s30+$0xFFFFFFE0]  }
0x6b6: {  	v11 =	vld [tilespmem:s30+$0x10]  }
0x6b7: {  	v13 =	vld [tilespmem:s30+$0xFFFFFFF0]  }
0x6b8: {  	v12 =	vld.idx.msk [tilespmem:v4+s6+$0x0], $0xffff  }
0x6b9: {  	v14 =	vld.idx.msk [tilespmem:v5+s6+$0x0], $0xffff  }
0x6ba: {  	v15 =	vld.idx.msk [tilespmem:v6+s6+$0x0], $0xffff  }
0x6bb: {  	s31 =	simm.s32 $0x80A0;
	v16 =	vld.idx.msk [tilespmem:v7+s6+$0x0], $0xffff  }
0x6bc: {  	v8 =	vld [tilespmem:s31+$0xFFFFFFE0]  }
0x6bd: {  	v4 =	vld [tilespmem:s31+$0x0]  }
0x6be: {  	v6 =	vld [tilespmem:s31+$0x10]  }
0x6bf: {  	v5 =	vld [tilespmem:s31+$0xFFFFFFF0];
	v17 =	vxor.u32 v3, v12;
	v14 =	vxor.u32 v3, v14;
	v19 =	vxor.u32 v3, v15  }
0x6c0: {  	v9 =	vld.idx.msk [tilespmem:v9+s6+$0x0], $0xffff;
	v12 =	vxor.u32 v3, v16;
	vm0 =	vgt.s32 v17, $0xFFFFFFFF;
	vm14 =	vgt.s32 v14, $0xFFFFFFFF  }
0x6c1: {  	v7 =	vld.idx.msk [tilespmem:v11+s6+$0x0], $0xffff;
	vm1 =	vgt.s32 v19, $0xFFFFFFFF;
	vm15 =	vgt.s32 v12, $0xFFFFFFFF;
	v11 =	vsel vm14, $0xFFFFFFFF, v2  }
0x6c2: {  	s0 =	simm.s32 $0x10020;
	v10 =	vld.idx.msk [tilespmem:v10+s6+$0x0], $0xffff;
	v18 =	vsel vm0, $0xFFFFFFFF, v2;
	v16 =	vsel vm1, $0xFFFFFFFF, v2;
	v20 =	vxor.u32 v14, v11  }
0x6c3: {  	s2 =	simm.s32 $0x8;
	s3 =	simm.s32 $0x80E0;
	s1 =	simm.s32 $0x10020;
	v15 =	vsel vm15, $0xFFFFFFFF, v2;
	v11 =	vld.idx.msk [tilespmem:v13+s6+$0x0], $0xffff;
	v13 =	vxor.u32 v17, v18;
	v14 =	vxor.u32 v19, v16;
	[tilespmem:s0+$0x10] =	vst v20  }
.LBB2_33:
0x6c4: {  	v16 =	vld [tilespmem:s3+$0x0];
	s2 =	sadd.s32 $0x4, s2;
	v12 =	vxor.u32 v12, v15;
	[tilespmem:s0+$0x0] =	vst v14;
	s1 =	sadd.s32 $0x40, s1;
	v14 =	vmov v6;
	v15 =	vmov v5  }
0x6c5: {  	v17 =	vld [tilespmem:s3+$0xFFFFFFE0];
	p0 =	slt.u32 s2, $0x7FC;
	[tilespmem:s0+$0xFFFFFFE0] =	vst v13  }
0x6c6: {  	v13 =	vxor.u32 v3, v9;
	v6 =	vld [tilespmem:s3+$0x10];
	[tilespmem:s0+$0xFFFFFFF0] =	vst v12;
	s0 =	smov.u32 s1  }
.Ltmp18:
0x6c7: {  	vm0 =	vgt.s32 v13, $0xFFFFFFFF;
	v18 =	vxor.u32 v3, v7;
	v5 =	vld [tilespmem:s3+$0xFFFFFFF0];
	(pc) =	sbr.rel @p0 .LBB2_33-.Ltmp18, $4  }
0x6c8: {  	v19 =	vsel vm0, $0xFFFFFFFF, v2;
	v20 =	vxor.u32 v3, v10;
	vm0 =	vgt.s32 v18, $0xFFFFFFFF;
	v9 =	vld.idx.msk [tilespmem:v8+s6+$0x0], $0xffff  }
0x6c9: {  	v12 =	vxor.u32 v3, v11;
	vm1 =	vgt.s32 v20, $0xFFFFFFFF;
	v11 =	vsel vm0, $0xFFFFFFFF, v2;
	v7 =	vld.idx.msk [tilespmem:v14+s6+$0x0], $0xffff  }
0x6ca: {  	vm0 =	vgt.s32 v12, $0xFFFFFFFF;
	v14 =	vsel vm1, $0xFFFFFFFF, v2;
	v18 =	vxor.u32 v18, v11;
	v10 =	vld.idx.msk [tilespmem:v4+s6+$0x0], $0xffff;
	v4 =	vmovc v16;
	v8 =	vmovc v17  }
0x6cb: {  	s3 =	sadd.s32 $0x40, s3;
	v13 =	vxor.u32 v13, v19;
	v14 =	vxor.u32 v20, v14;
	v11 =	vld.idx.msk [tilespmem:v15+s6+$0x0], $0xffff;
	v15 =	vsel vm0, $0xFFFFFFFF, v2;
	[tilespmem:s1+$0x10] =	vst v18  }
0x6cc: {  	_ =	sdelay $0x3  }
0x6cd: {  	v8 =	vld.idx.msk [tilespmem:v8+s6+$0x0], $0xffff  }
0x6ce: {  	v6 =	vld.idx.msk [tilespmem:v6+s6+$0x0], $0xffff  }
0x6cf: {  	v4 =	vld.idx.msk [tilespmem:v4+s6+$0x0], $0xffff;
	v9 =	vxor.u32 v3, v9  }
0x6d0: {  	v12 =	vxor.u32 v12, v15;
	v5 =	vld.idx.msk [tilespmem:v5+s6+$0x0], $0xffff;
	vm0 =	vgt.s32 v9, $0xFFFFFFFF  }
0x6d1: {  	v7 =	vxor.u32 v3, v7;
	v54 =	vsel vm0, $0xFFFFFFFF, v2;
	v10 =	vxor.u32 v3, v10  }
0x6d2: {  	[tilespmem:s0+$0x0] =	vst v14;
	vm10 =	vgt.s32 v7, $0xFFFFFFFF;
	v11 =	vxor.u32 v3, v11;
	vm1 =	vgt.s32 v10, $0xFFFFFFFF  }
0x6d3: {  	[tilespmem:s0+$0xFFFFFFE0] =	vst v13;
	v55 =	vsel vm10, $0xFFFFFFFF, v2;
	v9 =	vxor.u32 v9, v54;
	vm11 =	vgt.s32 v11, $0xFFFFFFFF  }
0x6d4: {  	s30 =	sadd.s32 $0x40, s1;
	[tilespmem:s0+$0xFFFFFFF0] =	vst v12;
	v56 =	vsel vm1, $0xFFFFFFFF, v2;
	v7 =	vxor.u32 v7, v55;
	v6 =	vxor.u32 v3, v6  }
0x6d5: {  	v8 =	vxor.u32 v3, v8;
	v4 =	vxor.u32 v3, v4;
	[tilespmem:s30+$0xFFFFFFE0] =	vst v9;
	v5 =	vxor.u32 v3, v5  }
0x6d6: {  	v57 =	vsel vm11, $0xFFFFFFFF, v2;
	v10 =	vxor.u32 v10, v56;
	[tilespmem:s30+$0x10] =	vst v7;
	vm12 =	vgt.s32 v6, $0xFFFFFFFF  }
0x6d7: {  	vm14 =	vgt.s32 v4, $0xFFFFFFFF;
	v58 =	vxor.u32 v11, v57;
	[tilespmem:s30+$0x0] =	vst v10;
	v59 =	vsel vm12, $0xFFFFFFFF, v2  }
0x6d8: {  	s1 =	sadd.s32 $0x40, s30;
	vm13 =	vgt.s32 v8, $0xFFFFFFFF;
	v60 =	vsel vm14, $0xFFFFFFFF, v2;
	[tilespmem:s30+$0xFFFFFFF0] =	vst v58;
	v6 =	vxor.u32 v6, v59  }
0x6d9: {  	vm15 =	vgt.s32 v5, $0xFFFFFFFF;
	v61 =	vsel vm13, $0xFFFFFFFF, v2;
	v4 =	vxor.u32 v4, v60;
	[tilespmem:s1+$0x10] =	vst v6  }
0x6da: {  	v63 =	vsel vm15, $0xFFFFFFFF, v2;
	v62 =	vxor.u32 v8, v61;
	[tilespmem:s1+$0x0] =	vst v4  }
0x6db: {  	s31 =	rddreg [dreg:$0x2];
	s18 =	sadd.s32 $0x1, s18;
	v4 =	vxor.u32 v5, v63;
	[tilespmem:s1+$0xFFFFFFE0] =	vst v62  }
0x6dc: {  	s0 =	sadd.s32 s31, s19;
	p0 =	sne.s32 s18, $0x4;
	[tilespmem:s1+$0xFFFFFFF0] =	vst v4  }
0x6dd: {  	[hbm4b:s0+s6] =	stream.linear.scatter [tilespmem:s16], [sflag:$0x1], $0x8000, $0x38;
	[tilespmem:$0x1A080] =	vst v63  }
.Ltmp19:
0x6de: {  	_ = 	snop;
	(pc) =	sbr.rel @p0 .LBB2_2-.Ltmp19, $4  }
.Ltmp20:
0x6df: {  	_ = 	snop;
	(pc) =	sbr.rel @!p0 .LBB2_35-.Ltmp20, $4  }
0x6e0: {  	_ =	swait.ge [sflag:s10], $0x8000  }
0x6e1: {  	[sflag:s10] =	ssyncset.done $0x0  }
0x6e2: {  	[sflag:s10] =	ssyncadd.s32 $0xFFFF8000  }
0x6e3: {  	_ = 	snop  }
.LBB2_15:
.Ltmp21:
0x6e4: {  	(pc) =	sbr.rel .LBB2_19-.Ltmp21, $3  }
0x6e5: {  	_ =	sdelay $0x1  }
0x6e6: {  	s0 =	simm.s32 $0x18010  }
0x6e7: {  	s2 =	simm.s32 $0x18810;
	s5 =	simm.s32 $0x19010;
	s1 =	simm.s32 $0x19810  }
.LBB2_26:
.Ltmp22:
0x6e8: {  	(pc) =	sbr.rel .LBB2_30-.Ltmp22, $3  }
0x6e9: {  	_ =	sdelay $0x1  }
0x6ea: {  	s0 =	simm.s32 $0x18010  }
0x6eb: {  	s2 =	simm.s32 $0x18810;
	s5 =	simm.s32 $0x19010;
	s1 =	simm.s32 $0x19810  }
.LBB2_17:
.Ltmp23:
0x6ec: {  	(pc) =	sbr.rel .LBB2_19-.Ltmp23, $4  }
0x6ed: {  	_ = 	snop  }
0x6ee: {  	s8 =	simm.s32 $0x18030;
	s3 =	simm.s32 $0x18830  }
0x6ef: {  	s9 =	simm.s32 $0x19030;
	s17 =	simm.s32 $0x19830;
	s0 =	simm.s32 $0x18030  }
0x6f0: {  	s2 =	simm.s32 $0x18830;
	s5 =	simm.s32 $0x19030;
	s1 =	simm.s32 $0x19830  }
.LBB2_28:
.Ltmp24:
0x6f1: {  	(pc) =	sbr.rel .LBB2_30-.Ltmp24, $4  }
0x6f2: {  	_ = 	snop  }
0x6f3: {  	s8 =	simm.s32 $0x18030;
	s3 =	simm.s32 $0x18830  }
0x6f4: {  	s9 =	simm.s32 $0x19030;
	s17 =	simm.s32 $0x19830;
	s0 =	simm.s32 $0x18030  }
0x6f5: {  	s2 =	simm.s32 $0x18830;
	s5 =	simm.s32 $0x19030;
	s1 =	simm.s32 $0x19830  }
.LBB2_36:
0x6f6: {  	_ =	sfence.sel $0x180000  }
0x6f7: {  	[bflag:$0x0] =	sbarrier.arrive $0xFFFF  }
0x6f8: {  	_ =	strace $0x90000047  }
0x6f9: {  	s0 =	stileid.u32;
	[bflag:$0x2] =	sbarrier.arrive $0xFFFF  }
0x6fa: {  	p0 =	sne.s32 s0, $0x0;
	s0 =	rddreg [dreg:$0x4]  }
0x6fb: {  	s0 =	sadd.s32 @!p0 $0x100000, s0  }
0x6fc: {  	[sflag:s0] =	ssyncadd.tile.s32 @!p0 $0x1;
	_ =	shalt  }
.Lfunc_end2:
_tile_overlayer_lowered:
.L_overlay_start_2:
0x6fd: {  	(tag) =	ssettag $0x2  }
0x6fe: {  	s0 =	rddreg [dreg:$0x0];
	s2 =	stileid.u32  }
0x6ff: {  	s1 =	rddreg [dreg:$0x1];
	p0 =	sne.s32 s2, $0x0  }
0x700: {  	s3 =	rddreg [dreg:$0x2];
	[bflag:$0x3] =	sbarrier.arrive $0xFFFF;
	s2 =	simm.s32 @!p0 $0x1C01  }
0x701: {  	[timem:s3], [sflag:s2] =	dma.local @!p0 [hbm:s0], s1  }
0x702: {  	s0 =	simm.s32 @!p0 $0x1  }
0x703: {  	_ =	swait.ge @!p0 [sflag:s0], s1  }
0x704: {  	s1 =	ssub.s32 @!p0 $0x0, s1;
	[sflag:s0] =	ssyncset.done @!p0 $0x0  }
0x705: {  	[sflag:s0] =	ssyncadd.s32 @!p0 s1  }
0x706: {  	[bflag:$0x3] =	sbarrier.arrive $0xFFFF  }
0x707: {  	_ =	shalt  }

</sc_bundles>
